<compile_context>
chip_gen: v7x
topology: tpu7x:2x2x1
jax: 0.10.2.dev20260603
libtpu: 0.0.44.dev20260713+nightly
codegen_flags: <defaults>
</compile_context>

<pallas_src>
import functools

import jax
import jax.numpy as jnp
import numpy as np
from jax import lax
from jax.experimental import pallas as pl
from jax.experimental.pallas import tpu as pltpu
from jax.experimental.pallas import tpu_sc as plsc

_SZ = 3072
_D = 1024
_MUL_T = 31337 % _SZ
_MUL_P = 1000003 % _SZ


def _proj_body(tab_ref, w_ref, out_ref):
    y = lax.dot_general(
        tab_ref[...].astype(jnp.bfloat16), w_ref[...].astype(jnp.bfloat16),
        dimension_numbers=(((1,), (1,)), ((), ())),
        preferred_element_type=jnp.float32).astype(jnp.bfloat16)
    lo = lax.bitcast_convert_type(y[:, :_D // 2], jnp.uint16)
    hi = lax.bitcast_convert_type(y[:, _D // 2:], jnp.uint16)
    out_ref[...] = lo.astype(jnp.int32) | (hi.astype(jnp.int32) << 16)


def _project_table(tab, proj_w):
    m = tab.shape[0]
    bm = 1024
    return pl.pallas_call(
        _proj_body,
        grid=(m // bm,),
        in_specs=[
            pl.BlockSpec((bm, _D), lambda i: (i, 0)),
            pl.BlockSpec((_D, _D), lambda i: (0, 0)),
        ],
        out_specs=pl.BlockSpec((bm, _D // 2), lambda i: (i, 0)),
        out_shape=jax.ShapeDtypeStruct((m, _D // 2), jnp.int32),
    )(tab, proj_w)


@functools.lru_cache(maxsize=None)
def _make_sc_lookup(n, seq):
    info = plsc.get_sparse_core_info()
    nc, ns = info.num_cores, info.num_subcores
    nw = nc * ns
    cb = n // nw
    k = 32
    nch = cb // k
    nvec = cb // 16
    dw = _D // 2
    rows_per_sub = _SZ // ns
    mesh = plsc.VectorSubcoreMesh(core_axis_name="c", subcore_axis_name="s")

    @functools.partial(
        pl.kernel,
        mesh=mesh,
        out_type=jax.ShapeDtypeStruct((n, _D), jnp.float32),
        compiler_params=pltpu.CompilerParams(needs_layout_passes=False),
        scratch_types=[
            pltpu.VMEM((cb + 16,), jnp.int32),
            pltpu.VMEM((cb,), jnp.int32),
            pltpu.VMEM((k, dw), jnp.int32),
            pltpu.VMEM((k, dw), jnp.int32),
            pltpu.VMEM((k, _D), jnp.float32),
            pltpu.VMEM((k, _D), jnp.float32),
            pltpu.SemaphoreType.DMA,
            pltpu.SemaphoreType.DMA,
            pltpu.SemaphoreType.DMA,
            pltpu.SemaphoreType.DMA,
        ],
    )
    def sc_lookup(t_hbm, ptab_hbm, out_hbm,
                  t_v, idx_v, raw0, raw1, rows0, rows1,
                  g0, g1, w0, w1):
        raw = (raw0, raw1)
        rows = (rows0, rows1)
        gsem = (g0, g1)
        wsem = (w0, w1)
        cid = lax.axis_index("c")
        sid = lax.axis_index("s")
        wid = sid * nc + cid
        base = wid * cb

        pltpu.sync_copy(t_hbm.at[pl.ds(base, cb)], t_v.at[pl.ds(16, cb)])
        t_v[pl.ds(0, 16)] = jnp.zeros((16,), jnp.int32)

        @pl.when(base % seq != 0)
        def _():
            pltpu.sync_copy(t_hbm.at[pl.ds(base - 8, 8)],
                            t_v.at[pl.ds(8, 8)])

        def hash_body(i, carry):
            tv = t_v[pl.ds(16 + i * 16, 16)]
            pv = t_v[pl.ds(15 + i * 16, 16)]
            idx_v[pl.ds(i * 16, 16)] = (
                (tv % _SZ) * _MUL_T + (pv % _SZ) * _MUL_P) % _SZ
            return carry

        lax.fori_loop(0, nvec, hash_body, 0)

        def fire_gather(c, b):
            pltpu.async_copy(
                ptab_hbm.at[idx_v.at[pl.ds(c * k, k)]], raw[b], gsem[b])

        def wait_gather(c, b):
            pltpu.make_async_copy(
                ptab_hbm.at[idx_v.at[pl.ds(c * k, k)]], raw[b],
                gsem[b]).wait()

        def fire_write(c, b):
            pltpu.async_copy(
                rows[b], out_hbm.at[pl.ds(base + c * k, k)], wsem[b])

        def wait_write(c, b):
            pltpu.make_async_copy(
                rows[b], out_hbm.at[pl.ds(base + c * k, k)],
                wsem[b]).wait()

        def expand(b):
            raw_b = raw[b]
            rows_b = rows[b]

            def row_body(r, carry):
                for g0 in range(0, dw // 16, 8):
                    ws = [raw_b[r, pl.ds((g0 + j) * 16, 16)]
                          for j in range(8)]
                    for j, w in enumerate(ws):
                        g = g0 + j
                        rows_b[r, pl.ds(g * 16, 16)] = plsc.bitcast(
                            w << 16, jnp.float32)
                        rows_b[r, pl.ds(dw + g * 16, 16)] = plsc.bitcast(
                            w & jnp.int32(-65536), jnp.float32)
                return carry

            lax.fori_loop(0, k, row_body, 0)

        for b in range(2):
            fire_gather(b, b)

        for b in range(2):
            wait_gather(b, b)
            expand(b)
            fire_gather(b + 2, b)
            fire_write(b, b)

        def steady_body(i, carry):
            cbase = 2 + i * 2
            for b in range(2):
                c = cbase + b
                wait_gather(c, b)
                wait_write(c - 2, b)
                expand(b)
                fire_gather(c + 2, b)
                fire_write(c, b)
            return carry

        lax.fori_loop(0, (nch - 4) // 2, steady_body, 0)

        for b in range(2):
            c = nch - 2 + b
            wait_gather(c, b)
            wait_write(c - 2, b)
            expand(b)
            fire_write(c, b)
            wait_write(c, b)

    return sc_lookup


def kernel(t, tab, proj_w):
    b, s = t.shape
    n = b * s
    ptab = _project_table(tab, proj_w)
    out = _make_sc_lookup(n, s)(t.reshape(n), ptab)
    return out.reshape(b, s, _D)

# --- scband reference (transcript-rebuilt; emitter-appended) ---
"""Pipeline reference for scband-bigram-hash-25228637897406 (READ-ONLY COPY).

The authoritative reference and input builder live on the scoring server;
editing this copy changes nothing except your own understanding.
"""

import jax, jax.numpy as jnp
import numpy as np

SZ = 3072
D = 1024

def setup_inputs(seed: int = 0):
    key = jax.random.key(seed)
    k1, k2, k3 = jax.random.split(key, 3)
    t = jax.random.randint(k1, (4, 8192), 0, 50257, dtype=jnp.int32)
    tab = jax.random.normal(k2, (SZ, D), dtype=jnp.float32) * 0.02
    proj_w = jax.random.normal(k3, (D, D), dtype=jnp.float32) * (1.0 / np.sqrt(D))
    return {"t": t, "tab": tab, "proj_w": proj_w}

def reference(t, tab, proj_w):
    sz = tab.shape[0]
    # prev token, padded with 0 at position 0 (F.pad(t[:, :-1], (1, 0)))
    prev = jnp.pad(t[:, :-1], ((0, 0), (1, 0)))
    # idx = (t * 31337 + prev * 1000003) % sz, computed overflow-safely in int32
    # using modular arithmetic: (a*b) % m == ((a % m) * (b % m)) % m for a >= 0
    idx = ((t % sz) * (31337 % sz) + (prev % sz) * (1000003 % sz)) % sz
    emb = jnp.take(tab, idx, axis=0)  # embedding lookup [B, S, D]
    # CastedLinear with no bias: y = x @ W^T
    return emb @ proj_w.T

if __name__ == "__main__":
    import jax
    _d = setup_inputs()
    print(jax.jit(kernel)(*tuple(_d.values())))

</pallas_src>

<mosaic_0001>
#map = affine_map<(d0, d1) -> (0)>
#map1 = affine_map<(d0, d1) -> (0, 0)>
module attributes {stable_mosaic.version = 14 : i64} {
  func.func @sc_lookup(%arg0: i32, %arg1: i32, %arg2: memref<32768xi32, #tpu.memory_space<hbm>>, %arg3: memref<3072x512xi32, #tpu.memory_space<hbm>>, %arg4: memref<32768x1024xf32, #tpu.memory_space<hbm>>, %arg5: memref<1040xi32, #tpu.memory_space<vmem>>, %arg6: memref<1024xi32, #tpu.memory_space<vmem>>, %arg7: memref<32x512xi32, #tpu.memory_space<vmem>>, %arg8: memref<32x512xi32, #tpu.memory_space<vmem>>, %arg9: memref<32x1024xf32, #tpu.memory_space<vmem>>, %arg10: memref<32x1024xf32, #tpu.memory_space<vmem>>, %arg11: memref<!tpu.dma_semaphore, #tpu.memory_space<semaphore_mem>>, %arg12: memref<!tpu.dma_semaphore, #tpu.memory_space<semaphore_mem>>, %arg13: memref<!tpu.dma_semaphore, #tpu.memory_space<semaphore_mem>>, %arg14: memref<!tpu.dma_semaphore, #tpu.memory_space<semaphore_mem>>) attributes {dimension_semantics = [#tpu.dimension_semantics<core_parallel>, #tpu.dimension_semantics<subcore_parallel>], iteration_bounds = array<i64: 2, 16>, scalar_prefetch = 0 : i64, scratch_operands = 10 : i64, tpu.core_type = #tpu.core_type<sc_vector_subcore>, window_params = [{transform_indices = #map}, {transform_indices = #map1}, {transform_indices = #map1}]} {
    %mul3A = arith.constant 2 : i32
    %mul3A_0 = arith.muli %arg1, %mul3A : i32
    %add3A = arith.addi %mul3A_0, %arg0 : i32
    %mul3A_1 = arith.constant 1024 : i32
    %mul3A_2 = arith.muli %add3A, %mul3A_1 : i32
    "tpu.region"() ({
      %run_scoped3A = tpu.sem_alloc : memref<!tpu.dma_semaphore, #tpu.memory_space<semaphore_mem>>
      %dma_start3A_138 = arith.constant 16 : i32
      %dma_start3A_139 = tpu.memref_slice %arg5[%dma_start3A_138] : memref<1040xi32, #tpu.memory_space<vmem>> -> memref<1024xi32, #tpu.memory_space<vmem>>
      %dma_start3A_140 = tpu.memref_slice %arg2[%mul3A_2] : memref<32768xi32, #tpu.memory_space<hbm>> -> memref<1024xi32, #tpu.memory_space<hbm>>
      %dma_start3A_141 = arith.constant 16 : i32
      %dma_start3A_142 = tpu.memref_slice %arg5[%dma_start3A_141] : memref<1040xi32, #tpu.memory_space<vmem>> -> memref<1024xi32, #tpu.memory_space<vmem>>
      %dma_start3A_143 = tpu.memref_slice %arg2[%mul3A_2] : memref<32768xi32, #tpu.memory_space<hbm>> -> memref<1024xi32, #tpu.memory_space<hbm>>
      tpu.enqueue_dma source(%dma_start3A_143 : memref<1024xi32, #tpu.memory_space<hbm>>) target(%dma_start3A_142 : memref<1024xi32, #tpu.memory_space<vmem>>) target_semaphore(%run_scoped3A : memref<!tpu.dma_semaphore, #tpu.memory_space<semaphore_mem>>)
      %dma_wait3A_144 = arith.constant 16 : i32
      %dma_wait3A_145 = tpu.memref_slice %arg5[%dma_wait3A_144] : memref<1040xi32, #tpu.memory_space<vmem>> -> memref<1024xi32, #tpu.memory_space<vmem>>
      %dma_wait3A_146 = tpu.memref_slice %arg2[%mul3A_2] : memref<32768xi32, #tpu.memory_space<hbm>> -> memref<1024xi32, #tpu.memory_space<hbm>>
      %dma_wait3A_147 = arith.constant 16 : i32
      %dma_wait3A_148 = tpu.memref_slice %arg5[%dma_wait3A_147] : memref<1040xi32, #tpu.memory_space<vmem>> -> memref<1024xi32, #tpu.memory_space<vmem>>
      %dma_wait3A_149 = tpu.memref_slice %arg2[%mul3A_2] : memref<32768xi32, #tpu.memory_space<hbm>> -> memref<1024xi32, #tpu.memory_space<hbm>>
      tpu.wait_dma2 semaphore(%run_scoped3A : memref<!tpu.dma_semaphore, #tpu.memory_space<semaphore_mem>>) src(%dma_wait3A_149 : memref<1024xi32, #tpu.memory_space<hbm>>) dst(%dma_wait3A_148 : memref<1024xi32, #tpu.memory_space<vmem>>)
      tpu.yield
    }) : () -> ()
    %broadcast_in_dim3A = arith.constant 0 : i32
    %broadcast_in_dim3A_3 = vector.broadcast %broadcast_in_dim3A : i32 to vector<16xi32>
    %swap3A = arith.constant 0 : index
    %swap3A_4 = tpu.vector_load %arg5[%swap3A] {strides = array<i32>} : memref<1040xi32, #tpu.memory_space<vmem>>, vector<16xi32>,
    tpu.vector_store %arg5[%swap3A], %broadcast_in_dim3A_3 {strides = array<i32>} : memref<1040xi32, #tpu.memory_space<vmem>>, vector<16xi32>,
    %jit3A = arith.constant 8192 : i32
    %eq3A = arith.constant 0 : i32
    %eq3A_5 = arith.cmpi eq, %jit3A, %eq3A : i32
    %jit3A_6 = arith.constant 1 : i32
    %select_n3A = arith.select %eq3A_5, %jit3A_6, %jit3A : i32
    %rem3A = arith.remsi %mul3A_2, %select_n3A : i32
    %ne3A = arith.constant 0 : i32
    %ne3A_7 = arith.cmpi ne, %rem3A, %ne3A : i32
    %lt3A = arith.constant 0 : i32
    %lt3A_8 = arith.cmpi slt, %rem3A, %lt3A : i32
    %lt3A_9 = arith.constant 0 : i32
    %lt3A_10 = arith.cmpi slt, %select_n3A, %lt3A_9 : i32
    %ne3A_11 = arith.xori %lt3A_8, %lt3A_10 : i1
    %and3A = arith.andi %ne3A_11, %ne3A_7 : i1
    %add3A_12 = arith.addi %rem3A, %select_n3A : i32
    %select_n3A_13 = arith.select %and3A, %add3A_12, %rem3A : i32
    %ne3A_14 = arith.constant 0 : i32
    %ne3A_15 = arith.cmpi ne, %select_n3A_13, %ne3A_14 : i32
    %convert_element_type3A = arith.extui %ne3A_15 : i1 to i32
    %cond3A = arith.constant 0 : i32
    %cond3A_16 = arith.cmpi ne, %convert_element_type3A, %cond3A : i32
    scf.if %cond3A_16 {
      %sub3A = arith.constant 8 : i32
      %sub3A_138 = arith.subi %mul3A_2, %sub3A : i32
      "tpu.region"() ({
        %run_scoped3A = tpu.sem_alloc : memref<!tpu.dma_semaphore, #tpu.memory_space<semaphore_mem>>
        %dma_start3A_139 = arith.constant 8 : i32
        %dma_start3A_140 = tpu.memref_slice %arg5[%dma_start3A_139] : memref<1040xi32, #tpu.memory_space<vmem>> -> memref<8xi32, #tpu.memory_space<vmem>>
        %dma_start3A_141 = tpu.memref_slice %arg2[%sub3A_138] : memref<32768xi32, #tpu.memory_space<hbm>> -> memref<8xi32, #tpu.memory_space<hbm>>
        %dma_start3A_142 = arith.constant 8 : i32
        %dma_start3A_143 = tpu.memref_slice %arg5[%dma_start3A_142] : memref<1040xi32, #tpu.memory_space<vmem>> -> memref<8xi32, #tpu.memory_space<vmem>>
        %dma_start3A_144 = tpu.memref_slice %arg2[%sub3A_138] : memref<32768xi32, #tpu.memory_space<hbm>> -> memref<8xi32, #tpu.memory_space<hbm>>
        tpu.enqueue_dma source(%dma_start3A_144 : memref<8xi32, #tpu.memory_space<hbm>>) target(%dma_start3A_143 : memref<8xi32, #tpu.memory_space<vmem>>) target_semaphore(%run_scoped3A : memref<!tpu.dma_semaphore, #tpu.memory_space<semaphore_mem>>)
        %dma_wait3A_145 = arith.constant 8 : i32
        %dma_wait3A_146 = tpu.memref_slice %arg5[%dma_wait3A_145] : memref<1040xi32, #tpu.memory_space<vmem>> -> memref<8xi32, #tpu.memory_space<vmem>>
        %dma_wait3A_147 = tpu.memref_slice %arg2[%sub3A_138] : memref<32768xi32, #tpu.memory_space<hbm>> -> memref<8xi32, #tpu.memory_space<hbm>>
        %dma_wait3A_148 = arith.constant 8 : i32
        %dma_wait3A_149 = tpu.memref_slice %arg5[%dma_wait3A_148] : memref<1040xi32, #tpu.memory_space<vmem>> -> memref<8xi32, #tpu.memory_space<vmem>>
        %dma_wait3A_150 = tpu.memref_slice %arg2[%sub3A_138] : memref<32768xi32, #tpu.memory_space<hbm>> -> memref<8xi32, #tpu.memory_space<hbm>>
        tpu.wait_dma2 semaphore(%run_scoped3A : memref<!tpu.dma_semaphore, #tpu.memory_space<semaphore_mem>>) src(%dma_wait3A_150 : memref<8xi32, #tpu.memory_space<hbm>>) dst(%dma_wait3A_149 : memref<8xi32, #tpu.memory_space<vmem>>)
        tpu.yield
      }) : () -> ()
    } else {
    }
    %scan3A = arith.constant 0 : i32
    %scan3A_17 = arith.constant 0 : i32
    %scan3A_18 = arith.constant 64 : i32
    %scan3A_19 = arith.addi %scan3A_17, %scan3A_18 : i32
    %scan3A_20 = arith.constant 1 : i32
    scf.for %scan3A_138 = %scan3A_17 to %scan3A_19 step %scan3A_20  : i32 {
      %mul3A_139 = arith.constant 16 : i32
      %mul3A_140 = arith.muli %scan3A_138, %mul3A_139 : i32
      %add3A_141 = arith.constant 16 : i32
      %add3A_142 = arith.addi %add3A_141, %mul3A_140 : i32
      %get3A = arith.index_cast %add3A_142 : i32 to index
      %get3A_143 = tpu.vector_load %arg5[%get3A] {strides = array<i32>} : memref<1040xi32, #tpu.memory_space<vmem>>, vector<16xi32>,
      %mul3A_144 = arith.constant 16 : i32
      %mul3A_145 = arith.muli %scan3A_138, %mul3A_144 : i32
      %add3A_146 = arith.constant 15 : i32
      %add3A_147 = arith.addi %add3A_146, %mul3A_145 : i32
      %get3A_148 = arith.index_cast %add3A_147 : i32 to index
      %get3A_149 = tpu.vector_load %arg5[%get3A_148] {strides = array<i32>} : memref<1040xi32, #tpu.memory_space<vmem>>, vector<16xi32>,
      %jit3A_150 = arith.constant 3072 : i32
      %eq3A_151 = arith.constant 0 : i32
      %eq3A_152 = arith.cmpi eq, %jit3A_150, %eq3A_151 : i32
      %jit3A_153 = arith.constant 1 : i32
      %select_n3A_154 = arith.select %eq3A_152, %jit3A_153, %jit3A_150 : i32
      %rem3A_155 = vector.broadcast %select_n3A_154 : i32 to vector<16xi32>
      %rem3A_156 = arith.remsi %get3A_143, %rem3A_155 : vector<16xi32>
      %ne3A_157 = arith.constant 0 : i32
      %ne3A_158 = vector.broadcast %ne3A_157 : i32 to vector<16xi32>
      %ne3A_159 = arith.cmpi ne, %rem3A_156, %ne3A_158 : vector<16xi32>
      %lt3A_160 = arith.constant 0 : i32
      %lt3A_161 = vector.broadcast %lt3A_160 : i32 to vector<16xi32>
      %lt3A_162 = arith.cmpi slt, %rem3A_156, %lt3A_161 : vector<16xi32>
      %lt3A_163 = arith.constant 0 : i32
      %lt3A_164 = arith.cmpi slt, %select_n3A_154, %lt3A_163 : i32
      %ne3A_165 = vector.broadcast %lt3A_164 : i1 to vector<16xi1>
      %ne3A_166 = vector.broadcast %ne3A_165 : vector<16xi1> to vector<16xi1>
      %ne3A_167 = arith.xori %lt3A_162, %ne3A_166 : vector<16xi1>
      %and3A_168 = arith.andi %ne3A_167, %ne3A_159 : vector<16xi1>
      %add3A_169 = vector.broadcast %select_n3A_154 : i32 to vector<16xi32>
      %add3A_170 = arith.addi %rem3A_156, %add3A_169 : vector<16xi32>
      %select_n3A_171 = arith.select %and3A_168, %add3A_170, %rem3A_156 : vector<16xi1>, vector<16xi32>
      %mul3A_172 = arith.constant 617 : i32
      %mul3A_173 = vector.broadcast %mul3A_172 : i32 to vector<16xi32>
      %mul3A_174 = arith.muli %select_n3A_171, %mul3A_173 : vector<16xi32>
      %jit3A_175 = arith.constant 3072 : i32
      %eq3A_176 = arith.constant 0 : i32
      %eq3A_177 = arith.cmpi eq, %jit3A_175, %eq3A_176 : i32
      %jit3A_178 = arith.constant 1 : i32
      %select_n3A_179 = arith.select %eq3A_177, %jit3A_178, %jit3A_175 : i32
      %rem3A_180 = vector.broadcast %select_n3A_179 : i32 to vector<16xi32>
      %rem3A_181 = arith.remsi %get3A_149, %rem3A_180 : vector<16xi32>
      %ne3A_182 = arith.constant 0 : i32
      %ne3A_183 = vector.broadcast %ne3A_182 : i32 to vector<16xi32>
      %ne3A_184 = arith.cmpi ne, %rem3A_181, %ne3A_183 : vector<16xi32>
      %lt3A_185 = arith.constant 0 : i32
      %lt3A_186 = vector.broadcast %lt3A_185 : i32 to vector<16xi32>
      %lt3A_187 = arith.cmpi slt, %rem3A_181, %lt3A_186 : vector<16xi32>
      %lt3A_188 = arith.constant 0 : i32
      %lt3A_189 = arith.cmpi slt, %select_n3A_179, %lt3A_188 : i32
      %ne3A_190 = vector.broadcast %lt3A_189 : i1 to vector<16xi1>
      %ne3A_191 = vector.broadcast %ne3A_190 : vector<16xi1> to vector<16xi1>
      %ne3A_192 = arith.xori %lt3A_187, %ne3A_191 : vector<16xi1>
      %and3A_193 = arith.andi %ne3A_192, %ne3A_184 : vector<16xi1>
      %add3A_194 = vector.broadcast %select_n3A_179 : i32 to vector<16xi32>
      %add3A_195 = arith.addi %rem3A_181, %add3A_194 : vector<16xi32>
      %select_n3A_196 = arith.select %and3A_193, %add3A_195, %rem3A_181 : vector<16xi1>, vector<16xi32>
      %mul3A_197 = arith.constant 1603 : i32
      %mul3A_198 = vector.broadcast %mul3A_197 : i32 to vector<16xi32>
      %mul3A_199 = arith.muli %select_n3A_196, %mul3A_198 : vector<16xi32>
      %add3A_200 = arith.addi %mul3A_174, %mul3A_199 : vector<16xi32>
      %jit3A_201 = arith.constant 3072 : i32
      %eq3A_202 = arith.constant 0 : i32
      %eq3A_203 = arith.cmpi eq, %jit3A_201, %eq3A_202 : i32
      %jit3A_204 = arith.constant 1 : i32
      %select_n3A_205 = arith.select %eq3A_203, %jit3A_204, %jit3A_201 : i32
      %rem3A_206 = vector.broadcast %select_n3A_205 : i32 to vector<16xi32>
      %rem3A_207 = arith.remsi %add3A_200, %rem3A_206 : vector<16xi32>
      %ne3A_208 = arith.constant 0 : i32
      %ne3A_209 = vector.broadcast %ne3A_208 : i32 to vector<16xi32>
      %ne3A_210 = arith.cmpi ne, %rem3A_207, %ne3A_209 : vector<16xi32>
      %lt3A_211 = arith.constant 0 : i32
      %lt3A_212 = vector.broadcast %lt3A_211 : i32 to vector<16xi32>
      %lt3A_213 = arith.cmpi slt, %rem3A_207, %lt3A_212 : vector<16xi32>
      %lt3A_214 = arith.constant 0 : i32
      %lt3A_215 = arith.cmpi slt, %select_n3A_205, %lt3A_214 : i32
      %ne3A_216 = vector.broadcast %lt3A_215 : i1 to vector<16xi1>
      %ne3A_217 = vector.broadcast %ne3A_216 : vector<16xi1> to vector<16xi1>
      %ne3A_218 = arith.xori %lt3A_213, %ne3A_217 : vector<16xi1>
      %and3A_219 = arith.andi %ne3A_218, %ne3A_210 : vector<16xi1>
      %add3A_220 = vector.broadcast %select_n3A_205 : i32 to vector<16xi32>
      %add3A_221 = arith.addi %rem3A_207, %add3A_220 : vector<16xi32>
      %select_n3A_222 = arith.select %and3A_219, %add3A_221, %rem3A_207 : vector<16xi1>, vector<16xi32>
      %mul3A_223 = arith.constant 16 : i32
      %mul3A_224 = arith.muli %scan3A_138, %mul3A_223 : i32
      %swap3A_225 = arith.index_cast %mul3A_224 : i32 to index
      %swap3A_226 = tpu.vector_load %arg6[%swap3A_225] {strides = array<i32>} : memref<1024xi32, #tpu.memory_space<vmem>>, vector<16xi32>,
      tpu.vector_store %arg6[%swap3A_225], %select_n3A_222 {strides = array<i32>} : memref<1024xi32, #tpu.memory_space<vmem>>, vector<16xi32>,
    }
    %scan3A_21 = arith.constant 64 : i32
    %dma_start3A = arith.constant 0 : i32
    %dma_start3A_22 = tpu.memref_slice %arg6[%dma_start3A] : memref<1024xi32, #tpu.memory_space<vmem>> -> memref<32xi32, #tpu.memory_space<vmem>>
    %dma_start3A_23 = arith.constant 0 : i32
    %dma_start3A_24 = arith.constant 0 : i32
    %dma_start3A_25 = tpu.memref_slice %arg3[%dma_start3A_23, %dma_start3A_24] : memref<3072x512xi32, #tpu.memory_space<hbm>> -> memref<3072x512xi32, #tpu.memory_space<hbm>>
    tpu.enqueue_indirect_dma source(%dma_start3A_25 : memref<3072x512xi32, #tpu.memory_space<hbm>>) target(%arg7 : memref<32x512xi32, #tpu.memory_space<vmem>>) offsets(%dma_start3A_22 : memref<32xi32, #tpu.memory_space<vmem>>) semaphore(%arg11 : memref<!tpu.dma_semaphore, #tpu.memory_space<semaphore_mem>>)
    %dma_start3A_26 = arith.constant 32 : i32
    %dma_start3A_27 = tpu.memref_slice %arg6[%dma_start3A_26] : memref<1024xi32, #tpu.memory_space<vmem>> -> memref<32xi32, #tpu.memory_space<vmem>>
    %dma_start3A_28 = arith.constant 0 : i32
    %dma_start3A_29 = arith.constant 0 : i32
    %dma_start3A_30 = tpu.memref_slice %arg3[%dma_start3A_28, %dma_start3A_29] : memref<3072x512xi32, #tpu.memory_space<hbm>> -> memref<3072x512xi32, #tpu.memory_space<hbm>>
    tpu.enqueue_indirect_dma source(%dma_start3A_30 : memref<3072x512xi32, #tpu.memory_space<hbm>>) target(%arg8 : memref<32x512xi32, #tpu.memory_space<vmem>>) offsets(%dma_start3A_27 : memref<32xi32, #tpu.memory_space<vmem>>) semaphore(%arg12 : memref<!tpu.dma_semaphore, #tpu.memory_space<semaphore_mem>>)
    %dma_wait3A = arith.constant 0 : i32
    %dma_wait3A_31 = tpu.memref_slice %arg6[%dma_wait3A] : memref<1024xi32, #tpu.memory_space<vmem>> -> memref<32xi32, #tpu.memory_space<vmem>>
    %dma_wait3A_32 = arith.constant 0 : i32
    %dma_wait3A_33 = arith.constant 0 : i32
    %dma_wait3A_34 = tpu.memref_slice %arg3[%dma_wait3A_32, %dma_wait3A_33] : memref<3072x512xi32, #tpu.memory_space<hbm>> -> memref<3072x512xi32, #tpu.memory_space<hbm>>
    tpu.wait_indirect_dma semaphore(%arg11 : memref<!tpu.dma_semaphore, #tpu.memory_space<semaphore_mem>>) src(%dma_wait3A_34 : memref<3072x512xi32, #tpu.memory_space<hbm>>) dst(%arg7 : memref<32x512xi32, #tpu.memory_space<vmem>>)
    %scan3A_35 = arith.constant 0 : i32
    %scan3A_36 = arith.constant 0 : i32
    %scan3A_37 = arith.constant 32 : i32
    %scan3A_38 = arith.addi %scan3A_36, %scan3A_37 : i32
    %scan3A_39 = arith.constant 1 : i32
    scf.for %scan3A_138 = %scan3A_36 to %scan3A_38 step %scan3A_39  : i32 {
      %get3A = arith.index_cast %scan3A_138 : i32 to index
      %get3A_139 = arith.constant 0 : index
      %get3A_140 = tpu.vector_load %arg7[%get3A, %get3A_139] {strides = array<i32>} : memref<32x512xi32, #tpu.memory_space<vmem>>, vector<16xi32>,
      %get3A_141 = arith.index_cast %scan3A_138 : i32 to index
      %get3A_142 = arith.constant 16 : index
      %get3A_143 = tpu.vector_load %arg7[%get3A_141, %get3A_142] {strides = array<i32>} : memref<32x512xi32, #tpu.memory_space<vmem>>, vector<16xi32>,
      %get3A_144 = arith.index_cast %scan3A_138 : i32 to index
      %get3A_145 = arith.constant 32 : index
      %get3A_146 = tpu.vector_load %arg7[%get3A_144, %get3A_145] {strides = array<i32>} : memref<32x512xi32, #tpu.memory_space<vmem>>, vector<16xi32>,
      %get3A_147 = arith.index_cast %scan3A_138 : i32 to index
      %get3A_148 = arith.constant 48 : index
      %get3A_149 = tpu.vector_load %arg7[%get3A_147, %get3A_148] {strides = array<i32>} : memref<32x512xi32, #tpu.memory_space<vmem>>, vector<16xi32>,
      %get3A_150 = arith.index_cast %scan3A_138 : i32 to index
      %get3A_151 = arith.constant 64 : index
      %get3A_152 = tpu.vector_load %arg7[%get3A_150, %get3A_151] {strides = array<i32>} : memref<32x512xi32, #tpu.memory_space<vmem>>, vector<16xi32>,
      %get3A_153 = arith.index_cast %scan3A_138 : i32 to index
      %get3A_154 = arith.constant 80 : index
      %get3A_155 = tpu.vector_load %arg7[%get3A_153, %get3A_154] {strides = array<i32>} : memref<32x512xi32, #tpu.memory_space<vmem>>, vector<16xi32>,
      %get3A_156 = arith.index_cast %scan3A_138 : i32 to index
      %get3A_157 = arith.constant 96 : index
      %get3A_158 = tpu.vector_load %arg7[%get3A_156, %get3A_157] {strides = array<i32>} : memref<32x512xi32, #tpu.memory_space<vmem>>, vector<16xi32>,
      %get3A_159 = arith.index_cast %scan3A_138 : i32 to index
      %get3A_160 = arith.constant 112 : index
      %get3A_161 = tpu.vector_load %arg7[%get3A_159, %get3A_160] {strides = array<i32>} : memref<32x512xi32, #tpu.memory_space<vmem>>, vector<16xi32>,
      %shift_left3A = arith.constant 16 : i32
      %shift_left3A_162 = vector.broadcast %shift_left3A : i32 to vector<16xi32>
      %shift_left3A_163 = arith.shli %get3A_140, %shift_left3A_162 : vector<16xi32>
      %bitcast3A = vector.bitcast %shift_left3A_163 : vector<16xi32> to vector<16xf32>
      %swap3A_164 = arith.index_cast %scan3A_138 : i32 to index
      %swap3A_165 = arith.constant 0 : index
      %swap3A_166 = tpu.vector_load %arg9[%swap3A_164, %swap3A_165] {strides = array<i32>} : memref<32x1024xf32, #tpu.memory_space<vmem>>, vector<16xf32>,
      tpu.vector_store %arg9[%swap3A_164, %swap3A_165], %bitcast3A {strides = array<i32>} : memref<32x1024xf32, #tpu.memory_space<vmem>>, vector<16xf32>,
      %and3A_167 = arith.constant -65536 : i32
      %and3A_168 = vector.broadcast %and3A_167 : i32 to vector<16xi32>
      %and3A_169 = arith.andi %get3A_140, %and3A_168 : vector<16xi32>
      %bitcast3A_170 = vector.bitcast %and3A_169 : vector<16xi32> to vector<16xf32>
      %swap3A_171 = arith.index_cast %scan3A_138 : i32 to index
      %swap3A_172 = arith.constant 512 : index
      %swap3A_173 = tpu.vector_load %arg9[%swap3A_171, %swap3A_172] {strides = array<i32>} : memref<32x1024xf32, #tpu.memory_space<vmem>>, vector<16xf32>,
      tpu.vector_store %arg9[%swap3A_171, %swap3A_172], %bitcast3A_170 {strides = array<i32>} : memref<32x1024xf32, #tpu.memory_space<vmem>>, vector<16xf32>,
      %shift_left3A_174 = arith.constant 16 : i32
      %shift_left3A_175 = vector.broadcast %shift_left3A_174 : i32 to vector<16xi32>
      %shift_left3A_176 = arith.shli %get3A_143, %shift_left3A_175 : vector<16xi32>
      %bitcast3A_177 = vector.bitcast %shift_left3A_176 : vector<16xi32> to vector<16xf32>
      %swap3A_178 = arith.index_cast %scan3A_138 : i32 to index
      %swap3A_179 = arith.constant 16 : index
      %swap3A_180 = tpu.vector_load %arg9[%swap3A_178, %swap3A_179] {strides = array<i32>} : memref<32x1024xf32, #tpu.memory_space<vmem>>, vector<16xf32>,
      tpu.vector_store %arg9[%swap3A_178, %swap3A_179], %bitcast3A_177 {strides = array<i32>} : memref<32x1024xf32, #tpu.memory_space<vmem>>, vector<16xf32>,
      %and3A_181 = arith.constant -65536 : i32
      %and3A_182 = vector.broadcast %and3A_181 : i32 to vector<16xi32>
      %and3A_183 = arith.andi %get3A_143, %and3A_182 : vector<16xi32>
      %bitcast3A_184 = vector.bitcast %and3A_183 : vector<16xi32> to vector<16xf32>
      %swap3A_185 = arith.index_cast %scan3A_138 : i32 to index
      %swap3A_186 = arith.constant 528 : index
      %swap3A_187 = tpu.vector_load %arg9[%swap3A_185, %swap3A_186] {strides = array<i32>} : memref<32x1024xf32, #tpu.memory_space<vmem>>, vector<16xf32>,
      tpu.vector_store %arg9[%swap3A_185, %swap3A_186], %bitcast3A_184 {strides = array<i32>} : memref<32x1024xf32, #tpu.memory_space<vmem>>, vector<16xf32>,
      %shift_left3A_188 = arith.constant 16 : i32
      %shift_left3A_189 = vector.broadcast %shift_left3A_188 : i32 to vector<16xi32>
      %shift_left3A_190 = arith.shli %get3A_146, %shift_left3A_189 : vector<16xi32>
      %bitcast3A_191 = vector.bitcast %shift_left3A_190 : vector<16xi32> to vector<16xf32>
      %swap3A_192 = arith.index_cast %scan3A_138 : i32 to index
      %swap3A_193 = arith.constant 32 : index
      %swap3A_194 = tpu.vector_load %arg9[%swap3A_192, %swap3A_193] {strides = array<i32>} : memref<32x1024xf32, #tpu.memory_space<vmem>>, vector<16xf32>,
      tpu.vector_store %arg9[%swap3A_192, %swap3A_193], %bitcast3A_191 {strides = array<i32>} : memref<32x1024xf32, #tpu.memory_space<vmem>>, vector<16xf32>,
      %and3A_195 = arith.constant -65536 : i32
      %and3A_196 = vector.broadcast %and3A_195 : i32 to vector<16xi32>
      %and3A_197 = arith.andi %get3A_146, %and3A_196 : vector<16xi32>
      %bitcast3A_198 = vector.bitcast %and3A_197 : vector<16xi32> to vector<16xf32>
      %swap3A_199 = arith.index_cast %scan3A_138 : i32 to index
      %swap3A_200 = arith.constant 544 : index
      %swap3A_201 = tpu.vector_load %arg9[%swap3A_199, %swap3A_200] {strides = array<i32>} : memref<32x1024xf32, #tpu.memory_space<vmem>>, vector<16xf32>,
      tpu.vector_store %arg9[%swap3A_199, %swap3A_200], %bitcast3A_198 {strides = array<i32>} : memref<32x1024xf32, #tpu.memory_space<vmem>>, vector<16xf32>,
      %shift_left3A_202 = arith.constant 16 : i32
      %shift_left3A_203 = vector.broadcast %shift_left3A_202 : i32 to vector<16xi32>
      %shift_left3A_204 = arith.shli %get3A_149, %shift_left3A_203 : vector<16xi32>
      %bitcast3A_205 = vector.bitcast %shift_left3A_204 : vector<16xi32> to vector<16xf32>
      %swap3A_206 = arith.index_cast %scan3A_138 : i32 to index
      %swap3A_207 = arith.constant 48 : index
      %swap3A_208 = tpu.vector_load %arg9[%swap3A_206, %swap3A_207] {strides = array<i32>} : memref<32x1024xf32, #tpu.memory_space<vmem>>, vector<16xf32>,
      tpu.vector_store %arg9[%swap3A_206, %swap3A_207], %bitcast3A_205 {strides = array<i32>} : memref<32x1024xf32, #tpu.memory_space<vmem>>, vector<16xf32>,
      %and3A_209 = arith.constant -65536 : i32
      %and3A_210 = vector.broadcast %and3A_209 : i32 to vector<16xi32>
      %and3A_211 = arith.andi %get3A_149, %and3A_210 : vector<16xi32>
      %bitcast3A_212 = vector.bitcast %and3A_211 : vector<16xi32> to vector<16xf32>
      %swap3A_213 = arith.index_cast %scan3A_138 : i32 to index
      %swap3A_214 = arith.constant 560 : index
      %swap3A_215 = tpu.vector_load %arg9[%swap3A_213, %swap3A_214] {strides = array<i32>} : memref<32x1024xf32, #tpu.memory_space<vmem>>, vector<16xf32>,
      tpu.vector_store %arg9[%swap3A_213, %swap3A_214], %bitcast3A_212 {strides = array<i32>} : memref<32x1024xf32, #tpu.memory_space<vmem>>, vector<16xf32>,
      %shift_left3A_216 = arith.constant 16 : i32
      %shift_left3A_217 = vector.broadcast %shift_left3A_216 : i32 to vector<16xi32>
      %shift_left3A_218 = arith.shli %get3A_152, %shift_left3A_217 : vector<16xi32>
      %bitcast3A_219 = vector.bitcast %shift_left3A_218 : vector<16xi32> to vector<16xf32>
      %swap3A_220 = arith.index_cast %scan3A_138 : i32 to index
      %swap3A_221 = arith.constant 64 : index
      %swap3A_222 = tpu.vector_load %arg9[%swap3A_220, %swap3A_221] {strides = array<i32>} : memref<32x1024xf32, #tpu.memory_space<vmem>>, vector<16xf32>,
      tpu.vector_store %arg9[%swap3A_220, %swap3A_221], %bitcast3A_219 {strides = array<i32>} : memref<32x1024xf32, #tpu.memory_space<vmem>>, vector<16xf32>,
      %and3A_223 = arith.constant -65536 : i32
      %and3A_224 = vector.broadcast %and3A_223 : i32 to vector<16xi32>
      %and3A_225 = arith.andi %get3A_152, %and3A_224 : vector<16xi32>
      %bitcast3A_226 = vector.bitcast %and3A_225 : vector<16xi32> to vector<16xf32>
      %swap3A_227 = arith.index_cast %scan3A_138 : i32 to index
      %swap3A_228 = arith.constant 576 : index
      %swap3A_229 = tpu.vector_load %arg9[%swap3A_227, %swap3A_228] {strides = array<i32>} : memref<32x1024xf32, #tpu.memory_space<vmem>>, vector<16xf32>,
      tpu.vector_store %arg9[%swap3A_227, %swap3A_228], %bitcast3A_226 {strides = array<i32>} : memref<32x1024xf32, #tpu.memory_space<vmem>>, vector<16xf32>,
      %shift_left3A_230 = arith.constant 16 : i32
      %shift_left3A_231 = vector.broadcast %shift_left3A_230 : i32 to vector<16xi32>
      %shift_left3A_232 = arith.shli %get3A_155, %shift_left3A_231 : vector<16xi32>
      %bitcast3A_233 = vector.bitcast %shift_left3A_232 : vector<16xi32> to vector<16xf32>
      %swap3A_234 = arith.index_cast %scan3A_138 : i32 to index
      %swap3A_235 = arith.constant 80 : index
      %swap3A_236 = tpu.vector_load %arg9[%swap3A_234, %swap3A_235] {strides = array<i32>} : memref<32x1024xf32, #tpu.memory_space<vmem>>, vector<16xf32>,
      tpu.vector_store %arg9[%swap3A_234, %swap3A_235], %bitcast3A_233 {strides = array<i32>} : memref<32x1024xf32, #tpu.memory_space<vmem>>, vector<16xf32>,
      %and3A_237 = arith.constant -65536 : i32
      %and3A_238 = vector.broadcast %and3A_237 : i32 to vector<16xi32>
      %and3A_239 = arith.andi %get3A_155, %and3A_238 : vector<16xi32>
      %bitcast3A_240 = vector.bitcast %and3A_239 : vector<16xi32> to vector<16xf32>
      %swap3A_241 = arith.index_cast %scan3A_138 : i32 to index
      %swap3A_242 = arith.constant 592 : index
      %swap3A_243 = tpu.vector_load %arg9[%swap3A_241, %swap3A_242] {strides = array<i32>} : memref<32x1024xf32, #tpu.memory_space<vmem>>, vector<16xf32>,
      tpu.vector_store %arg9[%swap3A_241, %swap3A_242], %bitcast3A_240 {strides = array<i32>} : memref<32x1024xf32, #tpu.memory_space<vmem>>, vector<16xf32>,
      %shift_left3A_244 = arith.constant 16 : i32
      %shift_left3A_245 = vector.broadcast %shift_left3A_244 : i32 to vector<16xi32>
      %shift_left3A_246 = arith.shli %get3A_158, %shift_left3A_245 : vector<16xi32>
      %bitcast3A_247 = vector.bitcast %shift_left3A_246 : vector<16xi32> to vector<16xf32>
      %swap3A_248 = arith.index_cast %scan3A_138 : i32 to index
      %swap3A_249 = arith.constant 96 : index
      %swap3A_250 = tpu.vector_load %arg9[%swap3A_248, %swap3A_249] {strides = array<i32>} : memref<32x1024xf32, #tpu.memory_space<vmem>>, vector<16xf32>,
      tpu.vector_store %arg9[%swap3A_248, %swap3A_249], %bitcast3A_247 {strides = array<i32>} : memref<32x1024xf32, #tpu.memory_space<vmem>>, vector<16xf32>,
      %and3A_251 = arith.constant -65536 : i32
      %and3A_252 = vector.broadcast %and3A_251 : i32 to vector<16xi32>
      %and3A_253 = arith.andi %get3A_158, %and3A_252 : vector<16xi32>
      %bitcast3A_254 = vector.bitcast %and3A_253 : vector<16xi32> to vector<16xf32>
      %swap3A_255 = arith.index_cast %scan3A_138 : i32 to index
      %swap3A_256 = arith.constant 608 : index
      %swap3A_257 = tpu.vector_load %arg9[%swap3A_255, %swap3A_256] {strides = array<i32>} : memref<32x1024xf32, #tpu.memory_space<vmem>>, vector<16xf32>,
      tpu.vector_store %arg9[%swap3A_255, %swap3A_256], %bitcast3A_254 {strides = array<i32>} : memref<32x1024xf32, #tpu.memory_space<vmem>>, vector<16xf32>,
      %shift_left3A_258 = arith.constant 16 : i32
      %shift_left3A_259 = vector.broadcast %shift_left3A_258 : i32 to vector<16xi32>
      %shift_left3A_260 = arith.shli %get3A_161, %shift_left3A_259 : vector<16xi32>
      %bitcast3A_261 = vector.bitcast %shift_left3A_260 : vector<16xi32> to vector<16xf32>
      %swap3A_262 = arith.index_cast %scan3A_138 : i32 to index
      %swap3A_263 = arith.constant 112 : index
      %swap3A_264 = tpu.vector_load %arg9[%swap3A_262, %swap3A_263] {strides = array<i32>} : memref<32x1024xf32, #tpu.memory_space<vmem>>, vector<16xf32>,
      tpu.vector_store %arg9[%swap3A_262, %swap3A_263], %bitcast3A_261 {strides = array<i32>} : memref<32x1024xf32, #tpu.memory_space<vmem>>, vector<16xf32>,
      %and3A_265 = arith.constant -65536 : i32
      %and3A_266 = vector.broadcast %and3A_265 : i32 to vector<16xi32>
      %and3A_267 = arith.andi %get3A_161, %and3A_266 : vector<16xi32>
      %bitcast3A_268 = vector.bitcast %and3A_267 : vector<16xi32> to vector<16xf32>
      %swap3A_269 = arith.index_cast %scan3A_138 : i32 to index
      %swap3A_270 = arith.constant 624 : index
      %swap3A_271 = tpu.vector_load %arg9[%swap3A_269, %swap3A_270] {strides = array<i32>} : memref<32x1024xf32, #tpu.memory_space<vmem>>, vector<16xf32>,
      tpu.vector_store %arg9[%swap3A_269, %swap3A_270], %bitcast3A_268 {strides = array<i32>} : memref<32x1024xf32, #tpu.memory_space<vmem>>, vector<16xf32>,
      %get3A_272 = arith.index_cast %scan3A_138 : i32 to index
      %get3A_273 = arith.constant 128 : index
      %get3A_274 = tpu.vector_load %arg7[%get3A_272, %get3A_273] {strides = array<i32>} : memref<32x512xi32, #tpu.memory_space<vmem>>, vector<16xi32>,
      %get3A_275 = arith.index_cast %scan3A_138 : i32 to index
      %get3A_276 = arith.constant 144 : index
      %get3A_277 = tpu.vector_load %arg7[%get3A_275, %get3A_276] {strides = array<i32>} : memref<32x512xi32, #tpu.memory_space<vmem>>, vector<16xi32>,
      %get3A_278 = arith.index_cast %scan3A_138 : i32 to index
      %get3A_279 = arith.constant 160 : index
      %get3A_280 = tpu.vector_load %arg7[%get3A_278, %get3A_279] {strides = array<i32>} : memref<32x512xi32, #tpu.memory_space<vmem>>, vector<16xi32>,
      %get3A_281 = arith.index_cast %scan3A_138 : i32 to index
      %get3A_282 = arith.constant 176 : index
      %get3A_283 = tpu.vector_load %arg7[%get3A_281, %get3A_282] {strides = array<i32>} : memref<32x512xi32, #tpu.memory_space<vmem>>, vector<16xi32>,
      %get3A_284 = arith.index_cast %scan3A_138 : i32 to index
      %get3A_285 = arith.constant 192 : index
      %get3A_286 = tpu.vector_load %arg7[%get3A_284, %get3A_285] {strides = array<i32>} : memref<32x512xi32, #tpu.memory_space<vmem>>, vector<16xi32>,
      %get3A_287 = arith.index_cast %scan3A_138 : i32 to index
      %get3A_288 = arith.constant 208 : index
      %get3A_289 = tpu.vector_load %arg7[%get3A_287, %get3A_288] {strides = array<i32>} : memref<32x512xi32, #tpu.memory_space<vmem>>, vector<16xi32>,
      %get3A_290 = arith.index_cast %scan3A_138 : i32 to index
      %get3A_291 = arith.constant 224 : index
      %get3A_292 = tpu.vector_load %arg7[%get3A_290, %get3A_291] {strides = array<i32>} : memref<32x512xi32, #tpu.memory_space<vmem>>, vector<16xi32>,
      %get3A_293 = arith.index_cast %scan3A_138 : i32 to index
      %get3A_294 = arith.constant 240 : index
      %get3A_295 = tpu.vector_load %arg7[%get3A_293, %get3A_294] {strides = array<i32>} : memref<32x512xi32, #tpu.memory_space<vmem>>, vector<16xi32>,
      %shift_left3A_296 = arith.constant 16 : i32
      %shift_left3A_297 = vector.broadcast %shift_left3A_296 : i32 to vector<16xi32>
      %shift_left3A_298 = arith.shli %get3A_274, %shift_left3A_297 : vector<16xi32>
      %bitcast3A_299 = vector.bitcast %shift_left3A_298 : vector<16xi32> to vector<16xf32>
      %swap3A_300 = arith.index_cast %scan3A_138 : i32 to index
      %swap3A_301 = arith.constant 128 : index
      %swap3A_302 = tpu.vector_load %arg9[%swap3A_300, %swap3A_301] {strides = array<i32>} : memref<32x1024xf32, #tpu.memory_space<vmem>>, vector<16xf32>,
      tpu.vector_store %arg9[%swap3A_300, %swap3A_301], %bitcast3A_299 {strides = array<i32>} : memref<32x1024xf32, #tpu.memory_space<vmem>>, vector<16xf32>,
      %and3A_303 = arith.constant -65536 : i32
      %and3A_304 = vector.broadcast %and3A_303 : i32 to vector<16xi32>
      %and3A_305 = arith.andi %get3A_274, %and3A_304 : vector<16xi32>
      %bitcast3A_306 = vector.bitcast %and3A_305 : vector<16xi32> to vector<16xf32>
      %swap3A_307 = arith.index_cast %scan3A_138 : i32 to index
      %swap3A_308 = arith.constant 640 : index
      %swap3A_309 = tpu.vector_load %arg9[%swap3A_307, %swap3A_308] {strides = array<i32>} : memref<32x1024xf32, #tpu.memory_space<vmem>>, vector<16xf32>,
      tpu.vector_store %arg9[%swap3A_307, %swap3A_308], %bitcast3A_306 {strides = array<i32>} : memref<32x1024xf32, #tpu.memory_space<vmem>>, vector<16xf32>,
      %shift_left3A_310 = arith.constant 16 : i32
      %shift_left3A_311 = vector.broadcast %shift_left3A_310 : i32 to vector<16xi32>
      %shift_left3A_312 = arith.shli %get3A_277, %shift_left3A_311 : vector<16xi32>
      %bitcast3A_313 = vector.bitcast %shift_left3A_312 : vector<16xi32> to vector<16xf32>
      %swap3A_314 = arith.index_cast %scan3A_138 : i32 to index
      %swap3A_315 = arith.constant 144 : index
      %swap3A_316 = tpu.vector_load %arg9[%swap3A_314, %swap3A_315] {strides = array<i32>} : memref<32x1024xf32, #tpu.memory_space<vmem>>, vector<16xf32>,
      tpu.vector_store %arg9[%swap3A_314, %swap3A_315], %bitcast3A_313 {strides = array<i32>} : memref<32x1024xf32, #tpu.memory_space<vmem>>, vector<16xf32>,
      %and3A_317 = arith.constant -65536 : i32
      %and3A_318 = vector.broadcast %and3A_317 : i32 to vector<16xi32>
      %and3A_319 = arith.andi %get3A_277, %and3A_318 : vector<16xi32>
      %bitcast3A_320 = vector.bitcast %and3A_319 : vector<16xi32> to vector<16xf32>
      %swap3A_321 = arith.index_cast %scan3A_138 : i32 to index
      %swap3A_322 = arith.constant 656 : index
      %swap3A_323 = tpu.vector_load %arg9[%swap3A_321, %swap3A_322] {strides = array<i32>} : memref<32x1024xf32, #tpu.memory_space<vmem>>, vector<16xf32>,
      tpu.vector_store %arg9[%swap3A_321, %swap3A_322], %bitcast3A_320 {strides = array<i32>} : memref<32x1024xf32, #tpu.memory_space<vmem>>, vector<16xf32>,
      %shift_left3A_324 = arith.constant 16 : i32
      %shift_left3A_325 = vector.broadcast %shift_left3A_324 : i32 to vector<16xi32>
      %shift_left3A_326 = arith.shli %get3A_280, %shift_left3A_325 : vector<16xi32>
      %bitcast3A_327 = vector.bitcast %shift_left3A_326 : vector<16xi32> to vector<16xf32>
      %swap3A_328 = arith.index_cast %scan3A_138 : i32 to index
      %swap3A_329 = arith.constant 160 : index
      %swap3A_330 = tpu.vector_load %arg9[%swap3A_328, %swap3A_329] {strides = array<i32>} : memref<32x1024xf32, #tpu.memory_space<vmem>>, vector<16xf32>,
      tpu.vector_store %arg9[%swap3A_328, %swap3A_329], %bitcast3A_327 {strides = array<i32>} : memref<32x1024xf32, #tpu.memory_space<vmem>>, vector<16xf32>,
      %and3A_331 = arith.constant -65536 : i32
      %and3A_332 = vector.broadcast %and3A_331 : i32 to vector<16xi32>
      %and3A_333 = arith.andi %get3A_280, %and3A_332 : vector<16xi32>
      %bitcast3A_334 = vector.bitcast %and3A_333 : vector<16xi32> to vector<16xf32>
      %swap3A_335 = arith.index_cast %scan3A_138 : i32 to index
      %swap3A_336 = arith.constant 672 : index
      %swap3A_337 = tpu.vector_load %arg9[%swap3A_335, %swap3A_336] {strides = array<i32>} : memref<32x1024xf32, #tpu.memory_space<vmem>>, vector<16xf32>,
      tpu.vector_store %arg9[%swap3A_335, %swap3A_336], %bitcast3A_334 {strides = array<i32>} : memref<32x1024xf32, #tpu.memory_space<vmem>>, vector<16xf32>,
      %shift_left3A_338 = arith.constant 16 : i32
      %shift_left3A_339 = vector.broadcast %shift_left3A_338 : i32 to vector<16xi32>
      %shift_left3A_340 = arith.shli %get3A_283, %shift_left3A_339 : vector<16xi32>
      %bitcast3A_341 = vector.bitcast %shift_left3A_340 : vector<16xi32> to vector<16xf32>
      %swap3A_342 = arith.index_cast %scan3A_138 : i32 to index
      %swap3A_343 = arith.constant 176 : index
      %swap3A_344 = tpu.vector_load %arg9[%swap3A_342, %swap3A_343] {strides = array<i32>} : memref<32x1024xf32, #tpu.memory_space<vmem>>, vector<16xf32>,
      tpu.vector_store %arg9[%swap3A_342, %swap3A_343], %bitcast3A_341 {strides = array<i32>} : memref<32x1024xf32, #tpu.memory_space<vmem>>, vector<16xf32>,
      %and3A_345 = arith.constant -65536 : i32
      %and3A_346 = vector.broadcast %and3A_345 : i32 to vector<16xi32>
      %and3A_347 = arith.andi %get3A_283, %and3A_346 : vector<16xi32>
      %bitcast3A_348 = vector.bitcast %and3A_347 : vector<16xi32> to vector<16xf32>
      %swap3A_349 = arith.index_cast %scan3A_138 : i32 to index
      %swap3A_350 = arith.constant 688 : index
      %swap3A_351 = tpu.vector_load %arg9[%swap3A_349, %swap3A_350] {strides = array<i32>} : memref<32x1024xf32, #tpu.memory_space<vmem>>, vector<16xf32>,
      tpu.vector_store %arg9[%swap3A_349, %swap3A_350], %bitcast3A_348 {strides = array<i32>} : memref<32x1024xf32, #tpu.memory_space<vmem>>, vector<16xf32>,
      %shift_left3A_352 = arith.constant 16 : i32
      %shift_left3A_353 = vector.broadcast %shift_left3A_352 : i32 to vector<16xi32>
      %shift_left3A_354 = arith.shli %get3A_286, %shift_left3A_353 : vector<16xi32>
      %bitcast3A_355 = vector.bitcast %shift_left3A_354 : vector<16xi32> to vector<16xf32>
      %swap3A_356 = arith.index_cast %scan3A_138 : i32 to index
      %swap3A_357 = arith.constant 192 : index
      %swap3A_358 = tpu.vector_load %arg9[%swap3A_356, %swap3A_357] {strides = array<i32>} : memref<32x1024xf32, #tpu.memory_space<vmem>>, vector<16xf32>,
      tpu.vector_store %arg9[%swap3A_356, %swap3A_357], %bitcast3A_355 {strides = array<i32>} : memref<32x1024xf32, #tpu.memory_space<vmem>>, vector<16xf32>,
      %and3A_359 = arith.constant -65536 : i32
      %and3A_360 = vector.broadcast %and3A_359 : i32 to vector<16xi32>
      %and3A_361 = arith.andi %get3A_286, %and3A_360 : vector<16xi32>
      %bitcast3A_362 = vector.bitcast %and3A_361 : vector<16xi32> to vector<16xf32>
      %swap3A_363 = arith.index_cast %scan3A_138 : i32 to index
      %swap3A_364 = arith.constant 704 : index
      %swap3A_365 = tpu.vector_load %arg9[%swap3A_363, %swap3A_364] {strides = array<i32>} : memref<32x1024xf32, #tpu.memory_space<vmem>>, vector<16xf32>,
      tpu.vector_store %arg9[%swap3A_363, %swap3A_364], %bitcast3A_362 {strides = array<i32>} : memref<32x1024xf32, #tpu.memory_space<vmem>>, vector<16xf32>,
      %shift_left3A_366 = arith.constant 16 : i32
      %shift_left3A_367 = vector.broadcast %shift_left3A_366 : i32 to vector<16xi32>
      %shift_left3A_368 = arith.shli %get3A_289, %shift_left3A_367 : vector<16xi32>
      %bitcast3A_369 = vector.bitcast %shift_left3A_368 : vector<16xi32> to vector<16xf32>
      %swap3A_370 = arith.index_cast %scan3A_138 : i32 to index
      %swap3A_371 = arith.constant 208 : index
      %swap3A_372 = tpu.vector_load %arg9[%swap3A_370, %swap3A_371] {strides = array<i32>} : memref<32x1024xf32, #tpu.memory_space<vmem>>, vector<16xf32>,
      tpu.vector_store %arg9[%swap3A_370, %swap3A_371], %bitcast3A_369 {strides = array<i32>} : memref<32x1024xf32, #tpu.memory_space<vmem>>, vector<16xf32>,
      %and3A_373 = arith.constant -65536 : i32
      %and3A_374 = vector.broadcast %and3A_373 : i32 to vector<16xi32>
      %and3A_375 = arith.andi %get3A_289, %and3A_374 : vector<16xi32>
      %bitcast3A_376 = vector.bitcast %and3A_375 : vector<16xi32> to vector<16xf32>
      %swap3A_377 = arith.index_cast %scan3A_138 : i32 to index
      %swap3A_378 = arith.constant 720 : index
      %swap3A_379 = tpu.vector_load %arg9[%swap3A_377, %swap3A_378] {strides = array<i32>} : memref<32x1024xf32, #tpu.memory_space<vmem>>, vector<16xf32>,
      tpu.vector_store %arg9[%swap3A_377, %swap3A_378], %bitcast3A_376 {strides = array<i32>} : memref<32x1024xf32, #tpu.memory_space<vmem>>, vector<16xf32>,
      %shift_left3A_380 = arith.constant 16 : i32
      %shift_left3A_381 = vector.broadcast %shift_left3A_380 : i32 to vector<16xi32>
      %shift_left3A_382 = arith.shli %get3A_292, %shift_left3A_381 : vector<16xi32>
      %bitcast3A_383 = vector.bitcast %shift_left3A_382 : vector<16xi32> to vector<16xf32>
      %swap3A_384 = arith.index_cast %scan3A_138 : i32 to index
      %swap3A_385 = arith.constant 224 : index
      %swap3A_386 = tpu.vector_load %arg9[%swap3A_384, %swap3A_385] {strides = array<i32>} : memref<32x1024xf32, #tpu.memory_space<vmem>>, vector<16xf32>,
      tpu.vector_store %arg9[%swap3A_384, %swap3A_385], %bitcast3A_383 {strides = array<i32>} : memref<32x1024xf32, #tpu.memory_space<vmem>>, vector<16xf32>,
      %and3A_387 = arith.constant -65536 : i32
      %and3A_388 = vector.broadcast %and3A_387 : i32 to vector<16xi32>
      %and3A_389 = arith.andi %get3A_292, %and3A_388 : vector<16xi32>
      %bitcast3A_390 = vector.bitcast %and3A_389 : vector<16xi32> to vector<16xf32>
      %swap3A_391 = arith.index_cast %scan3A_138 : i32 to index
      %swap3A_392 = arith.constant 736 : index
      %swap3A_393 = tpu.vector_load %arg9[%swap3A_391, %swap3A_392] {strides = array<i32>} : memref<32x1024xf32, #tpu.memory_space<vmem>>, vector<16xf32>,
      tpu.vector_store %arg9[%swap3A_391, %swap3A_392], %bitcast3A_390 {strides = array<i32>} : memref<32x1024xf32, #tpu.memory_space<vmem>>, vector<16xf32>,
      %shift_left3A_394 = arith.constant 16 : i32
      %shift_left3A_395 = vector.broadcast %shift_left3A_394 : i32 to vector<16xi32>
      %shift_left3A_396 = arith.shli %get3A_295, %shift_left3A_395 : vector<16xi32>
      %bitcast3A_397 = vector.bitcast %shift_left3A_396 : vector<16xi32> to vector<16xf32>
      %swap3A_398 = arith.index_cast %scan3A_138 : i32 to index
      %swap3A_399 = arith.constant 240 : index
      %swap3A_400 = tpu.vector_load %arg9[%swap3A_398, %swap3A_399] {strides = array<i32>} : memref<32x1024xf32, #tpu.memory_space<vmem>>, vector<16xf32>,
      tpu.vector_store %arg9[%swap3A_398, %swap3A_399], %bitcast3A_397 {strides = array<i32>} : memref<32x1024xf32, #tpu.memory_space<vmem>>, vector<16xf32>,
      %and3A_401 = arith.constant -65536 : i32
      %and3A_402 = vector.broadcast %and3A_401 : i32 to vector<16xi32>
      %and3A_403 = arith.andi %get3A_295, %and3A_402 : vector<16xi32>
      %bitcast3A_404 = vector.bitcast %and3A_403 : vector<16xi32> to vector<16xf32>
      %swap3A_405 = arith.index_cast %scan3A_138 : i32 to index
      %swap3A_406 = arith.constant 752 : index
      %swap3A_407 = tpu.vector_load %arg9[%swap3A_405, %swap3A_406] {strides = array<i32>} : memref<32x1024xf32, #tpu.memory_space<vmem>>, vector<16xf32>,
      tpu.vector_store %arg9[%swap3A_405, %swap3A_406], %bitcast3A_404 {strides = array<i32>} : memref<32x1024xf32, #tpu.memory_space<vmem>>, vector<16xf32>,
      %get3A_408 = arith.index_cast %scan3A_138 : i32 to index
      %get3A_409 = arith.constant 256 : index
      %get3A_410 = tpu.vector_load %arg7[%get3A_408, %get3A_409] {strides = array<i32>} : memref<32x512xi32, #tpu.memory_space<vmem>>, vector<16xi32>,
      %get3A_411 = arith.index_cast %scan3A_138 : i32 to index
      %get3A_412 = arith.constant 272 : index
      %get3A_413 = tpu.vector_load %arg7[%get3A_411, %get3A_412] {strides = array<i32>} : memref<32x512xi32, #tpu.memory_space<vmem>>, vector<16xi32>,
      %get3A_414 = arith.index_cast %scan3A_138 : i32 to index
      %get3A_415 = arith.constant 288 : index
      %get3A_416 = tpu.vector_load %arg7[%get3A_414, %get3A_415] {strides = array<i32>} : memref<32x512xi32, #tpu.memory_space<vmem>>, vector<16xi32>,
      %get3A_417 = arith.index_cast %scan3A_138 : i32 to index
      %get3A_418 = arith.constant 304 : index
      %get3A_419 = tpu.vector_load %arg7[%get3A_417, %get3A_418] {strides = array<i32>} : memref<32x512xi32, #tpu.memory_space<vmem>>, vector<16xi32>,
      %get3A_420 = arith.index_cast %scan3A_138 : i32 to index
      %get3A_421 = arith.constant 320 : index
      %get3A_422 = tpu.vector_load %arg7[%get3A_420, %get3A_421] {strides = array<i32>} : memref<32x512xi32, #tpu.memory_space<vmem>>, vector<16xi32>,
      %get3A_423 = arith.index_cast %scan3A_138 : i32 to index
      %get3A_424 = arith.constant 336 : index
      %get3A_425 = tpu.vector_load %arg7[%get3A_423, %get3A_424] {strides = array<i32>} : memref<32x512xi32, #tpu.memory_space<vmem>>, vector<16xi32>,
      %get3A_426 = arith.index_cast %scan3A_138 : i32 to index
      %get3A_427 = arith.constant 352 : index
      %get3A_428 = tpu.vector_load %arg7[%get3A_426, %get3A_427] {strides = array<i32>} : memref<32x512xi32, #tpu.memory_space<vmem>>, vector<16xi32>,
      %get3A_429 = arith.index_cast %scan3A_138 : i32 to index
      %get3A_430 = arith.constant 368 : index
      %get3A_431 = tpu.vector_load %arg7[%get3A_429, %get3A_430] {strides = array<i32>} : memref<32x512xi32, #tpu.memory_space<vmem>>, vector<16xi32>,
      %shift_left3A_432 = arith.constant 16 : i32
      %shift_left3A_433 = vector.broadcast %shift_left3A_432 : i32 to vector<16xi32>
      %shift_left3A_434 = arith.shli %get3A_410, %shift_left3A_433 : vector<16xi32>
      %bitcast3A_435 = vector.bitcast %shift_left3A_434 : vector<16xi32> to vector<16xf32>
      %swap3A_436 = arith.index_cast %scan3A_138 : i32 to index
      %swap3A_437 = arith.constant 256 : index
      %swap3A_438 = tpu.vector_load %arg9[%swap3A_436, %swap3A_437] {strides = array<i32>} : memref<32x1024xf32, #tpu.memory_space<vmem>>, vector<16xf32>,
      tpu.vector_store %arg9[%swap3A_436, %swap3A_437], %bitcast3A_435 {strides = array<i32>} : memref<32x1024xf32, #tpu.memory_space<vmem>>, vector<16xf32>,
      %and3A_439 = arith.constant -65536 : i32
      %and3A_440 = vector.broadcast %and3A_439 : i32 to vector<16xi32>
      %and3A_441 = arith.andi %get3A_410, %and3A_440 : vector<16xi32>
      %bitcast3A_442 = vector.bitcast %and3A_441 : vector<16xi32> to vector<16xf32>
      %swap3A_443 = arith.index_cast %scan3A_138 : i32 to index
      %swap3A_444 = arith.constant 768 : index
      %swap3A_445 = tpu.vector_load %arg9[%swap3A_443, %swap3A_444] {strides = array<i32>} : memref<32x1024xf32, #tpu.memory_space<vmem>>, vector<16xf32>,
      tpu.vector_store %arg9[%swap3A_443, %swap3A_444], %bitcast3A_442 {strides = array<i32>} : memref<32x1024xf32, #tpu.memory_space<vmem>>, vector<16xf32>,
      %shift_left3A_446 = arith.constant 16 : i32
      %shift_left3A_447 = vector.broadcast %shift_left3A_446 : i32 to vector<16xi32>
      %shift_left3A_448 = arith.shli %get3A_413, %shift_left3A_447 : vector<16xi32>
      %bitcast3A_449 = vector.bitcast %shift_left3A_448 : vector<16xi32> to vector<16xf32>
      %swap3A_450 = arith.index_cast %scan3A_138 : i32 to index
      %swap3A_451 = arith.constant 272 : index
      %swap3A_452 = tpu.vector_load %arg9[%swap3A_450, %swap3A_451] {strides = array<i32>} : memref<32x1024xf32, #tpu.memory_space<vmem>>, vector<16xf32>,
      tpu.vector_store %arg9[%swap3A_450, %swap3A_451], %bitcast3A_449 {strides = array<i32>} : memref<32x1024xf32, #tpu.memory_space<vmem>>, vector<16xf32>,
      %and3A_453 = arith.constant -65536 : i32
      %and3A_454 = vector.broadcast %and3A_453 : i32 to vector<16xi32>
      %and3A_455 = arith.andi %get3A_413, %and3A_454 : vector<16xi32>
      %bitcast3A_456 = vector.bitcast %and3A_455 : vector<16xi32> to vector<16xf32>
      %swap3A_457 = arith.index_cast %scan3A_138 : i32 to index
      %swap3A_458 = arith.constant 784 : index
      %swap3A_459 = tpu.vector_load %arg9[%swap3A_457, %swap3A_458] {strides = array<i32>} : memref<32x1024xf32, #tpu.memory_space<vmem>>, vector<16xf32>,
      tpu.vector_store %arg9[%swap3A_457, %swap3A_458], %bitcast3A_456 {strides = array<i32>} : memref<32x1024xf32, #tpu.memory_space<vmem>>, vector<16xf32>,
      %shift_left3A_460 = arith.constant 16 : i32
      %shift_left3A_461 = vector.broadcast %shift_left3A_460 : i32 to vector<16xi32>
      %shift_left3A_462 = arith.shli %get3A_416, %shift_left3A_461 : vector<16xi32>
      %bitcast3A_463 = vector.bitcast %shift_left3A_462 : vector<16xi32> to vector<16xf32>
      %swap3A_464 = arith.index_cast %scan3A_138 : i32 to index
      %swap3A_465 = arith.constant 288 : index
      %swap3A_466 = tpu.vector_load %arg9[%swap3A_464, %swap3A_465] {strides = array<i32>} : memref<32x1024xf32, #tpu.memory_space<vmem>>, vector<16xf32>,
      tpu.vector_store %arg9[%swap3A_464, %swap3A_465], %bitcast3A_463 {strides = array<i32>} : memref<32x1024xf32, #tpu.memory_space<vmem>>, vector<16xf32>,
      %and3A_467 = arith.constant -65536 : i32
      %and3A_468 = vector.broadcast %and3A_467 : i32 to vector<16xi32>
      %and3A_469 = arith.andi %get3A_416, %and3A_468 : vector<16xi32>
      %bitcast3A_470 = vector.bitcast %and3A_469 : vector<16xi32> to vector<16xf32>
      %swap3A_471 = arith.index_cast %scan3A_138 : i32 to index
      %swap3A_472 = arith.constant 800 : index
      %swap3A_473 = tpu.vector_load %arg9[%swap3A_471, %swap3A_472] {strides = array<i32>} : memref<32x1024xf32, #tpu.memory_space<vmem>>, vector<16xf32>,
      tpu.vector_store %arg9[%swap3A_471, %swap3A_472], %bitcast3A_470 {strides = array<i32>} : memref<32x1024xf32, #tpu.memory_space<vmem>>, vector<16xf32>,
      %shift_left3A_474 = arith.constant 16 : i32
      %shift_left3A_475 = vector.broadcast %shift_left3A_474 : i32 to vector<16xi32>
      %shift_left3A_476 = arith.shli %get3A_419, %shift_left3A_475 : vector<16xi32>
      %bitcast3A_477 = vector.bitcast %shift_left3A_476 : vector<16xi32> to vector<16xf32>
      %swap3A_478 = arith.index_cast %scan3A_138 : i32 to index
      %swap3A_479 = arith.constant 304 : index
      %swap3A_480 = tpu.vector_load %arg9[%swap3A_478, %swap3A_479] {strides = array<i32>} : memref<32x1024xf32, #tpu.memory_space<vmem>>, vector<16xf32>,
      tpu.vector_store %arg9[%swap3A_478, %swap3A_479], %bitcast3A_477 {strides = array<i32>} : memref<32x1024xf32, #tpu.memory_space<vmem>>, vector<16xf32>,
      %and3A_481 = arith.constant -65536 : i32
      %and3A_482 = vector.broadcast %and3A_481 : i32 to vector<16xi32>
      %and3A_483 = arith.andi %get3A_419, %and3A_482 : vector<16xi32>
      %bitcast3A_484 = vector.bitcast %and3A_483 : vector<16xi32> to vector<16xf32>
      %swap3A_485 = arith.index_cast %scan3A_138 : i32 to index
      %swap3A_486 = arith.constant 816 : index
      %swap3A_487 = tpu.vector_load %arg9[%swap3A_485, %swap3A_486] {strides = array<i32>} : memref<32x1024xf32, #tpu.memory_space<vmem>>, vector<16xf32>,
      tpu.vector_store %arg9[%swap3A_485, %swap3A_486], %bitcast3A_484 {strides = array<i32>} : memref<32x1024xf32, #tpu.memory_space<vmem>>, vector<16xf32>,
      %shift_left3A_488 = arith.constant 16 : i32
      %shift_left3A_489 = vector.broadcast %shift_left3A_488 : i32 to vector<16xi32>
      %shift_left3A_490 = arith.shli %get3A_422, %shift_left3A_489 : vector<16xi32>
      %bitcast3A_491 = vector.bitcast %shift_left3A_490 : vector<16xi32> to vector<16xf32>
      %swap3A_492 = arith.index_cast %scan3A_138 : i32 to index
      %swap3A_493 = arith.constant 320 : index
      %swap3A_494 = tpu.vector_load %arg9[%swap3A_492, %swap3A_493] {strides = array<i32>} : memref<32x1024xf32, #tpu.memory_space<vmem>>, vector<16xf32>,
      tpu.vector_store %arg9[%swap3A_492, %swap3A_493], %bitcast3A_491 {strides = array<i32>} : memref<32x1024xf32, #tpu.memory_space<vmem>>, vector<16xf32>,
      %and3A_495 = arith.constant -65536 : i32
      %and3A_496 = vector.broadcast %and3A_495 : i32 to vector<16xi32>
      %and3A_497 = arith.andi %get3A_422, %and3A_496 : vector<16xi32>
      %bitcast3A_498 = vector.bitcast %and3A_497 : vector<16xi32> to vector<16xf32>
      %swap3A_499 = arith.index_cast %scan3A_138 : i32 to index
      %swap3A_500 = arith.constant 832 : index
      %swap3A_501 = tpu.vector_load %arg9[%swap3A_499, %swap3A_500] {strides = array<i32>} : memref<32x1024xf32, #tpu.memory_space<vmem>>, vector<16xf32>,
      tpu.vector_store %arg9[%swap3A_499, %swap3A_500], %bitcast3A_498 {strides = array<i32>} : memref<32x1024xf32, #tpu.memory_space<vmem>>, vector<16xf32>,
      %shift_left3A_502 = arith.constant 16 : i32
      %shift_left3A_503 = vector.broadcast %shift_left3A_502 : i32 to vector<16xi32>
      %shift_left3A_504 = arith.shli %get3A_425, %shift_left3A_503 : vector<16xi32>
      %bitcast3A_505 = vector.bitcast %shift_left3A_504 : vector<16xi32> to vector<16xf32>
      %swap3A_506 = arith.index_cast %scan3A_138 : i32 to index
      %swap3A_507 = arith.constant 336 : index
      %swap3A_508 = tpu.vector_load %arg9[%swap3A_506, %swap3A_507] {strides = array<i32>} : memref<32x1024xf32, #tpu.memory_space<vmem>>, vector<16xf32>,
      tpu.vector_store %arg9[%swap3A_506, %swap3A_507], %bitcast3A_505 {strides = array<i32>} : memref<32x1024xf32, #tpu.memory_space<vmem>>, vector<16xf32>,
      %and3A_509 = arith.constant -65536 : i32
      %and3A_510 = vector.broadcast %and3A_509 : i32 to vector<16xi32>
      %and3A_511 = arith.andi %get3A_425, %and3A_510 : vector<16xi32>
      %bitcast3A_512 = vector.bitcast %and3A_511 : vector<16xi32> to vector<16xf32>
      %swap3A_513 = arith.index_cast %scan3A_138 : i32 to index
      %swap3A_514 = arith.constant 848 : index
      %swap3A_515 = tpu.vector_load %arg9[%swap3A_513, %swap3A_514] {strides = array<i32>} : memref<32x1024xf32, #tpu.memory_space<vmem>>, vector<16xf32>,
      tpu.vector_store %arg9[%swap3A_513, %swap3A_514], %bitcast3A_512 {strides = array<i32>} : memref<32x1024xf32, #tpu.memory_space<vmem>>, vector<16xf32>,
      %shift_left3A_516 = arith.constant 16 : i32
      %shift_left3A_517 = vector.broadcast %shift_left3A_516 : i32 to vector<16xi32>
      %shift_left3A_518 = arith.shli %get3A_428, %shift_left3A_517 : vector<16xi32>
      %bitcast3A_519 = vector.bitcast %shift_left3A_518 : vector<16xi32> to vector<16xf32>
      %swap3A_520 = arith.index_cast %scan3A_138 : i32 to index
      %swap3A_521 = arith.constant 352 : index
      %swap3A_522 = tpu.vector_load %arg9[%swap3A_520, %swap3A_521] {strides = array<i32>} : memref<32x1024xf32, #tpu.memory_space<vmem>>, vector<16xf32>,
      tpu.vector_store %arg9[%swap3A_520, %swap3A_521], %bitcast3A_519 {strides = array<i32>} : memref<32x1024xf32, #tpu.memory_space<vmem>>, vector<16xf32>,
      %and3A_523 = arith.constant -65536 : i32
      %and3A_524 = vector.broadcast %and3A_523 : i32 to vector<16xi32>
      %and3A_525 = arith.andi %get3A_428, %and3A_524 : vector<16xi32>
      %bitcast3A_526 = vector.bitcast %and3A_525 : vector<16xi32> to vector<16xf32>
      %swap3A_527 = arith.index_cast %scan3A_138 : i32 to index
      %swap3A_528 = arith.constant 864 : index
      %swap3A_529 = tpu.vector_load %arg9[%swap3A_527, %swap3A_528] {strides = array<i32>} : memref<32x1024xf32, #tpu.memory_space<vmem>>, vector<16xf32>,
      tpu.vector_store %arg9[%swap3A_527, %swap3A_528], %bitcast3A_526 {strides = array<i32>} : memref<32x1024xf32, #tpu.memory_space<vmem>>, vector<16xf32>,
      %shift_left3A_530 = arith.constant 16 : i32
      %shift_left3A_531 = vector.broadcast %shift_left3A_530 : i32 to vector<16xi32>
      %shift_left3A_532 = arith.shli %get3A_431, %shift_left3A_531 : vector<16xi32>
      %bitcast3A_533 = vector.bitcast %shift_left3A_532 : vector<16xi32> to vector<16xf32>
      %swap3A_534 = arith.index_cast %scan3A_138 : i32 to index
      %swap3A_535 = arith.constant 368 : index
      %swap3A_536 = tpu.vector_load %arg9[%swap3A_534, %swap3A_535] {strides = array<i32>} : memref<32x1024xf32, #tpu.memory_space<vmem>>, vector<16xf32>,
      tpu.vector_store %arg9[%swap3A_534, %swap3A_535], %bitcast3A_533 {strides = array<i32>} : memref<32x1024xf32, #tpu.memory_space<vmem>>, vector<16xf32>,
      %and3A_537 = arith.constant -65536 : i32
      %and3A_538 = vector.broadcast %and3A_537 : i32 to vector<16xi32>
      %and3A_539 = arith.andi %get3A_431, %and3A_538 : vector<16xi32>
      %bitcast3A_540 = vector.bitcast %and3A_539 : vector<16xi32> to vector<16xf32>
      %swap3A_541 = arith.index_cast %scan3A_138 : i32 to index
      %swap3A_542 = arith.constant 880 : index
      %swap3A_543 = tpu.vector_load %arg9[%swap3A_541, %swap3A_542] {strides = array<i32>} : memref<32x1024xf32, #tpu.memory_space<vmem>>, vector<16xf32>,
      tpu.vector_store %arg9[%swap3A_541, %swap3A_542], %bitcast3A_540 {strides = array<i32>} : memref<32x1024xf32, #tpu.memory_space<vmem>>, vector<16xf32>,
      %get3A_544 = arith.index_cast %scan3A_138 : i32 to index
      %get3A_545 = arith.constant 384 : index
      %get3A_546 = tpu.vector_load %arg7[%get3A_544, %get3A_545] {strides = array<i32>} : memref<32x512xi32, #tpu.memory_space<vmem>>, vector<16xi32>,
      %get3A_547 = arith.index_cast %scan3A_138 : i32 to index
      %get3A_548 = arith.constant 400 : index
      %get3A_549 = tpu.vector_load %arg7[%get3A_547, %get3A_548] {strides = array<i32>} : memref<32x512xi32, #tpu.memory_space<vmem>>, vector<16xi32>,
      %get3A_550 = arith.index_cast %scan3A_138 : i32 to index
      %get3A_551 = arith.constant 416 : index
      %get3A_552 = tpu.vector_load %arg7[%get3A_550, %get3A_551] {strides = array<i32>} : memref<32x512xi32, #tpu.memory_space<vmem>>, vector<16xi32>,
      %get3A_553 = arith.index_cast %scan3A_138 : i32 to index
      %get3A_554 = arith.constant 432 : index
      %get3A_555 = tpu.vector_load %arg7[%get3A_553, %get3A_554] {strides = array<i32>} : memref<32x512xi32, #tpu.memory_space<vmem>>, vector<16xi32>,
      %get3A_556 = arith.index_cast %scan3A_138 : i32 to index
      %get3A_557 = arith.constant 448 : index
      %get3A_558 = tpu.vector_load %arg7[%get3A_556, %get3A_557] {strides = array<i32>} : memref<32x512xi32, #tpu.memory_space<vmem>>, vector<16xi32>,
      %get3A_559 = arith.index_cast %scan3A_138 : i32 to index
      %get3A_560 = arith.constant 464 : index
      %get3A_561 = tpu.vector_load %arg7[%get3A_559, %get3A_560] {strides = array<i32>} : memref<32x512xi32, #tpu.memory_space<vmem>>, vector<16xi32>,
      %get3A_562 = arith.index_cast %scan3A_138 : i32 to index
      %get3A_563 = arith.constant 480 : index
      %get3A_564 = tpu.vector_load %arg7[%get3A_562, %get3A_563] {strides = array<i32>} : memref<32x512xi32, #tpu.memory_space<vmem>>, vector<16xi32>,
      %get3A_565 = arith.index_cast %scan3A_138 : i32 to index
      %get3A_566 = arith.constant 496 : index
      %get3A_567 = tpu.vector_load %arg7[%get3A_565, %get3A_566] {strides = array<i32>} : memref<32x512xi32, #tpu.memory_space<vmem>>, vector<16xi32>,
      %shift_left3A_568 = arith.constant 16 : i32
      %shift_left3A_569 = vector.broadcast %shift_left3A_568 : i32 to vector<16xi32>
      %shift_left3A_570 = arith.shli %get3A_546, %shift_left3A_569 : vector<16xi32>
      %bitcast3A_571 = vector.bitcast %shift_left3A_570 : vector<16xi32> to vector<16xf32>
      %swap3A_572 = arith.index_cast %scan3A_138 : i32 to index
      %swap3A_573 = arith.constant 384 : index
      %swap3A_574 = tpu.vector_load %arg9[%swap3A_572, %swap3A_573] {strides = array<i32>} : memref<32x1024xf32, #tpu.memory_space<vmem>>, vector<16xf32>,
      tpu.vector_store %arg9[%swap3A_572, %swap3A_573], %bitcast3A_571 {strides = array<i32>} : memref<32x1024xf32, #tpu.memory_space<vmem>>, vector<16xf32>,
      %and3A_575 = arith.constant -65536 : i32
      %and3A_576 = vector.broadcast %and3A_575 : i32 to vector<16xi32>
      %and3A_577 = arith.andi %get3A_546, %and3A_576 : vector<16xi32>
      %bitcast3A_578 = vector.bitcast %and3A_577 : vector<16xi32> to vector<16xf32>
      %swap3A_579 = arith.index_cast %scan3A_138 : i32 to index
      %swap3A_580 = arith.constant 896 : index
      %swap3A_581 = tpu.vector_load %arg9[%swap3A_579, %swap3A_580] {strides = array<i32>} : memref<32x1024xf32, #tpu.memory_space<vmem>>, vector<16xf32>,
      tpu.vector_store %arg9[%swap3A_579, %swap3A_580], %bitcast3A_578 {strides = array<i32>} : memref<32x1024xf32, #tpu.memory_space<vmem>>, vector<16xf32>,
      %shift_left3A_582 = arith.constant 16 : i32
      %shift_left3A_583 = vector.broadcast %shift_left3A_582 : i32 to vector<16xi32>
      %shift_left3A_584 = arith.shli %get3A_549, %shift_left3A_583 : vector<16xi32>
      %bitcast3A_585 = vector.bitcast %shift_left3A_584 : vector<16xi32> to vector<16xf32>
      %swap3A_586 = arith.index_cast %scan3A_138 : i32 to index
      %swap3A_587 = arith.constant 400 : index
      %swap3A_588 = tpu.vector_load %arg9[%swap3A_586, %swap3A_587] {strides = array<i32>} : memref<32x1024xf32, #tpu.memory_space<vmem>>, vector<16xf32>,
      tpu.vector_store %arg9[%swap3A_586, %swap3A_587], %bitcast3A_585 {strides = array<i32>} : memref<32x1024xf32, #tpu.memory_space<vmem>>, vector<16xf32>,
      %and3A_589 = arith.constant -65536 : i32
      %and3A_590 = vector.broadcast %and3A_589 : i32 to vector<16xi32>
      %and3A_591 = arith.andi %get3A_549, %and3A_590 : vector<16xi32>
      %bitcast3A_592 = vector.bitcast %and3A_591 : vector<16xi32> to vector<16xf32>
      %swap3A_593 = arith.index_cast %scan3A_138 : i32 to index
      %swap3A_594 = arith.constant 912 : index
      %swap3A_595 = tpu.vector_load %arg9[%swap3A_593, %swap3A_594] {strides = array<i32>} : memref<32x1024xf32, #tpu.memory_space<vmem>>, vector<16xf32>,
      tpu.vector_store %arg9[%swap3A_593, %swap3A_594], %bitcast3A_592 {strides = array<i32>} : memref<32x1024xf32, #tpu.memory_space<vmem>>, vector<16xf32>,
      %shift_left3A_596 = arith.constant 16 : i32
      %shift_left3A_597 = vector.broadcast %shift_left3A_596 : i32 to vector<16xi32>
      %shift_left3A_598 = arith.shli %get3A_552, %shift_left3A_597 : vector<16xi32>
      %bitcast3A_599 = vector.bitcast %shift_left3A_598 : vector<16xi32> to vector<16xf32>
      %swap3A_600 = arith.index_cast %scan3A_138 : i32 to index
      %swap3A_601 = arith.constant 416 : index
      %swap3A_602 = tpu.vector_load %arg9[%swap3A_600, %swap3A_601] {strides = array<i32>} : memref<32x1024xf32, #tpu.memory_space<vmem>>, vector<16xf32>,
      tpu.vector_store %arg9[%swap3A_600, %swap3A_601], %bitcast3A_599 {strides = array<i32>} : memref<32x1024xf32, #tpu.memory_space<vmem>>, vector<16xf32>,
      %and3A_603 = arith.constant -65536 : i32
      %and3A_604 = vector.broadcast %and3A_603 : i32 to vector<16xi32>
      %and3A_605 = arith.andi %get3A_552, %and3A_604 : vector<16xi32>
      %bitcast3A_606 = vector.bitcast %and3A_605 : vector<16xi32> to vector<16xf32>
      %swap3A_607 = arith.index_cast %scan3A_138 : i32 to index
      %swap3A_608 = arith.constant 928 : index
      %swap3A_609 = tpu.vector_load %arg9[%swap3A_607, %swap3A_608] {strides = array<i32>} : memref<32x1024xf32, #tpu.memory_space<vmem>>, vector<16xf32>,
      tpu.vector_store %arg9[%swap3A_607, %swap3A_608], %bitcast3A_606 {strides = array<i32>} : memref<32x1024xf32, #tpu.memory_space<vmem>>, vector<16xf32>,
      %shift_left3A_610 = arith.constant 16 : i32
      %shift_left3A_611 = vector.broadcast %shift_left3A_610 : i32 to vector<16xi32>
      %shift_left3A_612 = arith.shli %get3A_555, %shift_left3A_611 : vector<16xi32>
      %bitcast3A_613 = vector.bitcast %shift_left3A_612 : vector<16xi32> to vector<16xf32>
      %swap3A_614 = arith.index_cast %scan3A_138 : i32 to index
      %swap3A_615 = arith.constant 432 : index
      %swap3A_616 = tpu.vector_load %arg9[%swap3A_614, %swap3A_615] {strides = array<i32>} : memref<32x1024xf32, #tpu.memory_space<vmem>>, vector<16xf32>,
      tpu.vector_store %arg9[%swap3A_614, %swap3A_615], %bitcast3A_613 {strides = array<i32>} : memref<32x1024xf32, #tpu.memory_space<vmem>>, vector<16xf32>,
      %and3A_617 = arith.constant -65536 : i32
      %and3A_618 = vector.broadcast %and3A_617 : i32 to vector<16xi32>
      %and3A_619 = arith.andi %get3A_555, %and3A_618 : vector<16xi32>
      %bitcast3A_620 = vector.bitcast %and3A_619 : vector<16xi32> to vector<16xf32>
      %swap3A_621 = arith.index_cast %scan3A_138 : i32 to index
      %swap3A_622 = arith.constant 944 : index
      %swap3A_623 = tpu.vector_load %arg9[%swap3A_621, %swap3A_622] {strides = array<i32>} : memref<32x1024xf32, #tpu.memory_space<vmem>>, vector<16xf32>,
      tpu.vector_store %arg9[%swap3A_621, %swap3A_622], %bitcast3A_620 {strides = array<i32>} : memref<32x1024xf32, #tpu.memory_space<vmem>>, vector<16xf32>,
      %shift_left3A_624 = arith.constant 16 : i32
      %shift_left3A_625 = vector.broadcast %shift_left3A_624 : i32 to vector<16xi32>
      %shift_left3A_626 = arith.shli %get3A_558, %shift_left3A_625 : vector<16xi32>
      %bitcast3A_627 = vector.bitcast %shift_left3A_626 : vector<16xi32> to vector<16xf32>
      %swap3A_628 = arith.index_cast %scan3A_138 : i32 to index
      %swap3A_629 = arith.constant 448 : index
      %swap3A_630 = tpu.vector_load %arg9[%swap3A_628, %swap3A_629] {strides = array<i32>} : memref<32x1024xf32, #tpu.memory_space<vmem>>, vector<16xf32>,
      tpu.vector_store %arg9[%swap3A_628, %swap3A_629], %bitcast3A_627 {strides = array<i32>} : memref<32x1024xf32, #tpu.memory_space<vmem>>, vector<16xf32>,
      %and3A_631 = arith.constant -65536 : i32
      %and3A_632 = vector.broadcast %and3A_631 : i32 to vector<16xi32>
      %and3A_633 = arith.andi %get3A_558, %and3A_632 : vector<16xi32>
      %bitcast3A_634 = vector.bitcast %and3A_633 : vector<16xi32> to vector<16xf32>
      %swap3A_635 = arith.index_cast %scan3A_138 : i32 to index
      %swap3A_636 = arith.constant 960 : index
      %swap3A_637 = tpu.vector_load %arg9[%swap3A_635, %swap3A_636] {strides = array<i32>} : memref<32x1024xf32, #tpu.memory_space<vmem>>, vector<16xf32>,
      tpu.vector_store %arg9[%swap3A_635, %swap3A_636], %bitcast3A_634 {strides = array<i32>} : memref<32x1024xf32, #tpu.memory_space<vmem>>, vector<16xf32>,
      %shift_left3A_638 = arith.constant 16 : i32
      %shift_left3A_639 = vector.broadcast %shift_left3A_638 : i32 to vector<16xi32>
      %shift_left3A_640 = arith.shli %get3A_561, %shift_left3A_639 : vector<16xi32>
      %bitcast3A_641 = vector.bitcast %shift_left3A_640 : vector<16xi32> to vector<16xf32>
      %swap3A_642 = arith.index_cast %scan3A_138 : i32 to index
      %swap3A_643 = arith.constant 464 : index
      %swap3A_644 = tpu.vector_load %arg9[%swap3A_642, %swap3A_643] {strides = array<i32>} : memref<32x1024xf32, #tpu.memory_space<vmem>>, vector<16xf32>,
      tpu.vector_store %arg9[%swap3A_642, %swap3A_643], %bitcast3A_641 {strides = array<i32>} : memref<32x1024xf32, #tpu.memory_space<vmem>>, vector<16xf32>,
      %and3A_645 = arith.constant -65536 : i32
      %and3A_646 = vector.broadcast %and3A_645 : i32 to vector<16xi32>
      %and3A_647 = arith.andi %get3A_561, %and3A_646 : vector<16xi32>
      %bitcast3A_648 = vector.bitcast %and3A_647 : vector<16xi32> to vector<16xf32>
      %swap3A_649 = arith.index_cast %scan3A_138 : i32 to index
      %swap3A_650 = arith.constant 976 : index
      %swap3A_651 = tpu.vector_load %arg9[%swap3A_649, %swap3A_650] {strides = array<i32>} : memref<32x1024xf32, #tpu.memory_space<vmem>>, vector<16xf32>,
      tpu.vector_store %arg9[%swap3A_649, %swap3A_650], %bitcast3A_648 {strides = array<i32>} : memref<32x1024xf32, #tpu.memory_space<vmem>>, vector<16xf32>,
      %shift_left3A_652 = arith.constant 16 : i32
      %shift_left3A_653 = vector.broadcast %shift_left3A_652 : i32 to vector<16xi32>
      %shift_left3A_654 = arith.shli %get3A_564, %shift_left3A_653 : vector<16xi32>
      %bitcast3A_655 = vector.bitcast %shift_left3A_654 : vector<16xi32> to vector<16xf32>
      %swap3A_656 = arith.index_cast %scan3A_138 : i32 to index
      %swap3A_657 = arith.constant 480 : index
      %swap3A_658 = tpu.vector_load %arg9[%swap3A_656, %swap3A_657] {strides = array<i32>} : memref<32x1024xf32, #tpu.memory_space<vmem>>, vector<16xf32>,
      tpu.vector_store %arg9[%swap3A_656, %swap3A_657], %bitcast3A_655 {strides = array<i32>} : memref<32x1024xf32, #tpu.memory_space<vmem>>, vector<16xf32>,
      %and3A_659 = arith.constant -65536 : i32
      %and3A_660 = vector.broadcast %and3A_659 : i32 to vector<16xi32>
      %and3A_661 = arith.andi %get3A_564, %and3A_660 : vector<16xi32>
      %bitcast3A_662 = vector.bitcast %and3A_661 : vector<16xi32> to vector<16xf32>
      %swap3A_663 = arith.index_cast %scan3A_138 : i32 to index
      %swap3A_664 = arith.constant 992 : index
      %swap3A_665 = tpu.vector_load %arg9[%swap3A_663, %swap3A_664] {strides = array<i32>} : memref<32x1024xf32, #tpu.memory_space<vmem>>, vector<16xf32>,
      tpu.vector_store %arg9[%swap3A_663, %swap3A_664], %bitcast3A_662 {strides = array<i32>} : memref<32x1024xf32, #tpu.memory_space<vmem>>, vector<16xf32>,
      %shift_left3A_666 = arith.constant 16 : i32
      %shift_left3A_667 = vector.broadcast %shift_left3A_666 : i32 to vector<16xi32>
      %shift_left3A_668 = arith.shli %get3A_567, %shift_left3A_667 : vector<16xi32>
      %bitcast3A_669 = vector.bitcast %shift_left3A_668 : vector<16xi32> to vector<16xf32>
      %swap3A_670 = arith.index_cast %scan3A_138 : i32 to index
      %swap3A_671 = arith.constant 496 : index
      %swap3A_672 = tpu.vector_load %arg9[%swap3A_670, %swap3A_671] {strides = array<i32>} : memref<32x1024xf32, #tpu.memory_space<vmem>>, vector<16xf32>,
      tpu.vector_store %arg9[%swap3A_670, %swap3A_671], %bitcast3A_669 {strides = array<i32>} : memref<32x1024xf32, #tpu.memory_space<vmem>>, vector<16xf32>,
      %and3A_673 = arith.constant -65536 : i32
      %and3A_674 = vector.broadcast %and3A_673 : i32 to vector<16xi32>
      %and3A_675 = arith.andi %get3A_567, %and3A_674 : vector<16xi32>
      %bitcast3A_676 = vector.bitcast %and3A_675 : vector<16xi32> to vector<16xf32>
      %swap3A_677 = arith.index_cast %scan3A_138 : i32 to index
      %swap3A_678 = arith.constant 1008 : index
      %swap3A_679 = tpu.vector_load %arg9[%swap3A_677, %swap3A_678] {strides = array<i32>} : memref<32x1024xf32, #tpu.memory_space<vmem>>, vector<16xf32>,
      tpu.vector_store %arg9[%swap3A_677, %swap3A_678], %bitcast3A_676 {strides = array<i32>} : memref<32x1024xf32, #tpu.memory_space<vmem>>, vector<16xf32>,
    }
    %scan3A_40 = arith.constant 32 : i32
    %dma_start3A_41 = arith.constant 64 : i32
    %dma_start3A_42 = tpu.memref_slice %arg6[%dma_start3A_41] : memref<1024xi32, #tpu.memory_space<vmem>> -> memref<32xi32, #tpu.memory_space<vmem>>
    %dma_start3A_43 = arith.constant 0 : i32
    %dma_start3A_44 = arith.constant 0 : i32
    %dma_start3A_45 = tpu.memref_slice %arg3[%dma_start3A_43, %dma_start3A_44] : memref<3072x512xi32, #tpu.memory_space<hbm>> -> memref<3072x512xi32, #tpu.memory_space<hbm>>
    tpu.enqueue_indirect_dma source(%dma_start3A_45 : memref<3072x512xi32, #tpu.memory_space<hbm>>) target(%arg7 : memref<32x512xi32, #tpu.memory_space<vmem>>) offsets(%dma_start3A_42 : memref<32xi32, #tpu.memory_space<vmem>>) semaphore(%arg11 : memref<!tpu.dma_semaphore, #tpu.memory_space<semaphore_mem>>)
    %add3A_46 = arith.constant 0 : i32
    %add3A_47 = arith.addi %mul3A_2, %add3A_46 : i32
    %dma_start3A_48 = arith.constant 0 : i32
    %dma_start3A_49 = tpu.memref_slice %arg4[%add3A_47, %dma_start3A_48] : memref<32768x1024xf32, #tpu.memory_space<hbm>> -> memref<32x1024xf32, #tpu.memory_space<hbm>>
    %dma_start3A_50 = arith.constant 0 : i32
    %dma_start3A_51 = tpu.memref_slice %arg4[%add3A_47, %dma_start3A_50] : memref<32768x1024xf32, #tpu.memory_space<hbm>> -> memref<32x1024xf32, #tpu.memory_space<hbm>>
    tpu.enqueue_dma source(%arg9 : memref<32x1024xf32, #tpu.memory_space<vmem>>) target(%dma_start3A_51 : memref<32x1024xf32, #tpu.memory_space<hbm>>) target_semaphore(%arg13 : memref<!tpu.dma_semaphore, #tpu.memory_space<semaphore_mem>>)
    %dma_wait3A_52 = arith.constant 32 : i32
    %dma_wait3A_53 = tpu.memref_slice %arg6[%dma_wait3A_52] : memref<1024xi32, #tpu.memory_space<vmem>> -> memref<32xi32, #tpu.memory_space<vmem>>
    %dma_wait3A_54 = arith.constant 0 : i32
    %dma_wait3A_55 = arith.constant 0 : i32
    %dma_wait3A_56 = tpu.memref_slice %arg3[%dma_wait3A_54, %dma_wait3A_55] : memref<3072x512xi32, #tpu.memory_space<hbm>> -> memref<3072x512xi32, #tpu.memory_space<hbm>>
    tpu.wait_indirect_dma semaphore(%arg12 : memref<!tpu.dma_semaphore, #tpu.memory_space<semaphore_mem>>) src(%dma_wait3A_56 : memref<3072x512xi32, #tpu.memory_space<hbm>>) dst(%arg8 : memref<32x512xi32, #tpu.memory_space<vmem>>)
    %scan3A_57 = arith.constant 0 : i32
    %scan3A_58 = arith.constant 0 : i32
    %scan3A_59 = arith.constant 32 : i32
    %scan3A_60 = arith.addi %scan3A_58, %scan3A_59 : i32
    %scan3A_61 = arith.constant 1 : i32
    scf.for %scan3A_138 = %scan3A_58 to %scan3A_60 step %scan3A_61  : i32 {
      %get3A = arith.index_cast %scan3A_138 : i32 to index
      %get3A_139 = arith.constant 0 : index
      %get3A_140 = tpu.vector_load %arg8[%get3A, %get3A_139] {strides = array<i32>} : memref<32x512xi32, #tpu.memory_space<vmem>>, vector<16xi32>,
      %get3A_141 = arith.index_cast %scan3A_138 : i32 to index
      %get3A_142 = arith.constant 16 : index
      %get3A_143 = tpu.vector_load %arg8[%get3A_141, %get3A_142] {strides = array<i32>} : memref<32x512xi32, #tpu.memory_space<vmem>>, vector<16xi32>,
      %get3A_144 = arith.index_cast %scan3A_138 : i32 to index
      %get3A_145 = arith.constant 32 : index
      %get3A_146 = tpu.vector_load %arg8[%get3A_144, %get3A_145] {strides = array<i32>} : memref<32x512xi32, #tpu.memory_space<vmem>>, vector<16xi32>,
      %get3A_147 = arith.index_cast %scan3A_138 : i32 to index
      %get3A_148 = arith.constant 48 : index
      %get3A_149 = tpu.vector_load %arg8[%get3A_147, %get3A_148] {strides = array<i32>} : memref<32x512xi32, #tpu.memory_space<vmem>>, vector<16xi32>,
      %get3A_150 = arith.index_cast %scan3A_138 : i32 to index
      %get3A_151 = arith.constant 64 : index
      %get3A_152 = tpu.vector_load %arg8[%get3A_150, %get3A_151] {strides = array<i32>} : memref<32x512xi32, #tpu.memory_space<vmem>>, vector<16xi32>,
      %get3A_153 = arith.index_cast %scan3A_138 : i32 to index
      %get3A_154 = arith.constant 80 : index
      %get3A_155 = tpu.vector_load %arg8[%get3A_153, %get3A_154] {strides = array<i32>} : memref<32x512xi32, #tpu.memory_space<vmem>>, vector<16xi32>,
      %get3A_156 = arith.index_cast %scan3A_138 : i32 to index
      %get3A_157 = arith.constant 96 : index
      %get3A_158 = tpu.vector_load %arg8[%get3A_156, %get3A_157] {strides = array<i32>} : memref<32x512xi32, #tpu.memory_space<vmem>>, vector<16xi32>,
      %get3A_159 = arith.index_cast %scan3A_138 : i32 to index
      %get3A_160 = arith.constant 112 : index
      %get3A_161 = tpu.vector_load %arg8[%get3A_159, %get3A_160] {strides = array<i32>} : memref<32x512xi32, #tpu.memory_space<vmem>>, vector<16xi32>,
      %shift_left3A = arith.constant 16 : i32
      %shift_left3A_162 = vector.broadcast %shift_left3A : i32 to vector<16xi32>
      %shift_left3A_163 = arith.shli %get3A_140, %shift_left3A_162 : vector<16xi32>
      %bitcast3A = vector.bitcast %shift_left3A_163 : vector<16xi32> to vector<16xf32>
      %swap3A_164 = arith.index_cast %scan3A_138 : i32 to index
      %swap3A_165 = arith.constant 0 : index
      %swap3A_166 = tpu.vector_load %arg10[%swap3A_164, %swap3A_165] {strides = array<i32>} : memref<32x1024xf32, #tpu.memory_space<vmem>>, vector<16xf32>,
      tpu.vector_store %arg10[%swap3A_164, %swap3A_165], %bitcast3A {strides = array<i32>} : memref<32x1024xf32, #tpu.memory_space<vmem>>, vector<16xf32>,
      %and3A_167 = arith.constant -65536 : i32
      %and3A_168 = vector.broadcast %and3A_167 : i32 to vector<16xi32>
      %and3A_169 = arith.andi %get3A_140, %and3A_168 : vector<16xi32>
      %bitcast3A_170 = vector.bitcast %and3A_169 : vector<16xi32> to vector<16xf32>
      %swap3A_171 = arith.index_cast %scan3A_138 : i32 to index
      %swap3A_172 = arith.constant 512 : index
      %swap3A_173 = tpu.vector_load %arg10[%swap3A_171, %swap3A_172] {strides = array<i32>} : memref<32x1024xf32, #tpu.memory_space<vmem>>, vector<16xf32>,
      tpu.vector_store %arg10[%swap3A_171, %swap3A_172], %bitcast3A_170 {strides = array<i32>} : memref<32x1024xf32, #tpu.memory_space<vmem>>, vector<16xf32>,
      %shift_left3A_174 = arith.constant 16 : i32
      %shift_left3A_175 = vector.broadcast %shift_left3A_174 : i32 to vector<16xi32>
      %shift_left3A_176 = arith.shli %get3A_143, %shift_left3A_175 : vector<16xi32>
      %bitcast3A_177 = vector.bitcast %shift_left3A_176 : vector<16xi32> to vector<16xf32>
      %swap3A_178 = arith.index_cast %scan3A_138 : i32 to index
      %swap3A_179 = arith.constant 16 : index
      %swap3A_180 = tpu.vector_load %arg10[%swap3A_178, %swap3A_179] {strides = array<i32>} : memref<32x1024xf32, #tpu.memory_space<vmem>>, vector<16xf32>,
      tpu.vector_store %arg10[%swap3A_178, %swap3A_179], %bitcast3A_177 {strides = array<i32>} : memref<32x1024xf32, #tpu.memory_space<vmem>>, vector<16xf32>,
      %and3A_181 = arith.constant -65536 : i32
      %and3A_182 = vector.broadcast %and3A_181 : i32 to vector<16xi32>
      %and3A_183 = arith.andi %get3A_143, %and3A_182 : vector<16xi32>
      %bitcast3A_184 = vector.bitcast %and3A_183 : vector<16xi32> to vector<16xf32>
      %swap3A_185 = arith.index_cast %scan3A_138 : i32 to index
      %swap3A_186 = arith.constant 528 : index
      %swap3A_187 = tpu.vector_load %arg10[%swap3A_185, %swap3A_186] {strides = array<i32>} : memref<32x1024xf32, #tpu.memory_space<vmem>>, vector<16xf32>,
      tpu.vector_store %arg10[%swap3A_185, %swap3A_186], %bitcast3A_184 {strides = array<i32>} : memref<32x1024xf32, #tpu.memory_space<vmem>>, vector<16xf32>,
      %shift_left3A_188 = arith.constant 16 : i32
      %shift_left3A_189 = vector.broadcast %shift_left3A_188 : i32 to vector<16xi32>
      %shift_left3A_190 = arith.shli %get3A_146, %shift_left3A_189 : vector<16xi32>
      %bitcast3A_191 = vector.bitcast %shift_left3A_190 : vector<16xi32> to vector<16xf32>
      %swap3A_192 = arith.index_cast %scan3A_138 : i32 to index
      %swap3A_193 = arith.constant 32 : index
      %swap3A_194 = tpu.vector_load %arg10[%swap3A_192, %swap3A_193] {strides = array<i32>} : memref<32x1024xf32, #tpu.memory_space<vmem>>, vector<16xf32>,
      tpu.vector_store %arg10[%swap3A_192, %swap3A_193], %bitcast3A_191 {strides = array<i32>} : memref<32x1024xf32, #tpu.memory_space<vmem>>, vector<16xf32>,
      %and3A_195 = arith.constant -65536 : i32
      %and3A_196 = vector.broadcast %and3A_195 : i32 to vector<16xi32>
      %and3A_197 = arith.andi %get3A_146, %and3A_196 : vector<16xi32>
      %bitcast3A_198 = vector.bitcast %and3A_197 : vector<16xi32> to vector<16xf32>
      %swap3A_199 = arith.index_cast %scan3A_138 : i32 to index
      %swap3A_200 = arith.constant 544 : index
      %swap3A_201 = tpu.vector_load %arg10[%swap3A_199, %swap3A_200] {strides = array<i32>} : memref<32x1024xf32, #tpu.memory_space<vmem>>, vector<16xf32>,
      tpu.vector_store %arg10[%swap3A_199, %swap3A_200], %bitcast3A_198 {strides = array<i32>} : memref<32x1024xf32, #tpu.memory_space<vmem>>, vector<16xf32>,
      %shift_left3A_202 = arith.constant 16 : i32
      %shift_left3A_203 = vector.broadcast %shift_left3A_202 : i32 to vector<16xi32>
      %shift_left3A_204 = arith.shli %get3A_149, %shift_left3A_203 : vector<16xi32>
      %bitcast3A_205 = vector.bitcast %shift_left3A_204 : vector<16xi32> to vector<16xf32>
      %swap3A_206 = arith.index_cast %scan3A_138 : i32 to index
      %swap3A_207 = arith.constant 48 : index
      %swap3A_208 = tpu.vector_load %arg10[%swap3A_206, %swap3A_207] {strides = array<i32>} : memref<32x1024xf32, #tpu.memory_space<vmem>>, vector<16xf32>,
      tpu.vector_store %arg10[%swap3A_206, %swap3A_207], %bitcast3A_205 {strides = array<i32>} : memref<32x1024xf32, #tpu.memory_space<vmem>>, vector<16xf32>,
      %and3A_209 = arith.constant -65536 : i32
      %and3A_210 = vector.broadcast %and3A_209 : i32 to vector<16xi32>
      %and3A_211 = arith.andi %get3A_149, %and3A_210 : vector<16xi32>
      %bitcast3A_212 = vector.bitcast %and3A_211 : vector<16xi32> to vector<16xf32>
      %swap3A_213 = arith.index_cast %scan3A_138 : i32 to index
      %swap3A_214 = arith.constant 560 : index
      %swap3A_215 = tpu.vector_load %arg10[%swap3A_213, %swap3A_214] {strides = array<i32>} : memref<32x1024xf32, #tpu.memory_space<vmem>>, vector<16xf32>,
      tpu.vector_store %arg10[%swap3A_213, %swap3A_214], %bitcast3A_212 {strides = array<i32>} : memref<32x1024xf32, #tpu.memory_space<vmem>>, vector<16xf32>,
      %shift_left3A_216 = arith.constant 16 : i32
      %shift_left3A_217 = vector.broadcast %shift_left3A_216 : i32 to vector<16xi32>
      %shift_left3A_218 = arith.shli %get3A_152, %shift_left3A_217 : vector<16xi32>
      %bitcast3A_219 = vector.bitcast %shift_left3A_218 : vector<16xi32> to vector<16xf32>
      %swap3A_220 = arith.index_cast %scan3A_138 : i32 to index
      %swap3A_221 = arith.constant 64 : index
      %swap3A_222 = tpu.vector_load %arg10[%swap3A_220, %swap3A_221] {strides = array<i32>} : memref<32x1024xf32, #tpu.memory_space<vmem>>, vector<16xf32>,
      tpu.vector_store %arg10[%swap3A_220, %swap3A_221], %bitcast3A_219 {strides = array<i32>} : memref<32x1024xf32, #tpu.memory_space<vmem>>, vector<16xf32>,
      %and3A_223 = arith.constant -65536 : i32
      %and3A_224 = vector.broadcast %and3A_223 : i32 to vector<16xi32>
      %and3A_225 = arith.andi %get3A_152, %and3A_224 : vector<16xi32>
      %bitcast3A_226 = vector.bitcast %and3A_225 : vector<16xi32> to vector<16xf32>
      %swap3A_227 = arith.index_cast %scan3A_138 : i32 to index
      %swap3A_228 = arith.constant 576 : index
      %swap3A_229 = tpu.vector_load %arg10[%swap3A_227, %swap3A_228] {strides = array<i32>} : memref<32x1024xf32, #tpu.memory_space<vmem>>, vector<16xf32>,
      tpu.vector_store %arg10[%swap3A_227, %swap3A_228], %bitcast3A_226 {strides = array<i32>} : memref<32x1024xf32, #tpu.memory_space<vmem>>, vector<16xf32>,
      %shift_left3A_230 = arith.constant 16 : i32
      %shift_left3A_231 = vector.broadcast %shift_left3A_230 : i32 to vector<16xi32>
      %shift_left3A_232 = arith.shli %get3A_155, %shift_left3A_231 : vector<16xi32>
      %bitcast3A_233 = vector.bitcast %shift_left3A_232 : vector<16xi32> to vector<16xf32>
      %swap3A_234 = arith.index_cast %scan3A_138 : i32 to index
      %swap3A_235 = arith.constant 80 : index
      %swap3A_236 = tpu.vector_load %arg10[%swap3A_234, %swap3A_235] {strides = array<i32>} : memref<32x1024xf32, #tpu.memory_space<vmem>>, vector<16xf32>,
      tpu.vector_store %arg10[%swap3A_234, %swap3A_235], %bitcast3A_233 {strides = array<i32>} : memref<32x1024xf32, #tpu.memory_space<vmem>>, vector<16xf32>,
      %and3A_237 = arith.constant -65536 : i32
      %and3A_238 = vector.broadcast %and3A_237 : i32 to vector<16xi32>
      %and3A_239 = arith.andi %get3A_155, %and3A_238 : vector<16xi32>
      %bitcast3A_240 = vector.bitcast %and3A_239 : vector<16xi32> to vector<16xf32>
      %swap3A_241 = arith.index_cast %scan3A_138 : i32 to index
      %swap3A_242 = arith.constant 592 : index
      %swap3A_243 = tpu.vector_load %arg10[%swap3A_241, %swap3A_242] {strides = array<i32>} : memref<32x1024xf32, #tpu.memory_space<vmem>>, vector<16xf32>,
      tpu.vector_store %arg10[%swap3A_241, %swap3A_242], %bitcast3A_240 {strides = array<i32>} : memref<32x1024xf32, #tpu.memory_space<vmem>>, vector<16xf32>,
      %shift_left3A_244 = arith.constant 16 : i32
      %shift_left3A_245 = vector.broadcast %shift_left3A_244 : i32 to vector<16xi32>
      %shift_left3A_246 = arith.shli %get3A_158, %shift_left3A_245 : vector<16xi32>
      %bitcast3A_247 = vector.bitcast %shift_left3A_246 : vector<16xi32> to vector<16xf32>
      %swap3A_248 = arith.index_cast %scan3A_138 : i32 to index
      %swap3A_249 = arith.constant 96 : index
      %swap3A_250 = tpu.vector_load %arg10[%swap3A_248, %swap3A_249] {strides = array<i32>} : memref<32x1024xf32, #tpu.memory_space<vmem>>, vector<16xf32>,
      tpu.vector_store %arg10[%swap3A_248, %swap3A_249], %bitcast3A_247 {strides = array<i32>} : memref<32x1024xf32, #tpu.memory_space<vmem>>, vector<16xf32>,
      %and3A_251 = arith.constant -65536 : i32
      %and3A_252 = vector.broadcast %and3A_251 : i32 to vector<16xi32>
      %and3A_253 = arith.andi %get3A_158, %and3A_252 : vector<16xi32>
      %bitcast3A_254 = vector.bitcast %and3A_253 : vector<16xi32> to vector<16xf32>
      %swap3A_255 = arith.index_cast %scan3A_138 : i32 to index
      %swap3A_256 = arith.constant 608 : index
      %swap3A_257 = tpu.vector_load %arg10[%swap3A_255, %swap3A_256] {strides = array<i32>} : memref<32x1024xf32, #tpu.memory_space<vmem>>, vector<16xf32>,
      tpu.vector_store %arg10[%swap3A_255, %swap3A_256], %bitcast3A_254 {strides = array<i32>} : memref<32x1024xf32, #tpu.memory_space<vmem>>, vector<16xf32>,
      %shift_left3A_258 = arith.constant 16 : i32
      %shift_left3A_259 = vector.broadcast %shift_left3A_258 : i32 to vector<16xi32>
      %shift_left3A_260 = arith.shli %get3A_161, %shift_left3A_259 : vector<16xi32>
      %bitcast3A_261 = vector.bitcast %shift_left3A_260 : vector<16xi32> to vector<16xf32>
      %swap3A_262 = arith.index_cast %scan3A_138 : i32 to index
      %swap3A_263 = arith.constant 112 : index
      %swap3A_264 = tpu.vector_load %arg10[%swap3A_262, %swap3A_263] {strides = array<i32>} : memref<32x1024xf32, #tpu.memory_space<vmem>>, vector<16xf32>,
      tpu.vector_store %arg10[%swap3A_262, %swap3A_263], %bitcast3A_261 {strides = array<i32>} : memref<32x1024xf32, #tpu.memory_space<vmem>>, vector<16xf32>,
      %and3A_265 = arith.constant -65536 : i32
      %and3A_266 = vector.broadcast %and3A_265 : i32 to vector<16xi32>
      %and3A_267 = arith.andi %get3A_161, %and3A_266 : vector<16xi32>
      %bitcast3A_268 = vector.bitcast %and3A_267 : vector<16xi32> to vector<16xf32>
      %swap3A_269 = arith.index_cast %scan3A_138 : i32 to index
      %swap3A_270 = arith.constant 624 : index
      %swap3A_271 = tpu.vector_load %arg10[%swap3A_269, %swap3A_270] {strides = array<i32>} : memref<32x1024xf32, #tpu.memory_space<vmem>>, vector<16xf32>,
      tpu.vector_store %arg10[%swap3A_269, %swap3A_270], %bitcast3A_268 {strides = array<i32>} : memref<32x1024xf32, #tpu.memory_space<vmem>>, vector<16xf32>,
      %get3A_272 = arith.index_cast %scan3A_138 : i32 to index
      %get3A_273 = arith.constant 128 : index
      %get3A_274 = tpu.vector_load %arg8[%get3A_272, %get3A_273] {strides = array<i32>} : memref<32x512xi32, #tpu.memory_space<vmem>>, vector<16xi32>,
      %get3A_275 = arith.index_cast %scan3A_138 : i32 to index
      %get3A_276 = arith.constant 144 : index
      %get3A_277 = tpu.vector_load %arg8[%get3A_275, %get3A_276] {strides = array<i32>} : memref<32x512xi32, #tpu.memory_space<vmem>>, vector<16xi32>,
      %get3A_278 = arith.index_cast %scan3A_138 : i32 to index
      %get3A_279 = arith.constant 160 : index
      %get3A_280 = tpu.vector_load %arg8[%get3A_278, %get3A_279] {strides = array<i32>} : memref<32x512xi32, #tpu.memory_space<vmem>>, vector<16xi32>,
      %get3A_281 = arith.index_cast %scan3A_138 : i32 to index
      %get3A_282 = arith.constant 176 : index
      %get3A_283 = tpu.vector_load %arg8[%get3A_281, %get3A_282] {strides = array<i32>} : memref<32x512xi32, #tpu.memory_space<vmem>>, vector<16xi32>,
      %get3A_284 = arith.index_cast %scan3A_138 : i32 to index
      %get3A_285 = arith.constant 192 : index
      %get3A_286 = tpu.vector_load %arg8[%get3A_284, %get3A_285] {strides = array<i32>} : memref<32x512xi32, #tpu.memory_space<vmem>>, vector<16xi32>,
      %get3A_287 = arith.index_cast %scan3A_138 : i32 to index
      %get3A_288 = arith.constant 208 : index
      %get3A_289 = tpu.vector_load %arg8[%get3A_287, %get3A_288] {strides = array<i32>} : memref<32x512xi32, #tpu.memory_space<vmem>>, vector<16xi32>,
      %get3A_290 = arith.index_cast %scan3A_138 : i32 to index
      %get3A_291 = arith.constant 224 : index
      %get3A_292 = tpu.vector_load %arg8[%get3A_290, %get3A_291] {strides = array<i32>} : memref<32x512xi32, #tpu.memory_space<vmem>>, vector<16xi32>,
      %get3A_293 = arith.index_cast %scan3A_138 : i32 to index
      %get3A_294 = arith.constant 240 : index
      %get3A_295 = tpu.vector_load %arg8[%get3A_293, %get3A_294] {strides = array<i32>} : memref<32x512xi32, #tpu.memory_space<vmem>>, vector<16xi32>,
      %shift_left3A_296 = arith.constant 16 : i32
      %shift_left3A_297 = vector.broadcast %shift_left3A_296 : i32 to vector<16xi32>
      %shift_left3A_298 = arith.shli %get3A_274, %shift_left3A_297 : vector<16xi32>
      %bitcast3A_299 = vector.bitcast %shift_left3A_298 : vector<16xi32> to vector<16xf32>
      %swap3A_300 = arith.index_cast %scan3A_138 : i32 to index
      %swap3A_301 = arith.constant 128 : index
      %swap3A_302 = tpu.vector_load %arg10[%swap3A_300, %swap3A_301] {strides = array<i32>} : memref<32x1024xf32, #tpu.memory_space<vmem>>, vector<16xf32>,
      tpu.vector_store %arg10[%swap3A_300, %swap3A_301], %bitcast3A_299 {strides = array<i32>} : memref<32x1024xf32, #tpu.memory_space<vmem>>, vector<16xf32>,
      %and3A_303 = arith.constant -65536 : i32
      %and3A_304 = vector.broadcast %and3A_303 : i32 to vector<16xi32>
      %and3A_305 = arith.andi %get3A_274, %and3A_304 : vector<16xi32>
      %bitcast3A_306 = vector.bitcast %and3A_305 : vector<16xi32> to vector<16xf32>
      %swap3A_307 = arith.index_cast %scan3A_138 : i32 to index
      %swap3A_308 = arith.constant 640 : index
      %swap3A_309 = tpu.vector_load %arg10[%swap3A_307, %swap3A_308] {strides = array<i32>} : memref<32x1024xf32, #tpu.memory_space<vmem>>, vector<16xf32>,
      tpu.vector_store %arg10[%swap3A_307, %swap3A_308], %bitcast3A_306 {strides = array<i32>} : memref<32x1024xf32, #tpu.memory_space<vmem>>, vector<16xf32>,
      %shift_left3A_310 = arith.constant 16 : i32
      %shift_left3A_311 = vector.broadcast %shift_left3A_310 : i32 to vector<16xi32>
      %shift_left3A_312 = arith.shli %get3A_277, %shift_left3A_311 : vector<16xi32>
      %bitcast3A_313 = vector.bitcast %shift_left3A_312 : vector<16xi32> to vector<16xf32>
      %swap3A_314 = arith.index_cast %scan3A_138 : i32 to index
      %swap3A_315 = arith.constant 144 : index
      %swap3A_316 = tpu.vector_load %arg10[%swap3A_314, %swap3A_315] {strides = array<i32>} : memref<32x1024xf32, #tpu.memory_space<vmem>>, vector<16xf32>,
      tpu.vector_store %arg10[%swap3A_314, %swap3A_315], %bitcast3A_313 {strides = array<i32>} : memref<32x1024xf32, #tpu.memory_space<vmem>>, vector<16xf32>,
      %and3A_317 = arith.constant -65536 : i32
      %and3A_318 = vector.broadcast %and3A_317 : i32 to vector<16xi32>
      %and3A_319 = arith.andi %get3A_277, %and3A_318 : vector<16xi32>
      %bitcast3A_320 = vector.bitcast %and3A_319 : vector<16xi32> to vector<16xf32>
      %swap3A_321 = arith.index_cast %scan3A_138 : i32 to index
      %swap3A_322 = arith.constant 656 : index
      %swap3A_323 = tpu.vector_load %arg10[%swap3A_321, %swap3A_322] {strides = array<i32>} : memref<32x1024xf32, #tpu.memory_space<vmem>>, vector<16xf32>,
      tpu.vector_store %arg10[%swap3A_321, %swap3A_322], %bitcast3A_320 {strides = array<i32>} : memref<32x1024xf32, #tpu.memory_space<vmem>>, vector<16xf32>,
      %shift_left3A_324 = arith.constant 16 : i32
      %shift_left3A_325 = vector.broadcast %shift_left3A_324 : i32 to vector<16xi32>
      %shift_left3A_326 = arith.shli %get3A_280, %shift_left3A_325 : vector<16xi32>
      %bitcast3A_327 = vector.bitcast %shift_left3A_326 : vector<16xi32> to vector<16xf32>
      %swap3A_328 = arith.index_cast %scan3A_138 : i32 to index
      %swap3A_329 = arith.constant 160 : index
      %swap3A_330 = tpu.vector_load %arg10[%swap3A_328, %swap3A_329] {strides = array<i32>} : memref<32x1024xf32, #tpu.memory_space<vmem>>, vector<16xf32>,
      tpu.vector_store %arg10[%swap3A_328, %swap3A_329], %bitcast3A_327 {strides = array<i32>} : memref<32x1024xf32, #tpu.memory_space<vmem>>, vector<16xf32>,
      %and3A_331 = arith.constant -65536 : i32
      %and3A_332 = vector.broadcast %and3A_331 : i32 to vector<16xi32>
      %and3A_333 = arith.andi %get3A_280, %and3A_332 : vector<16xi32>
      %bitcast3A_334 = vector.bitcast %and3A_333 : vector<16xi32> to vector<16xf32>
      %swap3A_335 = arith.index_cast %scan3A_138 : i32 to index
      %swap3A_336 = arith.constant 672 : index
      %swap3A_337 = tpu.vector_load %arg10[%swap3A_335, %swap3A_336] {strides = array<i32>} : memref<32x1024xf32, #tpu.memory_space<vmem>>, vector<16xf32>,
      tpu.vector_store %arg10[%swap3A_335, %swap3A_336], %bitcast3A_334 {strides = array<i32>} : memref<32x1024xf32, #tpu.memory_space<vmem>>, vector<16xf32>,
      %shift_left3A_338 = arith.constant 16 : i32
      %shift_left3A_339 = vector.broadcast %shift_left3A_338 : i32 to vector<16xi32>
      %shift_left3A_340 = arith.shli %get3A_283, %shift_left3A_339 : vector<16xi32>
      %bitcast3A_341 = vector.bitcast %shift_left3A_340 : vector<16xi32> to vector<16xf32>
      %swap3A_342 = arith.index_cast %scan3A_138 : i32 to index
      %swap3A_343 = arith.constant 176 : index
      %swap3A_344 = tpu.vector_load %arg10[%swap3A_342, %swap3A_343] {strides = array<i32>} : memref<32x1024xf32, #tpu.memory_space<vmem>>, vector<16xf32>,
      tpu.vector_store %arg10[%swap3A_342, %swap3A_343], %bitcast3A_341 {strides = array<i32>} : memref<32x1024xf32, #tpu.memory_space<vmem>>, vector<16xf32>,
      %and3A_345 = arith.constant -65536 : i32
      %and3A_346 = vector.broadcast %and3A_345 : i32 to vector<16xi32>
      %and3A_347 = arith.andi %get3A_283, %and3A_346 : vector<16xi32>
      %bitcast3A_348 = vector.bitcast %and3A_347 : vector<16xi32> to vector<16xf32>
      %swap3A_349 = arith.index_cast %scan3A_138 : i32 to index
      %swap3A_350 = arith.constant 688 : index
      %swap3A_351 = tpu.vector_load %arg10[%swap3A_349, %swap3A_350] {strides = array<i32>} : memref<32x1024xf32, #tpu.memory_space<vmem>>, vector<16xf32>,
      tpu.vector_store %arg10[%swap3A_349, %swap3A_350], %bitcast3A_348 {strides = array<i32>} : memref<32x1024xf32, #tpu.memory_space<vmem>>, vector<16xf32>,
      %shift_left3A_352 = arith.constant 16 : i32
      %shift_left3A_353 = vector.broadcast %shift_left3A_352 : i32 to vector<16xi32>
      %shift_left3A_354 = arith.shli %get3A_286, %shift_left3A_353 : vector<16xi32>
      %bitcast3A_355 = vector.bitcast %shift_left3A_354 : vector<16xi32> to vector<16xf32>
      %swap3A_356 = arith.index_cast %scan3A_138 : i32 to index
      %swap3A_357 = arith.constant 192 : index
      %swap3A_358 = tpu.vector_load %arg10[%swap3A_356, %swap3A_357] {strides = array<i32>} : memref<32x1024xf32, #tpu.memory_space<vmem>>, vector<16xf32>,
      tpu.vector_store %arg10[%swap3A_356, %swap3A_357], %bitcast3A_355 {strides = array<i32>} : memref<32x1024xf32, #tpu.memory_space<vmem>>, vector<16xf32>,
      %and3A_359 = arith.constant -65536 : i32
      %and3A_360 = vector.broadcast %and3A_359 : i32 to vector<16xi32>
      %and3A_361 = arith.andi %get3A_286, %and3A_360 : vector<16xi32>
      %bitcast3A_362 = vector.bitcast %and3A_361 : vector<16xi32> to vector<16xf32>
      %swap3A_363 = arith.index_cast %scan3A_138 : i32 to index
      %swap3A_364 = arith.constant 704 : index
      %swap3A_365 = tpu.vector_load %arg10[%swap3A_363, %swap3A_364] {strides = array<i32>} : memref<32x1024xf32, #tpu.memory_space<vmem>>, vector<16xf32>,
      tpu.vector_store %arg10[%swap3A_363, %swap3A_364], %bitcast3A_362 {strides = array<i32>} : memref<32x1024xf32, #tpu.memory_space<vmem>>, vector<16xf32>,
      %shift_left3A_366 = arith.constant 16 : i32
      %shift_left3A_367 = vector.broadcast %shift_left3A_366 : i32 to vector<16xi32>
      %shift_left3A_368 = arith.shli %get3A_289, %shift_left3A_367 : vector<16xi32>
      %bitcast3A_369 = vector.bitcast %shift_left3A_368 : vector<16xi32> to vector<16xf32>
      %swap3A_370 = arith.index_cast %scan3A_138 : i32 to index
      %swap3A_371 = arith.constant 208 : index
      %swap3A_372 = tpu.vector_load %arg10[%swap3A_370, %swap3A_371] {strides = array<i32>} : memref<32x1024xf32, #tpu.memory_space<vmem>>, vector<16xf32>,
      tpu.vector_store %arg10[%swap3A_370, %swap3A_371], %bitcast3A_369 {strides = array<i32>} : memref<32x1024xf32, #tpu.memory_space<vmem>>, vector<16xf32>,
      %and3A_373 = arith.constant -65536 : i32
      %and3A_374 = vector.broadcast %and3A_373 : i32 to vector<16xi32>
      %and3A_375 = arith.andi %get3A_289, %and3A_374 : vector<16xi32>
      %bitcast3A_376 = vector.bitcast %and3A_375 : vector<16xi32> to vector<16xf32>
      %swap3A_377 = arith.index_cast %scan3A_138 : i32 to index
      %swap3A_378 = arith.constant 720 : index
      %swap3A_379 = tpu.vector_load %arg10[%swap3A_377, %swap3A_378] {strides = array<i32>} : memref<32x1024xf32, #tpu.memory_space<vmem>>, vector<16xf32>,
      tpu.vector_store %arg10[%swap3A_377, %swap3A_378], %bitcast3A_376 {strides = array<i32>} : memref<32x1024xf32, #tpu.memory_space<vmem>>, vector<16xf32>,
      %shift_left3A_380 = arith.constant 16 : i32
      %shift_left3A_381 = vector.broadcast %shift_left3A_380 : i32 to vector<16xi32>
      %shift_left3A_382 = arith.shli %get3A_292, %shift_left3A_381 : vector<16xi32>
      %bitcast3A_383 = vector.bitcast %shift_left3A_382 : vector<16xi32> to vector<16xf32>
      %swap3A_384 = arith.index_cast %scan3A_138 : i32 to index
      %swap3A_385 = arith.constant 224 : index
      %swap3A_386 = tpu.vector_load %arg10[%swap3A_384, %swap3A_385] {strides = array<i32>} : memref<32x1024xf32, #tpu.memory_space<vmem>>, vector<16xf32>,
      tpu.vector_store %arg10[%swap3A_384, %swap3A_385], %bitcast3A_383 {strides = array<i32>} : memref<32x1024xf32, #tpu.memory_space<vmem>>, vector<16xf32>,
      %and3A_387 = arith.constant -65536 : i32
      %and3A_388 = vector.broadcast %and3A_387 : i32 to vector<16xi32>
      %and3A_389 = arith.andi %get3A_292, %and3A_388 : vector<16xi32>
      %bitcast3A_390 = vector.bitcast %and3A_389 : vector<16xi32> to vector<16xf32>
      %swap3A_391 = arith.index_cast %scan3A_138 : i32 to index
      %swap3A_392 = arith.constant 736 : index
      %swap3A_393 = tpu.vector_load %arg10[%swap3A_391, %swap3A_392] {strides = array<i32>} : memref<32x1024xf32, #tpu.memory_space<vmem>>, vector<16xf32>,
      tpu.vector_store %arg10[%swap3A_391, %swap3A_392], %bitcast3A_390 {strides = array<i32>} : memref<32x1024xf32, #tpu.memory_space<vmem>>, vector<16xf32>,
      %shift_left3A_394 = arith.constant 16 : i32
      %shift_left3A_395 = vector.broadcast %shift_left3A_394 : i32 to vector<16xi32>
      %shift_left3A_396 = arith.shli %get3A_295, %shift_left3A_395 : vector<16xi32>
      %bitcast3A_397 = vector.bitcast %shift_left3A_396 : vector<16xi32> to vector<16xf32>
      %swap3A_398 = arith.index_cast %scan3A_138 : i32 to index
      %swap3A_399 = arith.constant 240 : index
      %swap3A_400 = tpu.vector_load %arg10[%swap3A_398, %swap3A_399] {strides = array<i32>} : memref<32x1024xf32, #tpu.memory_space<vmem>>, vector<16xf32>,
      tpu.vector_store %arg10[%swap3A_398, %swap3A_399], %bitcast3A_397 {strides = array<i32>} : memref<32x1024xf32, #tpu.memory_space<vmem>>, vector<16xf32>,
      %and3A_401 = arith.constant -65536 : i32
      %and3A_402 = vector.broadcast %and3A_401 : i32 to vector<16xi32>
      %and3A_403 = arith.andi %get3A_295, %and3A_402 : vector<16xi32>
      %bitcast3A_404 = vector.bitcast %and3A_403 : vector<16xi32> to vector<16xf32>
      %swap3A_405 = arith.index_cast %scan3A_138 : i32 to index
      %swap3A_406 = arith.constant 752 : index
      %swap3A_407 = tpu.vector_load %arg10[%swap3A_405, %swap3A_406] {strides = array<i32>} : memref<32x1024xf32, #tpu.memory_space<vmem>>, vector<16xf32>,
      tpu.vector_store %arg10[%swap3A_405, %swap3A_406], %bitcast3A_404 {strides = array<i32>} : memref<32x1024xf32, #tpu.memory_space<vmem>>, vector<16xf32>,
      %get3A_408 = arith.index_cast %scan3A_138 : i32 to index
      %get3A_409 = arith.constant 256 : index
      %get3A_410 = tpu.vector_load %arg8[%get3A_408, %get3A_409] {strides = array<i32>} : memref<32x512xi32, #tpu.memory_space<vmem>>, vector<16xi32>,
      %get3A_411 = arith.index_cast %scan3A_138 : i32 to index
      %get3A_412 = arith.constant 272 : index
      %get3A_413 = tpu.vector_load %arg8[%get3A_411, %get3A_412] {strides = array<i32>} : memref<32x512xi32, #tpu.memory_space<vmem>>, vector<16xi32>,
      %get3A_414 = arith.index_cast %scan3A_138 : i32 to index
      %get3A_415 = arith.constant 288 : index
      %get3A_416 = tpu.vector_load %arg8[%get3A_414, %get3A_415] {strides = array<i32>} : memref<32x512xi32, #tpu.memory_space<vmem>>, vector<16xi32>,
      %get3A_417 = arith.index_cast %scan3A_138 : i32 to index
      %get3A_418 = arith.constant 304 : index
      %get3A_419 = tpu.vector_load %arg8[%get3A_417, %get3A_418] {strides = array<i32>} : memref<32x512xi32, #tpu.memory_space<vmem>>, vector<16xi32>,
      %get3A_420 = arith.index_cast %scan3A_138 : i32 to index
      %get3A_421 = arith.constant 320 : index
      %get3A_422 = tpu.vector_load %arg8[%get3A_420, %get3A_421] {strides = array<i32>} : memref<32x512xi32, #tpu.memory_space<vmem>>, vector<16xi32>,
      %get3A_423 = arith.index_cast %scan3A_138 : i32 to index
      %get3A_424 = arith.constant 336 : index
      %get3A_425 = tpu.vector_load %arg8[%get3A_423, %get3A_424] {strides = array<i32>} : memref<32x512xi32, #tpu.memory_space<vmem>>, vector<16xi32>,
      %get3A_426 = arith.index_cast %scan3A_138 : i32 to index
      %get3A_427 = arith.constant 352 : index
      %get3A_428 = tpu.vector_load %arg8[%get3A_426, %get3A_427] {strides = array<i32>} : memref<32x512xi32, #tpu.memory_space<vmem>>, vector<16xi32>,
      %get3A_429 = arith.index_cast %scan3A_138 : i32 to index
      %get3A_430 = arith.constant 368 : index
      %get3A_431 = tpu.vector_load %arg8[%get3A_429, %get3A_430] {strides = array<i32>} : memref<32x512xi32, #tpu.memory_space<vmem>>, vector<16xi32>,
      %shift_left3A_432 = arith.constant 16 : i32
      %shift_left3A_433 = vector.broadcast %shift_left3A_432 : i32 to vector<16xi32>
      %shift_left3A_434 = arith.shli %get3A_410, %shift_left3A_433 : vector<16xi32>
      %bitcast3A_435 = vector.bitcast %shift_left3A_434 : vector<16xi32> to vector<16xf32>
      %swap3A_436 = arith.index_cast %scan3A_138 : i32 to index
      %swap3A_437 = arith.constant 256 : index
      %swap3A_438 = tpu.vector_load %arg10[%swap3A_436, %swap3A_437] {strides = array<i32>} : memref<32x1024xf32, #tpu.memory_space<vmem>>, vector<16xf32>,
      tpu.vector_store %arg10[%swap3A_436, %swap3A_437], %bitcast3A_435 {strides = array<i32>} : memref<32x1024xf32, #tpu.memory_space<vmem>>, vector<16xf32>,
      %and3A_439 = arith.constant -65536 : i32
      %and3A_440 = vector.broadcast %and3A_439 : i32 to vector<16xi32>
      %and3A_441 = arith.andi %get3A_410, %and3A_440 : vector<16xi32>
      %bitcast3A_442 = vector.bitcast %and3A_441 : vector<16xi32> to vector<16xf32>
      %swap3A_443 = arith.index_cast %scan3A_138 : i32 to index
      %swap3A_444 = arith.constant 768 : index
      %swap3A_445 = tpu.vector_load %arg10[%swap3A_443, %swap3A_444] {strides = array<i32>} : memref<32x1024xf32, #tpu.memory_space<vmem>>, vector<16xf32>,
      tpu.vector_store %arg10[%swap3A_443, %swap3A_444], %bitcast3A_442 {strides = array<i32>} : memref<32x1024xf32, #tpu.memory_space<vmem>>, vector<16xf32>,
      %shift_left3A_446 = arith.constant 16 : i32
      %shift_left3A_447 = vector.broadcast %shift_left3A_446 : i32 to vector<16xi32>
      %shift_left3A_448 = arith.shli %get3A_413, %shift_left3A_447 : vector<16xi32>
      %bitcast3A_449 = vector.bitcast %shift_left3A_448 : vector<16xi32> to vector<16xf32>
      %swap3A_450 = arith.index_cast %scan3A_138 : i32 to index
      %swap3A_451 = arith.constant 272 : index
      %swap3A_452 = tpu.vector_load %arg10[%swap3A_450, %swap3A_451] {strides = array<i32>} : memref<32x1024xf32, #tpu.memory_space<vmem>>, vector<16xf32>,
      tpu.vector_store %arg10[%swap3A_450, %swap3A_451], %bitcast3A_449 {strides = array<i32>} : memref<32x1024xf32, #tpu.memory_space<vmem>>, vector<16xf32>,
      %and3A_453 = arith.constant -65536 : i32
      %and3A_454 = vector.broadcast %and3A_453 : i32 to vector<16xi32>
      %and3A_455 = arith.andi %get3A_413, %and3A_454 : vector<16xi32>
      %bitcast3A_456 = vector.bitcast %and3A_455 : vector<16xi32> to vector<16xf32>
      %swap3A_457 = arith.index_cast %scan3A_138 : i32 to index
      %swap3A_458 = arith.constant 784 : index
      %swap3A_459 = tpu.vector_load %arg10[%swap3A_457, %swap3A_458] {strides = array<i32>} : memref<32x1024xf32, #tpu.memory_space<vmem>>, vector<16xf32>,
      tpu.vector_store %arg10[%swap3A_457, %swap3A_458], %bitcast3A_456 {strides = array<i32>} : memref<32x1024xf32, #tpu.memory_space<vmem>>, vector<16xf32>,
      %shift_left3A_460 = arith.constant 16 : i32
      %shift_left3A_461 = vector.broadcast %shift_left3A_460 : i32 to vector<16xi32>
      %shift_left3A_462 = arith.shli %get3A_416, %shift_left3A_461 : vector<16xi32>
      %bitcast3A_463 = vector.bitcast %shift_left3A_462 : vector<16xi32> to vector<16xf32>
      %swap3A_464 = arith.index_cast %scan3A_138 : i32 to index
      %swap3A_465 = arith.constant 288 : index
      %swap3A_466 = tpu.vector_load %arg10[%swap3A_464, %swap3A_465] {strides = array<i32>} : memref<32x1024xf32, #tpu.memory_space<vmem>>, vector<16xf32>,
      tpu.vector_store %arg10[%swap3A_464, %swap3A_465], %bitcast3A_463 {strides = array<i32>} : memref<32x1024xf32, #tpu.memory_space<vmem>>, vector<16xf32>,
      %and3A_467 = arith.constant -65536 : i32
      %and3A_468 = vector.broadcast %and3A_467 : i32 to vector<16xi32>
      %and3A_469 = arith.andi %get3A_416, %and3A_468 : vector<16xi32>
      %bitcast3A_470 = vector.bitcast %and3A_469 : vector<16xi32> to vector<16xf32>
      %swap3A_471 = arith.index_cast %scan3A_138 : i32 to index
      %swap3A_472 = arith.constant 800 : index
      %swap3A_473 = tpu.vector_load %arg10[%swap3A_471, %swap3A_472] {strides = array<i32>} : memref<32x1024xf32, #tpu.memory_space<vmem>>, vector<16xf32>,
      tpu.vector_store %arg10[%swap3A_471, %swap3A_472], %bitcast3A_470 {strides = array<i32>} : memref<32x1024xf32, #tpu.memory_space<vmem>>, vector<16xf32>,
      %shift_left3A_474 = arith.constant 16 : i32
      %shift_left3A_475 = vector.broadcast %shift_left3A_474 : i32 to vector<16xi32>
      %shift_left3A_476 = arith.shli %get3A_419, %shift_left3A_475 : vector<16xi32>
      %bitcast3A_477 = vector.bitcast %shift_left3A_476 : vector<16xi32> to vector<16xf32>
      %swap3A_478 = arith.index_cast %scan3A_138 : i32 to index
      %swap3A_479 = arith.constant 304 : index
      %swap3A_480 = tpu.vector_load %arg10[%swap3A_478, %swap3A_479] {strides = array<i32>} : memref<32x1024xf32, #tpu.memory_space<vmem>>, vector<16xf32>,
      tpu.vector_store %arg10[%swap3A_478, %swap3A_479], %bitcast3A_477 {strides = array<i32>} : memref<32x1024xf32, #tpu.memory_space<vmem>>, vector<16xf32>,
      %and3A_481 = arith.constant -65536 : i32
      %and3A_482 = vector.broadcast %and3A_481 : i32 to vector<16xi32>
      %and3A_483 = arith.andi %get3A_419, %and3A_482 : vector<16xi32>
      %bitcast3A_484 = vector.bitcast %and3A_483 : vector<16xi32> to vector<16xf32>
      %swap3A_485 = arith.index_cast %scan3A_138 : i32 to index
      %swap3A_486 = arith.constant 816 : index
      %swap3A_487 = tpu.vector_load %arg10[%swap3A_485, %swap3A_486] {strides = array<i32>} : memref<32x1024xf32, #tpu.memory_space<vmem>>, vector<16xf32>,
      tpu.vector_store %arg10[%swap3A_485, %swap3A_486], %bitcast3A_484 {strides = array<i32>} : memref<32x1024xf32, #tpu.memory_space<vmem>>, vector<16xf32>,
      %shift_left3A_488 = arith.constant 16 : i32
      %shift_left3A_489 = vector.broadcast %shift_left3A_488 : i32 to vector<16xi32>
      %shift_left3A_490 = arith.shli %get3A_422, %shift_left3A_489 : vector<16xi32>
      %bitcast3A_491 = vector.bitcast %shift_left3A_490 : vector<16xi32> to vector<16xf32>
      %swap3A_492 = arith.index_cast %scan3A_138 : i32 to index
      %swap3A_493 = arith.constant 320 : index
      %swap3A_494 = tpu.vector_load %arg10[%swap3A_492, %swap3A_493] {strides = array<i32>} : memref<32x1024xf32, #tpu.memory_space<vmem>>, vector<16xf32>,
      tpu.vector_store %arg10[%swap3A_492, %swap3A_493], %bitcast3A_491 {strides = array<i32>} : memref<32x1024xf32, #tpu.memory_space<vmem>>, vector<16xf32>,
      %and3A_495 = arith.constant -65536 : i32
      %and3A_496 = vector.broadcast %and3A_495 : i32 to vector<16xi32>
      %and3A_497 = arith.andi %get3A_422, %and3A_496 : vector<16xi32>
      %bitcast3A_498 = vector.bitcast %and3A_497 : vector<16xi32> to vector<16xf32>
      %swap3A_499 = arith.index_cast %scan3A_138 : i32 to index
      %swap3A_500 = arith.constant 832 : index
      %swap3A_501 = tpu.vector_load %arg10[%swap3A_499, %swap3A_500] {strides = array<i32>} : memref<32x1024xf32, #tpu.memory_space<vmem>>, vector<16xf32>,
      tpu.vector_store %arg10[%swap3A_499, %swap3A_500], %bitcast3A_498 {strides = array<i32>} : memref<32x1024xf32, #tpu.memory_space<vmem>>, vector<16xf32>,
      %shift_left3A_502 = arith.constant 16 : i32
      %shift_left3A_503 = vector.broadcast %shift_left3A_502 : i32 to vector<16xi32>
      %shift_left3A_504 = arith.shli %get3A_425, %shift_left3A_503 : vector<16xi32>
      %bitcast3A_505 = vector.bitcast %shift_left3A_504 : vector<16xi32> to vector<16xf32>
      %swap3A_506 = arith.index_cast %scan3A_138 : i32 to index
      %swap3A_507 = arith.constant 336 : index
      %swap3A_508 = tpu.vector_load %arg10[%swap3A_506, %swap3A_507] {strides = array<i32>} : memref<32x1024xf32, #tpu.memory_space<vmem>>, vector<16xf32>,
      tpu.vector_store %arg10[%swap3A_506, %swap3A_507], %bitcast3A_505 {strides = array<i32>} : memref<32x1024xf32, #tpu.memory_space<vmem>>, vector<16xf32>,
      %and3A_509 = arith.constant -65536 : i32
      %and3A_510 = vector.broadcast %and3A_509 : i32 to vector<16xi32>
      %and3A_511 = arith.andi %get3A_425, %and3A_510 : vector<16xi32>
      %bitcast3A_512 = vector.bitcast %and3A_511 : vector<16xi32> to vector<16xf32>
      %swap3A_513 = arith.index_cast %scan3A_138 : i32 to index
      %swap3A_514 = arith.constant 848 : index
      %swap3A_515 = tpu.vector_load %arg10[%swap3A_513, %swap3A_514] {strides = array<i32>} : memref<32x1024xf32, #tpu.memory_space<vmem>>, vector<16xf32>,
      tpu.vector_store %arg10[%swap3A_513, %swap3A_514], %bitcast3A_512 {strides = array<i32>} : memref<32x1024xf32, #tpu.memory_space<vmem>>, vector<16xf32>,
      %shift_left3A_516 = arith.constant 16 : i32
      %shift_left3A_517 = vector.broadcast %shift_left3A_516 : i32 to vector<16xi32>
      %shift_left3A_518 = arith.shli %get3A_428, %shift_left3A_517 : vector<16xi32>
      %bitcast3A_519 = vector.bitcast %shift_left3A_518 : vector<16xi32> to vector<16xf32>
      %swap3A_520 = arith.index_cast %scan3A_138 : i32 to index
      %swap3A_521 = arith.constant 352 : index
      %swap3A_522 = tpu.vector_load %arg10[%swap3A_520, %swap3A_521] {strides = array<i32>} : memref<32x1024xf32, #tpu.memory_space<vmem>>, vector<16xf32>,
      tpu.vector_store %arg10[%swap3A_520, %swap3A_521], %bitcast3A_519 {strides = array<i32>} : memref<32x1024xf32, #tpu.memory_space<vmem>>, vector<16xf32>,
      %and3A_523 = arith.constant -65536 : i32
      %and3A_524 = vector.broadcast %and3A_523 : i32 to vector<16xi32>
      %and3A_525 = arith.andi %get3A_428, %and3A_524 : vector<16xi32>
      %bitcast3A_526 = vector.bitcast %and3A_525 : vector<16xi32> to vector<16xf32>
      %swap3A_527 = arith.index_cast %scan3A_138 : i32 to index
      %swap3A_528 = arith.constant 864 : index
      %swap3A_529 = tpu.vector_load %arg10[%swap3A_527, %swap3A_528] {strides = array<i32>} : memref<32x1024xf32, #tpu.memory_space<vmem>>, vector<16xf32>,
      tpu.vector_store %arg10[%swap3A_527, %swap3A_528], %bitcast3A_526 {strides = array<i32>} : memref<32x1024xf32, #tpu.memory_space<vmem>>, vector<16xf32>,
      %shift_left3A_530 = arith.constant 16 : i32
      %shift_left3A_531 = vector.broadcast %shift_left3A_530 : i32 to vector<16xi32>
      %shift_left3A_532 = arith.shli %get3A_431, %shift_left3A_531 : vector<16xi32>
      %bitcast3A_533 = vector.bitcast %shift_left3A_532 : vector<16xi32> to vector<16xf32>
      %swap3A_534 = arith.index_cast %scan3A_138 : i32 to index
      %swap3A_535 = arith.constant 368 : index
      %swap3A_536 = tpu.vector_load %arg10[%swap3A_534, %swap3A_535] {strides = array<i32>} : memref<32x1024xf32, #tpu.memory_space<vmem>>, vector<16xf32>,
      tpu.vector_store %arg10[%swap3A_534, %swap3A_535], %bitcast3A_533 {strides = array<i32>} : memref<32x1024xf32, #tpu.memory_space<vmem>>, vector<16xf32>,
      %and3A_537 = arith.constant -65536 : i32
      %and3A_538 = vector.broadcast %and3A_537 : i32 to vector<16xi32>
      %and3A_539 = arith.andi %get3A_431, %and3A_538 : vector<16xi32>
      %bitcast3A_540 = vector.bitcast %and3A_539 : vector<16xi32> to vector<16xf32>
      %swap3A_541 = arith.index_cast %scan3A_138 : i32 to index
      %swap3A_542 = arith.constant 880 : index
      %swap3A_543 = tpu.vector_load %arg10[%swap3A_541, %swap3A_542] {strides = array<i32>} : memref<32x1024xf32, #tpu.memory_space<vmem>>, vector<16xf32>,
      tpu.vector_store %arg10[%swap3A_541, %swap3A_542], %bitcast3A_540 {strides = array<i32>} : memref<32x1024xf32, #tpu.memory_space<vmem>>, vector<16xf32>,
      %get3A_544 = arith.index_cast %scan3A_138 : i32 to index
      %get3A_545 = arith.constant 384 : index
      %get3A_546 = tpu.vector_load %arg8[%get3A_544, %get3A_545] {strides = array<i32>} : memref<32x512xi32, #tpu.memory_space<vmem>>, vector<16xi32>,
      %get3A_547 = arith.index_cast %scan3A_138 : i32 to index
      %get3A_548 = arith.constant 400 : index
      %get3A_549 = tpu.vector_load %arg8[%get3A_547, %get3A_548] {strides = array<i32>} : memref<32x512xi32, #tpu.memory_space<vmem>>, vector<16xi32>,
      %get3A_550 = arith.index_cast %scan3A_138 : i32 to index
      %get3A_551 = arith.constant 416 : index
      %get3A_552 = tpu.vector_load %arg8[%get3A_550, %get3A_551] {strides = array<i32>} : memref<32x512xi32, #tpu.memory_space<vmem>>, vector<16xi32>,
      %get3A_553 = arith.index_cast %scan3A_138 : i32 to index
      %get3A_554 = arith.constant 432 : index
      %get3A_555 = tpu.vector_load %arg8[%get3A_553, %get3A_554] {strides = array<i32>} : memref<32x512xi32, #tpu.memory_space<vmem>>, vector<16xi32>,
      %get3A_556 = arith.index_cast %scan3A_138 : i32 to index
      %get3A_557 = arith.constant 448 : index
      %get3A_558 = tpu.vector_load %arg8[%get3A_556, %get3A_557] {strides = array<i32>} : memref<32x512xi32, #tpu.memory_space<vmem>>, vector<16xi32>,
      %get3A_559 = arith.index_cast %scan3A_138 : i32 to index
      %get3A_560 = arith.constant 464 : index
      %get3A_561 = tpu.vector_load %arg8[%get3A_559, %get3A_560] {strides = array<i32>} : memref<32x512xi32, #tpu.memory_space<vmem>>, vector<16xi32>,
      %get3A_562 = arith.index_cast %scan3A_138 : i32 to index
      %get3A_563 = arith.constant 480 : index
      %get3A_564 = tpu.vector_load %arg8[%get3A_562, %get3A_563] {strides = array<i32>} : memref<32x512xi32, #tpu.memory_space<vmem>>, vector<16xi32>,
      %get3A_565 = arith.index_cast %scan3A_138 : i32 to index
      %get3A_566 = arith.constant 496 : index
      %get3A_567 = tpu.vector_load %arg8[%get3A_565, %get3A_566] {strides = array<i32>} : memref<32x512xi32, #tpu.memory_space<vmem>>, vector<16xi32>,
      %shift_left3A_568 = arith.constant 16 : i32
      %shift_left3A_569 = vector.broadcast %shift_left3A_568 : i32 to vector<16xi32>
      %shift_left3A_570 = arith.shli %get3A_546, %shift_left3A_569 : vector<16xi32>
      %bitcast3A_571 = vector.bitcast %shift_left3A_570 : vector<16xi32> to vector<16xf32>
      %swap3A_572 = arith.index_cast %scan3A_138 : i32 to index
      %swap3A_573 = arith.constant 384 : index
      %swap3A_574 = tpu.vector_load %arg10[%swap3A_572, %swap3A_573] {strides = array<i32>} : memref<32x1024xf32, #tpu.memory_space<vmem>>, vector<16xf32>,
      tpu.vector_store %arg10[%swap3A_572, %swap3A_573], %bitcast3A_571 {strides = array<i32>} : memref<32x1024xf32, #tpu.memory_space<vmem>>, vector<16xf32>,
      %and3A_575 = arith.constant -65536 : i32
      %and3A_576 = vector.broadcast %and3A_575 : i32 to vector<16xi32>
      %and3A_577 = arith.andi %get3A_546, %and3A_576 : vector<16xi32>
      %bitcast3A_578 = vector.bitcast %and3A_577 : vector<16xi32> to vector<16xf32>
      %swap3A_579 = arith.index_cast %scan3A_138 : i32 to index
      %swap3A_580 = arith.constant 896 : index
      %swap3A_581 = tpu.vector_load %arg10[%swap3A_579, %swap3A_580] {strides = array<i32>} : memref<32x1024xf32, #tpu.memory_space<vmem>>, vector<16xf32>,
      tpu.vector_store %arg10[%swap3A_579, %swap3A_580], %bitcast3A_578 {strides = array<i32>} : memref<32x1024xf32, #tpu.memory_space<vmem>>, vector<16xf32>,
      %shift_left3A_582 = arith.constant 16 : i32
      %shift_left3A_583 = vector.broadcast %shift_left3A_582 : i32 to vector<16xi32>
      %shift_left3A_584 = arith.shli %get3A_549, %shift_left3A_583 : vector<16xi32>
      %bitcast3A_585 = vector.bitcast %shift_left3A_584 : vector<16xi32> to vector<16xf32>
      %swap3A_586 = arith.index_cast %scan3A_138 : i32 to index
      %swap3A_587 = arith.constant 400 : index
      %swap3A_588 = tpu.vector_load %arg10[%swap3A_586, %swap3A_587] {strides = array<i32>} : memref<32x1024xf32, #tpu.memory_space<vmem>>, vector<16xf32>,
      tpu.vector_store %arg10[%swap3A_586, %swap3A_587], %bitcast3A_585 {strides = array<i32>} : memref<32x1024xf32, #tpu.memory_space<vmem>>, vector<16xf32>,
      %and3A_589 = arith.constant -65536 : i32
      %and3A_590 = vector.broadcast %and3A_589 : i32 to vector<16xi32>
      %and3A_591 = arith.andi %get3A_549, %and3A_590 : vector<16xi32>
      %bitcast3A_592 = vector.bitcast %and3A_591 : vector<16xi32> to vector<16xf32>
      %swap3A_593 = arith.index_cast %scan3A_138 : i32 to index
      %swap3A_594 = arith.constant 912 : index
      %swap3A_595 = tpu.vector_load %arg10[%swap3A_593, %swap3A_594] {strides = array<i32>} : memref<32x1024xf32, #tpu.memory_space<vmem>>, vector<16xf32>,
      tpu.vector_store %arg10[%swap3A_593, %swap3A_594], %bitcast3A_592 {strides = array<i32>} : memref<32x1024xf32, #tpu.memory_space<vmem>>, vector<16xf32>,
      %shift_left3A_596 = arith.constant 16 : i32
      %shift_left3A_597 = vector.broadcast %shift_left3A_596 : i32 to vector<16xi32>
      %shift_left3A_598 = arith.shli %get3A_552, %shift_left3A_597 : vector<16xi32>
      %bitcast3A_599 = vector.bitcast %shift_left3A_598 : vector<16xi32> to vector<16xf32>
      %swap3A_600 = arith.index_cast %scan3A_138 : i32 to index
      %swap3A_601 = arith.constant 416 : index
      %swap3A_602 = tpu.vector_load %arg10[%swap3A_600, %swap3A_601] {strides = array<i32>} : memref<32x1024xf32, #tpu.memory_space<vmem>>, vector<16xf32>,
      tpu.vector_store %arg10[%swap3A_600, %swap3A_601], %bitcast3A_599 {strides = array<i32>} : memref<32x1024xf32, #tpu.memory_space<vmem>>, vector<16xf32>,
      %and3A_603 = arith.constant -65536 : i32
      %and3A_604 = vector.broadcast %and3A_603 : i32 to vector<16xi32>
      %and3A_605 = arith.andi %get3A_552, %and3A_604 : vector<16xi32>
      %bitcast3A_606 = vector.bitcast %and3A_605 : vector<16xi32> to vector<16xf32>
      %swap3A_607 = arith.index_cast %scan3A_138 : i32 to index
      %swap3A_608 = arith.constant 928 : index
      %swap3A_609 = tpu.vector_load %arg10[%swap3A_607, %swap3A_608] {strides = array<i32>} : memref<32x1024xf32, #tpu.memory_space<vmem>>, vector<16xf32>,
      tpu.vector_store %arg10[%swap3A_607, %swap3A_608], %bitcast3A_606 {strides = array<i32>} : memref<32x1024xf32, #tpu.memory_space<vmem>>, vector<16xf32>,
      %shift_left3A_610 = arith.constant 16 : i32
      %shift_left3A_611 = vector.broadcast %shift_left3A_610 : i32 to vector<16xi32>
      %shift_left3A_612 = arith.shli %get3A_555, %shift_left3A_611 : vector<16xi32>
      %bitcast3A_613 = vector.bitcast %shift_left3A_612 : vector<16xi32> to vector<16xf32>
      %swap3A_614 = arith.index_cast %scan3A_138 : i32 to index
      %swap3A_615 = arith.constant 432 : index
      %swap3A_616 = tpu.vector_load %arg10[%swap3A_614, %swap3A_615] {strides = array<i32>} : memref<32x1024xf32, #tpu.memory_space<vmem>>, vector<16xf32>,
      tpu.vector_store %arg10[%swap3A_614, %swap3A_615], %bitcast3A_613 {strides = array<i32>} : memref<32x1024xf32, #tpu.memory_space<vmem>>, vector<16xf32>,
      %and3A_617 = arith.constant -65536 : i32
      %and3A_618 = vector.broadcast %and3A_617 : i32 to vector<16xi32>
      %and3A_619 = arith.andi %get3A_555, %and3A_618 : vector<16xi32>
      %bitcast3A_620 = vector.bitcast %and3A_619 : vector<16xi32> to vector<16xf32>
      %swap3A_621 = arith.index_cast %scan3A_138 : i32 to index
      %swap3A_622 = arith.constant 944 : index
      %swap3A_623 = tpu.vector_load %arg10[%swap3A_621, %swap3A_622] {strides = array<i32>} : memref<32x1024xf32, #tpu.memory_space<vmem>>, vector<16xf32>,
      tpu.vector_store %arg10[%swap3A_621, %swap3A_622], %bitcast3A_620 {strides = array<i32>} : memref<32x1024xf32, #tpu.memory_space<vmem>>, vector<16xf32>,
      %shift_left3A_624 = arith.constant 16 : i32
      %shift_left3A_625 = vector.broadcast %shift_left3A_624 : i32 to vector<16xi32>
      %shift_left3A_626 = arith.shli %get3A_558, %shift_left3A_625 : vector<16xi32>
      %bitcast3A_627 = vector.bitcast %shift_left3A_626 : vector<16xi32> to vector<16xf32>
      %swap3A_628 = arith.index_cast %scan3A_138 : i32 to index
      %swap3A_629 = arith.constant 448 : index
      %swap3A_630 = tpu.vector_load %arg10[%swap3A_628, %swap3A_629] {strides = array<i32>} : memref<32x1024xf32, #tpu.memory_space<vmem>>, vector<16xf32>,
      tpu.vector_store %arg10[%swap3A_628, %swap3A_629], %bitcast3A_627 {strides = array<i32>} : memref<32x1024xf32, #tpu.memory_space<vmem>>, vector<16xf32>,
      %and3A_631 = arith.constant -65536 : i32
      %and3A_632 = vector.broadcast %and3A_631 : i32 to vector<16xi32>
      %and3A_633 = arith.andi %get3A_558, %and3A_632 : vector<16xi32>
      %bitcast3A_634 = vector.bitcast %and3A_633 : vector<16xi32> to vector<16xf32>
      %swap3A_635 = arith.index_cast %scan3A_138 : i32 to index
      %swap3A_636 = arith.constant 960 : index
      %swap3A_637 = tpu.vector_load %arg10[%swap3A_635, %swap3A_636] {strides = array<i32>} : memref<32x1024xf32, #tpu.memory_space<vmem>>, vector<16xf32>,
      tpu.vector_store %arg10[%swap3A_635, %swap3A_636], %bitcast3A_634 {strides = array<i32>} : memref<32x1024xf32, #tpu.memory_space<vmem>>, vector<16xf32>,
      %shift_left3A_638 = arith.constant 16 : i32
      %shift_left3A_639 = vector.broadcast %shift_left3A_638 : i32 to vector<16xi32>
      %shift_left3A_640 = arith.shli %get3A_561, %shift_left3A_639 : vector<16xi32>
      %bitcast3A_641 = vector.bitcast %shift_left3A_640 : vector<16xi32> to vector<16xf32>
      %swap3A_642 = arith.index_cast %scan3A_138 : i32 to index
      %swap3A_643 = arith.constant 464 : index
      %swap3A_644 = tpu.vector_load %arg10[%swap3A_642, %swap3A_643] {strides = array<i32>} : memref<32x1024xf32, #tpu.memory_space<vmem>>, vector<16xf32>,
      tpu.vector_store %arg10[%swap3A_642, %swap3A_643], %bitcast3A_641 {strides = array<i32>} : memref<32x1024xf32, #tpu.memory_space<vmem>>, vector<16xf32>,
      %and3A_645 = arith.constant -65536 : i32
      %and3A_646 = vector.broadcast %and3A_645 : i32 to vector<16xi32>
      %and3A_647 = arith.andi %get3A_561, %and3A_646 : vector<16xi32>
      %bitcast3A_648 = vector.bitcast %and3A_647 : vector<16xi32> to vector<16xf32>
      %swap3A_649 = arith.index_cast %scan3A_138 : i32 to index
      %swap3A_650 = arith.constant 976 : index
      %swap3A_651 = tpu.vector_load %arg10[%swap3A_649, %swap3A_650] {strides = array<i32>} : memref<32x1024xf32, #tpu.memory_space<vmem>>, vector<16xf32>,
      tpu.vector_store %arg10[%swap3A_649, %swap3A_650], %bitcast3A_648 {strides = array<i32>} : memref<32x1024xf32, #tpu.memory_space<vmem>>, vector<16xf32>,
      %shift_left3A_652 = arith.constant 16 : i32
      %shift_left3A_653 = vector.broadcast %shift_left3A_652 : i32 to vector<16xi32>
      %shift_left3A_654 = arith.shli %get3A_564, %shift_left3A_653 : vector<16xi32>
      %bitcast3A_655 = vector.bitcast %shift_left3A_654 : vector<16xi32> to vector<16xf32>
      %swap3A_656 = arith.index_cast %scan3A_138 : i32 to index
      %swap3A_657 = arith.constant 480 : index
      %swap3A_658 = tpu.vector_load %arg10[%swap3A_656, %swap3A_657] {strides = array<i32>} : memref<32x1024xf32, #tpu.memory_space<vmem>>, vector<16xf32>,
      tpu.vector_store %arg10[%swap3A_656, %swap3A_657], %bitcast3A_655 {strides = array<i32>} : memref<32x1024xf32, #tpu.memory_space<vmem>>, vector<16xf32>,
      %and3A_659 = arith.constant -65536 : i32
      %and3A_660 = vector.broadcast %and3A_659 : i32 to vector<16xi32>
      %and3A_661 = arith.andi %get3A_564, %and3A_660 : vector<16xi32>
      %bitcast3A_662 = vector.bitcast %and3A_661 : vector<16xi32> to vector<16xf32>
      %swap3A_663 = arith.index_cast %scan3A_138 : i32 to index
      %swap3A_664 = arith.constant 992 : index
      %swap3A_665 = tpu.vector_load %arg10[%swap3A_663, %swap3A_664] {strides = array<i32>} : memref<32x1024xf32, #tpu.memory_space<vmem>>, vector<16xf32>,
      tpu.vector_store %arg10[%swap3A_663, %swap3A_664], %bitcast3A_662 {strides = array<i32>} : memref<32x1024xf32, #tpu.memory_space<vmem>>, vector<16xf32>,
      %shift_left3A_666 = arith.constant 16 : i32
      %shift_left3A_667 = vector.broadcast %shift_left3A_666 : i32 to vector<16xi32>
      %shift_left3A_668 = arith.shli %get3A_567, %shift_left3A_667 : vector<16xi32>
      %bitcast3A_669 = vector.bitcast %shift_left3A_668 : vector<16xi32> to vector<16xf32>
      %swap3A_670 = arith.index_cast %scan3A_138 : i32 to index
      %swap3A_671 = arith.constant 496 : index
      %swap3A_672 = tpu.vector_load %arg10[%swap3A_670, %swap3A_671] {strides = array<i32>} : memref<32x1024xf32, #tpu.memory_space<vmem>>, vector<16xf32>,
      tpu.vector_store %arg10[%swap3A_670, %swap3A_671], %bitcast3A_669 {strides = array<i32>} : memref<32x1024xf32, #tpu.memory_space<vmem>>, vector<16xf32>,
      %and3A_673 = arith.constant -65536 : i32
      %and3A_674 = vector.broadcast %and3A_673 : i32 to vector<16xi32>
      %and3A_675 = arith.andi %get3A_567, %and3A_674 : vector<16xi32>
      %bitcast3A_676 = vector.bitcast %and3A_675 : vector<16xi32> to vector<16xf32>
      %swap3A_677 = arith.index_cast %scan3A_138 : i32 to index
      %swap3A_678 = arith.constant 1008 : index
      %swap3A_679 = tpu.vector_load %arg10[%swap3A_677, %swap3A_678] {strides = array<i32>} : memref<32x1024xf32, #tpu.memory_space<vmem>>, vector<16xf32>,
      tpu.vector_store %arg10[%swap3A_677, %swap3A_678], %bitcast3A_676 {strides = array<i32>} : memref<32x1024xf32, #tpu.memory_space<vmem>>, vector<16xf32>,
    }
    %scan3A_62 = arith.constant 32 : i32
    %dma_start3A_63 = arith.constant 96 : i32
    %dma_start3A_64 = tpu.memref_slice %arg6[%dma_start3A_63] : memref<1024xi32, #tpu.memory_space<vmem>> -> memref<32xi32, #tpu.memory_space<vmem>>
    %dma_start3A_65 = arith.constant 0 : i32
    %dma_start3A_66 = arith.constant 0 : i32
    %dma_start3A_67 = tpu.memref_slice %arg3[%dma_start3A_65, %dma_start3A_66] : memref<3072x512xi32, #tpu.memory_space<hbm>> -> memref<3072x512xi32, #tpu.memory_space<hbm>>
    tpu.enqueue_indirect_dma source(%dma_start3A_67 : memref<3072x512xi32, #tpu.memory_space<hbm>>) target(%arg8 : memref<32x512xi32, #tpu.memory_space<vmem>>) offsets(%dma_start3A_64 : memref<32xi32, #tpu.memory_space<vmem>>) semaphore(%arg12 : memref<!tpu.dma_semaphore, #tpu.memory_space<semaphore_mem>>)
    %add3A_68 = arith.constant 32 : i32
    %add3A_69 = arith.addi %mul3A_2, %add3A_68 : i32
    %dma_start3A_70 = arith.constant 0 : i32
    %dma_start3A_71 = tpu.memref_slice %arg4[%add3A_69, %dma_start3A_70] : memref<32768x1024xf32, #tpu.memory_space<hbm>> -> memref<32x1024xf32, #tpu.memory_space<hbm>>
    %dma_start3A_72 = arith.constant 0 : i32
    %dma_start3A_73 = tpu.memref_slice %arg4[%add3A_69, %dma_start3A_72] : memref<32768x1024xf32, #tpu.memory_space<hbm>> -> memref<32x1024xf32, #tpu.memory_space<hbm>>
    tpu.enqueue_dma source(%arg10 : memref<32x1024xf32, #tpu.memory_space<vmem>>) target(%dma_start3A_73 : memref<32x1024xf32, #tpu.memory_space<hbm>>) target_semaphore(%arg14 : memref<!tpu.dma_semaphore, #tpu.memory_space<semaphore_mem>>)
    %scan3A_74 = arith.constant 0 : i32
    %scan3A_75 = arith.constant 0 : i32
    %scan3A_76 = arith.constant 14 : i32
    %scan3A_77 = arith.addi %scan3A_75, %scan3A_76 : i32
    %scan3A_78 = arith.constant 1 : i32
    scf.for %scan3A_138 = %scan3A_75 to %scan3A_77 step %scan3A_78  : i32 {
      %mul3A_139 = arith.constant 2 : i32
      %mul3A_140 = arith.muli %scan3A_138, %mul3A_139 : i32
      %add3A_141 = arith.constant 2 : i32
      %add3A_142 = arith.addi %add3A_141, %mul3A_140 : i32
      %add3A_143 = arith.constant 0 : i32
      %add3A_144 = arith.addi %add3A_142, %add3A_143 : i32
      %mul3A_145 = arith.constant 32 : i32
      %mul3A_146 = arith.muli %add3A_144, %mul3A_145 : i32
      %dma_wait3A_147 = tpu.memref_slice %arg6[%mul3A_146] : memref<1024xi32, #tpu.memory_space<vmem>> -> memref<32xi32, #tpu.memory_space<vmem>>
      %dma_wait3A_148 = arith.constant 0 : i32
      %dma_wait3A_149 = arith.constant 0 : i32
      %dma_wait3A_150 = tpu.memref_slice %arg3[%dma_wait3A_148, %dma_wait3A_149] : memref<3072x512xi32, #tpu.memory_space<hbm>> -> memref<3072x512xi32, #tpu.memory_space<hbm>>
      tpu.wait_indirect_dma semaphore(%arg11 : memref<!tpu.dma_semaphore, #tpu.memory_space<semaphore_mem>>) src(%dma_wait3A_150 : memref<3072x512xi32, #tpu.memory_space<hbm>>) dst(%arg7 : memref<32x512xi32, #tpu.memory_space<vmem>>)
      %sub3A = arith.constant 2 : i32
      %sub3A_151 = arith.subi %add3A_144, %sub3A : i32
      %mul3A_152 = arith.constant 32 : i32
      %mul3A_153 = arith.muli %sub3A_151, %mul3A_152 : i32
      %add3A_154 = arith.addi %mul3A_2, %mul3A_153 : i32
      %dma_wait3A_155 = arith.constant 0 : i32
      %dma_wait3A_156 = tpu.memref_slice %arg4[%add3A_154, %dma_wait3A_155] : memref<32768x1024xf32, #tpu.memory_space<hbm>> -> memref<32x1024xf32, #tpu.memory_space<hbm>>
      %dma_wait3A_157 = arith.constant 0 : i32
      %dma_wait3A_158 = tpu.memref_slice %arg4[%add3A_154, %dma_wait3A_157] : memref<32768x1024xf32, #tpu.memory_space<hbm>> -> memref<32x1024xf32, #tpu.memory_space<hbm>>
      tpu.wait_dma2 semaphore(%arg13 : memref<!tpu.dma_semaphore, #tpu.memory_space<semaphore_mem>>) src(%arg9 : memref<32x1024xf32, #tpu.memory_space<vmem>>) dst(%dma_wait3A_158 : memref<32x1024xf32, #tpu.memory_space<hbm>>)
      %scan3A_159 = arith.constant 0 : i32
      %scan3A_160 = arith.constant 0 : i32
      %scan3A_161 = arith.constant 32 : i32
      %scan3A_162 = arith.addi %scan3A_160, %scan3A_161 : i32
      %scan3A_163 = arith.constant 1 : i32
      scf.for %scan3A_218 = %scan3A_160 to %scan3A_162 step %scan3A_163  : i32 {
        %get3A = arith.index_cast %scan3A_218 : i32 to index
        %get3A_219 = arith.constant 0 : index
        %get3A_220 = tpu.vector_load %arg7[%get3A, %get3A_219] {strides = array<i32>} : memref<32x512xi32, #tpu.memory_space<vmem>>, vector<16xi32>,
        %get3A_221 = arith.index_cast %scan3A_218 : i32 to index
        %get3A_222 = arith.constant 16 : index
        %get3A_223 = tpu.vector_load %arg7[%get3A_221, %get3A_222] {strides = array<i32>} : memref<32x512xi32, #tpu.memory_space<vmem>>, vector<16xi32>,
        %get3A_224 = arith.index_cast %scan3A_218 : i32 to index
        %get3A_225 = arith.constant 32 : index
        %get3A_226 = tpu.vector_load %arg7[%get3A_224, %get3A_225] {strides = array<i32>} : memref<32x512xi32, #tpu.memory_space<vmem>>, vector<16xi32>,
        %get3A_227 = arith.index_cast %scan3A_218 : i32 to index
        %get3A_228 = arith.constant 48 : index
        %get3A_229 = tpu.vector_load %arg7[%get3A_227, %get3A_228] {strides = array<i32>} : memref<32x512xi32, #tpu.memory_space<vmem>>, vector<16xi32>,
        %get3A_230 = arith.index_cast %scan3A_218 : i32 to index
        %get3A_231 = arith.constant 64 : index
        %get3A_232 = tpu.vector_load %arg7[%get3A_230, %get3A_231] {strides = array<i32>} : memref<32x512xi32, #tpu.memory_space<vmem>>, vector<16xi32>,
        %get3A_233 = arith.index_cast %scan3A_218 : i32 to index
        %get3A_234 = arith.constant 80 : index
        %get3A_235 = tpu.vector_load %arg7[%get3A_233, %get3A_234] {strides = array<i32>} : memref<32x512xi32, #tpu.memory_space<vmem>>, vector<16xi32>,
        %get3A_236 = arith.index_cast %scan3A_218 : i32 to index
        %get3A_237 = arith.constant 96 : index
        %get3A_238 = tpu.vector_load %arg7[%get3A_236, %get3A_237] {strides = array<i32>} : memref<32x512xi32, #tpu.memory_space<vmem>>, vector<16xi32>,
        %get3A_239 = arith.index_cast %scan3A_218 : i32 to index
        %get3A_240 = arith.constant 112 : index
        %get3A_241 = tpu.vector_load %arg7[%get3A_239, %get3A_240] {strides = array<i32>} : memref<32x512xi32, #tpu.memory_space<vmem>>, vector<16xi32>,
        %shift_left3A = arith.constant 16 : i32
        %shift_left3A_242 = vector.broadcast %shift_left3A : i32 to vector<16xi32>
        %shift_left3A_243 = arith.shli %get3A_220, %shift_left3A_242 : vector<16xi32>
        %bitcast3A = vector.bitcast %shift_left3A_243 : vector<16xi32> to vector<16xf32>
        %swap3A_244 = arith.index_cast %scan3A_218 : i32 to index
        %swap3A_245 = arith.constant 0 : index
        %swap3A_246 = tpu.vector_load %arg9[%swap3A_244, %swap3A_245] {strides = array<i32>} : memref<32x1024xf32, #tpu.memory_space<vmem>>, vector<16xf32>,
        tpu.vector_store %arg9[%swap3A_244, %swap3A_245], %bitcast3A {strides = array<i32>} : memref<32x1024xf32, #tpu.memory_space<vmem>>, vector<16xf32>,
        %and3A_247 = arith.constant -65536 : i32
        %and3A_248 = vector.broadcast %and3A_247 : i32 to vector<16xi32>
        %and3A_249 = arith.andi %get3A_220, %and3A_248 : vector<16xi32>
        %bitcast3A_250 = vector.bitcast %and3A_249 : vector<16xi32> to vector<16xf32>
        %swap3A_251 = arith.index_cast %scan3A_218 : i32 to index
        %swap3A_252 = arith.constant 512 : index
        %swap3A_253 = tpu.vector_load %arg9[%swap3A_251, %swap3A_252] {strides = array<i32>} : memref<32x1024xf32, #tpu.memory_space<vmem>>, vector<16xf32>,
        tpu.vector_store %arg9[%swap3A_251, %swap3A_252], %bitcast3A_250 {strides = array<i32>} : memref<32x1024xf32, #tpu.memory_space<vmem>>, vector<16xf32>,
        %shift_left3A_254 = arith.constant 16 : i32
        %shift_left3A_255 = vector.broadcast %shift_left3A_254 : i32 to vector<16xi32>
        %shift_left3A_256 = arith.shli %get3A_223, %shift_left3A_255 : vector<16xi32>
        %bitcast3A_257 = vector.bitcast %shift_left3A_256 : vector<16xi32> to vector<16xf32>
        %swap3A_258 = arith.index_cast %scan3A_218 : i32 to index
        %swap3A_259 = arith.constant 16 : index
        %swap3A_260 = tpu.vector_load %arg9[%swap3A_258, %swap3A_259] {strides = array<i32>} : memref<32x1024xf32, #tpu.memory_space<vmem>>, vector<16xf32>,
        tpu.vector_store %arg9[%swap3A_258, %swap3A_259], %bitcast3A_257 {strides = array<i32>} : memref<32x1024xf32, #tpu.memory_space<vmem>>, vector<16xf32>,
        %and3A_261 = arith.constant -65536 : i32
        %and3A_262 = vector.broadcast %and3A_261 : i32 to vector<16xi32>
        %and3A_263 = arith.andi %get3A_223, %and3A_262 : vector<16xi32>
        %bitcast3A_264 = vector.bitcast %and3A_263 : vector<16xi32> to vector<16xf32>
        %swap3A_265 = arith.index_cast %scan3A_218 : i32 to index
        %swap3A_266 = arith.constant 528 : index
        %swap3A_267 = tpu.vector_load %arg9[%swap3A_265, %swap3A_266] {strides = array<i32>} : memref<32x1024xf32, #tpu.memory_space<vmem>>, vector<16xf32>,
        tpu.vector_store %arg9[%swap3A_265, %swap3A_266], %bitcast3A_264 {strides = array<i32>} : memref<32x1024xf32, #tpu.memory_space<vmem>>, vector<16xf32>,
        %shift_left3A_268 = arith.constant 16 : i32
        %shift_left3A_269 = vector.broadcast %shift_left3A_268 : i32 to vector<16xi32>
        %shift_left3A_270 = arith.shli %get3A_226, %shift_left3A_269 : vector<16xi32>
        %bitcast3A_271 = vector.bitcast %shift_left3A_270 : vector<16xi32> to vector<16xf32>
        %swap3A_272 = arith.index_cast %scan3A_218 : i32 to index
        %swap3A_273 = arith.constant 32 : index
        %swap3A_274 = tpu.vector_load %arg9[%swap3A_272, %swap3A_273] {strides = array<i32>} : memref<32x1024xf32, #tpu.memory_space<vmem>>, vector<16xf32>,
        tpu.vector_store %arg9[%swap3A_272, %swap3A_273], %bitcast3A_271 {strides = array<i32>} : memref<32x1024xf32, #tpu.memory_space<vmem>>, vector<16xf32>,
        %and3A_275 = arith.constant -65536 : i32
        %and3A_276 = vector.broadcast %and3A_275 : i32 to vector<16xi32>
        %and3A_277 = arith.andi %get3A_226, %and3A_276 : vector<16xi32>
        %bitcast3A_278 = vector.bitcast %and3A_277 : vector<16xi32> to vector<16xf32>
        %swap3A_279 = arith.index_cast %scan3A_218 : i32 to index
        %swap3A_280 = arith.constant 544 : index
        %swap3A_281 = tpu.vector_load %arg9[%swap3A_279, %swap3A_280] {strides = array<i32>} : memref<32x1024xf32, #tpu.memory_space<vmem>>, vector<16xf32>,
        tpu.vector_store %arg9[%swap3A_279, %swap3A_280], %bitcast3A_278 {strides = array<i32>} : memref<32x1024xf32, #tpu.memory_space<vmem>>, vector<16xf32>,
        %shift_left3A_282 = arith.constant 16 : i32
        %shift_left3A_283 = vector.broadcast %shift_left3A_282 : i32 to vector<16xi32>
        %shift_left3A_284 = arith.shli %get3A_229, %shift_left3A_283 : vector<16xi32>
        %bitcast3A_285 = vector.bitcast %shift_left3A_284 : vector<16xi32> to vector<16xf32>
        %swap3A_286 = arith.index_cast %scan3A_218 : i32 to index
        %swap3A_287 = arith.constant 48 : index
        %swap3A_288 = tpu.vector_load %arg9[%swap3A_286, %swap3A_287] {strides = array<i32>} : memref<32x1024xf32, #tpu.memory_space<vmem>>, vector<16xf32>,
        tpu.vector_store %arg9[%swap3A_286, %swap3A_287], %bitcast3A_285 {strides = array<i32>} : memref<32x1024xf32, #tpu.memory_space<vmem>>, vector<16xf32>,
        %and3A_289 = arith.constant -65536 : i32
        %and3A_290 = vector.broadcast %and3A_289 : i32 to vector<16xi32>
        %and3A_291 = arith.andi %get3A_229, %and3A_290 : vector<16xi32>
        %bitcast3A_292 = vector.bitcast %and3A_291 : vector<16xi32> to vector<16xf32>
        %swap3A_293 = arith.index_cast %scan3A_218 : i32 to index
        %swap3A_294 = arith.constant 560 : index
        %swap3A_295 = tpu.vector_load %arg9[%swap3A_293, %swap3A_294] {strides = array<i32>} : memref<32x1024xf32, #tpu.memory_space<vmem>>, vector<16xf32>,
        tpu.vector_store %arg9[%swap3A_293, %swap3A_294], %bitcast3A_292 {strides = array<i32>} : memref<32x1024xf32, #tpu.memory_space<vmem>>, vector<16xf32>,
        %shift_left3A_296 = arith.constant 16 : i32
        %shift_left3A_297 = vector.broadcast %shift_left3A_296 : i32 to vector<16xi32>
        %shift_left3A_298 = arith.shli %get3A_232, %shift_left3A_297 : vector<16xi32>
        %bitcast3A_299 = vector.bitcast %shift_left3A_298 : vector<16xi32> to vector<16xf32>
        %swap3A_300 = arith.index_cast %scan3A_218 : i32 to index
        %swap3A_301 = arith.constant 64 : index
        %swap3A_302 = tpu.vector_load %arg9[%swap3A_300, %swap3A_301] {strides = array<i32>} : memref<32x1024xf32, #tpu.memory_space<vmem>>, vector<16xf32>,
        tpu.vector_store %arg9[%swap3A_300, %swap3A_301], %bitcast3A_299 {strides = array<i32>} : memref<32x1024xf32, #tpu.memory_space<vmem>>, vector<16xf32>,
        %and3A_303 = arith.constant -65536 : i32
        %and3A_304 = vector.broadcast %and3A_303 : i32 to vector<16xi32>
        %and3A_305 = arith.andi %get3A_232, %and3A_304 : vector<16xi32>
        %bitcast3A_306 = vector.bitcast %and3A_305 : vector<16xi32> to vector<16xf32>
        %swap3A_307 = arith.index_cast %scan3A_218 : i32 to index
        %swap3A_308 = arith.constant 576 : index
        %swap3A_309 = tpu.vector_load %arg9[%swap3A_307, %swap3A_308] {strides = array<i32>} : memref<32x1024xf32, #tpu.memory_space<vmem>>, vector<16xf32>,
        tpu.vector_store %arg9[%swap3A_307, %swap3A_308], %bitcast3A_306 {strides = array<i32>} : memref<32x1024xf32, #tpu.memory_space<vmem>>, vector<16xf32>,
        %shift_left3A_310 = arith.constant 16 : i32
        %shift_left3A_311 = vector.broadcast %shift_left3A_310 : i32 to vector<16xi32>
        %shift_left3A_312 = arith.shli %get3A_235, %shift_left3A_311 : vector<16xi32>
        %bitcast3A_313 = vector.bitcast %shift_left3A_312 : vector<16xi32> to vector<16xf32>
        %swap3A_314 = arith.index_cast %scan3A_218 : i32 to index
        %swap3A_315 = arith.constant 80 : index
        %swap3A_316 = tpu.vector_load %arg9[%swap3A_314, %swap3A_315] {strides = array<i32>} : memref<32x1024xf32, #tpu.memory_space<vmem>>, vector<16xf32>,
        tpu.vector_store %arg9[%swap3A_314, %swap3A_315], %bitcast3A_313 {strides = array<i32>} : memref<32x1024xf32, #tpu.memory_space<vmem>>, vector<16xf32>,
        %and3A_317 = arith.constant -65536 : i32
        %and3A_318 = vector.broadcast %and3A_317 : i32 to vector<16xi32>
        %and3A_319 = arith.andi %get3A_235, %and3A_318 : vector<16xi32>
        %bitcast3A_320 = vector.bitcast %and3A_319 : vector<16xi32> to vector<16xf32>
        %swap3A_321 = arith.index_cast %scan3A_218 : i32 to index
        %swap3A_322 = arith.constant 592 : index
        %swap3A_323 = tpu.vector_load %arg9[%swap3A_321, %swap3A_322] {strides = array<i32>} : memref<32x1024xf32, #tpu.memory_space<vmem>>, vector<16xf32>,
        tpu.vector_store %arg9[%swap3A_321, %swap3A_322], %bitcast3A_320 {strides = array<i32>} : memref<32x1024xf32, #tpu.memory_space<vmem>>, vector<16xf32>,
        %shift_left3A_324 = arith.constant 16 : i32
        %shift_left3A_325 = vector.broadcast %shift_left3A_324 : i32 to vector<16xi32>
        %shift_left3A_326 = arith.shli %get3A_238, %shift_left3A_325 : vector<16xi32>
        %bitcast3A_327 = vector.bitcast %shift_left3A_326 : vector<16xi32> to vector<16xf32>
        %swap3A_328 = arith.index_cast %scan3A_218 : i32 to index
        %swap3A_329 = arith.constant 96 : index
        %swap3A_330 = tpu.vector_load %arg9[%swap3A_328, %swap3A_329] {strides = array<i32>} : memref<32x1024xf32, #tpu.memory_space<vmem>>, vector<16xf32>,
        tpu.vector_store %arg9[%swap3A_328, %swap3A_329], %bitcast3A_327 {strides = array<i32>} : memref<32x1024xf32, #tpu.memory_space<vmem>>, vector<16xf32>,
        %and3A_331 = arith.constant -65536 : i32
        %and3A_332 = vector.broadcast %and3A_331 : i32 to vector<16xi32>
        %and3A_333 = arith.andi %get3A_238, %and3A_332 : vector<16xi32>
        %bitcast3A_334 = vector.bitcast %and3A_333 : vector<16xi32> to vector<16xf32>
        %swap3A_335 = arith.index_cast %scan3A_218 : i32 to index
        %swap3A_336 = arith.constant 608 : index
        %swap3A_337 = tpu.vector_load %arg9[%swap3A_335, %swap3A_336] {strides = array<i32>} : memref<32x1024xf32, #tpu.memory_space<vmem>>, vector<16xf32>,
        tpu.vector_store %arg9[%swap3A_335, %swap3A_336], %bitcast3A_334 {strides = array<i32>} : memref<32x1024xf32, #tpu.memory_space<vmem>>, vector<16xf32>,
        %shift_left3A_338 = arith.constant 16 : i32
        %shift_left3A_339 = vector.broadcast %shift_left3A_338 : i32 to vector<16xi32>
        %shift_left3A_340 = arith.shli %get3A_241, %shift_left3A_339 : vector<16xi32>
        %bitcast3A_341 = vector.bitcast %shift_left3A_340 : vector<16xi32> to vector<16xf32>
        %swap3A_342 = arith.index_cast %scan3A_218 : i32 to index
        %swap3A_343 = arith.constant 112 : index
        %swap3A_344 = tpu.vector_load %arg9[%swap3A_342, %swap3A_343] {strides = array<i32>} : memref<32x1024xf32, #tpu.memory_space<vmem>>, vector<16xf32>,
        tpu.vector_store %arg9[%swap3A_342, %swap3A_343], %bitcast3A_341 {strides = array<i32>} : memref<32x1024xf32, #tpu.memory_space<vmem>>, vector<16xf32>,
        %and3A_345 = arith.constant -65536 : i32
        %and3A_346 = vector.broadcast %and3A_345 : i32 to vector<16xi32>
        %and3A_347 = arith.andi %get3A_241, %and3A_346 : vector<16xi32>
        %bitcast3A_348 = vector.bitcast %and3A_347 : vector<16xi32> to vector<16xf32>
        %swap3A_349 = arith.index_cast %scan3A_218 : i32 to index
        %swap3A_350 = arith.constant 624 : index
        %swap3A_351 = tpu.vector_load %arg9[%swap3A_349, %swap3A_350] {strides = array<i32>} : memref<32x1024xf32, #tpu.memory_space<vmem>>, vector<16xf32>,
        tpu.vector_store %arg9[%swap3A_349, %swap3A_350], %bitcast3A_348 {strides = array<i32>} : memref<32x1024xf32, #tpu.memory_space<vmem>>, vector<16xf32>,
        %get3A_352 = arith.index_cast %scan3A_218 : i32 to index
        %get3A_353 = arith.constant 128 : index
        %get3A_354 = tpu.vector_load %arg7[%get3A_352, %get3A_353] {strides = array<i32>} : memref<32x512xi32, #tpu.memory_space<vmem>>, vector<16xi32>,
        %get3A_355 = arith.index_cast %scan3A_218 : i32 to index
        %get3A_356 = arith.constant 144 : index
        %get3A_357 = tpu.vector_load %arg7[%get3A_355, %get3A_356] {strides = array<i32>} : memref<32x512xi32, #tpu.memory_space<vmem>>, vector<16xi32>,
        %get3A_358 = arith.index_cast %scan3A_218 : i32 to index
        %get3A_359 = arith.constant 160 : index
        %get3A_360 = tpu.vector_load %arg7[%get3A_358, %get3A_359] {strides = array<i32>} : memref<32x512xi32, #tpu.memory_space<vmem>>, vector<16xi32>,
        %get3A_361 = arith.index_cast %scan3A_218 : i32 to index
        %get3A_362 = arith.constant 176 : index
        %get3A_363 = tpu.vector_load %arg7[%get3A_361, %get3A_362] {strides = array<i32>} : memref<32x512xi32, #tpu.memory_space<vmem>>, vector<16xi32>,
        %get3A_364 = arith.index_cast %scan3A_218 : i32 to index
        %get3A_365 = arith.constant 192 : index
        %get3A_366 = tpu.vector_load %arg7[%get3A_364, %get3A_365] {strides = array<i32>} : memref<32x512xi32, #tpu.memory_space<vmem>>, vector<16xi32>,
        %get3A_367 = arith.index_cast %scan3A_218 : i32 to index
        %get3A_368 = arith.constant 208 : index
        %get3A_369 = tpu.vector_load %arg7[%get3A_367, %get3A_368] {strides = array<i32>} : memref<32x512xi32, #tpu.memory_space<vmem>>, vector<16xi32>,
        %get3A_370 = arith.index_cast %scan3A_218 : i32 to index
        %get3A_371 = arith.constant 224 : index
        %get3A_372 = tpu.vector_load %arg7[%get3A_370, %get3A_371] {strides = array<i32>} : memref<32x512xi32, #tpu.memory_space<vmem>>, vector<16xi32>,
        %get3A_373 = arith.index_cast %scan3A_218 : i32 to index
        %get3A_374 = arith.constant 240 : index
        %get3A_375 = tpu.vector_load %arg7[%get3A_373, %get3A_374] {strides = array<i32>} : memref<32x512xi32, #tpu.memory_space<vmem>>, vector<16xi32>,
        %shift_left3A_376 = arith.constant 16 : i32
        %shift_left3A_377 = vector.broadcast %shift_left3A_376 : i32 to vector<16xi32>
        %shift_left3A_378 = arith.shli %get3A_354, %shift_left3A_377 : vector<16xi32>
        %bitcast3A_379 = vector.bitcast %shift_left3A_378 : vector<16xi32> to vector<16xf32>
        %swap3A_380 = arith.index_cast %scan3A_218 : i32 to index
        %swap3A_381 = arith.constant 128 : index
        %swap3A_382 = tpu.vector_load %arg9[%swap3A_380, %swap3A_381] {strides = array<i32>} : memref<32x1024xf32, #tpu.memory_space<vmem>>, vector<16xf32>,
        tpu.vector_store %arg9[%swap3A_380, %swap3A_381], %bitcast3A_379 {strides = array<i32>} : memref<32x1024xf32, #tpu.memory_space<vmem>>, vector<16xf32>,
        %and3A_383 = arith.constant -65536 : i32
        %and3A_384 = vector.broadcast %and3A_383 : i32 to vector<16xi32>
        %and3A_385 = arith.andi %get3A_354, %and3A_384 : vector<16xi32>
        %bitcast3A_386 = vector.bitcast %and3A_385 : vector<16xi32> to vector<16xf32>
        %swap3A_387 = arith.index_cast %scan3A_218 : i32 to index
        %swap3A_388 = arith.constant 640 : index
        %swap3A_389 = tpu.vector_load %arg9[%swap3A_387, %swap3A_388] {strides = array<i32>} : memref<32x1024xf32, #tpu.memory_space<vmem>>, vector<16xf32>,
        tpu.vector_store %arg9[%swap3A_387, %swap3A_388], %bitcast3A_386 {strides = array<i32>} : memref<32x1024xf32, #tpu.memory_space<vmem>>, vector<16xf32>,
        %shift_left3A_390 = arith.constant 16 : i32
        %shift_left3A_391 = vector.broadcast %shift_left3A_390 : i32 to vector<16xi32>
        %shift_left3A_392 = arith.shli %get3A_357, %shift_left3A_391 : vector<16xi32>
        %bitcast3A_393 = vector.bitcast %shift_left3A_392 : vector<16xi32> to vector<16xf32>
        %swap3A_394 = arith.index_cast %scan3A_218 : i32 to index
        %swap3A_395 = arith.constant 144 : index
        %swap3A_396 = tpu.vector_load %arg9[%swap3A_394, %swap3A_395] {strides = array<i32>} : memref<32x1024xf32, #tpu.memory_space<vmem>>, vector<16xf32>,
        tpu.vector_store %arg9[%swap3A_394, %swap3A_395], %bitcast3A_393 {strides = array<i32>} : memref<32x1024xf32, #tpu.memory_space<vmem>>, vector<16xf32>,
        %and3A_397 = arith.constant -65536 : i32
        %and3A_398 = vector.broadcast %and3A_397 : i32 to vector<16xi32>
        %and3A_399 = arith.andi %get3A_357, %and3A_398 : vector<16xi32>
        %bitcast3A_400 = vector.bitcast %and3A_399 : vector<16xi32> to vector<16xf32>
        %swap3A_401 = arith.index_cast %scan3A_218 : i32 to index
        %swap3A_402 = arith.constant 656 : index
        %swap3A_403 = tpu.vector_load %arg9[%swap3A_401, %swap3A_402] {strides = array<i32>} : memref<32x1024xf32, #tpu.memory_space<vmem>>, vector<16xf32>,
        tpu.vector_store %arg9[%swap3A_401, %swap3A_402], %bitcast3A_400 {strides = array<i32>} : memref<32x1024xf32, #tpu.memory_space<vmem>>, vector<16xf32>,
        %shift_left3A_404 = arith.constant 16 : i32
        %shift_left3A_405 = vector.broadcast %shift_left3A_404 : i32 to vector<16xi32>
        %shift_left3A_406 = arith.shli %get3A_360, %shift_left3A_405 : vector<16xi32>
        %bitcast3A_407 = vector.bitcast %shift_left3A_406 : vector<16xi32> to vector<16xf32>
        %swap3A_408 = arith.index_cast %scan3A_218 : i32 to index
        %swap3A_409 = arith.constant 160 : index
        %swap3A_410 = tpu.vector_load %arg9[%swap3A_408, %swap3A_409] {strides = array<i32>} : memref<32x1024xf32, #tpu.memory_space<vmem>>, vector<16xf32>,
        tpu.vector_store %arg9[%swap3A_408, %swap3A_409], %bitcast3A_407 {strides = array<i32>} : memref<32x1024xf32, #tpu.memory_space<vmem>>, vector<16xf32>,
        %and3A_411 = arith.constant -65536 : i32
        %and3A_412 = vector.broadcast %and3A_411 : i32 to vector<16xi32>
        %and3A_413 = arith.andi %get3A_360, %and3A_412 : vector<16xi32>
        %bitcast3A_414 = vector.bitcast %and3A_413 : vector<16xi32> to vector<16xf32>
        %swap3A_415 = arith.index_cast %scan3A_218 : i32 to index
        %swap3A_416 = arith.constant 672 : index
        %swap3A_417 = tpu.vector_load %arg9[%swap3A_415, %swap3A_416] {strides = array<i32>} : memref<32x1024xf32, #tpu.memory_space<vmem>>, vector<16xf32>,
        tpu.vector_store %arg9[%swap3A_415, %swap3A_416], %bitcast3A_414 {strides = array<i32>} : memref<32x1024xf32, #tpu.memory_space<vmem>>, vector<16xf32>,
        %shift_left3A_418 = arith.constant 16 : i32
        %shift_left3A_419 = vector.broadcast %shift_left3A_418 : i32 to vector<16xi32>
        %shift_left3A_420 = arith.shli %get3A_363, %shift_left3A_419 : vector<16xi32>
        %bitcast3A_421 = vector.bitcast %shift_left3A_420 : vector<16xi32> to vector<16xf32>
        %swap3A_422 = arith.index_cast %scan3A_218 : i32 to index
        %swap3A_423 = arith.constant 176 : index
        %swap3A_424 = tpu.vector_load %arg9[%swap3A_422, %swap3A_423] {strides = array<i32>} : memref<32x1024xf32, #tpu.memory_space<vmem>>, vector<16xf32>,
        tpu.vector_store %arg9[%swap3A_422, %swap3A_423], %bitcast3A_421 {strides = array<i32>} : memref<32x1024xf32, #tpu.memory_space<vmem>>, vector<16xf32>,
        %and3A_425 = arith.constant -65536 : i32
        %and3A_426 = vector.broadcast %and3A_425 : i32 to vector<16xi32>
        %and3A_427 = arith.andi %get3A_363, %and3A_426 : vector<16xi32>
        %bitcast3A_428 = vector.bitcast %and3A_427 : vector<16xi32> to vector<16xf32>
        %swap3A_429 = arith.index_cast %scan3A_218 : i32 to index
        %swap3A_430 = arith.constant 688 : index
        %swap3A_431 = tpu.vector_load %arg9[%swap3A_429, %swap3A_430] {strides = array<i32>} : memref<32x1024xf32, #tpu.memory_space<vmem>>, vector<16xf32>,
        tpu.vector_store %arg9[%swap3A_429, %swap3A_430], %bitcast3A_428 {strides = array<i32>} : memref<32x1024xf32, #tpu.memory_space<vmem>>, vector<16xf32>,
        %shift_left3A_432 = arith.constant 16 : i32
        %shift_left3A_433 = vector.broadcast %shift_left3A_432 : i32 to vector<16xi32>
        %shift_left3A_434 = arith.shli %get3A_366, %shift_left3A_433 : vector<16xi32>
        %bitcast3A_435 = vector.bitcast %shift_left3A_434 : vector<16xi32> to vector<16xf32>
        %swap3A_436 = arith.index_cast %scan3A_218 : i32 to index
        %swap3A_437 = arith.constant 192 : index
        %swap3A_438 = tpu.vector_load %arg9[%swap3A_436, %swap3A_437] {strides = array<i32>} : memref<32x1024xf32, #tpu.memory_space<vmem>>, vector<16xf32>,
        tpu.vector_store %arg9[%swap3A_436, %swap3A_437], %bitcast3A_435 {strides = array<i32>} : memref<32x1024xf32, #tpu.memory_space<vmem>>, vector<16xf32>,
        %and3A_439 = arith.constant -65536 : i32
        %and3A_440 = vector.broadcast %and3A_439 : i32 to vector<16xi32>
        %and3A_441 = arith.andi %get3A_366, %and3A_440 : vector<16xi32>
        %bitcast3A_442 = vector.bitcast %and3A_441 : vector<16xi32> to vector<16xf32>
        %swap3A_443 = arith.index_cast %scan3A_218 : i32 to index
        %swap3A_444 = arith.constant 704 : index
        %swap3A_445 = tpu.vector_load %arg9[%swap3A_443, %swap3A_444] {strides = array<i32>} : memref<32x1024xf32, #tpu.memory_space<vmem>>, vector<16xf32>,
        tpu.vector_store %arg9[%swap3A_443, %swap3A_444], %bitcast3A_442 {strides = array<i32>} : memref<32x1024xf32, #tpu.memory_space<vmem>>, vector<16xf32>,
        %shift_left3A_446 = arith.constant 16 : i32
        %shift_left3A_447 = vector.broadcast %shift_left3A_446 : i32 to vector<16xi32>
        %shift_left3A_448 = arith.shli %get3A_369, %shift_left3A_447 : vector<16xi32>
        %bitcast3A_449 = vector.bitcast %shift_left3A_448 : vector<16xi32> to vector<16xf32>
        %swap3A_450 = arith.index_cast %scan3A_218 : i32 to index
        %swap3A_451 = arith.constant 208 : index
        %swap3A_452 = tpu.vector_load %arg9[%swap3A_450, %swap3A_451] {strides = array<i32>} : memref<32x1024xf32, #tpu.memory_space<vmem>>, vector<16xf32>,
        tpu.vector_store %arg9[%swap3A_450, %swap3A_451], %bitcast3A_449 {strides = array<i32>} : memref<32x1024xf32, #tpu.memory_space<vmem>>, vector<16xf32>,
        %and3A_453 = arith.constant -65536 : i32
        %and3A_454 = vector.broadcast %and3A_453 : i32 to vector<16xi32>
        %and3A_455 = arith.andi %get3A_369, %and3A_454 : vector<16xi32>
        %bitcast3A_456 = vector.bitcast %and3A_455 : vector<16xi32> to vector<16xf32>
        %swap3A_457 = arith.index_cast %scan3A_218 : i32 to index
        %swap3A_458 = arith.constant 720 : index
        %swap3A_459 = tpu.vector_load %arg9[%swap3A_457, %swap3A_458] {strides = array<i32>} : memref<32x1024xf32, #tpu.memory_space<vmem>>, vector<16xf32>,
        tpu.vector_store %arg9[%swap3A_457, %swap3A_458], %bitcast3A_456 {strides = array<i32>} : memref<32x1024xf32, #tpu.memory_space<vmem>>, vector<16xf32>,
        %shift_left3A_460 = arith.constant 16 : i32
        %shift_left3A_461 = vector.broadcast %shift_left3A_460 : i32 to vector<16xi32>
        %shift_left3A_462 = arith.shli %get3A_372, %shift_left3A_461 : vector<16xi32>
        %bitcast3A_463 = vector.bitcast %shift_left3A_462 : vector<16xi32> to vector<16xf32>
        %swap3A_464 = arith.index_cast %scan3A_218 : i32 to index
        %swap3A_465 = arith.constant 224 : index
        %swap3A_466 = tpu.vector_load %arg9[%swap3A_464, %swap3A_465] {strides = array<i32>} : memref<32x1024xf32, #tpu.memory_space<vmem>>, vector<16xf32>,
        tpu.vector_store %arg9[%swap3A_464, %swap3A_465], %bitcast3A_463 {strides = array<i32>} : memref<32x1024xf32, #tpu.memory_space<vmem>>, vector<16xf32>,
        %and3A_467 = arith.constant -65536 : i32
        %and3A_468 = vector.broadcast %and3A_467 : i32 to vector<16xi32>
        %and3A_469 = arith.andi %get3A_372, %and3A_468 : vector<16xi32>
        %bitcast3A_470 = vector.bitcast %and3A_469 : vector<16xi32> to vector<16xf32>
        %swap3A_471 = arith.index_cast %scan3A_218 : i32 to index
        %swap3A_472 = arith.constant 736 : index
        %swap3A_473 = tpu.vector_load %arg9[%swap3A_471, %swap3A_472] {strides = array<i32>} : memref<32x1024xf32, #tpu.memory_space<vmem>>, vector<16xf32>,
        tpu.vector_store %arg9[%swap3A_471, %swap3A_472], %bitcast3A_470 {strides = array<i32>} : memref<32x1024xf32, #tpu.memory_space<vmem>>, vector<16xf32>,
        %shift_left3A_474 = arith.constant 16 : i32
        %shift_left3A_475 = vector.broadcast %shift_left3A_474 : i32 to vector<16xi32>
        %shift_left3A_476 = arith.shli %get3A_375, %shift_left3A_475 : vector<16xi32>
        %bitcast3A_477 = vector.bitcast %shift_left3A_476 : vector<16xi32> to vector<16xf32>
        %swap3A_478 = arith.index_cast %scan3A_218 : i32 to index
        %swap3A_479 = arith.constant 240 : index
        %swap3A_480 = tpu.vector_load %arg9[%swap3A_478, %swap3A_479] {strides = array<i32>} : memref<32x1024xf32, #tpu.memory_space<vmem>>, vector<16xf32>,
        tpu.vector_store %arg9[%swap3A_478, %swap3A_479], %bitcast3A_477 {strides = array<i32>} : memref<32x1024xf32, #tpu.memory_space<vmem>>, vector<16xf32>,
        %and3A_481 = arith.constant -65536 : i32
        %and3A_482 = vector.broadcast %and3A_481 : i32 to vector<16xi32>
        %and3A_483 = arith.andi %get3A_375, %and3A_482 : vector<16xi32>
        %bitcast3A_484 = vector.bitcast %and3A_483 : vector<16xi32> to vector<16xf32>
        %swap3A_485 = arith.index_cast %scan3A_218 : i32 to index
        %swap3A_486 = arith.constant 752 : index
        %swap3A_487 = tpu.vector_load %arg9[%swap3A_485, %swap3A_486] {strides = array<i32>} : memref<32x1024xf32, #tpu.memory_space<vmem>>, vector<16xf32>,
        tpu.vector_store %arg9[%swap3A_485, %swap3A_486], %bitcast3A_484 {strides = array<i32>} : memref<32x1024xf32, #tpu.memory_space<vmem>>, vector<16xf32>,
        %get3A_488 = arith.index_cast %scan3A_218 : i32 to index
        %get3A_489 = arith.constant 256 : index
        %get3A_490 = tpu.vector_load %arg7[%get3A_488, %get3A_489] {strides = array<i32>} : memref<32x512xi32, #tpu.memory_space<vmem>>, vector<16xi32>,
        %get3A_491 = arith.index_cast %scan3A_218 : i32 to index
        %get3A_492 = arith.constant 272 : index
        %get3A_493 = tpu.vector_load %arg7[%get3A_491, %get3A_492] {strides = array<i32>} : memref<32x512xi32, #tpu.memory_space<vmem>>, vector<16xi32>,
        %get3A_494 = arith.index_cast %scan3A_218 : i32 to index
        %get3A_495 = arith.constant 288 : index
        %get3A_496 = tpu.vector_load %arg7[%get3A_494, %get3A_495] {strides = array<i32>} : memref<32x512xi32, #tpu.memory_space<vmem>>, vector<16xi32>,
        %get3A_497 = arith.index_cast %scan3A_218 : i32 to index
        %get3A_498 = arith.constant 304 : index
        %get3A_499 = tpu.vector_load %arg7[%get3A_497, %get3A_498] {strides = array<i32>} : memref<32x512xi32, #tpu.memory_space<vmem>>, vector<16xi32>,
        %get3A_500 = arith.index_cast %scan3A_218 : i32 to index
        %get3A_501 = arith.constant 320 : index
        %get3A_502 = tpu.vector_load %arg7[%get3A_500, %get3A_501] {strides = array<i32>} : memref<32x512xi32, #tpu.memory_space<vmem>>, vector<16xi32>,
        %get3A_503 = arith.index_cast %scan3A_218 : i32 to index
        %get3A_504 = arith.constant 336 : index
        %get3A_505 = tpu.vector_load %arg7[%get3A_503, %get3A_504] {strides = array<i32>} : memref<32x512xi32, #tpu.memory_space<vmem>>, vector<16xi32>,
        %get3A_506 = arith.index_cast %scan3A_218 : i32 to index
        %get3A_507 = arith.constant 352 : index
        %get3A_508 = tpu.vector_load %arg7[%get3A_506, %get3A_507] {strides = array<i32>} : memref<32x512xi32, #tpu.memory_space<vmem>>, vector<16xi32>,
        %get3A_509 = arith.index_cast %scan3A_218 : i32 to index
        %get3A_510 = arith.constant 368 : index
        %get3A_511 = tpu.vector_load %arg7[%get3A_509, %get3A_510] {strides = array<i32>} : memref<32x512xi32, #tpu.memory_space<vmem>>, vector<16xi32>,
        %shift_left3A_512 = arith.constant 16 : i32
        %shift_left3A_513 = vector.broadcast %shift_left3A_512 : i32 to vector<16xi32>
        %shift_left3A_514 = arith.shli %get3A_490, %shift_left3A_513 : vector<16xi32>
        %bitcast3A_515 = vector.bitcast %shift_left3A_514 : vector<16xi32> to vector<16xf32>
        %swap3A_516 = arith.index_cast %scan3A_218 : i32 to index
        %swap3A_517 = arith.constant 256 : index
        %swap3A_518 = tpu.vector_load %arg9[%swap3A_516, %swap3A_517] {strides = array<i32>} : memref<32x1024xf32, #tpu.memory_space<vmem>>, vector<16xf32>,
        tpu.vector_store %arg9[%swap3A_516, %swap3A_517], %bitcast3A_515 {strides = array<i32>} : memref<32x1024xf32, #tpu.memory_space<vmem>>, vector<16xf32>,
        %and3A_519 = arith.constant -65536 : i32
        %and3A_520 = vector.broadcast %and3A_519 : i32 to vector<16xi32>
        %and3A_521 = arith.andi %get3A_490, %and3A_520 : vector<16xi32>
        %bitcast3A_522 = vector.bitcast %and3A_521 : vector<16xi32> to vector<16xf32>
        %swap3A_523 = arith.index_cast %scan3A_218 : i32 to index
        %swap3A_524 = arith.constant 768 : index
        %swap3A_525 = tpu.vector_load %arg9[%swap3A_523, %swap3A_524] {strides = array<i32>} : memref<32x1024xf32, #tpu.memory_space<vmem>>, vector<16xf32>,
        tpu.vector_store %arg9[%swap3A_523, %swap3A_524], %bitcast3A_522 {strides = array<i32>} : memref<32x1024xf32, #tpu.memory_space<vmem>>, vector<16xf32>,
        %shift_left3A_526 = arith.constant 16 : i32
        %shift_left3A_527 = vector.broadcast %shift_left3A_526 : i32 to vector<16xi32>
        %shift_left3A_528 = arith.shli %get3A_493, %shift_left3A_527 : vector<16xi32>
        %bitcast3A_529 = vector.bitcast %shift_left3A_528 : vector<16xi32> to vector<16xf32>
        %swap3A_530 = arith.index_cast %scan3A_218 : i32 to index
        %swap3A_531 = arith.constant 272 : index
        %swap3A_532 = tpu.vector_load %arg9[%swap3A_530, %swap3A_531] {strides = array<i32>} : memref<32x1024xf32, #tpu.memory_space<vmem>>, vector<16xf32>,
        tpu.vector_store %arg9[%swap3A_530, %swap3A_531], %bitcast3A_529 {strides = array<i32>} : memref<32x1024xf32, #tpu.memory_space<vmem>>, vector<16xf32>,
        %and3A_533 = arith.constant -65536 : i32
        %and3A_534 = vector.broadcast %and3A_533 : i32 to vector<16xi32>
        %and3A_535 = arith.andi %get3A_493, %and3A_534 : vector<16xi32>
        %bitcast3A_536 = vector.bitcast %and3A_535 : vector<16xi32> to vector<16xf32>
        %swap3A_537 = arith.index_cast %scan3A_218 : i32 to index
        %swap3A_538 = arith.constant 784 : index
        %swap3A_539 = tpu.vector_load %arg9[%swap3A_537, %swap3A_538] {strides = array<i32>} : memref<32x1024xf32, #tpu.memory_space<vmem>>, vector<16xf32>,
        tpu.vector_store %arg9[%swap3A_537, %swap3A_538], %bitcast3A_536 {strides = array<i32>} : memref<32x1024xf32, #tpu.memory_space<vmem>>, vector<16xf32>,
        %shift_left3A_540 = arith.constant 16 : i32
        %shift_left3A_541 = vector.broadcast %shift_left3A_540 : i32 to vector<16xi32>
        %shift_left3A_542 = arith.shli %get3A_496, %shift_left3A_541 : vector<16xi32>
        %bitcast3A_543 = vector.bitcast %shift_left3A_542 : vector<16xi32> to vector<16xf32>
        %swap3A_544 = arith.index_cast %scan3A_218 : i32 to index
        %swap3A_545 = arith.constant 288 : index
        %swap3A_546 = tpu.vector_load %arg9[%swap3A_544, %swap3A_545] {strides = array<i32>} : memref<32x1024xf32, #tpu.memory_space<vmem>>, vector<16xf32>,
        tpu.vector_store %arg9[%swap3A_544, %swap3A_545], %bitcast3A_543 {strides = array<i32>} : memref<32x1024xf32, #tpu.memory_space<vmem>>, vector<16xf32>,
        %and3A_547 = arith.constant -65536 : i32
        %and3A_548 = vector.broadcast %and3A_547 : i32 to vector<16xi32>
        %and3A_549 = arith.andi %get3A_496, %and3A_548 : vector<16xi32>
        %bitcast3A_550 = vector.bitcast %and3A_549 : vector<16xi32> to vector<16xf32>
        %swap3A_551 = arith.index_cast %scan3A_218 : i32 to index
        %swap3A_552 = arith.constant 800 : index
        %swap3A_553 = tpu.vector_load %arg9[%swap3A_551, %swap3A_552] {strides = array<i32>} : memref<32x1024xf32, #tpu.memory_space<vmem>>, vector<16xf32>,
        tpu.vector_store %arg9[%swap3A_551, %swap3A_552], %bitcast3A_550 {strides = array<i32>} : memref<32x1024xf32, #tpu.memory_space<vmem>>, vector<16xf32>,
        %shift_left3A_554 = arith.constant 16 : i32
        %shift_left3A_555 = vector.broadcast %shift_left3A_554 : i32 to vector<16xi32>
        %shift_left3A_556 = arith.shli %get3A_499, %shift_left3A_555 : vector<16xi32>
        %bitcast3A_557 = vector.bitcast %shift_left3A_556 : vector<16xi32> to vector<16xf32>
        %swap3A_558 = arith.index_cast %scan3A_218 : i32 to index
        %swap3A_559 = arith.constant 304 : index
        %swap3A_560 = tpu.vector_load %arg9[%swap3A_558, %swap3A_559] {strides = array<i32>} : memref<32x1024xf32, #tpu.memory_space<vmem>>, vector<16xf32>,
        tpu.vector_store %arg9[%swap3A_558, %swap3A_559], %bitcast3A_557 {strides = array<i32>} : memref<32x1024xf32, #tpu.memory_space<vmem>>, vector<16xf32>,
        %and3A_561 = arith.constant -65536 : i32
        %and3A_562 = vector.broadcast %and3A_561 : i32 to vector<16xi32>
        %and3A_563 = arith.andi %get3A_499, %and3A_562 : vector<16xi32>
        %bitcast3A_564 = vector.bitcast %and3A_563 : vector<16xi32> to vector<16xf32>
        %swap3A_565 = arith.index_cast %scan3A_218 : i32 to index
        %swap3A_566 = arith.constant 816 : index
        %swap3A_567 = tpu.vector_load %arg9[%swap3A_565, %swap3A_566] {strides = array<i32>} : memref<32x1024xf32, #tpu.memory_space<vmem>>, vector<16xf32>,
        tpu.vector_store %arg9[%swap3A_565, %swap3A_566], %bitcast3A_564 {strides = array<i32>} : memref<32x1024xf32, #tpu.memory_space<vmem>>, vector<16xf32>,
        %shift_left3A_568 = arith.constant 16 : i32
        %shift_left3A_569 = vector.broadcast %shift_left3A_568 : i32 to vector<16xi32>
        %shift_left3A_570 = arith.shli %get3A_502, %shift_left3A_569 : vector<16xi32>
        %bitcast3A_571 = vector.bitcast %shift_left3A_570 : vector<16xi32> to vector<16xf32>
        %swap3A_572 = arith.index_cast %scan3A_218 : i32 to index
        %swap3A_573 = arith.constant 320 : index
        %swap3A_574 = tpu.vector_load %arg9[%swap3A_572, %swap3A_573] {strides = array<i32>} : memref<32x1024xf32, #tpu.memory_space<vmem>>, vector<16xf32>,
        tpu.vector_store %arg9[%swap3A_572, %swap3A_573], %bitcast3A_571 {strides = array<i32>} : memref<32x1024xf32, #tpu.memory_space<vmem>>, vector<16xf32>,
        %and3A_575 = arith.constant -65536 : i32
        %and3A_576 = vector.broadcast %and3A_575 : i32 to vector<16xi32>
        %and3A_577 = arith.andi %get3A_502, %and3A_576 : vector<16xi32>
        %bitcast3A_578 = vector.bitcast %and3A_577 : vector<16xi32> to vector<16xf32>
        %swap3A_579 = arith.index_cast %scan3A_218 : i32 to index
        %swap3A_580 = arith.constant 832 : index
        %swap3A_581 = tpu.vector_load %arg9[%swap3A_579, %swap3A_580] {strides = array<i32>} : memref<32x1024xf32, #tpu.memory_space<vmem>>, vector<16xf32>,
        tpu.vector_store %arg9[%swap3A_579, %swap3A_580], %bitcast3A_578 {strides = array<i32>} : memref<32x1024xf32, #tpu.memory_space<vmem>>, vector<16xf32>,
        %shift_left3A_582 = arith.constant 16 : i32
        %shift_left3A_583 = vector.broadcast %shift_left3A_582 : i32 to vector<16xi32>
        %shift_left3A_584 = arith.shli %get3A_505, %shift_left3A_583 : vector<16xi32>
        %bitcast3A_585 = vector.bitcast %shift_left3A_584 : vector<16xi32> to vector<16xf32>
        %swap3A_586 = arith.index_cast %scan3A_218 : i32 to index
        %swap3A_587 = arith.constant 336 : index
        %swap3A_588 = tpu.vector_load %arg9[%swap3A_586, %swap3A_587] {strides = array<i32>} : memref<32x1024xf32, #tpu.memory_space<vmem>>, vector<16xf32>,
        tpu.vector_store %arg9[%swap3A_586, %swap3A_587], %bitcast3A_585 {strides = array<i32>} : memref<32x1024xf32, #tpu.memory_space<vmem>>, vector<16xf32>,
        %and3A_589 = arith.constant -65536 : i32
        %and3A_590 = vector.broadcast %and3A_589 : i32 to vector<16xi32>
        %and3A_591 = arith.andi %get3A_505, %and3A_590 : vector<16xi32>
        %bitcast3A_592 = vector.bitcast %and3A_591 : vector<16xi32> to vector<16xf32>
        %swap3A_593 = arith.index_cast %scan3A_218 : i32 to index
        %swap3A_594 = arith.constant 848 : index
        %swap3A_595 = tpu.vector_load %arg9[%swap3A_593, %swap3A_594] {strides = array<i32>} : memref<32x1024xf32, #tpu.memory_space<vmem>>, vector<16xf32>,
        tpu.vector_store %arg9[%swap3A_593, %swap3A_594], %bitcast3A_592 {strides = array<i32>} : memref<32x1024xf32, #tpu.memory_space<vmem>>, vector<16xf32>,
        %shift_left3A_596 = arith.constant 16 : i32
        %shift_left3A_597 = vector.broadcast %shift_left3A_596 : i32 to vector<16xi32>
        %shift_left3A_598 = arith.shli %get3A_508, %shift_left3A_597 : vector<16xi32>
        %bitcast3A_599 = vector.bitcast %shift_left3A_598 : vector<16xi32> to vector<16xf32>
        %swap3A_600 = arith.index_cast %scan3A_218 : i32 to index
        %swap3A_601 = arith.constant 352 : index
        %swap3A_602 = tpu.vector_load %arg9[%swap3A_600, %swap3A_601] {strides = array<i32>} : memref<32x1024xf32, #tpu.memory_space<vmem>>, vector<16xf32>,
        tpu.vector_store %arg9[%swap3A_600, %swap3A_601], %bitcast3A_599 {strides = array<i32>} : memref<32x1024xf32, #tpu.memory_space<vmem>>, vector<16xf32>,
        %and3A_603 = arith.constant -65536 : i32
        %and3A_604 = vector.broadcast %and3A_603 : i32 to vector<16xi32>
        %and3A_605 = arith.andi %get3A_508, %and3A_604 : vector<16xi32>
        %bitcast3A_606 = vector.bitcast %and3A_605 : vector<16xi32> to vector<16xf32>
        %swap3A_607 = arith.index_cast %scan3A_218 : i32 to index
        %swap3A_608 = arith.constant 864 : index
        %swap3A_609 = tpu.vector_load %arg9[%swap3A_607, %swap3A_608] {strides = array<i32>} : memref<32x1024xf32, #tpu.memory_space<vmem>>, vector<16xf32>,
        tpu.vector_store %arg9[%swap3A_607, %swap3A_608], %bitcast3A_606 {strides = array<i32>} : memref<32x1024xf32, #tpu.memory_space<vmem>>, vector<16xf32>,
        %shift_left3A_610 = arith.constant 16 : i32
        %shift_left3A_611 = vector.broadcast %shift_left3A_610 : i32 to vector<16xi32>
        %shift_left3A_612 = arith.shli %get3A_511, %shift_left3A_611 : vector<16xi32>
        %bitcast3A_613 = vector.bitcast %shift_left3A_612 : vector<16xi32> to vector<16xf32>
        %swap3A_614 = arith.index_cast %scan3A_218 : i32 to index
        %swap3A_615 = arith.constant 368 : index
        %swap3A_616 = tpu.vector_load %arg9[%swap3A_614, %swap3A_615] {strides = array<i32>} : memref<32x1024xf32, #tpu.memory_space<vmem>>, vector<16xf32>,
        tpu.vector_store %arg9[%swap3A_614, %swap3A_615], %bitcast3A_613 {strides = array<i32>} : memref<32x1024xf32, #tpu.memory_space<vmem>>, vector<16xf32>,
        %and3A_617 = arith.constant -65536 : i32
        %and3A_618 = vector.broadcast %and3A_617 : i32 to vector<16xi32>
        %and3A_619 = arith.andi %get3A_511, %and3A_618 : vector<16xi32>
        %bitcast3A_620 = vector.bitcast %and3A_619 : vector<16xi32> to vector<16xf32>
        %swap3A_621 = arith.index_cast %scan3A_218 : i32 to index
        %swap3A_622 = arith.constant 880 : index
        %swap3A_623 = tpu.vector_load %arg9[%swap3A_621, %swap3A_622] {strides = array<i32>} : memref<32x1024xf32, #tpu.memory_space<vmem>>, vector<16xf32>,
        tpu.vector_store %arg9[%swap3A_621, %swap3A_622], %bitcast3A_620 {strides = array<i32>} : memref<32x1024xf32, #tpu.memory_space<vmem>>, vector<16xf32>,
        %get3A_624 = arith.index_cast %scan3A_218 : i32 to index
        %get3A_625 = arith.constant 384 : index
        %get3A_626 = tpu.vector_load %arg7[%get3A_624, %get3A_625] {strides = array<i32>} : memref<32x512xi32, #tpu.memory_space<vmem>>, vector<16xi32>,
        %get3A_627 = arith.index_cast %scan3A_218 : i32 to index
        %get3A_628 = arith.constant 400 : index
        %get3A_629 = tpu.vector_load %arg7[%get3A_627, %get3A_628] {strides = array<i32>} : memref<32x512xi32, #tpu.memory_space<vmem>>, vector<16xi32>,
        %get3A_630 = arith.index_cast %scan3A_218 : i32 to index
        %get3A_631 = arith.constant 416 : index
        %get3A_632 = tpu.vector_load %arg7[%get3A_630, %get3A_631] {strides = array<i32>} : memref<32x512xi32, #tpu.memory_space<vmem>>, vector<16xi32>,
        %get3A_633 = arith.index_cast %scan3A_218 : i32 to index
        %get3A_634 = arith.constant 432 : index
        %get3A_635 = tpu.vector_load %arg7[%get3A_633, %get3A_634] {strides = array<i32>} : memref<32x512xi32, #tpu.memory_space<vmem>>, vector<16xi32>,
        %get3A_636 = arith.index_cast %scan3A_218 : i32 to index
        %get3A_637 = arith.constant 448 : index
        %get3A_638 = tpu.vector_load %arg7[%get3A_636, %get3A_637] {strides = array<i32>} : memref<32x512xi32, #tpu.memory_space<vmem>>, vector<16xi32>,
        %get3A_639 = arith.index_cast %scan3A_218 : i32 to index
        %get3A_640 = arith.constant 464 : index
        %get3A_641 = tpu.vector_load %arg7[%get3A_639, %get3A_640] {strides = array<i32>} : memref<32x512xi32, #tpu.memory_space<vmem>>, vector<16xi32>,
        %get3A_642 = arith.index_cast %scan3A_218 : i32 to index
        %get3A_643 = arith.constant 480 : index
        %get3A_644 = tpu.vector_load %arg7[%get3A_642, %get3A_643] {strides = array<i32>} : memref<32x512xi32, #tpu.memory_space<vmem>>, vector<16xi32>,
        %get3A_645 = arith.index_cast %scan3A_218 : i32 to index
        %get3A_646 = arith.constant 496 : index
        %get3A_647 = tpu.vector_load %arg7[%get3A_645, %get3A_646] {strides = array<i32>} : memref<32x512xi32, #tpu.memory_space<vmem>>, vector<16xi32>,
        %shift_left3A_648 = arith.constant 16 : i32
        %shift_left3A_649 = vector.broadcast %shift_left3A_648 : i32 to vector<16xi32>
        %shift_left3A_650 = arith.shli %get3A_626, %shift_left3A_649 : vector<16xi32>
        %bitcast3A_651 = vector.bitcast %shift_left3A_650 : vector<16xi32> to vector<16xf32>
        %swap3A_652 = arith.index_cast %scan3A_218 : i32 to index
        %swap3A_653 = arith.constant 384 : index
        %swap3A_654 = tpu.vector_load %arg9[%swap3A_652, %swap3A_653] {strides = array<i32>} : memref<32x1024xf32, #tpu.memory_space<vmem>>, vector<16xf32>,
        tpu.vector_store %arg9[%swap3A_652, %swap3A_653], %bitcast3A_651 {strides = array<i32>} : memref<32x1024xf32, #tpu.memory_space<vmem>>, vector<16xf32>,
        %and3A_655 = arith.constant -65536 : i32
        %and3A_656 = vector.broadcast %and3A_655 : i32 to vector<16xi32>
        %and3A_657 = arith.andi %get3A_626, %and3A_656 : vector<16xi32>
        %bitcast3A_658 = vector.bitcast %and3A_657 : vector<16xi32> to vector<16xf32>
        %swap3A_659 = arith.index_cast %scan3A_218 : i32 to index
        %swap3A_660 = arith.constant 896 : index
        %swap3A_661 = tpu.vector_load %arg9[%swap3A_659, %swap3A_660] {strides = array<i32>} : memref<32x1024xf32, #tpu.memory_space<vmem>>, vector<16xf32>,
        tpu.vector_store %arg9[%swap3A_659, %swap3A_660], %bitcast3A_658 {strides = array<i32>} : memref<32x1024xf32, #tpu.memory_space<vmem>>, vector<16xf32>,
        %shift_left3A_662 = arith.constant 16 : i32
        %shift_left3A_663 = vector.broadcast %shift_left3A_662 : i32 to vector<16xi32>
        %shift_left3A_664 = arith.shli %get3A_629, %shift_left3A_663 : vector<16xi32>
        %bitcast3A_665 = vector.bitcast %shift_left3A_664 : vector<16xi32> to vector<16xf32>
        %swap3A_666 = arith.index_cast %scan3A_218 : i32 to index
        %swap3A_667 = arith.constant 400 : index
        %swap3A_668 = tpu.vector_load %arg9[%swap3A_666, %swap3A_667] {strides = array<i32>} : memref<32x1024xf32, #tpu.memory_space<vmem>>, vector<16xf32>,
        tpu.vector_store %arg9[%swap3A_666, %swap3A_667], %bitcast3A_665 {strides = array<i32>} : memref<32x1024xf32, #tpu.memory_space<vmem>>, vector<16xf32>,
        %and3A_669 = arith.constant -65536 : i32
        %and3A_670 = vector.broadcast %and3A_669 : i32 to vector<16xi32>
        %and3A_671 = arith.andi %get3A_629, %and3A_670 : vector<16xi32>
        %bitcast3A_672 = vector.bitcast %and3A_671 : vector<16xi32> to vector<16xf32>
        %swap3A_673 = arith.index_cast %scan3A_218 : i32 to index
        %swap3A_674 = arith.constant 912 : index
        %swap3A_675 = tpu.vector_load %arg9[%swap3A_673, %swap3A_674] {strides = array<i32>} : memref<32x1024xf32, #tpu.memory_space<vmem>>, vector<16xf32>,
        tpu.vector_store %arg9[%swap3A_673, %swap3A_674], %bitcast3A_672 {strides = array<i32>} : memref<32x1024xf32, #tpu.memory_space<vmem>>, vector<16xf32>,
        %shift_left3A_676 = arith.constant 16 : i32
        %shift_left3A_677 = vector.broadcast %shift_left3A_676 : i32 to vector<16xi32>
        %shift_left3A_678 = arith.shli %get3A_632, %shift_left3A_677 : vector<16xi32>
        %bitcast3A_679 = vector.bitcast %shift_left3A_678 : vector<16xi32> to vector<16xf32>
        %swap3A_680 = arith.index_cast %scan3A_218 : i32 to index
        %swap3A_681 = arith.constant 416 : index
        %swap3A_682 = tpu.vector_load %arg9[%swap3A_680, %swap3A_681] {strides = array<i32>} : memref<32x1024xf32, #tpu.memory_space<vmem>>, vector<16xf32>,
        tpu.vector_store %arg9[%swap3A_680, %swap3A_681], %bitcast3A_679 {strides = array<i32>} : memref<32x1024xf32, #tpu.memory_space<vmem>>, vector<16xf32>,
        %and3A_683 = arith.constant -65536 : i32
        %and3A_684 = vector.broadcast %and3A_683 : i32 to vector<16xi32>
        %and3A_685 = arith.andi %get3A_632, %and3A_684 : vector<16xi32>
        %bitcast3A_686 = vector.bitcast %and3A_685 : vector<16xi32> to vector<16xf32>
        %swap3A_687 = arith.index_cast %scan3A_218 : i32 to index
        %swap3A_688 = arith.constant 928 : index
        %swap3A_689 = tpu.vector_load %arg9[%swap3A_687, %swap3A_688] {strides = array<i32>} : memref<32x1024xf32, #tpu.memory_space<vmem>>, vector<16xf32>,
        tpu.vector_store %arg9[%swap3A_687, %swap3A_688], %bitcast3A_686 {strides = array<i32>} : memref<32x1024xf32, #tpu.memory_space<vmem>>, vector<16xf32>,
        %shift_left3A_690 = arith.constant 16 : i32
        %shift_left3A_691 = vector.broadcast %shift_left3A_690 : i32 to vector<16xi32>
        %shift_left3A_692 = arith.shli %get3A_635, %shift_left3A_691 : vector<16xi32>
        %bitcast3A_693 = vector.bitcast %shift_left3A_692 : vector<16xi32> to vector<16xf32>
        %swap3A_694 = arith.index_cast %scan3A_218 : i32 to index
        %swap3A_695 = arith.constant 432 : index
        %swap3A_696 = tpu.vector_load %arg9[%swap3A_694, %swap3A_695] {strides = array<i32>} : memref<32x1024xf32, #tpu.memory_space<vmem>>, vector<16xf32>,
        tpu.vector_store %arg9[%swap3A_694, %swap3A_695], %bitcast3A_693 {strides = array<i32>} : memref<32x1024xf32, #tpu.memory_space<vmem>>, vector<16xf32>,
        %and3A_697 = arith.constant -65536 : i32
        %and3A_698 = vector.broadcast %and3A_697 : i32 to vector<16xi32>
        %and3A_699 = arith.andi %get3A_635, %and3A_698 : vector<16xi32>
        %bitcast3A_700 = vector.bitcast %and3A_699 : vector<16xi32> to vector<16xf32>
        %swap3A_701 = arith.index_cast %scan3A_218 : i32 to index
        %swap3A_702 = arith.constant 944 : index
        %swap3A_703 = tpu.vector_load %arg9[%swap3A_701, %swap3A_702] {strides = array<i32>} : memref<32x1024xf32, #tpu.memory_space<vmem>>, vector<16xf32>,
        tpu.vector_store %arg9[%swap3A_701, %swap3A_702], %bitcast3A_700 {strides = array<i32>} : memref<32x1024xf32, #tpu.memory_space<vmem>>, vector<16xf32>,
        %shift_left3A_704 = arith.constant 16 : i32
        %shift_left3A_705 = vector.broadcast %shift_left3A_704 : i32 to vector<16xi32>
        %shift_left3A_706 = arith.shli %get3A_638, %shift_left3A_705 : vector<16xi32>
        %bitcast3A_707 = vector.bitcast %shift_left3A_706 : vector<16xi32> to vector<16xf32>
        %swap3A_708 = arith.index_cast %scan3A_218 : i32 to index
        %swap3A_709 = arith.constant 448 : index
        %swap3A_710 = tpu.vector_load %arg9[%swap3A_708, %swap3A_709] {strides = array<i32>} : memref<32x1024xf32, #tpu.memory_space<vmem>>, vector<16xf32>,
        tpu.vector_store %arg9[%swap3A_708, %swap3A_709], %bitcast3A_707 {strides = array<i32>} : memref<32x1024xf32, #tpu.memory_space<vmem>>, vector<16xf32>,
        %and3A_711 = arith.constant -65536 : i32
        %and3A_712 = vector.broadcast %and3A_711 : i32 to vector<16xi32>
        %and3A_713 = arith.andi %get3A_638, %and3A_712 : vector<16xi32>
        %bitcast3A_714 = vector.bitcast %and3A_713 : vector<16xi32> to vector<16xf32>
        %swap3A_715 = arith.index_cast %scan3A_218 : i32 to index
        %swap3A_716 = arith.constant 960 : index
        %swap3A_717 = tpu.vector_load %arg9[%swap3A_715, %swap3A_716] {strides = array<i32>} : memref<32x1024xf32, #tpu.memory_space<vmem>>, vector<16xf32>,
        tpu.vector_store %arg9[%swap3A_715, %swap3A_716], %bitcast3A_714 {strides = array<i32>} : memref<32x1024xf32, #tpu.memory_space<vmem>>, vector<16xf32>,
        %shift_left3A_718 = arith.constant 16 : i32
        %shift_left3A_719 = vector.broadcast %shift_left3A_718 : i32 to vector<16xi32>
        %shift_left3A_720 = arith.shli %get3A_641, %shift_left3A_719 : vector<16xi32>
        %bitcast3A_721 = vector.bitcast %shift_left3A_720 : vector<16xi32> to vector<16xf32>
        %swap3A_722 = arith.index_cast %scan3A_218 : i32 to index
        %swap3A_723 = arith.constant 464 : index
        %swap3A_724 = tpu.vector_load %arg9[%swap3A_722, %swap3A_723] {strides = array<i32>} : memref<32x1024xf32, #tpu.memory_space<vmem>>, vector<16xf32>,
        tpu.vector_store %arg9[%swap3A_722, %swap3A_723], %bitcast3A_721 {strides = array<i32>} : memref<32x1024xf32, #tpu.memory_space<vmem>>, vector<16xf32>,
        %and3A_725 = arith.constant -65536 : i32
        %and3A_726 = vector.broadcast %and3A_725 : i32 to vector<16xi32>
        %and3A_727 = arith.andi %get3A_641, %and3A_726 : vector<16xi32>
        %bitcast3A_728 = vector.bitcast %and3A_727 : vector<16xi32> to vector<16xf32>
        %swap3A_729 = arith.index_cast %scan3A_218 : i32 to index
        %swap3A_730 = arith.constant 976 : index
        %swap3A_731 = tpu.vector_load %arg9[%swap3A_729, %swap3A_730] {strides = array<i32>} : memref<32x1024xf32, #tpu.memory_space<vmem>>, vector<16xf32>,
        tpu.vector_store %arg9[%swap3A_729, %swap3A_730], %bitcast3A_728 {strides = array<i32>} : memref<32x1024xf32, #tpu.memory_space<vmem>>, vector<16xf32>,
        %shift_left3A_732 = arith.constant 16 : i32
        %shift_left3A_733 = vector.broadcast %shift_left3A_732 : i32 to vector<16xi32>
        %shift_left3A_734 = arith.shli %get3A_644, %shift_left3A_733 : vector<16xi32>
        %bitcast3A_735 = vector.bitcast %shift_left3A_734 : vector<16xi32> to vector<16xf32>
        %swap3A_736 = arith.index_cast %scan3A_218 : i32 to index
        %swap3A_737 = arith.constant 480 : index
        %swap3A_738 = tpu.vector_load %arg9[%swap3A_736, %swap3A_737] {strides = array<i32>} : memref<32x1024xf32, #tpu.memory_space<vmem>>, vector<16xf32>,
        tpu.vector_store %arg9[%swap3A_736, %swap3A_737], %bitcast3A_735 {strides = array<i32>} : memref<32x1024xf32, #tpu.memory_space<vmem>>, vector<16xf32>,
        %and3A_739 = arith.constant -65536 : i32
        %and3A_740 = vector.broadcast %and3A_739 : i32 to vector<16xi32>
        %and3A_741 = arith.andi %get3A_644, %and3A_740 : vector<16xi32>
        %bitcast3A_742 = vector.bitcast %and3A_741 : vector<16xi32> to vector<16xf32>
        %swap3A_743 = arith.index_cast %scan3A_218 : i32 to index
        %swap3A_744 = arith.constant 992 : index
        %swap3A_745 = tpu.vector_load %arg9[%swap3A_743, %swap3A_744] {strides = array<i32>} : memref<32x1024xf32, #tpu.memory_space<vmem>>, vector<16xf32>,
        tpu.vector_store %arg9[%swap3A_743, %swap3A_744], %bitcast3A_742 {strides = array<i32>} : memref<32x1024xf32, #tpu.memory_space<vmem>>, vector<16xf32>,
        %shift_left3A_746 = arith.constant 16 : i32
        %shift_left3A_747 = vector.broadcast %shift_left3A_746 : i32 to vector<16xi32>
        %shift_left3A_748 = arith.shli %get3A_647, %shift_left3A_747 : vector<16xi32>
        %bitcast3A_749 = vector.bitcast %shift_left3A_748 : vector<16xi32> to vector<16xf32>
        %swap3A_750 = arith.index_cast %scan3A_218 : i32 to index
        %swap3A_751 = arith.constant 496 : index
        %swap3A_752 = tpu.vector_load %arg9[%swap3A_750, %swap3A_751] {strides = array<i32>} : memref<32x1024xf32, #tpu.memory_space<vmem>>, vector<16xf32>,
        tpu.vector_store %arg9[%swap3A_750, %swap3A_751], %bitcast3A_749 {strides = array<i32>} : memref<32x1024xf32, #tpu.memory_space<vmem>>, vector<16xf32>,
        %and3A_753 = arith.constant -65536 : i32
        %and3A_754 = vector.broadcast %and3A_753 : i32 to vector<16xi32>
        %and3A_755 = arith.andi %get3A_647, %and3A_754 : vector<16xi32>
        %bitcast3A_756 = vector.bitcast %and3A_755 : vector<16xi32> to vector<16xf32>
        %swap3A_757 = arith.index_cast %scan3A_218 : i32 to index
        %swap3A_758 = arith.constant 1008 : index
        %swap3A_759 = tpu.vector_load %arg9[%swap3A_757, %swap3A_758] {strides = array<i32>} : memref<32x1024xf32, #tpu.memory_space<vmem>>, vector<16xf32>,
        tpu.vector_store %arg9[%swap3A_757, %swap3A_758], %bitcast3A_756 {strides = array<i32>} : memref<32x1024xf32, #tpu.memory_space<vmem>>, vector<16xf32>,
      }
      %scan3A_164 = arith.constant 32 : i32
      %add3A_165 = arith.constant 2 : i32
      %add3A_166 = arith.addi %add3A_144, %add3A_165 : i32
      %mul3A_167 = arith.constant 32 : i32
      %mul3A_168 = arith.muli %add3A_166, %mul3A_167 : i32
      %dma_start3A_169 = tpu.memref_slice %arg6[%mul3A_168] : memref<1024xi32, #tpu.memory_space<vmem>> -> memref<32xi32, #tpu.memory_space<vmem>>
      %dma_start3A_170 = arith.constant 0 : i32
      %dma_start3A_171 = arith.constant 0 : i32
      %dma_start3A_172 = tpu.memref_slice %arg3[%dma_start3A_170, %dma_start3A_171] : memref<3072x512xi32, #tpu.memory_space<hbm>> -> memref<3072x512xi32, #tpu.memory_space<hbm>>
      tpu.enqueue_indirect_dma source(%dma_start3A_172 : memref<3072x512xi32, #tpu.memory_space<hbm>>) target(%arg7 : memref<32x512xi32, #tpu.memory_space<vmem>>) offsets(%dma_start3A_169 : memref<32xi32, #tpu.memory_space<vmem>>) semaphore(%arg11 : memref<!tpu.dma_semaphore, #tpu.memory_space<semaphore_mem>>)
      %mul3A_173 = arith.constant 32 : i32
      %mul3A_174 = arith.muli %add3A_144, %mul3A_173 : i32
      %add3A_175 = arith.addi %mul3A_2, %mul3A_174 : i32
      %dma_start3A_176 = arith.constant 0 : i32
      %dma_start3A_177 = tpu.memref_slice %arg4[%add3A_175, %dma_start3A_176] : memref<32768x1024xf32, #tpu.memory_space<hbm>> -> memref<32x1024xf32, #tpu.memory_space<hbm>>
      %dma_start3A_178 = arith.constant 0 : i32
      %dma_start3A_179 = tpu.memref_slice %arg4[%add3A_175, %dma_start3A_178] : memref<32768x1024xf32, #tpu.memory_space<hbm>> -> memref<32x1024xf32, #tpu.memory_space<hbm>>
      tpu.enqueue_dma source(%arg9 : memref<32x1024xf32, #tpu.memory_space<vmem>>) target(%dma_start3A_179 : memref<32x1024xf32, #tpu.memory_space<hbm>>) target_semaphore(%arg13 : memref<!tpu.dma_semaphore, #tpu.memory_space<semaphore_mem>>)
      %add3A_180 = arith.constant 1 : i32
      %add3A_181 = arith.addi %add3A_142, %add3A_180 : i32
      %mul3A_182 = arith.constant 32 : i32
      %mul3A_183 = arith.muli %add3A_181, %mul3A_182 : i32
      %dma_wait3A_184 = tpu.memref_slice %arg6[%mul3A_183] : memref<1024xi32, #tpu.memory_space<vmem>> -> memref<32xi32, #tpu.memory_space<vmem>>
      %dma_wait3A_185 = arith.constant 0 : i32
      %dma_wait3A_186 = arith.constant 0 : i32
      %dma_wait3A_187 = tpu.memref_slice %arg3[%dma_wait3A_185, %dma_wait3A_186] : memref<3072x512xi32, #tpu.memory_space<hbm>> -> memref<3072x512xi32, #tpu.memory_space<hbm>>
      tpu.wait_indirect_dma semaphore(%arg12 : memref<!tpu.dma_semaphore, #tpu.memory_space<semaphore_mem>>) src(%dma_wait3A_187 : memref<3072x512xi32, #tpu.memory_space<hbm>>) dst(%arg8 : memref<32x512xi32, #tpu.memory_space<vmem>>)
      %sub3A_188 = arith.constant 2 : i32
      %sub3A_189 = arith.subi %add3A_181, %sub3A_188 : i32
      %mul3A_190 = arith.constant 32 : i32
      %mul3A_191 = arith.muli %sub3A_189, %mul3A_190 : i32
      %add3A_192 = arith.addi %mul3A_2, %mul3A_191 : i32
      %dma_wait3A_193 = arith.constant 0 : i32
      %dma_wait3A_194 = tpu.memref_slice %arg4[%add3A_192, %dma_wait3A_193] : memref<32768x1024xf32, #tpu.memory_space<hbm>> -> memref<32x1024xf32, #tpu.memory_space<hbm>>
      %dma_wait3A_195 = arith.constant 0 : i32
      %dma_wait3A_196 = tpu.memref_slice %arg4[%add3A_192, %dma_wait3A_195] : memref<32768x1024xf32, #tpu.memory_space<hbm>> -> memref<32x1024xf32, #tpu.memory_space<hbm>>
      tpu.wait_dma2 semaphore(%arg14 : memref<!tpu.dma_semaphore, #tpu.memory_space<semaphore_mem>>) src(%arg10 : memref<32x1024xf32, #tpu.memory_space<vmem>>) dst(%dma_wait3A_196 : memref<32x1024xf32, #tpu.memory_space<hbm>>)
      %scan3A_197 = arith.constant 0 : i32
      %scan3A_198 = arith.constant 0 : i32
      %scan3A_199 = arith.constant 32 : i32
      %scan3A_200 = arith.addi %scan3A_198, %scan3A_199 : i32
      %scan3A_201 = arith.constant 1 : i32
      scf.for %scan3A_218 = %scan3A_198 to %scan3A_200 step %scan3A_201  : i32 {
        %get3A = arith.index_cast %scan3A_218 : i32 to index
        %get3A_219 = arith.constant 0 : index
        %get3A_220 = tpu.vector_load %arg8[%get3A, %get3A_219] {strides = array<i32>} : memref<32x512xi32, #tpu.memory_space<vmem>>, vector<16xi32>,
        %get3A_221 = arith.index_cast %scan3A_218 : i32 to index
        %get3A_222 = arith.constant 16 : index
        %get3A_223 = tpu.vector_load %arg8[%get3A_221, %get3A_222] {strides = array<i32>} : memref<32x512xi32, #tpu.memory_space<vmem>>, vector<16xi32>,
        %get3A_224 = arith.index_cast %scan3A_218 : i32 to index
        %get3A_225 = arith.constant 32 : index
        %get3A_226 = tpu.vector_load %arg8[%get3A_224, %get3A_225] {strides = array<i32>} : memref<32x512xi32, #tpu.memory_space<vmem>>, vector<16xi32>,
        %get3A_227 = arith.index_cast %scan3A_218 : i32 to index
        %get3A_228 = arith.constant 48 : index
        %get3A_229 = tpu.vector_load %arg8[%get3A_227, %get3A_228] {strides = array<i32>} : memref<32x512xi32, #tpu.memory_space<vmem>>, vector<16xi32>,
        %get3A_230 = arith.index_cast %scan3A_218 : i32 to index
        %get3A_231 = arith.constant 64 : index
        %get3A_232 = tpu.vector_load %arg8[%get3A_230, %get3A_231] {strides = array<i32>} : memref<32x512xi32, #tpu.memory_space<vmem>>, vector<16xi32>,
        %get3A_233 = arith.index_cast %scan3A_218 : i32 to index
        %get3A_234 = arith.constant 80 : index
        %get3A_235 = tpu.vector_load %arg8[%get3A_233, %get3A_234] {strides = array<i32>} : memref<32x512xi32, #tpu.memory_space<vmem>>, vector<16xi32>,
        %get3A_236 = arith.index_cast %scan3A_218 : i32 to index
        %get3A_237 = arith.constant 96 : index
        %get3A_238 = tpu.vector_load %arg8[%get3A_236, %get3A_237] {strides = array<i32>} : memref<32x512xi32, #tpu.memory_space<vmem>>, vector<16xi32>,
        %get3A_239 = arith.index_cast %scan3A_218 : i32 to index
        %get3A_240 = arith.constant 112 : index
        %get3A_241 = tpu.vector_load %arg8[%get3A_239, %get3A_240] {strides = array<i32>} : memref<32x512xi32, #tpu.memory_space<vmem>>, vector<16xi32>,
        %shift_left3A = arith.constant 16 : i32
        %shift_left3A_242 = vector.broadcast %shift_left3A : i32 to vector<16xi32>
        %shift_left3A_243 = arith.shli %get3A_220, %shift_left3A_242 : vector<16xi32>
        %bitcast3A = vector.bitcast %shift_left3A_243 : vector<16xi32> to vector<16xf32>
        %swap3A_244 = arith.index_cast %scan3A_218 : i32 to index
        %swap3A_245 = arith.constant 0 : index
        %swap3A_246 = tpu.vector_load %arg10[%swap3A_244, %swap3A_245] {strides = array<i32>} : memref<32x1024xf32, #tpu.memory_space<vmem>>, vector<16xf32>,
        tpu.vector_store %arg10[%swap3A_244, %swap3A_245], %bitcast3A {strides = array<i32>} : memref<32x1024xf32, #tpu.memory_space<vmem>>, vector<16xf32>,
        %and3A_247 = arith.constant -65536 : i32
        %and3A_248 = vector.broadcast %and3A_247 : i32 to vector<16xi32>
        %and3A_249 = arith.andi %get3A_220, %and3A_248 : vector<16xi32>
        %bitcast3A_250 = vector.bitcast %and3A_249 : vector<16xi32> to vector<16xf32>
        %swap3A_251 = arith.index_cast %scan3A_218 : i32 to index
        %swap3A_252 = arith.constant 512 : index
        %swap3A_253 = tpu.vector_load %arg10[%swap3A_251, %swap3A_252] {strides = array<i32>} : memref<32x1024xf32, #tpu.memory_space<vmem>>, vector<16xf32>,
        tpu.vector_store %arg10[%swap3A_251, %swap3A_252], %bitcast3A_250 {strides = array<i32>} : memref<32x1024xf32, #tpu.memory_space<vmem>>, vector<16xf32>,
        %shift_left3A_254 = arith.constant 16 : i32
        %shift_left3A_255 = vector.broadcast %shift_left3A_254 : i32 to vector<16xi32>
        %shift_left3A_256 = arith.shli %get3A_223, %shift_left3A_255 : vector<16xi32>
        %bitcast3A_257 = vector.bitcast %shift_left3A_256 : vector<16xi32> to vector<16xf32>
        %swap3A_258 = arith.index_cast %scan3A_218 : i32 to index
        %swap3A_259 = arith.constant 16 : index
        %swap3A_260 = tpu.vector_load %arg10[%swap3A_258, %swap3A_259] {strides = array<i32>} : memref<32x1024xf32, #tpu.memory_space<vmem>>, vector<16xf32>,
        tpu.vector_store %arg10[%swap3A_258, %swap3A_259], %bitcast3A_257 {strides = array<i32>} : memref<32x1024xf32, #tpu.memory_space<vmem>>, vector<16xf32>,
        %and3A_261 = arith.constant -65536 : i32
        %and3A_262 = vector.broadcast %and3A_261 : i32 to vector<16xi32>
        %and3A_263 = arith.andi %get3A_223, %and3A_262 : vector<16xi32>
        %bitcast3A_264 = vector.bitcast %and3A_263 : vector<16xi32> to vector<16xf32>
        %swap3A_265 = arith.index_cast %scan3A_218 : i32 to index
        %swap3A_266 = arith.constant 528 : index
        %swap3A_267 = tpu.vector_load %arg10[%swap3A_265, %swap3A_266] {strides = array<i32>} : memref<32x1024xf32, #tpu.memory_space<vmem>>, vector<16xf32>,
        tpu.vector_store %arg10[%swap3A_265, %swap3A_266], %bitcast3A_264 {strides = array<i32>} : memref<32x1024xf32, #tpu.memory_space<vmem>>, vector<16xf32>,
        %shift_left3A_268 = arith.constant 16 : i32
        %shift_left3A_269 = vector.broadcast %shift_left3A_268 : i32 to vector<16xi32>
        %shift_left3A_270 = arith.shli %get3A_226, %shift_left3A_269 : vector<16xi32>
        %bitcast3A_271 = vector.bitcast %shift_left3A_270 : vector<16xi32> to vector<16xf32>
        %swap3A_272 = arith.index_cast %scan3A_218 : i32 to index
        %swap3A_273 = arith.constant 32 : index
        %swap3A_274 = tpu.vector_load %arg10[%swap3A_272, %swap3A_273] {strides = array<i32>} : memref<32x1024xf32, #tpu.memory_space<vmem>>, vector<16xf32>,
        tpu.vector_store %arg10[%swap3A_272, %swap3A_273], %bitcast3A_271 {strides = array<i32>} : memref<32x1024xf32, #tpu.memory_space<vmem>>, vector<16xf32>,
        %and3A_275 = arith.constant -65536 : i32
        %and3A_276 = vector.broadcast %and3A_275 : i32 to vector<16xi32>
        %and3A_277 = arith.andi %get3A_226, %and3A_276 : vector<16xi32>
        %bitcast3A_278 = vector.bitcast %and3A_277 : vector<16xi32> to vector<16xf32>
        %swap3A_279 = arith.index_cast %scan3A_218 : i32 to index
        %swap3A_280 = arith.constant 544 : index
        %swap3A_281 = tpu.vector_load %arg10[%swap3A_279, %swap3A_280] {strides = array<i32>} : memref<32x1024xf32, #tpu.memory_space<vmem>>, vector<16xf32>,
        tpu.vector_store %arg10[%swap3A_279, %swap3A_280], %bitcast3A_278 {strides = array<i32>} : memref<32x1024xf32, #tpu.memory_space<vmem>>, vector<16xf32>,
        %shift_left3A_282 = arith.constant 16 : i32
        %shift_left3A_283 = vector.broadcast %shift_left3A_282 : i32 to vector<16xi32>
        %shift_left3A_284 = arith.shli %get3A_229, %shift_left3A_283 : vector<16xi32>
        %bitcast3A_285 = vector.bitcast %shift_left3A_284 : vector<16xi32> to vector<16xf32>
        %swap3A_286 = arith.index_cast %scan3A_218 : i32 to index
        %swap3A_287 = arith.constant 48 : index
        %swap3A_288 = tpu.vector_load %arg10[%swap3A_286, %swap3A_287] {strides = array<i32>} : memref<32x1024xf32, #tpu.memory_space<vmem>>, vector<16xf32>,
        tpu.vector_store %arg10[%swap3A_286, %swap3A_287], %bitcast3A_285 {strides = array<i32>} : memref<32x1024xf32, #tpu.memory_space<vmem>>, vector<16xf32>,
        %and3A_289 = arith.constant -65536 : i32
        %and3A_290 = vector.broadcast %and3A_289 : i32 to vector<16xi32>
        %and3A_291 = arith.andi %get3A_229, %and3A_290 : vector<16xi32>
        %bitcast3A_292 = vector.bitcast %and3A_291 : vector<16xi32> to vector<16xf32>
        %swap3A_293 = arith.index_cast %scan3A_218 : i32 to index
        %swap3A_294 = arith.constant 560 : index
        %swap3A_295 = tpu.vector_load %arg10[%swap3A_293, %swap3A_294] {strides = array<i32>} : memref<32x1024xf32, #tpu.memory_space<vmem>>, vector<16xf32>,
        tpu.vector_store %arg10[%swap3A_293, %swap3A_294], %bitcast3A_292 {strides = array<i32>} : memref<32x1024xf32, #tpu.memory_space<vmem>>, vector<16xf32>,
        %shift_left3A_296 = arith.constant 16 : i32
        %shift_left3A_297 = vector.broadcast %shift_left3A_296 : i32 to vector<16xi32>
        %shift_left3A_298 = arith.shli %get3A_232, %shift_left3A_297 : vector<16xi32>
        %bitcast3A_299 = vector.bitcast %shift_left3A_298 : vector<16xi32> to vector<16xf32>
        %swap3A_300 = arith.index_cast %scan3A_218 : i32 to index
        %swap3A_301 = arith.constant 64 : index
        %swap3A_302 = tpu.vector_load %arg10[%swap3A_300, %swap3A_301] {strides = array<i32>} : memref<32x1024xf32, #tpu.memory_space<vmem>>, vector<16xf32>,
        tpu.vector_store %arg10[%swap3A_300, %swap3A_301], %bitcast3A_299 {strides = array<i32>} : memref<32x1024xf32, #tpu.memory_space<vmem>>, vector<16xf32>,
        %and3A_303 = arith.constant -65536 : i32
        %and3A_304 = vector.broadcast %and3A_303 : i32 to vector<16xi32>
        %and3A_305 = arith.andi %get3A_232, %and3A_304 : vector<16xi32>
        %bitcast3A_306 = vector.bitcast %and3A_305 : vector<16xi32> to vector<16xf32>
        %swap3A_307 = arith.index_cast %scan3A_218 : i32 to index
        %swap3A_308 = arith.constant 576 : index
        %swap3A_309 = tpu.vector_load %arg10[%swap3A_307, %swap3A_308] {strides = array<i32>} : memref<32x1024xf32, #tpu.memory_space<vmem>>, vector<16xf32>,
        tpu.vector_store %arg10[%swap3A_307, %swap3A_308], %bitcast3A_306 {strides = array<i32>} : memref<32x1024xf32, #tpu.memory_space<vmem>>, vector<16xf32>,
        %shift_left3A_310 = arith.constant 16 : i32
        %shift_left3A_311 = vector.broadcast %shift_left3A_310 : i32 to vector<16xi32>
        %shift_left3A_312 = arith.shli %get3A_235, %shift_left3A_311 : vector<16xi32>
        %bitcast3A_313 = vector.bitcast %shift_left3A_312 : vector<16xi32> to vector<16xf32>
        %swap3A_314 = arith.index_cast %scan3A_218 : i32 to index
        %swap3A_315 = arith.constant 80 : index
        %swap3A_316 = tpu.vector_load %arg10[%swap3A_314, %swap3A_315] {strides = array<i32>} : memref<32x1024xf32, #tpu.memory_space<vmem>>, vector<16xf32>,
        tpu.vector_store %arg10[%swap3A_314, %swap3A_315], %bitcast3A_313 {strides = array<i32>} : memref<32x1024xf32, #tpu.memory_space<vmem>>, vector<16xf32>,
        %and3A_317 = arith.constant -65536 : i32
        %and3A_318 = vector.broadcast %and3A_317 : i32 to vector<16xi32>
        %and3A_319 = arith.andi %get3A_235, %and3A_318 : vector<16xi32>
        %bitcast3A_320 = vector.bitcast %and3A_319 : vector<16xi32> to vector<16xf32>
        %swap3A_321 = arith.index_cast %scan3A_218 : i32 to index
        %swap3A_322 = arith.constant 592 : index
        %swap3A_323 = tpu.vector_load %arg10[%swap3A_321, %swap3A_322] {strides = array<i32>} : memref<32x1024xf32, #tpu.memory_space<vmem>>, vector<16xf32>,
        tpu.vector_store %arg10[%swap3A_321, %swap3A_322], %bitcast3A_320 {strides = array<i32>} : memref<32x1024xf32, #tpu.memory_space<vmem>>, vector<16xf32>,
        %shift_left3A_324 = arith.constant 16 : i32
        %shift_left3A_325 = vector.broadcast %shift_left3A_324 : i32 to vector<16xi32>
        %shift_left3A_326 = arith.shli %get3A_238, %shift_left3A_325 : vector<16xi32>
        %bitcast3A_327 = vector.bitcast %shift_left3A_326 : vector<16xi32> to vector<16xf32>
        %swap3A_328 = arith.index_cast %scan3A_218 : i32 to index
        %swap3A_329 = arith.constant 96 : index
        %swap3A_330 = tpu.vector_load %arg10[%swap3A_328, %swap3A_329] {strides = array<i32>} : memref<32x1024xf32, #tpu.memory_space<vmem>>, vector<16xf32>,
        tpu.vector_store %arg10[%swap3A_328, %swap3A_329], %bitcast3A_327 {strides = array<i32>} : memref<32x1024xf32, #tpu.memory_space<vmem>>, vector<16xf32>,
        %and3A_331 = arith.constant -65536 : i32
        %and3A_332 = vector.broadcast %and3A_331 : i32 to vector<16xi32>
        %and3A_333 = arith.andi %get3A_238, %and3A_332 : vector<16xi32>
        %bitcast3A_334 = vector.bitcast %and3A_333 : vector<16xi32> to vector<16xf32>
        %swap3A_335 = arith.index_cast %scan3A_218 : i32 to index
        %swap3A_336 = arith.constant 608 : index
        %swap3A_337 = tpu.vector_load %arg10[%swap3A_335, %swap3A_336] {strides = array<i32>} : memref<32x1024xf32, #tpu.memory_space<vmem>>, vector<16xf32>,
        tpu.vector_store %arg10[%swap3A_335, %swap3A_336], %bitcast3A_334 {strides = array<i32>} : memref<32x1024xf32, #tpu.memory_space<vmem>>, vector<16xf32>,
        %shift_left3A_338 = arith.constant 16 : i32
        %shift_left3A_339 = vector.broadcast %shift_left3A_338 : i32 to vector<16xi32>
        %shift_left3A_340 = arith.shli %get3A_241, %shift_left3A_339 : vector<16xi32>
        %bitcast3A_341 = vector.bitcast %shift_left3A_340 : vector<16xi32> to vector<16xf32>
        %swap3A_342 = arith.index_cast %scan3A_218 : i32 to index
        %swap3A_343 = arith.constant 112 : index
        %swap3A_344 = tpu.vector_load %arg10[%swap3A_342, %swap3A_343] {strides = array<i32>} : memref<32x1024xf32, #tpu.memory_space<vmem>>, vector<16xf32>,
        tpu.vector_store %arg10[%swap3A_342, %swap3A_343], %bitcast3A_341 {strides = array<i32>} : memref<32x1024xf32, #tpu.memory_space<vmem>>, vector<16xf32>,
        %and3A_345 = arith.constant -65536 : i32
        %and3A_346 = vector.broadcast %and3A_345 : i32 to vector<16xi32>
        %and3A_347 = arith.andi %get3A_241, %and3A_346 : vector<16xi32>
        %bitcast3A_348 = vector.bitcast %and3A_347 : vector<16xi32> to vector<16xf32>
        %swap3A_349 = arith.index_cast %scan3A_218 : i32 to index
        %swap3A_350 = arith.constant 624 : index
        %swap3A_351 = tpu.vector_load %arg10[%swap3A_349, %swap3A_350] {strides = array<i32>} : memref<32x1024xf32, #tpu.memory_space<vmem>>, vector<16xf32>,
        tpu.vector_store %arg10[%swap3A_349, %swap3A_350], %bitcast3A_348 {strides = array<i32>} : memref<32x1024xf32, #tpu.memory_space<vmem>>, vector<16xf32>,
        %get3A_352 = arith.index_cast %scan3A_218 : i32 to index
        %get3A_353 = arith.constant 128 : index
        %get3A_354 = tpu.vector_load %arg8[%get3A_352, %get3A_353] {strides = array<i32>} : memref<32x512xi32, #tpu.memory_space<vmem>>, vector<16xi32>,
        %get3A_355 = arith.index_cast %scan3A_218 : i32 to index
        %get3A_356 = arith.constant 144 : index
        %get3A_357 = tpu.vector_load %arg8[%get3A_355, %get3A_356] {strides = array<i32>} : memref<32x512xi32, #tpu.memory_space<vmem>>, vector<16xi32>,
        %get3A_358 = arith.index_cast %scan3A_218 : i32 to index
        %get3A_359 = arith.constant 160 : index
        %get3A_360 = tpu.vector_load %arg8[%get3A_358, %get3A_359] {strides = array<i32>} : memref<32x512xi32, #tpu.memory_space<vmem>>, vector<16xi32>,
        %get3A_361 = arith.index_cast %scan3A_218 : i32 to index
        %get3A_362 = arith.constant 176 : index
        %get3A_363 = tpu.vector_load %arg8[%get3A_361, %get3A_362] {strides = array<i32>} : memref<32x512xi32, #tpu.memory_space<vmem>>, vector<16xi32>,
        %get3A_364 = arith.index_cast %scan3A_218 : i32 to index
        %get3A_365 = arith.constant 192 : index
        %get3A_366 = tpu.vector_load %arg8[%get3A_364, %get3A_365] {strides = array<i32>} : memref<32x512xi32, #tpu.memory_space<vmem>>, vector<16xi32>,
        %get3A_367 = arith.index_cast %scan3A_218 : i32 to index
        %get3A_368 = arith.constant 208 : index
        %get3A_369 = tpu.vector_load %arg8[%get3A_367, %get3A_368] {strides = array<i32>} : memref<32x512xi32, #tpu.memory_space<vmem>>, vector<16xi32>,
        %get3A_370 = arith.index_cast %scan3A_218 : i32 to index
        %get3A_371 = arith.constant 224 : index
        %get3A_372 = tpu.vector_load %arg8[%get3A_370, %get3A_371] {strides = array<i32>} : memref<32x512xi32, #tpu.memory_space<vmem>>, vector<16xi32>,
        %get3A_373 = arith.index_cast %scan3A_218 : i32 to index
        %get3A_374 = arith.constant 240 : index
        %get3A_375 = tpu.vector_load %arg8[%get3A_373, %get3A_374] {strides = array<i32>} : memref<32x512xi32, #tpu.memory_space<vmem>>, vector<16xi32>,
        %shift_left3A_376 = arith.constant 16 : i32
        %shift_left3A_377 = vector.broadcast %shift_left3A_376 : i32 to vector<16xi32>
        %shift_left3A_378 = arith.shli %get3A_354, %shift_left3A_377 : vector<16xi32>
        %bitcast3A_379 = vector.bitcast %shift_left3A_378 : vector<16xi32> to vector<16xf32>
        %swap3A_380 = arith.index_cast %scan3A_218 : i32 to index
        %swap3A_381 = arith.constant 128 : index
        %swap3A_382 = tpu.vector_load %arg10[%swap3A_380, %swap3A_381] {strides = array<i32>} : memref<32x1024xf32, #tpu.memory_space<vmem>>, vector<16xf32>,
        tpu.vector_store %arg10[%swap3A_380, %swap3A_381], %bitcast3A_379 {strides = array<i32>} : memref<32x1024xf32, #tpu.memory_space<vmem>>, vector<16xf32>,
        %and3A_383 = arith.constant -65536 : i32
        %and3A_384 = vector.broadcast %and3A_383 : i32 to vector<16xi32>
        %and3A_385 = arith.andi %get3A_354, %and3A_384 : vector<16xi32>
        %bitcast3A_386 = vector.bitcast %and3A_385 : vector<16xi32> to vector<16xf32>
        %swap3A_387 = arith.index_cast %scan3A_218 : i32 to index
        %swap3A_388 = arith.constant 640 : index
        %swap3A_389 = tpu.vector_load %arg10[%swap3A_387, %swap3A_388] {strides = array<i32>} : memref<32x1024xf32, #tpu.memory_space<vmem>>, vector<16xf32>,
        tpu.vector_store %arg10[%swap3A_387, %swap3A_388], %bitcast3A_386 {strides = array<i32>} : memref<32x1024xf32, #tpu.memory_space<vmem>>, vector<16xf32>,
        %shift_left3A_390 = arith.constant 16 : i32
        %shift_left3A_391 = vector.broadcast %shift_left3A_390 : i32 to vector<16xi32>
        %shift_left3A_392 = arith.shli %get3A_357, %shift_left3A_391 : vector<16xi32>
        %bitcast3A_393 = vector.bitcast %shift_left3A_392 : vector<16xi32> to vector<16xf32>
        %swap3A_394 = arith.index_cast %scan3A_218 : i32 to index
        %swap3A_395 = arith.constant 144 : index
        %swap3A_396 = tpu.vector_load %arg10[%swap3A_394, %swap3A_395] {strides = array<i32>} : memref<32x1024xf32, #tpu.memory_space<vmem>>, vector<16xf32>,
        tpu.vector_store %arg10[%swap3A_394, %swap3A_395], %bitcast3A_393 {strides = array<i32>} : memref<32x1024xf32, #tpu.memory_space<vmem>>, vector<16xf32>,
        %and3A_397 = arith.constant -65536 : i32
        %and3A_398 = vector.broadcast %and3A_397 : i32 to vector<16xi32>
        %and3A_399 = arith.andi %get3A_357, %and3A_398 : vector<16xi32>
        %bitcast3A_400 = vector.bitcast %and3A_399 : vector<16xi32> to vector<16xf32>
        %swap3A_401 = arith.index_cast %scan3A_218 : i32 to index
        %swap3A_402 = arith.constant 656 : index
        %swap3A_403 = tpu.vector_load %arg10[%swap3A_401, %swap3A_402] {strides = array<i32>} : memref<32x1024xf32, #tpu.memory_space<vmem>>, vector<16xf32>,
        tpu.vector_store %arg10[%swap3A_401, %swap3A_402], %bitcast3A_400 {strides = array<i32>} : memref<32x1024xf32, #tpu.memory_space<vmem>>, vector<16xf32>,
        %shift_left3A_404 = arith.constant 16 : i32
        %shift_left3A_405 = vector.broadcast %shift_left3A_404 : i32 to vector<16xi32>
        %shift_left3A_406 = arith.shli %get3A_360, %shift_left3A_405 : vector<16xi32>
        %bitcast3A_407 = vector.bitcast %shift_left3A_406 : vector<16xi32> to vector<16xf32>
        %swap3A_408 = arith.index_cast %scan3A_218 : i32 to index
        %swap3A_409 = arith.constant 160 : index
        %swap3A_410 = tpu.vector_load %arg10[%swap3A_408, %swap3A_409] {strides = array<i32>} : memref<32x1024xf32, #tpu.memory_space<vmem>>, vector<16xf32>,
        tpu.vector_store %arg10[%swap3A_408, %swap3A_409], %bitcast3A_407 {strides = array<i32>} : memref<32x1024xf32, #tpu.memory_space<vmem>>, vector<16xf32>,
        %and3A_411 = arith.constant -65536 : i32
        %and3A_412 = vector.broadcast %and3A_411 : i32 to vector<16xi32>
        %and3A_413 = arith.andi %get3A_360, %and3A_412 : vector<16xi32>
        %bitcast3A_414 = vector.bitcast %and3A_413 : vector<16xi32> to vector<16xf32>
        %swap3A_415 = arith.index_cast %scan3A_218 : i32 to index
        %swap3A_416 = arith.constant 672 : index
        %swap3A_417 = tpu.vector_load %arg10[%swap3A_415, %swap3A_416] {strides = array<i32>} : memref<32x1024xf32, #tpu.memory_space<vmem>>, vector<16xf32>,
        tpu.vector_store %arg10[%swap3A_415, %swap3A_416], %bitcast3A_414 {strides = array<i32>} : memref<32x1024xf32, #tpu.memory_space<vmem>>, vector<16xf32>,
        %shift_left3A_418 = arith.constant 16 : i32
        %shift_left3A_419 = vector.broadcast %shift_left3A_418 : i32 to vector<16xi32>
        %shift_left3A_420 = arith.shli %get3A_363, %shift_left3A_419 : vector<16xi32>
        %bitcast3A_421 = vector.bitcast %shift_left3A_420 : vector<16xi32> to vector<16xf32>
        %swap3A_422 = arith.index_cast %scan3A_218 : i32 to index
        %swap3A_423 = arith.constant 176 : index
        %swap3A_424 = tpu.vector_load %arg10[%swap3A_422, %swap3A_423] {strides = array<i32>} : memref<32x1024xf32, #tpu.memory_space<vmem>>, vector<16xf32>,
        tpu.vector_store %arg10[%swap3A_422, %swap3A_423], %bitcast3A_421 {strides = array<i32>} : memref<32x1024xf32, #tpu.memory_space<vmem>>, vector<16xf32>,
        %and3A_425 = arith.constant -65536 : i32
        %and3A_426 = vector.broadcast %and3A_425 : i32 to vector<16xi32>
        %and3A_427 = arith.andi %get3A_363, %and3A_426 : vector<16xi32>
        %bitcast3A_428 = vector.bitcast %and3A_427 : vector<16xi32> to vector<16xf32>
        %swap3A_429 = arith.index_cast %scan3A_218 : i32 to index
        %swap3A_430 = arith.constant 688 : index
        %swap3A_431 = tpu.vector_load %arg10[%swap3A_429, %swap3A_430] {strides = array<i32>} : memref<32x1024xf32, #tpu.memory_space<vmem>>, vector<16xf32>,
        tpu.vector_store %arg10[%swap3A_429, %swap3A_430], %bitcast3A_428 {strides = array<i32>} : memref<32x1024xf32, #tpu.memory_space<vmem>>, vector<16xf32>,
        %shift_left3A_432 = arith.constant 16 : i32
        %shift_left3A_433 = vector.broadcast %shift_left3A_432 : i32 to vector<16xi32>
        %shift_left3A_434 = arith.shli %get3A_366, %shift_left3A_433 : vector<16xi32>
        %bitcast3A_435 = vector.bitcast %shift_left3A_434 : vector<16xi32> to vector<16xf32>
        %swap3A_436 = arith.index_cast %scan3A_218 : i32 to index
        %swap3A_437 = arith.constant 192 : index
        %swap3A_438 = tpu.vector_load %arg10[%swap3A_436, %swap3A_437] {strides = array<i32>} : memref<32x1024xf32, #tpu.memory_space<vmem>>, vector<16xf32>,
        tpu.vector_store %arg10[%swap3A_436, %swap3A_437], %bitcast3A_435 {strides = array<i32>} : memref<32x1024xf32, #tpu.memory_space<vmem>>, vector<16xf32>,
        %and3A_439 = arith.constant -65536 : i32
        %and3A_440 = vector.broadcast %and3A_439 : i32 to vector<16xi32>
        %and3A_441 = arith.andi %get3A_366, %and3A_440 : vector<16xi32>
        %bitcast3A_442 = vector.bitcast %and3A_441 : vector<16xi32> to vector<16xf32>
        %swap3A_443 = arith.index_cast %scan3A_218 : i32 to index
        %swap3A_444 = arith.constant 704 : index
        %swap3A_445 = tpu.vector_load %arg10[%swap3A_443, %swap3A_444] {strides = array<i32>} : memref<32x1024xf32, #tpu.memory_space<vmem>>, vector<16xf32>,
        tpu.vector_store %arg10[%swap3A_443, %swap3A_444], %bitcast3A_442 {strides = array<i32>} : memref<32x1024xf32, #tpu.memory_space<vmem>>, vector<16xf32>,
        %shift_left3A_446 = arith.constant 16 : i32
        %shift_left3A_447 = vector.broadcast %shift_left3A_446 : i32 to vector<16xi32>
        %shift_left3A_448 = arith.shli %get3A_369, %shift_left3A_447 : vector<16xi32>
        %bitcast3A_449 = vector.bitcast %shift_left3A_448 : vector<16xi32> to vector<16xf32>
        %swap3A_450 = arith.index_cast %scan3A_218 : i32 to index
        %swap3A_451 = arith.constant 208 : index
        %swap3A_452 = tpu.vector_load %arg10[%swap3A_450, %swap3A_451] {strides = array<i32>} : memref<32x1024xf32, #tpu.memory_space<vmem>>, vector<16xf32>,
        tpu.vector_store %arg10[%swap3A_450, %swap3A_451], %bitcast3A_449 {strides = array<i32>} : memref<32x1024xf32, #tpu.memory_space<vmem>>, vector<16xf32>,
        %and3A_453 = arith.constant -65536 : i32
        %and3A_454 = vector.broadcast %and3A_453 : i32 to vector<16xi32>
        %and3A_455 = arith.andi %get3A_369, %and3A_454 : vector<16xi32>
        %bitcast3A_456 = vector.bitcast %and3A_455 : vector<16xi32> to vector<16xf32>
        %swap3A_457 = arith.index_cast %scan3A_218 : i32 to index
        %swap3A_458 = arith.constant 720 : index
        %swap3A_459 = tpu.vector_load %arg10[%swap3A_457, %swap3A_458] {strides = array<i32>} : memref<32x1024xf32, #tpu.memory_space<vmem>>, vector<16xf32>,
        tpu.vector_store %arg10[%swap3A_457, %swap3A_458], %bitcast3A_456 {strides = array<i32>} : memref<32x1024xf32, #tpu.memory_space<vmem>>, vector<16xf32>,
        %shift_left3A_460 = arith.constant 16 : i32
        %shift_left3A_461 = vector.broadcast %shift_left3A_460 : i32 to vector<16xi32>
        %shift_left3A_462 = arith.shli %get3A_372, %shift_left3A_461 : vector<16xi32>
        %bitcast3A_463 = vector.bitcast %shift_left3A_462 : vector<16xi32> to vector<16xf32>
        %swap3A_464 = arith.index_cast %scan3A_218 : i32 to index
        %swap3A_465 = arith.constant 224 : index
        %swap3A_466 = tpu.vector_load %arg10[%swap3A_464, %swap3A_465] {strides = array<i32>} : memref<32x1024xf32, #tpu.memory_space<vmem>>, vector<16xf32>,
        tpu.vector_store %arg10[%swap3A_464, %swap3A_465], %bitcast3A_463 {strides = array<i32>} : memref<32x1024xf32, #tpu.memory_space<vmem>>, vector<16xf32>,
        %and3A_467 = arith.constant -65536 : i32
        %and3A_468 = vector.broadcast %and3A_467 : i32 to vector<16xi32>
        %and3A_469 = arith.andi %get3A_372, %and3A_468 : vector<16xi32>
        %bitcast3A_470 = vector.bitcast %and3A_469 : vector<16xi32> to vector<16xf32>
        %swap3A_471 = arith.index_cast %scan3A_218 : i32 to index
        %swap3A_472 = arith.constant 736 : index
        %swap3A_473 = tpu.vector_load %arg10[%swap3A_471, %swap3A_472] {strides = array<i32>} : memref<32x1024xf32, #tpu.memory_space<vmem>>, vector<16xf32>,
        tpu.vector_store %arg10[%swap3A_471, %swap3A_472], %bitcast3A_470 {strides = array<i32>} : memref<32x1024xf32, #tpu.memory_space<vmem>>, vector<16xf32>,
        %shift_left3A_474 = arith.constant 16 : i32
        %shift_left3A_475 = vector.broadcast %shift_left3A_474 : i32 to vector<16xi32>
        %shift_left3A_476 = arith.shli %get3A_375, %shift_left3A_475 : vector<16xi32>
        %bitcast3A_477 = vector.bitcast %shift_left3A_476 : vector<16xi32> to vector<16xf32>
        %swap3A_478 = arith.index_cast %scan3A_218 : i32 to index
        %swap3A_479 = arith.constant 240 : index
        %swap3A_480 = tpu.vector_load %arg10[%swap3A_478, %swap3A_479] {strides = array<i32>} : memref<32x1024xf32, #tpu.memory_space<vmem>>, vector<16xf32>,
        tpu.vector_store %arg10[%swap3A_478, %swap3A_479], %bitcast3A_477 {strides = array<i32>} : memref<32x1024xf32, #tpu.memory_space<vmem>>, vector<16xf32>,
        %and3A_481 = arith.constant -65536 : i32
        %and3A_482 = vector.broadcast %and3A_481 : i32 to vector<16xi32>
        %and3A_483 = arith.andi %get3A_375, %and3A_482 : vector<16xi32>
        %bitcast3A_484 = vector.bitcast %and3A_483 : vector<16xi32> to vector<16xf32>
        %swap3A_485 = arith.index_cast %scan3A_218 : i32 to index
        %swap3A_486 = arith.constant 752 : index
        %swap3A_487 = tpu.vector_load %arg10[%swap3A_485, %swap3A_486] {strides = array<i32>} : memref<32x1024xf32, #tpu.memory_space<vmem>>, vector<16xf32>,
        tpu.vector_store %arg10[%swap3A_485, %swap3A_486], %bitcast3A_484 {strides = array<i32>} : memref<32x1024xf32, #tpu.memory_space<vmem>>, vector<16xf32>,
        %get3A_488 = arith.index_cast %scan3A_218 : i32 to index
        %get3A_489 = arith.constant 256 : index
        %get3A_490 = tpu.vector_load %arg8[%get3A_488, %get3A_489] {strides = array<i32>} : memref<32x512xi32, #tpu.memory_space<vmem>>, vector<16xi32>,
        %get3A_491 = arith.index_cast %scan3A_218 : i32 to index
        %get3A_492 = arith.constant 272 : index
        %get3A_493 = tpu.vector_load %arg8[%get3A_491, %get3A_492] {strides = array<i32>} : memref<32x512xi32, #tpu.memory_space<vmem>>, vector<16xi32>,
        %get3A_494 = arith.index_cast %scan3A_218 : i32 to index
        %get3A_495 = arith.constant 288 : index
        %get3A_496 = tpu.vector_load %arg8[%get3A_494, %get3A_495] {strides = array<i32>} : memref<32x512xi32, #tpu.memory_space<vmem>>, vector<16xi32>,
        %get3A_497 = arith.index_cast %scan3A_218 : i32 to index
        %get3A_498 = arith.constant 304 : index
        %get3A_499 = tpu.vector_load %arg8[%get3A_497, %get3A_498] {strides = array<i32>} : memref<32x512xi32, #tpu.memory_space<vmem>>, vector<16xi32>,
        %get3A_500 = arith.index_cast %scan3A_218 : i32 to index
        %get3A_501 = arith.constant 320 : index
        %get3A_502 = tpu.vector_load %arg8[%get3A_500, %get3A_501] {strides = array<i32>} : memref<32x512xi32, #tpu.memory_space<vmem>>, vector<16xi32>,
        %get3A_503 = arith.index_cast %scan3A_218 : i32 to index
        %get3A_504 = arith.constant 336 : index
        %get3A_505 = tpu.vector_load %arg8[%get3A_503, %get3A_504] {strides = array<i32>} : memref<32x512xi32, #tpu.memory_space<vmem>>, vector<16xi32>,
        %get3A_506 = arith.index_cast %scan3A_218 : i32 to index
        %get3A_507 = arith.constant 352 : index
        %get3A_508 = tpu.vector_load %arg8[%get3A_506, %get3A_507] {strides = array<i32>} : memref<32x512xi32, #tpu.memory_space<vmem>>, vector<16xi32>,
        %get3A_509 = arith.index_cast %scan3A_218 : i32 to index
        %get3A_510 = arith.constant 368 : index
        %get3A_511 = tpu.vector_load %arg8[%get3A_509, %get3A_510] {strides = array<i32>} : memref<32x512xi32, #tpu.memory_space<vmem>>, vector<16xi32>,
        %shift_left3A_512 = arith.constant 16 : i32
        %shift_left3A_513 = vector.broadcast %shift_left3A_512 : i32 to vector<16xi32>
        %shift_left3A_514 = arith.shli %get3A_490, %shift_left3A_513 : vector<16xi32>
        %bitcast3A_515 = vector.bitcast %shift_left3A_514 : vector<16xi32> to vector<16xf32>
        %swap3A_516 = arith.index_cast %scan3A_218 : i32 to index
        %swap3A_517 = arith.constant 256 : index
        %swap3A_518 = tpu.vector_load %arg10[%swap3A_516, %swap3A_517] {strides = array<i32>} : memref<32x1024xf32, #tpu.memory_space<vmem>>, vector<16xf32>,
        tpu.vector_store %arg10[%swap3A_516, %swap3A_517], %bitcast3A_515 {strides = array<i32>} : memref<32x1024xf32, #tpu.memory_space<vmem>>, vector<16xf32>,
        %and3A_519 = arith.constant -65536 : i32
        %and3A_520 = vector.broadcast %and3A_519 : i32 to vector<16xi32>
        %and3A_521 = arith.andi %get3A_490, %and3A_520 : vector<16xi32>
        %bitcast3A_522 = vector.bitcast %and3A_521 : vector<16xi32> to vector<16xf32>
        %swap3A_523 = arith.index_cast %scan3A_218 : i32 to index
        %swap3A_524 = arith.constant 768 : index
        %swap3A_525 = tpu.vector_load %arg10[%swap3A_523, %swap3A_524] {strides = array<i32>} : memref<32x1024xf32, #tpu.memory_space<vmem>>, vector<16xf32>,
        tpu.vector_store %arg10[%swap3A_523, %swap3A_524], %bitcast3A_522 {strides = array<i32>} : memref<32x1024xf32, #tpu.memory_space<vmem>>, vector<16xf32>,
        %shift_left3A_526 = arith.constant 16 : i32
        %shift_left3A_527 = vector.broadcast %shift_left3A_526 : i32 to vector<16xi32>
        %shift_left3A_528 = arith.shli %get3A_493, %shift_left3A_527 : vector<16xi32>
        %bitcast3A_529 = vector.bitcast %shift_left3A_528 : vector<16xi32> to vector<16xf32>
        %swap3A_530 = arith.index_cast %scan3A_218 : i32 to index
        %swap3A_531 = arith.constant 272 : index
        %swap3A_532 = tpu.vector_load %arg10[%swap3A_530, %swap3A_531] {strides = array<i32>} : memref<32x1024xf32, #tpu.memory_space<vmem>>, vector<16xf32>,
        tpu.vector_store %arg10[%swap3A_530, %swap3A_531], %bitcast3A_529 {strides = array<i32>} : memref<32x1024xf32, #tpu.memory_space<vmem>>, vector<16xf32>,
        %and3A_533 = arith.constant -65536 : i32
        %and3A_534 = vector.broadcast %and3A_533 : i32 to vector<16xi32>
        %and3A_535 = arith.andi %get3A_493, %and3A_534 : vector<16xi32>
        %bitcast3A_536 = vector.bitcast %and3A_535 : vector<16xi32> to vector<16xf32>
        %swap3A_537 = arith.index_cast %scan3A_218 : i32 to index
        %swap3A_538 = arith.constant 784 : index
        %swap3A_539 = tpu.vector_load %arg10[%swap3A_537, %swap3A_538] {strides = array<i32>} : memref<32x1024xf32, #tpu.memory_space<vmem>>, vector<16xf32>,
        tpu.vector_store %arg10[%swap3A_537, %swap3A_538], %bitcast3A_536 {strides = array<i32>} : memref<32x1024xf32, #tpu.memory_space<vmem>>, vector<16xf32>,
        %shift_left3A_540 = arith.constant 16 : i32
        %shift_left3A_541 = vector.broadcast %shift_left3A_540 : i32 to vector<16xi32>
        %shift_left3A_542 = arith.shli %get3A_496, %shift_left3A_541 : vector<16xi32>
        %bitcast3A_543 = vector.bitcast %shift_left3A_542 : vector<16xi32> to vector<16xf32>
        %swap3A_544 = arith.index_cast %scan3A_218 : i32 to index
        %swap3A_545 = arith.constant 288 : index
        %swap3A_546 = tpu.vector_load %arg10[%swap3A_544, %swap3A_545] {strides = array<i32>} : memref<32x1024xf32, #tpu.memory_space<vmem>>, vector<16xf32>,
        tpu.vector_store %arg10[%swap3A_544, %swap3A_545], %bitcast3A_543 {strides = array<i32>} : memref<32x1024xf32, #tpu.memory_space<vmem>>, vector<16xf32>,
        %and3A_547 = arith.constant -65536 : i32
        %and3A_548 = vector.broadcast %and3A_547 : i32 to vector<16xi32>
        %and3A_549 = arith.andi %get3A_496, %and3A_548 : vector<16xi32>
        %bitcast3A_550 = vector.bitcast %and3A_549 : vector<16xi32> to vector<16xf32>
        %swap3A_551 = arith.index_cast %scan3A_218 : i32 to index
        %swap3A_552 = arith.constant 800 : index
        %swap3A_553 = tpu.vector_load %arg10[%swap3A_551, %swap3A_552] {strides = array<i32>} : memref<32x1024xf32, #tpu.memory_space<vmem>>, vector<16xf32>,
        tpu.vector_store %arg10[%swap3A_551, %swap3A_552], %bitcast3A_550 {strides = array<i32>} : memref<32x1024xf32, #tpu.memory_space<vmem>>, vector<16xf32>,
        %shift_left3A_554 = arith.constant 16 : i32
        %shift_left3A_555 = vector.broadcast %shift_left3A_554 : i32 to vector<16xi32>
        %shift_left3A_556 = arith.shli %get3A_499, %shift_left3A_555 : vector<16xi32>
        %bitcast3A_557 = vector.bitcast %shift_left3A_556 : vector<16xi32> to vector<16xf32>
        %swap3A_558 = arith.index_cast %scan3A_218 : i32 to index
        %swap3A_559 = arith.constant 304 : index
        %swap3A_560 = tpu.vector_load %arg10[%swap3A_558, %swap3A_559] {strides = array<i32>} : memref<32x1024xf32, #tpu.memory_space<vmem>>, vector<16xf32>,
        tpu.vector_store %arg10[%swap3A_558, %swap3A_559], %bitcast3A_557 {strides = array<i32>} : memref<32x1024xf32, #tpu.memory_space<vmem>>, vector<16xf32>,
        %and3A_561 = arith.constant -65536 : i32
        %and3A_562 = vector.broadcast %and3A_561 : i32 to vector<16xi32>
        %and3A_563 = arith.andi %get3A_499, %and3A_562 : vector<16xi32>
        %bitcast3A_564 = vector.bitcast %and3A_563 : vector<16xi32> to vector<16xf32>
        %swap3A_565 = arith.index_cast %scan3A_218 : i32 to index
        %swap3A_566 = arith.constant 816 : index
        %swap3A_567 = tpu.vector_load %arg10[%swap3A_565, %swap3A_566] {strides = array<i32>} : memref<32x1024xf32, #tpu.memory_space<vmem>>, vector<16xf32>,
        tpu.vector_store %arg10[%swap3A_565, %swap3A_566], %bitcast3A_564 {strides = array<i32>} : memref<32x1024xf32, #tpu.memory_space<vmem>>, vector<16xf32>,
        %shift_left3A_568 = arith.constant 16 : i32
        %shift_left3A_569 = vector.broadcast %shift_left3A_568 : i32 to vector<16xi32>
        %shift_left3A_570 = arith.shli %get3A_502, %shift_left3A_569 : vector<16xi32>
        %bitcast3A_571 = vector.bitcast %shift_left3A_570 : vector<16xi32> to vector<16xf32>
        %swap3A_572 = arith.index_cast %scan3A_218 : i32 to index
        %swap3A_573 = arith.constant 320 : index
        %swap3A_574 = tpu.vector_load %arg10[%swap3A_572, %swap3A_573] {strides = array<i32>} : memref<32x1024xf32, #tpu.memory_space<vmem>>, vector<16xf32>,
        tpu.vector_store %arg10[%swap3A_572, %swap3A_573], %bitcast3A_571 {strides = array<i32>} : memref<32x1024xf32, #tpu.memory_space<vmem>>, vector<16xf32>,
        %and3A_575 = arith.constant -65536 : i32
        %and3A_576 = vector.broadcast %and3A_575 : i32 to vector<16xi32>
        %and3A_577 = arith.andi %get3A_502, %and3A_576 : vector<16xi32>
        %bitcast3A_578 = vector.bitcast %and3A_577 : vector<16xi32> to vector<16xf32>
        %swap3A_579 = arith.index_cast %scan3A_218 : i32 to index
        %swap3A_580 = arith.constant 832 : index
        %swap3A_581 = tpu.vector_load %arg10[%swap3A_579, %swap3A_580] {strides = array<i32>} : memref<32x1024xf32, #tpu.memory_space<vmem>>, vector<16xf32>,
        tpu.vector_store %arg10[%swap3A_579, %swap3A_580], %bitcast3A_578 {strides = array<i32>} : memref<32x1024xf32, #tpu.memory_space<vmem>>, vector<16xf32>,
        %shift_left3A_582 = arith.constant 16 : i32
        %shift_left3A_583 = vector.broadcast %shift_left3A_582 : i32 to vector<16xi32>
        %shift_left3A_584 = arith.shli %get3A_505, %shift_left3A_583 : vector<16xi32>
        %bitcast3A_585 = vector.bitcast %shift_left3A_584 : vector<16xi32> to vector<16xf32>
        %swap3A_586 = arith.index_cast %scan3A_218 : i32 to index
        %swap3A_587 = arith.constant 336 : index
        %swap3A_588 = tpu.vector_load %arg10[%swap3A_586, %swap3A_587] {strides = array<i32>} : memref<32x1024xf32, #tpu.memory_space<vmem>>, vector<16xf32>,
        tpu.vector_store %arg10[%swap3A_586, %swap3A_587], %bitcast3A_585 {strides = array<i32>} : memref<32x1024xf32, #tpu.memory_space<vmem>>, vector<16xf32>,
        %and3A_589 = arith.constant -65536 : i32
        %and3A_590 = vector.broadcast %and3A_589 : i32 to vector<16xi32>
        %and3A_591 = arith.andi %get3A_505, %and3A_590 : vector<16xi32>
        %bitcast3A_592 = vector.bitcast %and3A_591 : vector<16xi32> to vector<16xf32>
        %swap3A_593 = arith.index_cast %scan3A_218 : i32 to index
        %swap3A_594 = arith.constant 848 : index
        %swap3A_595 = tpu.vector_load %arg10[%swap3A_593, %swap3A_594] {strides = array<i32>} : memref<32x1024xf32, #tpu.memory_space<vmem>>, vector<16xf32>,
        tpu.vector_store %arg10[%swap3A_593, %swap3A_594], %bitcast3A_592 {strides = array<i32>} : memref<32x1024xf32, #tpu.memory_space<vmem>>, vector<16xf32>,
        %shift_left3A_596 = arith.constant 16 : i32
        %shift_left3A_597 = vector.broadcast %shift_left3A_596 : i32 to vector<16xi32>
        %shift_left3A_598 = arith.shli %get3A_508, %shift_left3A_597 : vector<16xi32>
        %bitcast3A_599 = vector.bitcast %shift_left3A_598 : vector<16xi32> to vector<16xf32>
        %swap3A_600 = arith.index_cast %scan3A_218 : i32 to index
        %swap3A_601 = arith.constant 352 : index
        %swap3A_602 = tpu.vector_load %arg10[%swap3A_600, %swap3A_601] {strides = array<i32>} : memref<32x1024xf32, #tpu.memory_space<vmem>>, vector<16xf32>,
        tpu.vector_store %arg10[%swap3A_600, %swap3A_601], %bitcast3A_599 {strides = array<i32>} : memref<32x1024xf32, #tpu.memory_space<vmem>>, vector<16xf32>,
        %and3A_603 = arith.constant -65536 : i32
        %and3A_604 = vector.broadcast %and3A_603 : i32 to vector<16xi32>
        %and3A_605 = arith.andi %get3A_508, %and3A_604 : vector<16xi32>
        %bitcast3A_606 = vector.bitcast %and3A_605 : vector<16xi32> to vector<16xf32>
        %swap3A_607 = arith.index_cast %scan3A_218 : i32 to index
        %swap3A_608 = arith.constant 864 : index
        %swap3A_609 = tpu.vector_load %arg10[%swap3A_607, %swap3A_608] {strides = array<i32>} : memref<32x1024xf32, #tpu.memory_space<vmem>>, vector<16xf32>,
        tpu.vector_store %arg10[%swap3A_607, %swap3A_608], %bitcast3A_606 {strides = array<i32>} : memref<32x1024xf32, #tpu.memory_space<vmem>>, vector<16xf32>,
        %shift_left3A_610 = arith.constant 16 : i32
        %shift_left3A_611 = vector.broadcast %shift_left3A_610 : i32 to vector<16xi32>
        %shift_left3A_612 = arith.shli %get3A_511, %shift_left3A_611 : vector<16xi32>
        %bitcast3A_613 = vector.bitcast %shift_left3A_612 : vector<16xi32> to vector<16xf32>
        %swap3A_614 = arith.index_cast %scan3A_218 : i32 to index
        %swap3A_615 = arith.constant 368 : index
        %swap3A_616 = tpu.vector_load %arg10[%swap3A_614, %swap3A_615] {strides = array<i32>} : memref<32x1024xf32, #tpu.memory_space<vmem>>, vector<16xf32>,
        tpu.vector_store %arg10[%swap3A_614, %swap3A_615], %bitcast3A_613 {strides = array<i32>} : memref<32x1024xf32, #tpu.memory_space<vmem>>, vector<16xf32>,
        %and3A_617 = arith.constant -65536 : i32
        %and3A_618 = vector.broadcast %and3A_617 : i32 to vector<16xi32>
        %and3A_619 = arith.andi %get3A_511, %and3A_618 : vector<16xi32>
        %bitcast3A_620 = vector.bitcast %and3A_619 : vector<16xi32> to vector<16xf32>
        %swap3A_621 = arith.index_cast %scan3A_218 : i32 to index
        %swap3A_622 = arith.constant 880 : index
        %swap3A_623 = tpu.vector_load %arg10[%swap3A_621, %swap3A_622] {strides = array<i32>} : memref<32x1024xf32, #tpu.memory_space<vmem>>, vector<16xf32>,
        tpu.vector_store %arg10[%swap3A_621, %swap3A_622], %bitcast3A_620 {strides = array<i32>} : memref<32x1024xf32, #tpu.memory_space<vmem>>, vector<16xf32>,
        %get3A_624 = arith.index_cast %scan3A_218 : i32 to index
        %get3A_625 = arith.constant 384 : index
        %get3A_626 = tpu.vector_load %arg8[%get3A_624, %get3A_625] {strides = array<i32>} : memref<32x512xi32, #tpu.memory_space<vmem>>, vector<16xi32>,
        %get3A_627 = arith.index_cast %scan3A_218 : i32 to index
        %get3A_628 = arith.constant 400 : index
        %get3A_629 = tpu.vector_load %arg8[%get3A_627, %get3A_628] {strides = array<i32>} : memref<32x512xi32, #tpu.memory_space<vmem>>, vector<16xi32>,
        %get3A_630 = arith.index_cast %scan3A_218 : i32 to index
        %get3A_631 = arith.constant 416 : index
        %get3A_632 = tpu.vector_load %arg8[%get3A_630, %get3A_631] {strides = array<i32>} : memref<32x512xi32, #tpu.memory_space<vmem>>, vector<16xi32>,
        %get3A_633 = arith.index_cast %scan3A_218 : i32 to index
        %get3A_634 = arith.constant 432 : index
        %get3A_635 = tpu.vector_load %arg8[%get3A_633, %get3A_634] {strides = array<i32>} : memref<32x512xi32, #tpu.memory_space<vmem>>, vector<16xi32>,
        %get3A_636 = arith.index_cast %scan3A_218 : i32 to index
        %get3A_637 = arith.constant 448 : index
        %get3A_638 = tpu.vector_load %arg8[%get3A_636, %get3A_637] {strides = array<i32>} : memref<32x512xi32, #tpu.memory_space<vmem>>, vector<16xi32>,
        %get3A_639 = arith.index_cast %scan3A_218 : i32 to index
        %get3A_640 = arith.constant 464 : index
        %get3A_641 = tpu.vector_load %arg8[%get3A_639, %get3A_640] {strides = array<i32>} : memref<32x512xi32, #tpu.memory_space<vmem>>, vector<16xi32>,
        %get3A_642 = arith.index_cast %scan3A_218 : i32 to index
        %get3A_643 = arith.constant 480 : index
        %get3A_644 = tpu.vector_load %arg8[%get3A_642, %get3A_643] {strides = array<i32>} : memref<32x512xi32, #tpu.memory_space<vmem>>, vector<16xi32>,
        %get3A_645 = arith.index_cast %scan3A_218 : i32 to index
        %get3A_646 = arith.constant 496 : index
        %get3A_647 = tpu.vector_load %arg8[%get3A_645, %get3A_646] {strides = array<i32>} : memref<32x512xi32, #tpu.memory_space<vmem>>, vector<16xi32>,
        %shift_left3A_648 = arith.constant 16 : i32
        %shift_left3A_649 = vector.broadcast %shift_left3A_648 : i32 to vector<16xi32>
        %shift_left3A_650 = arith.shli %get3A_626, %shift_left3A_649 : vector<16xi32>
        %bitcast3A_651 = vector.bitcast %shift_left3A_650 : vector<16xi32> to vector<16xf32>
        %swap3A_652 = arith.index_cast %scan3A_218 : i32 to index
        %swap3A_653 = arith.constant 384 : index
        %swap3A_654 = tpu.vector_load %arg10[%swap3A_652, %swap3A_653] {strides = array<i32>} : memref<32x1024xf32, #tpu.memory_space<vmem>>, vector<16xf32>,
        tpu.vector_store %arg10[%swap3A_652, %swap3A_653], %bitcast3A_651 {strides = array<i32>} : memref<32x1024xf32, #tpu.memory_space<vmem>>, vector<16xf32>,
        %and3A_655 = arith.constant -65536 : i32
        %and3A_656 = vector.broadcast %and3A_655 : i32 to vector<16xi32>
        %and3A_657 = arith.andi %get3A_626, %and3A_656 : vector<16xi32>
        %bitcast3A_658 = vector.bitcast %and3A_657 : vector<16xi32> to vector<16xf32>
        %swap3A_659 = arith.index_cast %scan3A_218 : i32 to index
        %swap3A_660 = arith.constant 896 : index
        %swap3A_661 = tpu.vector_load %arg10[%swap3A_659, %swap3A_660] {strides = array<i32>} : memref<32x1024xf32, #tpu.memory_space<vmem>>, vector<16xf32>,
        tpu.vector_store %arg10[%swap3A_659, %swap3A_660], %bitcast3A_658 {strides = array<i32>} : memref<32x1024xf32, #tpu.memory_space<vmem>>, vector<16xf32>,
        %shift_left3A_662 = arith.constant 16 : i32
        %shift_left3A_663 = vector.broadcast %shift_left3A_662 : i32 to vector<16xi32>
        %shift_left3A_664 = arith.shli %get3A_629, %shift_left3A_663 : vector<16xi32>
        %bitcast3A_665 = vector.bitcast %shift_left3A_664 : vector<16xi32> to vector<16xf32>
        %swap3A_666 = arith.index_cast %scan3A_218 : i32 to index
        %swap3A_667 = arith.constant 400 : index
        %swap3A_668 = tpu.vector_load %arg10[%swap3A_666, %swap3A_667] {strides = array<i32>} : memref<32x1024xf32, #tpu.memory_space<vmem>>, vector<16xf32>,
        tpu.vector_store %arg10[%swap3A_666, %swap3A_667], %bitcast3A_665 {strides = array<i32>} : memref<32x1024xf32, #tpu.memory_space<vmem>>, vector<16xf32>,
        %and3A_669 = arith.constant -65536 : i32
        %and3A_670 = vector.broadcast %and3A_669 : i32 to vector<16xi32>
        %and3A_671 = arith.andi %get3A_629, %and3A_670 : vector<16xi32>
        %bitcast3A_672 = vector.bitcast %and3A_671 : vector<16xi32> to vector<16xf32>
        %swap3A_673 = arith.index_cast %scan3A_218 : i32 to index
        %swap3A_674 = arith.constant 912 : index
        %swap3A_675 = tpu.vector_load %arg10[%swap3A_673, %swap3A_674] {strides = array<i32>} : memref<32x1024xf32, #tpu.memory_space<vmem>>, vector<16xf32>,
        tpu.vector_store %arg10[%swap3A_673, %swap3A_674], %bitcast3A_672 {strides = array<i32>} : memref<32x1024xf32, #tpu.memory_space<vmem>>, vector<16xf32>,
        %shift_left3A_676 = arith.constant 16 : i32
        %shift_left3A_677 = vector.broadcast %shift_left3A_676 : i32 to vector<16xi32>
        %shift_left3A_678 = arith.shli %get3A_632, %shift_left3A_677 : vector<16xi32>
        %bitcast3A_679 = vector.bitcast %shift_left3A_678 : vector<16xi32> to vector<16xf32>
        %swap3A_680 = arith.index_cast %scan3A_218 : i32 to index
        %swap3A_681 = arith.constant 416 : index
        %swap3A_682 = tpu.vector_load %arg10[%swap3A_680, %swap3A_681] {strides = array<i32>} : memref<32x1024xf32, #tpu.memory_space<vmem>>, vector<16xf32>,
        tpu.vector_store %arg10[%swap3A_680, %swap3A_681], %bitcast3A_679 {strides = array<i32>} : memref<32x1024xf32, #tpu.memory_space<vmem>>, vector<16xf32>,
        %and3A_683 = arith.constant -65536 : i32
        %and3A_684 = vector.broadcast %and3A_683 : i32 to vector<16xi32>
        %and3A_685 = arith.andi %get3A_632, %and3A_684 : vector<16xi32>
        %bitcast3A_686 = vector.bitcast %and3A_685 : vector<16xi32> to vector<16xf32>
        %swap3A_687 = arith.index_cast %scan3A_218 : i32 to index
        %swap3A_688 = arith.constant 928 : index
        %swap3A_689 = tpu.vector_load %arg10[%swap3A_687, %swap3A_688] {strides = array<i32>} : memref<32x1024xf32, #tpu.memory_space<vmem>>, vector<16xf32>,
        tpu.vector_store %arg10[%swap3A_687, %swap3A_688], %bitcast3A_686 {strides = array<i32>} : memref<32x1024xf32, #tpu.memory_space<vmem>>, vector<16xf32>,
        %shift_left3A_690 = arith.constant 16 : i32
        %shift_left3A_691 = vector.broadcast %shift_left3A_690 : i32 to vector<16xi32>
        %shift_left3A_692 = arith.shli %get3A_635, %shift_left3A_691 : vector<16xi32>
        %bitcast3A_693 = vector.bitcast %shift_left3A_692 : vector<16xi32> to vector<16xf32>
        %swap3A_694 = arith.index_cast %scan3A_218 : i32 to index
        %swap3A_695 = arith.constant 432 : index
        %swap3A_696 = tpu.vector_load %arg10[%swap3A_694, %swap3A_695] {strides = array<i32>} : memref<32x1024xf32, #tpu.memory_space<vmem>>, vector<16xf32>,
        tpu.vector_store %arg10[%swap3A_694, %swap3A_695], %bitcast3A_693 {strides = array<i32>} : memref<32x1024xf32, #tpu.memory_space<vmem>>, vector<16xf32>,
        %and3A_697 = arith.constant -65536 : i32
        %and3A_698 = vector.broadcast %and3A_697 : i32 to vector<16xi32>
        %and3A_699 = arith.andi %get3A_635, %and3A_698 : vector<16xi32>
        %bitcast3A_700 = vector.bitcast %and3A_699 : vector<16xi32> to vector<16xf32>
        %swap3A_701 = arith.index_cast %scan3A_218 : i32 to index
        %swap3A_702 = arith.constant 944 : index
        %swap3A_703 = tpu.vector_load %arg10[%swap3A_701, %swap3A_702] {strides = array<i32>} : memref<32x1024xf32, #tpu.memory_space<vmem>>, vector<16xf32>,
        tpu.vector_store %arg10[%swap3A_701, %swap3A_702], %bitcast3A_700 {strides = array<i32>} : memref<32x1024xf32, #tpu.memory_space<vmem>>, vector<16xf32>,
        %shift_left3A_704 = arith.constant 16 : i32
        %shift_left3A_705 = vector.broadcast %shift_left3A_704 : i32 to vector<16xi32>
        %shift_left3A_706 = arith.shli %get3A_638, %shift_left3A_705 : vector<16xi32>
        %bitcast3A_707 = vector.bitcast %shift_left3A_706 : vector<16xi32> to vector<16xf32>
        %swap3A_708 = arith.index_cast %scan3A_218 : i32 to index
        %swap3A_709 = arith.constant 448 : index
        %swap3A_710 = tpu.vector_load %arg10[%swap3A_708, %swap3A_709] {strides = array<i32>} : memref<32x1024xf32, #tpu.memory_space<vmem>>, vector<16xf32>,
        tpu.vector_store %arg10[%swap3A_708, %swap3A_709], %bitcast3A_707 {strides = array<i32>} : memref<32x1024xf32, #tpu.memory_space<vmem>>, vector<16xf32>,
        %and3A_711 = arith.constant -65536 : i32
        %and3A_712 = vector.broadcast %and3A_711 : i32 to vector<16xi32>
        %and3A_713 = arith.andi %get3A_638, %and3A_712 : vector<16xi32>
        %bitcast3A_714 = vector.bitcast %and3A_713 : vector<16xi32> to vector<16xf32>
        %swap3A_715 = arith.index_cast %scan3A_218 : i32 to index
        %swap3A_716 = arith.constant 960 : index
        %swap3A_717 = tpu.vector_load %arg10[%swap3A_715, %swap3A_716] {strides = array<i32>} : memref<32x1024xf32, #tpu.memory_space<vmem>>, vector<16xf32>,
        tpu.vector_store %arg10[%swap3A_715, %swap3A_716], %bitcast3A_714 {strides = array<i32>} : memref<32x1024xf32, #tpu.memory_space<vmem>>, vector<16xf32>,
        %shift_left3A_718 = arith.constant 16 : i32
        %shift_left3A_719 = vector.broadcast %shift_left3A_718 : i32 to vector<16xi32>
        %shift_left3A_720 = arith.shli %get3A_641, %shift_left3A_719 : vector<16xi32>
        %bitcast3A_721 = vector.bitcast %shift_left3A_720 : vector<16xi32> to vector<16xf32>
        %swap3A_722 = arith.index_cast %scan3A_218 : i32 to index
        %swap3A_723 = arith.constant 464 : index
        %swap3A_724 = tpu.vector_load %arg10[%swap3A_722, %swap3A_723] {strides = array<i32>} : memref<32x1024xf32, #tpu.memory_space<vmem>>, vector<16xf32>,
        tpu.vector_store %arg10[%swap3A_722, %swap3A_723], %bitcast3A_721 {strides = array<i32>} : memref<32x1024xf32, #tpu.memory_space<vmem>>, vector<16xf32>,
        %and3A_725 = arith.constant -65536 : i32
        %and3A_726 = vector.broadcast %and3A_725 : i32 to vector<16xi32>
        %and3A_727 = arith.andi %get3A_641, %and3A_726 : vector<16xi32>
        %bitcast3A_728 = vector.bitcast %and3A_727 : vector<16xi32> to vector<16xf32>
        %swap3A_729 = arith.index_cast %scan3A_218 : i32 to index
        %swap3A_730 = arith.constant 976 : index
        %swap3A_731 = tpu.vector_load %arg10[%swap3A_729, %swap3A_730] {strides = array<i32>} : memref<32x1024xf32, #tpu.memory_space<vmem>>, vector<16xf32>,
        tpu.vector_store %arg10[%swap3A_729, %swap3A_730], %bitcast3A_728 {strides = array<i32>} : memref<32x1024xf32, #tpu.memory_space<vmem>>, vector<16xf32>,
        %shift_left3A_732 = arith.constant 16 : i32
        %shift_left3A_733 = vector.broadcast %shift_left3A_732 : i32 to vector<16xi32>
        %shift_left3A_734 = arith.shli %get3A_644, %shift_left3A_733 : vector<16xi32>
        %bitcast3A_735 = vector.bitcast %shift_left3A_734 : vector<16xi32> to vector<16xf32>
        %swap3A_736 = arith.index_cast %scan3A_218 : i32 to index
        %swap3A_737 = arith.constant 480 : index
        %swap3A_738 = tpu.vector_load %arg10[%swap3A_736, %swap3A_737] {strides = array<i32>} : memref<32x1024xf32, #tpu.memory_space<vmem>>, vector<16xf32>,
        tpu.vector_store %arg10[%swap3A_736, %swap3A_737], %bitcast3A_735 {strides = array<i32>} : memref<32x1024xf32, #tpu.memory_space<vmem>>, vector<16xf32>,
        %and3A_739 = arith.constant -65536 : i32
        %and3A_740 = vector.broadcast %and3A_739 : i32 to vector<16xi32>
        %and3A_741 = arith.andi %get3A_644, %and3A_740 : vector<16xi32>
        %bitcast3A_742 = vector.bitcast %and3A_741 : vector<16xi32> to vector<16xf32>
        %swap3A_743 = arith.index_cast %scan3A_218 : i32 to index
        %swap3A_744 = arith.constant 992 : index
        %swap3A_745 = tpu.vector_load %arg10[%swap3A_743, %swap3A_744] {strides = array<i32>} : memref<32x1024xf32, #tpu.memory_space<vmem>>, vector<16xf32>,
        tpu.vector_store %arg10[%swap3A_743, %swap3A_744], %bitcast3A_742 {strides = array<i32>} : memref<32x1024xf32, #tpu.memory_space<vmem>>, vector<16xf32>,
        %shift_left3A_746 = arith.constant 16 : i32
        %shift_left3A_747 = vector.broadcast %shift_left3A_746 : i32 to vector<16xi32>
        %shift_left3A_748 = arith.shli %get3A_647, %shift_left3A_747 : vector<16xi32>
        %bitcast3A_749 = vector.bitcast %shift_left3A_748 : vector<16xi32> to vector<16xf32>
        %swap3A_750 = arith.index_cast %scan3A_218 : i32 to index
        %swap3A_751 = arith.constant 496 : index
        %swap3A_752 = tpu.vector_load %arg10[%swap3A_750, %swap3A_751] {strides = array<i32>} : memref<32x1024xf32, #tpu.memory_space<vmem>>, vector<16xf32>,
        tpu.vector_store %arg10[%swap3A_750, %swap3A_751], %bitcast3A_749 {strides = array<i32>} : memref<32x1024xf32, #tpu.memory_space<vmem>>, vector<16xf32>,
        %and3A_753 = arith.constant -65536 : i32
        %and3A_754 = vector.broadcast %and3A_753 : i32 to vector<16xi32>
        %and3A_755 = arith.andi %get3A_647, %and3A_754 : vector<16xi32>
        %bitcast3A_756 = vector.bitcast %and3A_755 : vector<16xi32> to vector<16xf32>
        %swap3A_757 = arith.index_cast %scan3A_218 : i32 to index
        %swap3A_758 = arith.constant 1008 : index
        %swap3A_759 = tpu.vector_load %arg10[%swap3A_757, %swap3A_758] {strides = array<i32>} : memref<32x1024xf32, #tpu.memory_space<vmem>>, vector<16xf32>,
        tpu.vector_store %arg10[%swap3A_757, %swap3A_758], %bitcast3A_756 {strides = array<i32>} : memref<32x1024xf32, #tpu.memory_space<vmem>>, vector<16xf32>,
      }
      %scan3A_202 = arith.constant 32 : i32
      %add3A_203 = arith.constant 2 : i32
      %add3A_204 = arith.addi %add3A_181, %add3A_203 : i32
      %mul3A_205 = arith.constant 32 : i32
      %mul3A_206 = arith.muli %add3A_204, %mul3A_205 : i32
      %dma_start3A_207 = tpu.memref_slice %arg6[%mul3A_206] : memref<1024xi32, #tpu.memory_space<vmem>> -> memref<32xi32, #tpu.memory_space<vmem>>
      %dma_start3A_208 = arith.constant 0 : i32
      %dma_start3A_209 = arith.constant 0 : i32
      %dma_start3A_210 = tpu.memref_slice %arg3[%dma_start3A_208, %dma_start3A_209] : memref<3072x512xi32, #tpu.memory_space<hbm>> -> memref<3072x512xi32, #tpu.memory_space<hbm>>
      tpu.enqueue_indirect_dma source(%dma_start3A_210 : memref<3072x512xi32, #tpu.memory_space<hbm>>) target(%arg8 : memref<32x512xi32, #tpu.memory_space<vmem>>) offsets(%dma_start3A_207 : memref<32xi32, #tpu.memory_space<vmem>>) semaphore(%arg12 : memref<!tpu.dma_semaphore, #tpu.memory_space<semaphore_mem>>)
      %mul3A_211 = arith.constant 32 : i32
      %mul3A_212 = arith.muli %add3A_181, %mul3A_211 : i32
      %add3A_213 = arith.addi %mul3A_2, %mul3A_212 : i32
      %dma_start3A_214 = arith.constant 0 : i32
      %dma_start3A_215 = tpu.memref_slice %arg4[%add3A_213, %dma_start3A_214] : memref<32768x1024xf32, #tpu.memory_space<hbm>> -> memref<32x1024xf32, #tpu.memory_space<hbm>>
      %dma_start3A_216 = arith.constant 0 : i32
      %dma_start3A_217 = tpu.memref_slice %arg4[%add3A_213, %dma_start3A_216] : memref<32768x1024xf32, #tpu.memory_space<hbm>> -> memref<32x1024xf32, #tpu.memory_space<hbm>>
      tpu.enqueue_dma source(%arg10 : memref<32x1024xf32, #tpu.memory_space<vmem>>) target(%dma_start3A_217 : memref<32x1024xf32, #tpu.memory_space<hbm>>) target_semaphore(%arg14 : memref<!tpu.dma_semaphore, #tpu.memory_space<semaphore_mem>>)
    }
    %scan3A_79 = arith.constant 14 : i32
    %dma_wait3A_80 = arith.constant 960 : i32
    %dma_wait3A_81 = tpu.memref_slice %arg6[%dma_wait3A_80] : memref<1024xi32, #tpu.memory_space<vmem>> -> memref<32xi32, #tpu.memory_space<vmem>>
    %dma_wait3A_82 = arith.constant 0 : i32
    %dma_wait3A_83 = arith.constant 0 : i32
    %dma_wait3A_84 = tpu.memref_slice %arg3[%dma_wait3A_82, %dma_wait3A_83] : memref<3072x512xi32, #tpu.memory_space<hbm>> -> memref<3072x512xi32, #tpu.memory_space<hbm>>
    tpu.wait_indirect_dma semaphore(%arg11 : memref<!tpu.dma_semaphore, #tpu.memory_space<semaphore_mem>>) src(%dma_wait3A_84 : memref<3072x512xi32, #tpu.memory_space<hbm>>) dst(%arg7 : memref<32x512xi32, #tpu.memory_space<vmem>>)
    %add3A_85 = arith.constant 896 : i32
    %add3A_86 = arith.addi %mul3A_2, %add3A_85 : i32
    %dma_wait3A_87 = arith.constant 0 : i32
    %dma_wait3A_88 = tpu.memref_slice %arg4[%add3A_86, %dma_wait3A_87] : memref<32768x1024xf32, #tpu.memory_space<hbm>> -> memref<32x1024xf32, #tpu.memory_space<hbm>>
    %dma_wait3A_89 = arith.constant 0 : i32
    %dma_wait3A_90 = tpu.memref_slice %arg4[%add3A_86, %dma_wait3A_89] : memref<32768x1024xf32, #tpu.memory_space<hbm>> -> memref<32x1024xf32, #tpu.memory_space<hbm>>
    tpu.wait_dma2 semaphore(%arg13 : memref<!tpu.dma_semaphore, #tpu.memory_space<semaphore_mem>>) src(%arg9 : memref<32x1024xf32, #tpu.memory_space<vmem>>) dst(%dma_wait3A_90 : memref<32x1024xf32, #tpu.memory_space<hbm>>)
    %scan3A_91 = arith.constant 0 : i32
    %scan3A_92 = arith.constant 0 : i32
    %scan3A_93 = arith.constant 32 : i32
    %scan3A_94 = arith.addi %scan3A_92, %scan3A_93 : i32
    %scan3A_95 = arith.constant 1 : i32
    scf.for %scan3A_138 = %scan3A_92 to %scan3A_94 step %scan3A_95  : i32 {
      %get3A = arith.index_cast %scan3A_138 : i32 to index
      %get3A_139 = arith.constant 0 : index
      %get3A_140 = tpu.vector_load %arg7[%get3A, %get3A_139] {strides = array<i32>} : memref<32x512xi32, #tpu.memory_space<vmem>>, vector<16xi32>,
      %get3A_141 = arith.index_cast %scan3A_138 : i32 to index
      %get3A_142 = arith.constant 16 : index
      %get3A_143 = tpu.vector_load %arg7[%get3A_141, %get3A_142] {strides = array<i32>} : memref<32x512xi32, #tpu.memory_space<vmem>>, vector<16xi32>,
      %get3A_144 = arith.index_cast %scan3A_138 : i32 to index
      %get3A_145 = arith.constant 32 : index
      %get3A_146 = tpu.vector_load %arg7[%get3A_144, %get3A_145] {strides = array<i32>} : memref<32x512xi32, #tpu.memory_space<vmem>>, vector<16xi32>,
      %get3A_147 = arith.index_cast %scan3A_138 : i32 to index
      %get3A_148 = arith.constant 48 : index
      %get3A_149 = tpu.vector_load %arg7[%get3A_147, %get3A_148] {strides = array<i32>} : memref<32x512xi32, #tpu.memory_space<vmem>>, vector<16xi32>,
      %get3A_150 = arith.index_cast %scan3A_138 : i32 to index
      %get3A_151 = arith.constant 64 : index
      %get3A_152 = tpu.vector_load %arg7[%get3A_150, %get3A_151] {strides = array<i32>} : memref<32x512xi32, #tpu.memory_space<vmem>>, vector<16xi32>,
      %get3A_153 = arith.index_cast %scan3A_138 : i32 to index
      %get3A_154 = arith.constant 80 : index
      %get3A_155 = tpu.vector_load %arg7[%get3A_153, %get3A_154] {strides = array<i32>} : memref<32x512xi32, #tpu.memory_space<vmem>>, vector<16xi32>,
      %get3A_156 = arith.index_cast %scan3A_138 : i32 to index
      %get3A_157 = arith.constant 96 : index
      %get3A_158 = tpu.vector_load %arg7[%get3A_156, %get3A_157] {strides = array<i32>} : memref<32x512xi32, #tpu.memory_space<vmem>>, vector<16xi32>,
      %get3A_159 = arith.index_cast %scan3A_138 : i32 to index
      %get3A_160 = arith.constant 112 : index
      %get3A_161 = tpu.vector_load %arg7[%get3A_159, %get3A_160] {strides = array<i32>} : memref<32x512xi32, #tpu.memory_space<vmem>>, vector<16xi32>,
      %shift_left3A = arith.constant 16 : i32
      %shift_left3A_162 = vector.broadcast %shift_left3A : i32 to vector<16xi32>
      %shift_left3A_163 = arith.shli %get3A_140, %shift_left3A_162 : vector<16xi32>
      %bitcast3A = vector.bitcast %shift_left3A_163 : vector<16xi32> to vector<16xf32>
      %swap3A_164 = arith.index_cast %scan3A_138 : i32 to index
      %swap3A_165 = arith.constant 0 : index
      %swap3A_166 = tpu.vector_load %arg9[%swap3A_164, %swap3A_165] {strides = array<i32>} : memref<32x1024xf32, #tpu.memory_space<vmem>>, vector<16xf32>,
      tpu.vector_store %arg9[%swap3A_164, %swap3A_165], %bitcast3A {strides = array<i32>} : memref<32x1024xf32, #tpu.memory_space<vmem>>, vector<16xf32>,
      %and3A_167 = arith.constant -65536 : i32
      %and3A_168 = vector.broadcast %and3A_167 : i32 to vector<16xi32>
      %and3A_169 = arith.andi %get3A_140, %and3A_168 : vector<16xi32>
      %bitcast3A_170 = vector.bitcast %and3A_169 : vector<16xi32> to vector<16xf32>
      %swap3A_171 = arith.index_cast %scan3A_138 : i32 to index
      %swap3A_172 = arith.constant 512 : index
      %swap3A_173 = tpu.vector_load %arg9[%swap3A_171, %swap3A_172] {strides = array<i32>} : memref<32x1024xf32, #tpu.memory_space<vmem>>, vector<16xf32>,
      tpu.vector_store %arg9[%swap3A_171, %swap3A_172], %bitcast3A_170 {strides = array<i32>} : memref<32x1024xf32, #tpu.memory_space<vmem>>, vector<16xf32>,
      %shift_left3A_174 = arith.constant 16 : i32
      %shift_left3A_175 = vector.broadcast %shift_left3A_174 : i32 to vector<16xi32>
      %shift_left3A_176 = arith.shli %get3A_143, %shift_left3A_175 : vector<16xi32>
      %bitcast3A_177 = vector.bitcast %shift_left3A_176 : vector<16xi32> to vector<16xf32>
      %swap3A_178 = arith.index_cast %scan3A_138 : i32 to index
      %swap3A_179 = arith.constant 16 : index
      %swap3A_180 = tpu.vector_load %arg9[%swap3A_178, %swap3A_179] {strides = array<i32>} : memref<32x1024xf32, #tpu.memory_space<vmem>>, vector<16xf32>,
      tpu.vector_store %arg9[%swap3A_178, %swap3A_179], %bitcast3A_177 {strides = array<i32>} : memref<32x1024xf32, #tpu.memory_space<vmem>>, vector<16xf32>,
      %and3A_181 = arith.constant -65536 : i32
      %and3A_182 = vector.broadcast %and3A_181 : i32 to vector<16xi32>
      %and3A_183 = arith.andi %get3A_143, %and3A_182 : vector<16xi32>
      %bitcast3A_184 = vector.bitcast %and3A_183 : vector<16xi32> to vector<16xf32>
      %swap3A_185 = arith.index_cast %scan3A_138 : i32 to index
      %swap3A_186 = arith.constant 528 : index
      %swap3A_187 = tpu.vector_load %arg9[%swap3A_185, %swap3A_186] {strides = array<i32>} : memref<32x1024xf32, #tpu.memory_space<vmem>>, vector<16xf32>,
      tpu.vector_store %arg9[%swap3A_185, %swap3A_186], %bitcast3A_184 {strides = array<i32>} : memref<32x1024xf32, #tpu.memory_space<vmem>>, vector<16xf32>,
      %shift_left3A_188 = arith.constant 16 : i32
      %shift_left3A_189 = vector.broadcast %shift_left3A_188 : i32 to vector<16xi32>
      %shift_left3A_190 = arith.shli %get3A_146, %shift_left3A_189 : vector<16xi32>
      %bitcast3A_191 = vector.bitcast %shift_left3A_190 : vector<16xi32> to vector<16xf32>
      %swap3A_192 = arith.index_cast %scan3A_138 : i32 to index
      %swap3A_193 = arith.constant 32 : index
      %swap3A_194 = tpu.vector_load %arg9[%swap3A_192, %swap3A_193] {strides = array<i32>} : memref<32x1024xf32, #tpu.memory_space<vmem>>, vector<16xf32>,
      tpu.vector_store %arg9[%swap3A_192, %swap3A_193], %bitcast3A_191 {strides = array<i32>} : memref<32x1024xf32, #tpu.memory_space<vmem>>, vector<16xf32>,
      %and3A_195 = arith.constant -65536 : i32
      %and3A_196 = vector.broadcast %and3A_195 : i32 to vector<16xi32>
      %and3A_197 = arith.andi %get3A_146, %and3A_196 : vector<16xi32>
      %bitcast3A_198 = vector.bitcast %and3A_197 : vector<16xi32> to vector<16xf32>
      %swap3A_199 = arith.index_cast %scan3A_138 : i32 to index
      %swap3A_200 = arith.constant 544 : index
      %swap3A_201 = tpu.vector_load %arg9[%swap3A_199, %swap3A_200] {strides = array<i32>} : memref<32x1024xf32, #tpu.memory_space<vmem>>, vector<16xf32>,
      tpu.vector_store %arg9[%swap3A_199, %swap3A_200], %bitcast3A_198 {strides = array<i32>} : memref<32x1024xf32, #tpu.memory_space<vmem>>, vector<16xf32>,
      %shift_left3A_202 = arith.constant 16 : i32
      %shift_left3A_203 = vector.broadcast %shift_left3A_202 : i32 to vector<16xi32>
      %shift_left3A_204 = arith.shli %get3A_149, %shift_left3A_203 : vector<16xi32>
      %bitcast3A_205 = vector.bitcast %shift_left3A_204 : vector<16xi32> to vector<16xf32>
      %swap3A_206 = arith.index_cast %scan3A_138 : i32 to index
      %swap3A_207 = arith.constant 48 : index
      %swap3A_208 = tpu.vector_load %arg9[%swap3A_206, %swap3A_207] {strides = array<i32>} : memref<32x1024xf32, #tpu.memory_space<vmem>>, vector<16xf32>,
      tpu.vector_store %arg9[%swap3A_206, %swap3A_207], %bitcast3A_205 {strides = array<i32>} : memref<32x1024xf32, #tpu.memory_space<vmem>>, vector<16xf32>,
      %and3A_209 = arith.constant -65536 : i32
      %and3A_210 = vector.broadcast %and3A_209 : i32 to vector<16xi32>
      %and3A_211 = arith.andi %get3A_149, %and3A_210 : vector<16xi32>
      %bitcast3A_212 = vector.bitcast %and3A_211 : vector<16xi32> to vector<16xf32>
      %swap3A_213 = arith.index_cast %scan3A_138 : i32 to index
      %swap3A_214 = arith.constant 560 : index
      %swap3A_215 = tpu.vector_load %arg9[%swap3A_213, %swap3A_214] {strides = array<i32>} : memref<32x1024xf32, #tpu.memory_space<vmem>>, vector<16xf32>,
      tpu.vector_store %arg9[%swap3A_213, %swap3A_214], %bitcast3A_212 {strides = array<i32>} : memref<32x1024xf32, #tpu.memory_space<vmem>>, vector<16xf32>,
      %shift_left3A_216 = arith.constant 16 : i32
      %shift_left3A_217 = vector.broadcast %shift_left3A_216 : i32 to vector<16xi32>
      %shift_left3A_218 = arith.shli %get3A_152, %shift_left3A_217 : vector<16xi32>
      %bitcast3A_219 = vector.bitcast %shift_left3A_218 : vector<16xi32> to vector<16xf32>
      %swap3A_220 = arith.index_cast %scan3A_138 : i32 to index
      %swap3A_221 = arith.constant 64 : index
      %swap3A_222 = tpu.vector_load %arg9[%swap3A_220, %swap3A_221] {strides = array<i32>} : memref<32x1024xf32, #tpu.memory_space<vmem>>, vector<16xf32>,
      tpu.vector_store %arg9[%swap3A_220, %swap3A_221], %bitcast3A_219 {strides = array<i32>} : memref<32x1024xf32, #tpu.memory_space<vmem>>, vector<16xf32>,
      %and3A_223 = arith.constant -65536 : i32
      %and3A_224 = vector.broadcast %and3A_223 : i32 to vector<16xi32>
      %and3A_225 = arith.andi %get3A_152, %and3A_224 : vector<16xi32>
      %bitcast3A_226 = vector.bitcast %and3A_225 : vector<16xi32> to vector<16xf32>
      %swap3A_227 = arith.index_cast %scan3A_138 : i32 to index
      %swap3A_228 = arith.constant 576 : index
      %swap3A_229 = tpu.vector_load %arg9[%swap3A_227, %swap3A_228] {strides = array<i32>} : memref<32x1024xf32, #tpu.memory_space<vmem>>, vector<16xf32>,
      tpu.vector_store %arg9[%swap3A_227, %swap3A_228], %bitcast3A_226 {strides = array<i32>} : memref<32x1024xf32, #tpu.memory_space<vmem>>, vector<16xf32>,
      %shift_left3A_230 = arith.constant 16 : i32
      %shift_left3A_231 = vector.broadcast %shift_left3A_230 : i32 to vector<16xi32>
      %shift_left3A_232 = arith.shli %get3A_155, %shift_left3A_231 : vector<16xi32>
      %bitcast3A_233 = vector.bitcast %shift_left3A_232 : vector<16xi32> to vector<16xf32>
      %swap3A_234 = arith.index_cast %scan3A_138 : i32 to index
      %swap3A_235 = arith.constant 80 : index
      %swap3A_236 = tpu.vector_load %arg9[%swap3A_234, %swap3A_235] {strides = array<i32>} : memref<32x1024xf32, #tpu.memory_space<vmem>>, vector<16xf32>,
      tpu.vector_store %arg9[%swap3A_234, %swap3A_235], %bitcast3A_233 {strides = array<i32>} : memref<32x1024xf32, #tpu.memory_space<vmem>>, vector<16xf32>,
      %and3A_237 = arith.constant -65536 : i32
      %and3A_238 = vector.broadcast %and3A_237 : i32 to vector<16xi32>
      %and3A_239 = arith.andi %get3A_155, %and3A_238 : vector<16xi32>
      %bitcast3A_240 = vector.bitcast %and3A_239 : vector<16xi32> to vector<16xf32>
      %swap3A_241 = arith.index_cast %scan3A_138 : i32 to index
      %swap3A_242 = arith.constant 592 : index
      %swap3A_243 = tpu.vector_load %arg9[%swap3A_241, %swap3A_242] {strides = array<i32>} : memref<32x1024xf32, #tpu.memory_space<vmem>>, vector<16xf32>,
      tpu.vector_store %arg9[%swap3A_241, %swap3A_242], %bitcast3A_240 {strides = array<i32>} : memref<32x1024xf32, #tpu.memory_space<vmem>>, vector<16xf32>,
      %shift_left3A_244 = arith.constant 16 : i32
      %shift_left3A_245 = vector.broadcast %shift_left3A_244 : i32 to vector<16xi32>
      %shift_left3A_246 = arith.shli %get3A_158, %shift_left3A_245 : vector<16xi32>
      %bitcast3A_247 = vector.bitcast %shift_left3A_246 : vector<16xi32> to vector<16xf32>
      %swap3A_248 = arith.index_cast %scan3A_138 : i32 to index
      %swap3A_249 = arith.constant 96 : index
      %swap3A_250 = tpu.vector_load %arg9[%swap3A_248, %swap3A_249] {strides = array<i32>} : memref<32x1024xf32, #tpu.memory_space<vmem>>, vector<16xf32>,
      tpu.vector_store %arg9[%swap3A_248, %swap3A_249], %bitcast3A_247 {strides = array<i32>} : memref<32x1024xf32, #tpu.memory_space<vmem>>, vector<16xf32>,
      %and3A_251 = arith.constant -65536 : i32
      %and3A_252 = vector.broadcast %and3A_251 : i32 to vector<16xi32>
      %and3A_253 = arith.andi %get3A_158, %and3A_252 : vector<16xi32>
      %bitcast3A_254 = vector.bitcast %and3A_253 : vector<16xi32> to vector<16xf32>
      %swap3A_255 = arith.index_cast %scan3A_138 : i32 to index
      %swap3A_256 = arith.constant 608 : index
      %swap3A_257 = tpu.vector_load %arg9[%swap3A_255, %swap3A_256] {strides = array<i32>} : memref<32x1024xf32, #tpu.memory_space<vmem>>, vector<16xf32>,
      tpu.vector_store %arg9[%swap3A_255, %swap3A_256], %bitcast3A_254 {strides = array<i32>} : memref<32x1024xf32, #tpu.memory_space<vmem>>, vector<16xf32>,
      %shift_left3A_258 = arith.constant 16 : i32
      %shift_left3A_259 = vector.broadcast %shift_left3A_258 : i32 to vector<16xi32>
      %shift_left3A_260 = arith.shli %get3A_161, %shift_left3A_259 : vector<16xi32>
      %bitcast3A_261 = vector.bitcast %shift_left3A_260 : vector<16xi32> to vector<16xf32>
      %swap3A_262 = arith.index_cast %scan3A_138 : i32 to index
      %swap3A_263 = arith.constant 112 : index
      %swap3A_264 = tpu.vector_load %arg9[%swap3A_262, %swap3A_263] {strides = array<i32>} : memref<32x1024xf32, #tpu.memory_space<vmem>>, vector<16xf32>,
      tpu.vector_store %arg9[%swap3A_262, %swap3A_263], %bitcast3A_261 {strides = array<i32>} : memref<32x1024xf32, #tpu.memory_space<vmem>>, vector<16xf32>,
      %and3A_265 = arith.constant -65536 : i32
      %and3A_266 = vector.broadcast %and3A_265 : i32 to vector<16xi32>
      %and3A_267 = arith.andi %get3A_161, %and3A_266 : vector<16xi32>
      %bitcast3A_268 = vector.bitcast %and3A_267 : vector<16xi32> to vector<16xf32>
      %swap3A_269 = arith.index_cast %scan3A_138 : i32 to index
      %swap3A_270 = arith.constant 624 : index
      %swap3A_271 = tpu.vector_load %arg9[%swap3A_269, %swap3A_270] {strides = array<i32>} : memref<32x1024xf32, #tpu.memory_space<vmem>>, vector<16xf32>,
      tpu.vector_store %arg9[%swap3A_269, %swap3A_270], %bitcast3A_268 {strides = array<i32>} : memref<32x1024xf32, #tpu.memory_space<vmem>>, vector<16xf32>,
      %get3A_272 = arith.index_cast %scan3A_138 : i32 to index
      %get3A_273 = arith.constant 128 : index
      %get3A_274 = tpu.vector_load %arg7[%get3A_272, %get3A_273] {strides = array<i32>} : memref<32x512xi32, #tpu.memory_space<vmem>>, vector<16xi32>,
      %get3A_275 = arith.index_cast %scan3A_138 : i32 to index
      %get3A_276 = arith.constant 144 : index
      %get3A_277 = tpu.vector_load %arg7[%get3A_275, %get3A_276] {strides = array<i32>} : memref<32x512xi32, #tpu.memory_space<vmem>>, vector<16xi32>,
      %get3A_278 = arith.index_cast %scan3A_138 : i32 to index
      %get3A_279 = arith.constant 160 : index
      %get3A_280 = tpu.vector_load %arg7[%get3A_278, %get3A_279] {strides = array<i32>} : memref<32x512xi32, #tpu.memory_space<vmem>>, vector<16xi32>,
      %get3A_281 = arith.index_cast %scan3A_138 : i32 to index
      %get3A_282 = arith.constant 176 : index
      %get3A_283 = tpu.vector_load %arg7[%get3A_281, %get3A_282] {strides = array<i32>} : memref<32x512xi32, #tpu.memory_space<vmem>>, vector<16xi32>,
      %get3A_284 = arith.index_cast %scan3A_138 : i32 to index
      %get3A_285 = arith.constant 192 : index
      %get3A_286 = tpu.vector_load %arg7[%get3A_284, %get3A_285] {strides = array<i32>} : memref<32x512xi32, #tpu.memory_space<vmem>>, vector<16xi32>,
      %get3A_287 = arith.index_cast %scan3A_138 : i32 to index
      %get3A_288 = arith.constant 208 : index
      %get3A_289 = tpu.vector_load %arg7[%get3A_287, %get3A_288] {strides = array<i32>} : memref<32x512xi32, #tpu.memory_space<vmem>>, vector<16xi32>,
      %get3A_290 = arith.index_cast %scan3A_138 : i32 to index
      %get3A_291 = arith.constant 224 : index
      %get3A_292 = tpu.vector_load %arg7[%get3A_290, %get3A_291] {strides = array<i32>} : memref<32x512xi32, #tpu.memory_space<vmem>>, vector<16xi32>,
      %get3A_293 = arith.index_cast %scan3A_138 : i32 to index
      %get3A_294 = arith.constant 240 : index
      %get3A_295 = tpu.vector_load %arg7[%get3A_293, %get3A_294] {strides = array<i32>} : memref<32x512xi32, #tpu.memory_space<vmem>>, vector<16xi32>,
      %shift_left3A_296 = arith.constant 16 : i32
      %shift_left3A_297 = vector.broadcast %shift_left3A_296 : i32 to vector<16xi32>
      %shift_left3A_298 = arith.shli %get3A_274, %shift_left3A_297 : vector<16xi32>
      %bitcast3A_299 = vector.bitcast %shift_left3A_298 : vector<16xi32> to vector<16xf32>
      %swap3A_300 = arith.index_cast %scan3A_138 : i32 to index
      %swap3A_301 = arith.constant 128 : index
      %swap3A_302 = tpu.vector_load %arg9[%swap3A_300, %swap3A_301] {strides = array<i32>} : memref<32x1024xf32, #tpu.memory_space<vmem>>, vector<16xf32>,
      tpu.vector_store %arg9[%swap3A_300, %swap3A_301], %bitcast3A_299 {strides = array<i32>} : memref<32x1024xf32, #tpu.memory_space<vmem>>, vector<16xf32>,
      %and3A_303 = arith.constant -65536 : i32
      %and3A_304 = vector.broadcast %and3A_303 : i32 to vector<16xi32>
      %and3A_305 = arith.andi %get3A_274, %and3A_304 : vector<16xi32>
      %bitcast3A_306 = vector.bitcast %and3A_305 : vector<16xi32> to vector<16xf32>
      %swap3A_307 = arith.index_cast %scan3A_138 : i32 to index
      %swap3A_308 = arith.constant 640 : index
      %swap3A_309 = tpu.vector_load %arg9[%swap3A_307, %swap3A_308] {strides = array<i32>} : memref<32x1024xf32, #tpu.memory_space<vmem>>, vector<16xf32>,
      tpu.vector_store %arg9[%swap3A_307, %swap3A_308], %bitcast3A_306 {strides = array<i32>} : memref<32x1024xf32, #tpu.memory_space<vmem>>, vector<16xf32>,
      %shift_left3A_310 = arith.constant 16 : i32
      %shift_left3A_311 = vector.broadcast %shift_left3A_310 : i32 to vector<16xi32>
      %shift_left3A_312 = arith.shli %get3A_277, %shift_left3A_311 : vector<16xi32>
      %bitcast3A_313 = vector.bitcast %shift_left3A_312 : vector<16xi32> to vector<16xf32>
      %swap3A_314 = arith.index_cast %scan3A_138 : i32 to index
      %swap3A_315 = arith.constant 144 : index
      %swap3A_316 = tpu.vector_load %arg9[%swap3A_314, %swap3A_315] {strides = array<i32>} : memref<32x1024xf32, #tpu.memory_space<vmem>>, vector<16xf32>,
      tpu.vector_store %arg9[%swap3A_314, %swap3A_315], %bitcast3A_313 {strides = array<i32>} : memref<32x1024xf32, #tpu.memory_space<vmem>>, vector<16xf32>,
      %and3A_317 = arith.constant -65536 : i32
      %and3A_318 = vector.broadcast %and3A_317 : i32 to vector<16xi32>
      %and3A_319 = arith.andi %get3A_277, %and3A_318 : vector<16xi32>
      %bitcast3A_320 = vector.bitcast %and3A_319 : vector<16xi32> to vector<16xf32>
      %swap3A_321 = arith.index_cast %scan3A_138 : i32 to index
      %swap3A_322 = arith.constant 656 : index
      %swap3A_323 = tpu.vector_load %arg9[%swap3A_321, %swap3A_322] {strides = array<i32>} : memref<32x1024xf32, #tpu.memory_space<vmem>>, vector<16xf32>,
      tpu.vector_store %arg9[%swap3A_321, %swap3A_322], %bitcast3A_320 {strides = array<i32>} : memref<32x1024xf32, #tpu.memory_space<vmem>>, vector<16xf32>,
      %shift_left3A_324 = arith.constant 16 : i32
      %shift_left3A_325 = vector.broadcast %shift_left3A_324 : i32 to vector<16xi32>
      %shift_left3A_326 = arith.shli %get3A_280, %shift_left3A_325 : vector<16xi32>
      %bitcast3A_327 = vector.bitcast %shift_left3A_326 : vector<16xi32> to vector<16xf32>
      %swap3A_328 = arith.index_cast %scan3A_138 : i32 to index
      %swap3A_329 = arith.constant 160 : index
      %swap3A_330 = tpu.vector_load %arg9[%swap3A_328, %swap3A_329] {strides = array<i32>} : memref<32x1024xf32, #tpu.memory_space<vmem>>, vector<16xf32>,
      tpu.vector_store %arg9[%swap3A_328, %swap3A_329], %bitcast3A_327 {strides = array<i32>} : memref<32x1024xf32, #tpu.memory_space<vmem>>, vector<16xf32>,
      %and3A_331 = arith.constant -65536 : i32
      %and3A_332 = vector.broadcast %and3A_331 : i32 to vector<16xi32>
      %and3A_333 = arith.andi %get3A_280, %and3A_332 : vector<16xi32>
      %bitcast3A_334 = vector.bitcast %and3A_333 : vector<16xi32> to vector<16xf32>
      %swap3A_335 = arith.index_cast %scan3A_138 : i32 to index
      %swap3A_336 = arith.constant 672 : index
      %swap3A_337 = tpu.vector_load %arg9[%swap3A_335, %swap3A_336] {strides = array<i32>} : memref<32x1024xf32, #tpu.memory_space<vmem>>, vector<16xf32>,
      tpu.vector_store %arg9[%swap3A_335, %swap3A_336], %bitcast3A_334 {strides = array<i32>} : memref<32x1024xf32, #tpu.memory_space<vmem>>, vector<16xf32>,
      %shift_left3A_338 = arith.constant 16 : i32
      %shift_left3A_339 = vector.broadcast %shift_left3A_338 : i32 to vector<16xi32>
      %shift_left3A_340 = arith.shli %get3A_283, %shift_left3A_339 : vector<16xi32>
      %bitcast3A_341 = vector.bitcast %shift_left3A_340 : vector<16xi32> to vector<16xf32>
      %swap3A_342 = arith.index_cast %scan3A_138 : i32 to index
      %swap3A_343 = arith.constant 176 : index
      %swap3A_344 = tpu.vector_load %arg9[%swap3A_342, %swap3A_343] {strides = array<i32>} : memref<32x1024xf32, #tpu.memory_space<vmem>>, vector<16xf32>,
      tpu.vector_store %arg9[%swap3A_342, %swap3A_343], %bitcast3A_341 {strides = array<i32>} : memref<32x1024xf32, #tpu.memory_space<vmem>>, vector<16xf32>,
      %and3A_345 = arith.constant -65536 : i32
      %and3A_346 = vector.broadcast %and3A_345 : i32 to vector<16xi32>
      %and3A_347 = arith.andi %get3A_283, %and3A_346 : vector<16xi32>
      %bitcast3A_348 = vector.bitcast %and3A_347 : vector<16xi32> to vector<16xf32>
      %swap3A_349 = arith.index_cast %scan3A_138 : i32 to index
      %swap3A_350 = arith.constant 688 : index
      %swap3A_351 = tpu.vector_load %arg9[%swap3A_349, %swap3A_350] {strides = array<i32>} : memref<32x1024xf32, #tpu.memory_space<vmem>>, vector<16xf32>,
      tpu.vector_store %arg9[%swap3A_349, %swap3A_350], %bitcast3A_348 {strides = array<i32>} : memref<32x1024xf32, #tpu.memory_space<vmem>>, vector<16xf32>,
      %shift_left3A_352 = arith.constant 16 : i32
      %shift_left3A_353 = vector.broadcast %shift_left3A_352 : i32 to vector<16xi32>
      %shift_left3A_354 = arith.shli %get3A_286, %shift_left3A_353 : vector<16xi32>
      %bitcast3A_355 = vector.bitcast %shift_left3A_354 : vector<16xi32> to vector<16xf32>
      %swap3A_356 = arith.index_cast %scan3A_138 : i32 to index
      %swap3A_357 = arith.constant 192 : index
      %swap3A_358 = tpu.vector_load %arg9[%swap3A_356, %swap3A_357] {strides = array<i32>} : memref<32x1024xf32, #tpu.memory_space<vmem>>, vector<16xf32>,
      tpu.vector_store %arg9[%swap3A_356, %swap3A_357], %bitcast3A_355 {strides = array<i32>} : memref<32x1024xf32, #tpu.memory_space<vmem>>, vector<16xf32>,
      %and3A_359 = arith.constant -65536 : i32
      %and3A_360 = vector.broadcast %and3A_359 : i32 to vector<16xi32>
      %and3A_361 = arith.andi %get3A_286, %and3A_360 : vector<16xi32>
      %bitcast3A_362 = vector.bitcast %and3A_361 : vector<16xi32> to vector<16xf32>
      %swap3A_363 = arith.index_cast %scan3A_138 : i32 to index
      %swap3A_364 = arith.constant 704 : index
      %swap3A_365 = tpu.vector_load %arg9[%swap3A_363, %swap3A_364] {strides = array<i32>} : memref<32x1024xf32, #tpu.memory_space<vmem>>, vector<16xf32>,
      tpu.vector_store %arg9[%swap3A_363, %swap3A_364], %bitcast3A_362 {strides = array<i32>} : memref<32x1024xf32, #tpu.memory_space<vmem>>, vector<16xf32>,
      %shift_left3A_366 = arith.constant 16 : i32
      %shift_left3A_367 = vector.broadcast %shift_left3A_366 : i32 to vector<16xi32>
      %shift_left3A_368 = arith.shli %get3A_289, %shift_left3A_367 : vector<16xi32>
      %bitcast3A_369 = vector.bitcast %shift_left3A_368 : vector<16xi32> to vector<16xf32>
      %swap3A_370 = arith.index_cast %scan3A_138 : i32 to index
      %swap3A_371 = arith.constant 208 : index
      %swap3A_372 = tpu.vector_load %arg9[%swap3A_370, %swap3A_371] {strides = array<i32>} : memref<32x1024xf32, #tpu.memory_space<vmem>>, vector<16xf32>,
      tpu.vector_store %arg9[%swap3A_370, %swap3A_371], %bitcast3A_369 {strides = array<i32>} : memref<32x1024xf32, #tpu.memory_space<vmem>>, vector<16xf32>,
      %and3A_373 = arith.constant -65536 : i32
      %and3A_374 = vector.broadcast %and3A_373 : i32 to vector<16xi32>
      %and3A_375 = arith.andi %get3A_289, %and3A_374 : vector<16xi32>
      %bitcast3A_376 = vector.bitcast %and3A_375 : vector<16xi32> to vector<16xf32>
      %swap3A_377 = arith.index_cast %scan3A_138 : i32 to index
      %swap3A_378 = arith.constant 720 : index
      %swap3A_379 = tpu.vector_load %arg9[%swap3A_377, %swap3A_378] {strides = array<i32>} : memref<32x1024xf32, #tpu.memory_space<vmem>>, vector<16xf32>,
      tpu.vector_store %arg9[%swap3A_377, %swap3A_378], %bitcast3A_376 {strides = array<i32>} : memref<32x1024xf32, #tpu.memory_space<vmem>>, vector<16xf32>,
      %shift_left3A_380 = arith.constant 16 : i32
      %shift_left3A_381 = vector.broadcast %shift_left3A_380 : i32 to vector<16xi32>
      %shift_left3A_382 = arith.shli %get3A_292, %shift_left3A_381 : vector<16xi32>
      %bitcast3A_383 = vector.bitcast %shift_left3A_382 : vector<16xi32> to vector<16xf32>
      %swap3A_384 = arith.index_cast %scan3A_138 : i32 to index
      %swap3A_385 = arith.constant 224 : index
      %swap3A_386 = tpu.vector_load %arg9[%swap3A_384, %swap3A_385] {strides = array<i32>} : memref<32x1024xf32, #tpu.memory_space<vmem>>, vector<16xf32>,
      tpu.vector_store %arg9[%swap3A_384, %swap3A_385], %bitcast3A_383 {strides = array<i32>} : memref<32x1024xf32, #tpu.memory_space<vmem>>, vector<16xf32>,
      %and3A_387 = arith.constant -65536 : i32
      %and3A_388 = vector.broadcast %and3A_387 : i32 to vector<16xi32>
      %and3A_389 = arith.andi %get3A_292, %and3A_388 : vector<16xi32>
      %bitcast3A_390 = vector.bitcast %and3A_389 : vector<16xi32> to vector<16xf32>
      %swap3A_391 = arith.index_cast %scan3A_138 : i32 to index
      %swap3A_392 = arith.constant 736 : index
      %swap3A_393 = tpu.vector_load %arg9[%swap3A_391, %swap3A_392] {strides = array<i32>} : memref<32x1024xf32, #tpu.memory_space<vmem>>, vector<16xf32>,
      tpu.vector_store %arg9[%swap3A_391, %swap3A_392], %bitcast3A_390 {strides = array<i32>} : memref<32x1024xf32, #tpu.memory_space<vmem>>, vector<16xf32>,
      %shift_left3A_394 = arith.constant 16 : i32
      %shift_left3A_395 = vector.broadcast %shift_left3A_394 : i32 to vector<16xi32>
      %shift_left3A_396 = arith.shli %get3A_295, %shift_left3A_395 : vector<16xi32>
      %bitcast3A_397 = vector.bitcast %shift_left3A_396 : vector<16xi32> to vector<16xf32>
      %swap3A_398 = arith.index_cast %scan3A_138 : i32 to index
      %swap3A_399 = arith.constant 240 : index
      %swap3A_400 = tpu.vector_load %arg9[%swap3A_398, %swap3A_399] {strides = array<i32>} : memref<32x1024xf32, #tpu.memory_space<vmem>>, vector<16xf32>,
      tpu.vector_store %arg9[%swap3A_398, %swap3A_399], %bitcast3A_397 {strides = array<i32>} : memref<32x1024xf32, #tpu.memory_space<vmem>>, vector<16xf32>,
      %and3A_401 = arith.constant -65536 : i32
      %and3A_402 = vector.broadcast %and3A_401 : i32 to vector<16xi32>
      %and3A_403 = arith.andi %get3A_295, %and3A_402 : vector<16xi32>
      %bitcast3A_404 = vector.bitcast %and3A_403 : vector<16xi32> to vector<16xf32>
      %swap3A_405 = arith.index_cast %scan3A_138 : i32 to index
      %swap3A_406 = arith.constant 752 : index
      %swap3A_407 = tpu.vector_load %arg9[%swap3A_405, %swap3A_406] {strides = array<i32>} : memref<32x1024xf32, #tpu.memory_space<vmem>>, vector<16xf32>,
      tpu.vector_store %arg9[%swap3A_405, %swap3A_406], %bitcast3A_404 {strides = array<i32>} : memref<32x1024xf32, #tpu.memory_space<vmem>>, vector<16xf32>,
      %get3A_408 = arith.index_cast %scan3A_138 : i32 to index
      %get3A_409 = arith.constant 256 : index
      %get3A_410 = tpu.vector_load %arg7[%get3A_408, %get3A_409] {strides = array<i32>} : memref<32x512xi32, #tpu.memory_space<vmem>>, vector<16xi32>,
      %get3A_411 = arith.index_cast %scan3A_138 : i32 to index
      %get3A_412 = arith.constant 272 : index
      %get3A_413 = tpu.vector_load %arg7[%get3A_411, %get3A_412] {strides = array<i32>} : memref<32x512xi32, #tpu.memory_space<vmem>>, vector<16xi32>,
      %get3A_414 = arith.index_cast %scan3A_138 : i32 to index
      %get3A_415 = arith.constant 288 : index
      %get3A_416 = tpu.vector_load %arg7[%get3A_414, %get3A_415] {strides = array<i32>} : memref<32x512xi32, #tpu.memory_space<vmem>>, vector<16xi32>,
      %get3A_417 = arith.index_cast %scan3A_138 : i32 to index
      %get3A_418 = arith.constant 304 : index
      %get3A_419 = tpu.vector_load %arg7[%get3A_417, %get3A_418] {strides = array<i32>} : memref<32x512xi32, #tpu.memory_space<vmem>>, vector<16xi32>,
      %get3A_420 = arith.index_cast %scan3A_138 : i32 to index
      %get3A_421 = arith.constant 320 : index
      %get3A_422 = tpu.vector_load %arg7[%get3A_420, %get3A_421] {strides = array<i32>} : memref<32x512xi32, #tpu.memory_space<vmem>>, vector<16xi32>,
      %get3A_423 = arith.index_cast %scan3A_138 : i32 to index
      %get3A_424 = arith.constant 336 : index
      %get3A_425 = tpu.vector_load %arg7[%get3A_423, %get3A_424] {strides = array<i32>} : memref<32x512xi32, #tpu.memory_space<vmem>>, vector<16xi32>,
      %get3A_426 = arith.index_cast %scan3A_138 : i32 to index
      %get3A_427 = arith.constant 352 : index
      %get3A_428 = tpu.vector_load %arg7[%get3A_426, %get3A_427] {strides = array<i32>} : memref<32x512xi32, #tpu.memory_space<vmem>>, vector<16xi32>,
      %get3A_429 = arith.index_cast %scan3A_138 : i32 to index
      %get3A_430 = arith.constant 368 : index
      %get3A_431 = tpu.vector_load %arg7[%get3A_429, %get3A_430] {strides = array<i32>} : memref<32x512xi32, #tpu.memory_space<vmem>>, vector<16xi32>,
      %shift_left3A_432 = arith.constant 16 : i32
      %shift_left3A_433 = vector.broadcast %shift_left3A_432 : i32 to vector<16xi32>
      %shift_left3A_434 = arith.shli %get3A_410, %shift_left3A_433 : vector<16xi32>
      %bitcast3A_435 = vector.bitcast %shift_left3A_434 : vector<16xi32> to vector<16xf32>
      %swap3A_436 = arith.index_cast %scan3A_138 : i32 to index
      %swap3A_437 = arith.constant 256 : index
      %swap3A_438 = tpu.vector_load %arg9[%swap3A_436, %swap3A_437] {strides = array<i32>} : memref<32x1024xf32, #tpu.memory_space<vmem>>, vector<16xf32>,
      tpu.vector_store %arg9[%swap3A_436, %swap3A_437], %bitcast3A_435 {strides = array<i32>} : memref<32x1024xf32, #tpu.memory_space<vmem>>, vector<16xf32>,
      %and3A_439 = arith.constant -65536 : i32
      %and3A_440 = vector.broadcast %and3A_439 : i32 to vector<16xi32>
      %and3A_441 = arith.andi %get3A_410, %and3A_440 : vector<16xi32>
      %bitcast3A_442 = vector.bitcast %and3A_441 : vector<16xi32> to vector<16xf32>
      %swap3A_443 = arith.index_cast %scan3A_138 : i32 to index
      %swap3A_444 = arith.constant 768 : index
      %swap3A_445 = tpu.vector_load %arg9[%swap3A_443, %swap3A_444] {strides = array<i32>} : memref<32x1024xf32, #tpu.memory_space<vmem>>, vector<16xf32>,
      tpu.vector_store %arg9[%swap3A_443, %swap3A_444], %bitcast3A_442 {strides = array<i32>} : memref<32x1024xf32, #tpu.memory_space<vmem>>, vector<16xf32>,
      %shift_left3A_446 = arith.constant 16 : i32
      %shift_left3A_447 = vector.broadcast %shift_left3A_446 : i32 to vector<16xi32>
      %shift_left3A_448 = arith.shli %get3A_413, %shift_left3A_447 : vector<16xi32>
      %bitcast3A_449 = vector.bitcast %shift_left3A_448 : vector<16xi32> to vector<16xf32>
      %swap3A_450 = arith.index_cast %scan3A_138 : i32 to index
      %swap3A_451 = arith.constant 272 : index
      %swap3A_452 = tpu.vector_load %arg9[%swap3A_450, %swap3A_451] {strides = array<i32>} : memref<32x1024xf32, #tpu.memory_space<vmem>>, vector<16xf32>,
      tpu.vector_store %arg9[%swap3A_450, %swap3A_451], %bitcast3A_449 {strides = array<i32>} : memref<32x1024xf32, #tpu.memory_space<vmem>>, vector<16xf32>,
      %and3A_453 = arith.constant -65536 : i32
      %and3A_454 = vector.broadcast %and3A_453 : i32 to vector<16xi32>
      %and3A_455 = arith.andi %get3A_413, %and3A_454 : vector<16xi32>
      %bitcast3A_456 = vector.bitcast %and3A_455 : vector<16xi32> to vector<16xf32>
      %swap3A_457 = arith.index_cast %scan3A_138 : i32 to index
      %swap3A_458 = arith.constant 784 : index
      %swap3A_459 = tpu.vector_load %arg9[%swap3A_457, %swap3A_458] {strides = array<i32>} : memref<32x1024xf32, #tpu.memory_space<vmem>>, vector<16xf32>,
      tpu.vector_store %arg9[%swap3A_457, %swap3A_458], %bitcast3A_456 {strides = array<i32>} : memref<32x1024xf32, #tpu.memory_space<vmem>>, vector<16xf32>,
      %shift_left3A_460 = arith.constant 16 : i32
      %shift_left3A_461 = vector.broadcast %shift_left3A_460 : i32 to vector<16xi32>
      %shift_left3A_462 = arith.shli %get3A_416, %shift_left3A_461 : vector<16xi32>
      %bitcast3A_463 = vector.bitcast %shift_left3A_462 : vector<16xi32> to vector<16xf32>
      %swap3A_464 = arith.index_cast %scan3A_138 : i32 to index
      %swap3A_465 = arith.constant 288 : index
      %swap3A_466 = tpu.vector_load %arg9[%swap3A_464, %swap3A_465] {strides = array<i32>} : memref<32x1024xf32, #tpu.memory_space<vmem>>, vector<16xf32>,
      tpu.vector_store %arg9[%swap3A_464, %swap3A_465], %bitcast3A_463 {strides = array<i32>} : memref<32x1024xf32, #tpu.memory_space<vmem>>, vector<16xf32>,
      %and3A_467 = arith.constant -65536 : i32
      %and3A_468 = vector.broadcast %and3A_467 : i32 to vector<16xi32>
      %and3A_469 = arith.andi %get3A_416, %and3A_468 : vector<16xi32>
      %bitcast3A_470 = vector.bitcast %and3A_469 : vector<16xi32> to vector<16xf32>
      %swap3A_471 = arith.index_cast %scan3A_138 : i32 to index
      %swap3A_472 = arith.constant 800 : index
      %swap3A_473 = tpu.vector_load %arg9[%swap3A_471, %swap3A_472] {strides = array<i32>} : memref<32x1024xf32, #tpu.memory_space<vmem>>, vector<16xf32>,
      tpu.vector_store %arg9[%swap3A_471, %swap3A_472], %bitcast3A_470 {strides = array<i32>} : memref<32x1024xf32, #tpu.memory_space<vmem>>, vector<16xf32>,
      %shift_left3A_474 = arith.constant 16 : i32
      %shift_left3A_475 = vector.broadcast %shift_left3A_474 : i32 to vector<16xi32>
      %shift_left3A_476 = arith.shli %get3A_419, %shift_left3A_475 : vector<16xi32>
      %bitcast3A_477 = vector.bitcast %shift_left3A_476 : vector<16xi32> to vector<16xf32>
      %swap3A_478 = arith.index_cast %scan3A_138 : i32 to index
      %swap3A_479 = arith.constant 304 : index
      %swap3A_480 = tpu.vector_load %arg9[%swap3A_478, %swap3A_479] {strides = array<i32>} : memref<32x1024xf32, #tpu.memory_space<vmem>>, vector<16xf32>,
      tpu.vector_store %arg9[%swap3A_478, %swap3A_479], %bitcast3A_477 {strides = array<i32>} : memref<32x1024xf32, #tpu.memory_space<vmem>>, vector<16xf32>,
      %and3A_481 = arith.constant -65536 : i32
      %and3A_482 = vector.broadcast %and3A_481 : i32 to vector<16xi32>
      %and3A_483 = arith.andi %get3A_419, %and3A_482 : vector<16xi32>
      %bitcast3A_484 = vector.bitcast %and3A_483 : vector<16xi32> to vector<16xf32>
      %swap3A_485 = arith.index_cast %scan3A_138 : i32 to index
      %swap3A_486 = arith.constant 816 : index
      %swap3A_487 = tpu.vector_load %arg9[%swap3A_485, %swap3A_486] {strides = array<i32>} : memref<32x1024xf32, #tpu.memory_space<vmem>>, vector<16xf32>,
      tpu.vector_store %arg9[%swap3A_485, %swap3A_486], %bitcast3A_484 {strides = array<i32>} : memref<32x1024xf32, #tpu.memory_space<vmem>>, vector<16xf32>,
      %shift_left3A_488 = arith.constant 16 : i32
      %shift_left3A_489 = vector.broadcast %shift_left3A_488 : i32 to vector<16xi32>
      %shift_left3A_490 = arith.shli %get3A_422, %shift_left3A_489 : vector<16xi32>
      %bitcast3A_491 = vector.bitcast %shift_left3A_490 : vector<16xi32> to vector<16xf32>
      %swap3A_492 = arith.index_cast %scan3A_138 : i32 to index
      %swap3A_493 = arith.constant 320 : index
      %swap3A_494 = tpu.vector_load %arg9[%swap3A_492, %swap3A_493] {strides = array<i32>} : memref<32x1024xf32, #tpu.memory_space<vmem>>, vector<16xf32>,
      tpu.vector_store %arg9[%swap3A_492, %swap3A_493], %bitcast3A_491 {strides = array<i32>} : memref<32x1024xf32, #tpu.memory_space<vmem>>, vector<16xf32>,
      %and3A_495 = arith.constant -65536 : i32
      %and3A_496 = vector.broadcast %and3A_495 : i32 to vector<16xi32>
      %and3A_497 = arith.andi %get3A_422, %and3A_496 : vector<16xi32>
      %bitcast3A_498 = vector.bitcast %and3A_497 : vector<16xi32> to vector<16xf32>
      %swap3A_499 = arith.index_cast %scan3A_138 : i32 to index
      %swap3A_500 = arith.constant 832 : index
      %swap3A_501 = tpu.vector_load %arg9[%swap3A_499, %swap3A_500] {strides = array<i32>} : memref<32x1024xf32, #tpu.memory_space<vmem>>, vector<16xf32>,
      tpu.vector_store %arg9[%swap3A_499, %swap3A_500], %bitcast3A_498 {strides = array<i32>} : memref<32x1024xf32, #tpu.memory_space<vmem>>, vector<16xf32>,
      %shift_left3A_502 = arith.constant 16 : i32
      %shift_left3A_503 = vector.broadcast %shift_left3A_502 : i32 to vector<16xi32>
      %shift_left3A_504 = arith.shli %get3A_425, %shift_left3A_503 : vector<16xi32>
      %bitcast3A_505 = vector.bitcast %shift_left3A_504 : vector<16xi32> to vector<16xf32>
      %swap3A_506 = arith.index_cast %scan3A_138 : i32 to index
      %swap3A_507 = arith.constant 336 : index
      %swap3A_508 = tpu.vector_load %arg9[%swap3A_506, %swap3A_507] {strides = array<i32>} : memref<32x1024xf32, #tpu.memory_space<vmem>>, vector<16xf32>,
      tpu.vector_store %arg9[%swap3A_506, %swap3A_507], %bitcast3A_505 {strides = array<i32>} : memref<32x1024xf32, #tpu.memory_space<vmem>>, vector<16xf32>,
      %and3A_509 = arith.constant -65536 : i32
      %and3A_510 = vector.broadcast %and3A_509 : i32 to vector<16xi32>
      %and3A_511 = arith.andi %get3A_425, %and3A_510 : vector<16xi32>
      %bitcast3A_512 = vector.bitcast %and3A_511 : vector<16xi32> to vector<16xf32>
      %swap3A_513 = arith.index_cast %scan3A_138 : i32 to index
      %swap3A_514 = arith.constant 848 : index
      %swap3A_515 = tpu.vector_load %arg9[%swap3A_513, %swap3A_514] {strides = array<i32>} : memref<32x1024xf32, #tpu.memory_space<vmem>>, vector<16xf32>,
      tpu.vector_store %arg9[%swap3A_513, %swap3A_514], %bitcast3A_512 {strides = array<i32>} : memref<32x1024xf32, #tpu.memory_space<vmem>>, vector<16xf32>,
      %shift_left3A_516 = arith.constant 16 : i32
      %shift_left3A_517 = vector.broadcast %shift_left3A_516 : i32 to vector<16xi32>
      %shift_left3A_518 = arith.shli %get3A_428, %shift_left3A_517 : vector<16xi32>
      %bitcast3A_519 = vector.bitcast %shift_left3A_518 : vector<16xi32> to vector<16xf32>
      %swap3A_520 = arith.index_cast %scan3A_138 : i32 to index
      %swap3A_521 = arith.constant 352 : index
      %swap3A_522 = tpu.vector_load %arg9[%swap3A_520, %swap3A_521] {strides = array<i32>} : memref<32x1024xf32, #tpu.memory_space<vmem>>, vector<16xf32>,
      tpu.vector_store %arg9[%swap3A_520, %swap3A_521], %bitcast3A_519 {strides = array<i32>} : memref<32x1024xf32, #tpu.memory_space<vmem>>, vector<16xf32>,
      %and3A_523 = arith.constant -65536 : i32
      %and3A_524 = vector.broadcast %and3A_523 : i32 to vector<16xi32>
      %and3A_525 = arith.andi %get3A_428, %and3A_524 : vector<16xi32>
      %bitcast3A_526 = vector.bitcast %and3A_525 : vector<16xi32> to vector<16xf32>
      %swap3A_527 = arith.index_cast %scan3A_138 : i32 to index
      %swap3A_528 = arith.constant 864 : index
      %swap3A_529 = tpu.vector_load %arg9[%swap3A_527, %swap3A_528] {strides = array<i32>} : memref<32x1024xf32, #tpu.memory_space<vmem>>, vector<16xf32>,
      tpu.vector_store %arg9[%swap3A_527, %swap3A_528], %bitcast3A_526 {strides = array<i32>} : memref<32x1024xf32, #tpu.memory_space<vmem>>, vector<16xf32>,
      %shift_left3A_530 = arith.constant 16 : i32
      %shift_left3A_531 = vector.broadcast %shift_left3A_530 : i32 to vector<16xi32>
      %shift_left3A_532 = arith.shli %get3A_431, %shift_left3A_531 : vector<16xi32>
      %bitcast3A_533 = vector.bitcast %shift_left3A_532 : vector<16xi32> to vector<16xf32>
      %swap3A_534 = arith.index_cast %scan3A_138 : i32 to index
      %swap3A_535 = arith.constant 368 : index
      %swap3A_536 = tpu.vector_load %arg9[%swap3A_534, %swap3A_535] {strides = array<i32>} : memref<32x1024xf32, #tpu.memory_space<vmem>>, vector<16xf32>,
      tpu.vector_store %arg9[%swap3A_534, %swap3A_535], %bitcast3A_533 {strides = array<i32>} : memref<32x1024xf32, #tpu.memory_space<vmem>>, vector<16xf32>,
      %and3A_537 = arith.constant -65536 : i32
      %and3A_538 = vector.broadcast %and3A_537 : i32 to vector<16xi32>
      %and3A_539 = arith.andi %get3A_431, %and3A_538 : vector<16xi32>
      %bitcast3A_540 = vector.bitcast %and3A_539 : vector<16xi32> to vector<16xf32>
      %swap3A_541 = arith.index_cast %scan3A_138 : i32 to index
      %swap3A_542 = arith.constant 880 : index
      %swap3A_543 = tpu.vector_load %arg9[%swap3A_541, %swap3A_542] {strides = array<i32>} : memref<32x1024xf32, #tpu.memory_space<vmem>>, vector<16xf32>,
      tpu.vector_store %arg9[%swap3A_541, %swap3A_542], %bitcast3A_540 {strides = array<i32>} : memref<32x1024xf32, #tpu.memory_space<vmem>>, vector<16xf32>,
      %get3A_544 = arith.index_cast %scan3A_138 : i32 to index
      %get3A_545 = arith.constant 384 : index
      %get3A_546 = tpu.vector_load %arg7[%get3A_544, %get3A_545] {strides = array<i32>} : memref<32x512xi32, #tpu.memory_space<vmem>>, vector<16xi32>,
      %get3A_547 = arith.index_cast %scan3A_138 : i32 to index
      %get3A_548 = arith.constant 400 : index
      %get3A_549 = tpu.vector_load %arg7[%get3A_547, %get3A_548] {strides = array<i32>} : memref<32x512xi32, #tpu.memory_space<vmem>>, vector<16xi32>,
      %get3A_550 = arith.index_cast %scan3A_138 : i32 to index
      %get3A_551 = arith.constant 416 : index
      %get3A_552 = tpu.vector_load %arg7[%get3A_550, %get3A_551] {strides = array<i32>} : memref<32x512xi32, #tpu.memory_space<vmem>>, vector<16xi32>,
      %get3A_553 = arith.index_cast %scan3A_138 : i32 to index
      %get3A_554 = arith.constant 432 : index
      %get3A_555 = tpu.vector_load %arg7[%get3A_553, %get3A_554] {strides = array<i32>} : memref<32x512xi32, #tpu.memory_space<vmem>>, vector<16xi32>,
      %get3A_556 = arith.index_cast %scan3A_138 : i32 to index
      %get3A_557 = arith.constant 448 : index
      %get3A_558 = tpu.vector_load %arg7[%get3A_556, %get3A_557] {strides = array<i32>} : memref<32x512xi32, #tpu.memory_space<vmem>>, vector<16xi32>,
      %get3A_559 = arith.index_cast %scan3A_138 : i32 to index
      %get3A_560 = arith.constant 464 : index
      %get3A_561 = tpu.vector_load %arg7[%get3A_559, %get3A_560] {strides = array<i32>} : memref<32x512xi32, #tpu.memory_space<vmem>>, vector<16xi32>,
      %get3A_562 = arith.index_cast %scan3A_138 : i32 to index
      %get3A_563 = arith.constant 480 : index
      %get3A_564 = tpu.vector_load %arg7[%get3A_562, %get3A_563] {strides = array<i32>} : memref<32x512xi32, #tpu.memory_space<vmem>>, vector<16xi32>,
      %get3A_565 = arith.index_cast %scan3A_138 : i32 to index
      %get3A_566 = arith.constant 496 : index
      %get3A_567 = tpu.vector_load %arg7[%get3A_565, %get3A_566] {strides = array<i32>} : memref<32x512xi32, #tpu.memory_space<vmem>>, vector<16xi32>,
      %shift_left3A_568 = arith.constant 16 : i32
      %shift_left3A_569 = vector.broadcast %shift_left3A_568 : i32 to vector<16xi32>
      %shift_left3A_570 = arith.shli %get3A_546, %shift_left3A_569 : vector<16xi32>
      %bitcast3A_571 = vector.bitcast %shift_left3A_570 : vector<16xi32> to vector<16xf32>
      %swap3A_572 = arith.index_cast %scan3A_138 : i32 to index
      %swap3A_573 = arith.constant 384 : index
      %swap3A_574 = tpu.vector_load %arg9[%swap3A_572, %swap3A_573] {strides = array<i32>} : memref<32x1024xf32, #tpu.memory_space<vmem>>, vector<16xf32>,
      tpu.vector_store %arg9[%swap3A_572, %swap3A_573], %bitcast3A_571 {strides = array<i32>} : memref<32x1024xf32, #tpu.memory_space<vmem>>, vector<16xf32>,
      %and3A_575 = arith.constant -65536 : i32
      %and3A_576 = vector.broadcast %and3A_575 : i32 to vector<16xi32>
      %and3A_577 = arith.andi %get3A_546, %and3A_576 : vector<16xi32>
      %bitcast3A_578 = vector.bitcast %and3A_577 : vector<16xi32> to vector<16xf32>
      %swap3A_579 = arith.index_cast %scan3A_138 : i32 to index
      %swap3A_580 = arith.constant 896 : index
      %swap3A_581 = tpu.vector_load %arg9[%swap3A_579, %swap3A_580] {strides = array<i32>} : memref<32x1024xf32, #tpu.memory_space<vmem>>, vector<16xf32>,
      tpu.vector_store %arg9[%swap3A_579, %swap3A_580], %bitcast3A_578 {strides = array<i32>} : memref<32x1024xf32, #tpu.memory_space<vmem>>, vector<16xf32>,
      %shift_left3A_582 = arith.constant 16 : i32
      %shift_left3A_583 = vector.broadcast %shift_left3A_582 : i32 to vector<16xi32>
      %shift_left3A_584 = arith.shli %get3A_549, %shift_left3A_583 : vector<16xi32>
      %bitcast3A_585 = vector.bitcast %shift_left3A_584 : vector<16xi32> to vector<16xf32>
      %swap3A_586 = arith.index_cast %scan3A_138 : i32 to index
      %swap3A_587 = arith.constant 400 : index
      %swap3A_588 = tpu.vector_load %arg9[%swap3A_586, %swap3A_587] {strides = array<i32>} : memref<32x1024xf32, #tpu.memory_space<vmem>>, vector<16xf32>,
      tpu.vector_store %arg9[%swap3A_586, %swap3A_587], %bitcast3A_585 {strides = array<i32>} : memref<32x1024xf32, #tpu.memory_space<vmem>>, vector<16xf32>,
      %and3A_589 = arith.constant -65536 : i32
      %and3A_590 = vector.broadcast %and3A_589 : i32 to vector<16xi32>
      %and3A_591 = arith.andi %get3A_549, %and3A_590 : vector<16xi32>
      %bitcast3A_592 = vector.bitcast %and3A_591 : vector<16xi32> to vector<16xf32>
      %swap3A_593 = arith.index_cast %scan3A_138 : i32 to index
      %swap3A_594 = arith.constant 912 : index
      %swap3A_595 = tpu.vector_load %arg9[%swap3A_593, %swap3A_594] {strides = array<i32>} : memref<32x1024xf32, #tpu.memory_space<vmem>>, vector<16xf32>,
      tpu.vector_store %arg9[%swap3A_593, %swap3A_594], %bitcast3A_592 {strides = array<i32>} : memref<32x1024xf32, #tpu.memory_space<vmem>>, vector<16xf32>,
      %shift_left3A_596 = arith.constant 16 : i32
      %shift_left3A_597 = vector.broadcast %shift_left3A_596 : i32 to vector<16xi32>
      %shift_left3A_598 = arith.shli %get3A_552, %shift_left3A_597 : vector<16xi32>
      %bitcast3A_599 = vector.bitcast %shift_left3A_598 : vector<16xi32> to vector<16xf32>
      %swap3A_600 = arith.index_cast %scan3A_138 : i32 to index
      %swap3A_601 = arith.constant 416 : index
      %swap3A_602 = tpu.vector_load %arg9[%swap3A_600, %swap3A_601] {strides = array<i32>} : memref<32x1024xf32, #tpu.memory_space<vmem>>, vector<16xf32>,
      tpu.vector_store %arg9[%swap3A_600, %swap3A_601], %bitcast3A_599 {strides = array<i32>} : memref<32x1024xf32, #tpu.memory_space<vmem>>, vector<16xf32>,
      %and3A_603 = arith.constant -65536 : i32
      %and3A_604 = vector.broadcast %and3A_603 : i32 to vector<16xi32>
      %and3A_605 = arith.andi %get3A_552, %and3A_604 : vector<16xi32>
      %bitcast3A_606 = vector.bitcast %and3A_605 : vector<16xi32> to vector<16xf32>
      %swap3A_607 = arith.index_cast %scan3A_138 : i32 to index
      %swap3A_608 = arith.constant 928 : index
      %swap3A_609 = tpu.vector_load %arg9[%swap3A_607, %swap3A_608] {strides = array<i32>} : memref<32x1024xf32, #tpu.memory_space<vmem>>, vector<16xf32>,
      tpu.vector_store %arg9[%swap3A_607, %swap3A_608], %bitcast3A_606 {strides = array<i32>} : memref<32x1024xf32, #tpu.memory_space<vmem>>, vector<16xf32>,
      %shift_left3A_610 = arith.constant 16 : i32
      %shift_left3A_611 = vector.broadcast %shift_left3A_610 : i32 to vector<16xi32>
      %shift_left3A_612 = arith.shli %get3A_555, %shift_left3A_611 : vector<16xi32>
      %bitcast3A_613 = vector.bitcast %shift_left3A_612 : vector<16xi32> to vector<16xf32>
      %swap3A_614 = arith.index_cast %scan3A_138 : i32 to index
      %swap3A_615 = arith.constant 432 : index
      %swap3A_616 = tpu.vector_load %arg9[%swap3A_614, %swap3A_615] {strides = array<i32>} : memref<32x1024xf32, #tpu.memory_space<vmem>>, vector<16xf32>,
      tpu.vector_store %arg9[%swap3A_614, %swap3A_615], %bitcast3A_613 {strides = array<i32>} : memref<32x1024xf32, #tpu.memory_space<vmem>>, vector<16xf32>,
      %and3A_617 = arith.constant -65536 : i32
      %and3A_618 = vector.broadcast %and3A_617 : i32 to vector<16xi32>
      %and3A_619 = arith.andi %get3A_555, %and3A_618 : vector<16xi32>
      %bitcast3A_620 = vector.bitcast %and3A_619 : vector<16xi32> to vector<16xf32>
      %swap3A_621 = arith.index_cast %scan3A_138 : i32 to index
      %swap3A_622 = arith.constant 944 : index
      %swap3A_623 = tpu.vector_load %arg9[%swap3A_621, %swap3A_622] {strides = array<i32>} : memref<32x1024xf32, #tpu.memory_space<vmem>>, vector<16xf32>,
      tpu.vector_store %arg9[%swap3A_621, %swap3A_622], %bitcast3A_620 {strides = array<i32>} : memref<32x1024xf32, #tpu.memory_space<vmem>>, vector<16xf32>,
      %shift_left3A_624 = arith.constant 16 : i32
      %shift_left3A_625 = vector.broadcast %shift_left3A_624 : i32 to vector<16xi32>
      %shift_left3A_626 = arith.shli %get3A_558, %shift_left3A_625 : vector<16xi32>
      %bitcast3A_627 = vector.bitcast %shift_left3A_626 : vector<16xi32> to vector<16xf32>
      %swap3A_628 = arith.index_cast %scan3A_138 : i32 to index
      %swap3A_629 = arith.constant 448 : index
      %swap3A_630 = tpu.vector_load %arg9[%swap3A_628, %swap3A_629] {strides = array<i32>} : memref<32x1024xf32, #tpu.memory_space<vmem>>, vector<16xf32>,
      tpu.vector_store %arg9[%swap3A_628, %swap3A_629], %bitcast3A_627 {strides = array<i32>} : memref<32x1024xf32, #tpu.memory_space<vmem>>, vector<16xf32>,
      %and3A_631 = arith.constant -65536 : i32
      %and3A_632 = vector.broadcast %and3A_631 : i32 to vector<16xi32>
      %and3A_633 = arith.andi %get3A_558, %and3A_632 : vector<16xi32>
      %bitcast3A_634 = vector.bitcast %and3A_633 : vector<16xi32> to vector<16xf32>
      %swap3A_635 = arith.index_cast %scan3A_138 : i32 to index
      %swap3A_636 = arith.constant 960 : index
      %swap3A_637 = tpu.vector_load %arg9[%swap3A_635, %swap3A_636] {strides = array<i32>} : memref<32x1024xf32, #tpu.memory_space<vmem>>, vector<16xf32>,
      tpu.vector_store %arg9[%swap3A_635, %swap3A_636], %bitcast3A_634 {strides = array<i32>} : memref<32x1024xf32, #tpu.memory_space<vmem>>, vector<16xf32>,
      %shift_left3A_638 = arith.constant 16 : i32
      %shift_left3A_639 = vector.broadcast %shift_left3A_638 : i32 to vector<16xi32>
      %shift_left3A_640 = arith.shli %get3A_561, %shift_left3A_639 : vector<16xi32>
      %bitcast3A_641 = vector.bitcast %shift_left3A_640 : vector<16xi32> to vector<16xf32>
      %swap3A_642 = arith.index_cast %scan3A_138 : i32 to index
      %swap3A_643 = arith.constant 464 : index
      %swap3A_644 = tpu.vector_load %arg9[%swap3A_642, %swap3A_643] {strides = array<i32>} : memref<32x1024xf32, #tpu.memory_space<vmem>>, vector<16xf32>,
      tpu.vector_store %arg9[%swap3A_642, %swap3A_643], %bitcast3A_641 {strides = array<i32>} : memref<32x1024xf32, #tpu.memory_space<vmem>>, vector<16xf32>,
      %and3A_645 = arith.constant -65536 : i32
      %and3A_646 = vector.broadcast %and3A_645 : i32 to vector<16xi32>
      %and3A_647 = arith.andi %get3A_561, %and3A_646 : vector<16xi32>
      %bitcast3A_648 = vector.bitcast %and3A_647 : vector<16xi32> to vector<16xf32>
      %swap3A_649 = arith.index_cast %scan3A_138 : i32 to index
      %swap3A_650 = arith.constant 976 : index
      %swap3A_651 = tpu.vector_load %arg9[%swap3A_649, %swap3A_650] {strides = array<i32>} : memref<32x1024xf32, #tpu.memory_space<vmem>>, vector<16xf32>,
      tpu.vector_store %arg9[%swap3A_649, %swap3A_650], %bitcast3A_648 {strides = array<i32>} : memref<32x1024xf32, #tpu.memory_space<vmem>>, vector<16xf32>,
      %shift_left3A_652 = arith.constant 16 : i32
      %shift_left3A_653 = vector.broadcast %shift_left3A_652 : i32 to vector<16xi32>
      %shift_left3A_654 = arith.shli %get3A_564, %shift_left3A_653 : vector<16xi32>
      %bitcast3A_655 = vector.bitcast %shift_left3A_654 : vector<16xi32> to vector<16xf32>
      %swap3A_656 = arith.index_cast %scan3A_138 : i32 to index
      %swap3A_657 = arith.constant 480 : index
      %swap3A_658 = tpu.vector_load %arg9[%swap3A_656, %swap3A_657] {strides = array<i32>} : memref<32x1024xf32, #tpu.memory_space<vmem>>, vector<16xf32>,
      tpu.vector_store %arg9[%swap3A_656, %swap3A_657], %bitcast3A_655 {strides = array<i32>} : memref<32x1024xf32, #tpu.memory_space<vmem>>, vector<16xf32>,
      %and3A_659 = arith.constant -65536 : i32
      %and3A_660 = vector.broadcast %and3A_659 : i32 to vector<16xi32>
      %and3A_661 = arith.andi %get3A_564, %and3A_660 : vector<16xi32>
      %bitcast3A_662 = vector.bitcast %and3A_661 : vector<16xi32> to vector<16xf32>
      %swap3A_663 = arith.index_cast %scan3A_138 : i32 to index
      %swap3A_664 = arith.constant 992 : index
      %swap3A_665 = tpu.vector_load %arg9[%swap3A_663, %swap3A_664] {strides = array<i32>} : memref<32x1024xf32, #tpu.memory_space<vmem>>, vector<16xf32>,
      tpu.vector_store %arg9[%swap3A_663, %swap3A_664], %bitcast3A_662 {strides = array<i32>} : memref<32x1024xf32, #tpu.memory_space<vmem>>, vector<16xf32>,
      %shift_left3A_666 = arith.constant 16 : i32
      %shift_left3A_667 = vector.broadcast %shift_left3A_666 : i32 to vector<16xi32>
      %shift_left3A_668 = arith.shli %get3A_567, %shift_left3A_667 : vector<16xi32>
      %bitcast3A_669 = vector.bitcast %shift_left3A_668 : vector<16xi32> to vector<16xf32>
      %swap3A_670 = arith.index_cast %scan3A_138 : i32 to index
      %swap3A_671 = arith.constant 496 : index
      %swap3A_672 = tpu.vector_load %arg9[%swap3A_670, %swap3A_671] {strides = array<i32>} : memref<32x1024xf32, #tpu.memory_space<vmem>>, vector<16xf32>,
      tpu.vector_store %arg9[%swap3A_670, %swap3A_671], %bitcast3A_669 {strides = array<i32>} : memref<32x1024xf32, #tpu.memory_space<vmem>>, vector<16xf32>,
      %and3A_673 = arith.constant -65536 : i32
      %and3A_674 = vector.broadcast %and3A_673 : i32 to vector<16xi32>
      %and3A_675 = arith.andi %get3A_567, %and3A_674 : vector<16xi32>
      %bitcast3A_676 = vector.bitcast %and3A_675 : vector<16xi32> to vector<16xf32>
      %swap3A_677 = arith.index_cast %scan3A_138 : i32 to index
      %swap3A_678 = arith.constant 1008 : index
      %swap3A_679 = tpu.vector_load %arg9[%swap3A_677, %swap3A_678] {strides = array<i32>} : memref<32x1024xf32, #tpu.memory_space<vmem>>, vector<16xf32>,
      tpu.vector_store %arg9[%swap3A_677, %swap3A_678], %bitcast3A_676 {strides = array<i32>} : memref<32x1024xf32, #tpu.memory_space<vmem>>, vector<16xf32>,
    }
    %scan3A_96 = arith.constant 32 : i32
    %add3A_97 = arith.constant 960 : i32
    %add3A_98 = arith.addi %mul3A_2, %add3A_97 : i32
    %dma_start3A_99 = arith.constant 0 : i32
    %dma_start3A_100 = tpu.memref_slice %arg4[%add3A_98, %dma_start3A_99] : memref<32768x1024xf32, #tpu.memory_space<hbm>> -> memref<32x1024xf32, #tpu.memory_space<hbm>>
    %dma_start3A_101 = arith.constant 0 : i32
    %dma_start3A_102 = tpu.memref_slice %arg4[%add3A_98, %dma_start3A_101] : memref<32768x1024xf32, #tpu.memory_space<hbm>> -> memref<32x1024xf32, #tpu.memory_space<hbm>>
    tpu.enqueue_dma source(%arg9 : memref<32x1024xf32, #tpu.memory_space<vmem>>) target(%dma_start3A_102 : memref<32x1024xf32, #tpu.memory_space<hbm>>) target_semaphore(%arg13 : memref<!tpu.dma_semaphore, #tpu.memory_space<semaphore_mem>>)
    %add3A_103 = arith.constant 960 : i32
    %add3A_104 = arith.addi %mul3A_2, %add3A_103 : i32
    %dma_wait3A_105 = arith.constant 0 : i32
    %dma_wait3A_106 = tpu.memref_slice %arg4[%add3A_104, %dma_wait3A_105] : memref<32768x1024xf32, #tpu.memory_space<hbm>> -> memref<32x1024xf32, #tpu.memory_space<hbm>>
    %dma_wait3A_107 = arith.constant 0 : i32
    %dma_wait3A_108 = tpu.memref_slice %arg4[%add3A_104, %dma_wait3A_107] : memref<32768x1024xf32, #tpu.memory_space<hbm>> -> memref<32x1024xf32, #tpu.memory_space<hbm>>
    tpu.wait_dma2 semaphore(%arg13 : memref<!tpu.dma_semaphore, #tpu.memory_space<semaphore_mem>>) src(%arg9 : memref<32x1024xf32, #tpu.memory_space<vmem>>) dst(%dma_wait3A_108 : memref<32x1024xf32, #tpu.memory_space<hbm>>)
    %dma_wait3A_109 = arith.constant 992 : i32
    %dma_wait3A_110 = tpu.memref_slice %arg6[%dma_wait3A_109] : memref<1024xi32, #tpu.memory_space<vmem>> -> memref<32xi32, #tpu.memory_space<vmem>>
    %dma_wait3A_111 = arith.constant 0 : i32
    %dma_wait3A_112 = arith.constant 0 : i32
    %dma_wait3A_113 = tpu.memref_slice %arg3[%dma_wait3A_111, %dma_wait3A_112] : memref<3072x512xi32, #tpu.memory_space<hbm>> -> memref<3072x512xi32, #tpu.memory_space<hbm>>
    tpu.wait_indirect_dma semaphore(%arg12 : memref<!tpu.dma_semaphore, #tpu.memory_space<semaphore_mem>>) src(%dma_wait3A_113 : memref<3072x512xi32, #tpu.memory_space<hbm>>) dst(%arg8 : memref<32x512xi32, #tpu.memory_space<vmem>>)
    %add3A_114 = arith.constant 928 : i32
    %add3A_115 = arith.addi %mul3A_2, %add3A_114 : i32
    %dma_wait3A_116 = arith.constant 0 : i32
    %dma_wait3A_117 = tpu.memref_slice %arg4[%add3A_115, %dma_wait3A_116] : memref<32768x1024xf32, #tpu.memory_space<hbm>> -> memref<32x1024xf32, #tpu.memory_space<hbm>>
    %dma_wait3A_118 = arith.constant 0 : i32
    %dma_wait3A_119 = tpu.memref_slice %arg4[%add3A_115, %dma_wait3A_118] : memref<32768x1024xf32, #tpu.memory_space<hbm>> -> memref<32x1024xf32, #tpu.memory_space<hbm>>
    tpu.wait_dma2 semaphore(%arg14 : memref<!tpu.dma_semaphore, #tpu.memory_space<semaphore_mem>>) src(%arg10 : memref<32x1024xf32, #tpu.memory_space<vmem>>) dst(%dma_wait3A_119 : memref<32x1024xf32, #tpu.memory_space<hbm>>)
    %scan3A_120 = arith.constant 0 : i32
    %scan3A_121 = arith.constant 0 : i32
    %scan3A_122 = arith.constant 32 : i32
    %scan3A_123 = arith.addi %scan3A_121, %scan3A_122 : i32
    %scan3A_124 = arith.constant 1 : i32
    scf.for %scan3A_138 = %scan3A_121 to %scan3A_123 step %scan3A_124  : i32 {
      %get3A = arith.index_cast %scan3A_138 : i32 to index
      %get3A_139 = arith.constant 0 : index
      %get3A_140 = tpu.vector_load %arg8[%get3A, %get3A_139] {strides = array<i32>} : memref<32x512xi32, #tpu.memory_space<vmem>>, vector<16xi32>,
      %get3A_141 = arith.index_cast %scan3A_138 : i32 to index
      %get3A_142 = arith.constant 16 : index
      %get3A_143 = tpu.vector_load %arg8[%get3A_141, %get3A_142] {strides = array<i32>} : memref<32x512xi32, #tpu.memory_space<vmem>>, vector<16xi32>,
      %get3A_144 = arith.index_cast %scan3A_138 : i32 to index
      %get3A_145 = arith.constant 32 : index
      %get3A_146 = tpu.vector_load %arg8[%get3A_144, %get3A_145] {strides = array<i32>} : memref<32x512xi32, #tpu.memory_space<vmem>>, vector<16xi32>,
      %get3A_147 = arith.index_cast %scan3A_138 : i32 to index
      %get3A_148 = arith.constant 48 : index
      %get3A_149 = tpu.vector_load %arg8[%get3A_147, %get3A_148] {strides = array<i32>} : memref<32x512xi32, #tpu.memory_space<vmem>>, vector<16xi32>,
      %get3A_150 = arith.index_cast %scan3A_138 : i32 to index
      %get3A_151 = arith.constant 64 : index
      %get3A_152 = tpu.vector_load %arg8[%get3A_150, %get3A_151] {strides = array<i32>} : memref<32x512xi32, #tpu.memory_space<vmem>>, vector<16xi32>,
      %get3A_153 = arith.index_cast %scan3A_138 : i32 to index
      %get3A_154 = arith.constant 80 : index
      %get3A_155 = tpu.vector_load %arg8[%get3A_153, %get3A_154] {strides = array<i32>} : memref<32x512xi32, #tpu.memory_space<vmem>>, vector<16xi32>,
      %get3A_156 = arith.index_cast %scan3A_138 : i32 to index
      %get3A_157 = arith.constant 96 : index
      %get3A_158 = tpu.vector_load %arg8[%get3A_156, %get3A_157] {strides = array<i32>} : memref<32x512xi32, #tpu.memory_space<vmem>>, vector<16xi32>,
      %get3A_159 = arith.index_cast %scan3A_138 : i32 to index
      %get3A_160 = arith.constant 112 : index
      %get3A_161 = tpu.vector_load %arg8[%get3A_159, %get3A_160] {strides = array<i32>} : memref<32x512xi32, #tpu.memory_space<vmem>>, vector<16xi32>,
      %shift_left3A = arith.constant 16 : i32
      %shift_left3A_162 = vector.broadcast %shift_left3A : i32 to vector<16xi32>
      %shift_left3A_163 = arith.shli %get3A_140, %shift_left3A_162 : vector<16xi32>
      %bitcast3A = vector.bitcast %shift_left3A_163 : vector<16xi32> to vector<16xf32>
      %swap3A_164 = arith.index_cast %scan3A_138 : i32 to index
      %swap3A_165 = arith.constant 0 : index
      %swap3A_166 = tpu.vector_load %arg10[%swap3A_164, %swap3A_165] {strides = array<i32>} : memref<32x1024xf32, #tpu.memory_space<vmem>>, vector<16xf32>,
      tpu.vector_store %arg10[%swap3A_164, %swap3A_165], %bitcast3A {strides = array<i32>} : memref<32x1024xf32, #tpu.memory_space<vmem>>, vector<16xf32>,
      %and3A_167 = arith.constant -65536 : i32
      %and3A_168 = vector.broadcast %and3A_167 : i32 to vector<16xi32>
      %and3A_169 = arith.andi %get3A_140, %and3A_168 : vector<16xi32>
      %bitcast3A_170 = vector.bitcast %and3A_169 : vector<16xi32> to vector<16xf32>
      %swap3A_171 = arith.index_cast %scan3A_138 : i32 to index
      %swap3A_172 = arith.constant 512 : index
      %swap3A_173 = tpu.vector_load %arg10[%swap3A_171, %swap3A_172] {strides = array<i32>} : memref<32x1024xf32, #tpu.memory_space<vmem>>, vector<16xf32>,
      tpu.vector_store %arg10[%swap3A_171, %swap3A_172], %bitcast3A_170 {strides = array<i32>} : memref<32x1024xf32, #tpu.memory_space<vmem>>, vector<16xf32>,
      %shift_left3A_174 = arith.constant 16 : i32
      %shift_left3A_175 = vector.broadcast %shift_left3A_174 : i32 to vector<16xi32>
      %shift_left3A_176 = arith.shli %get3A_143, %shift_left3A_175 : vector<16xi32>
      %bitcast3A_177 = vector.bitcast %shift_left3A_176 : vector<16xi32> to vector<16xf32>
      %swap3A_178 = arith.index_cast %scan3A_138 : i32 to index
      %swap3A_179 = arith.constant 16 : index
      %swap3A_180 = tpu.vector_load %arg10[%swap3A_178, %swap3A_179] {strides = array<i32>} : memref<32x1024xf32, #tpu.memory_space<vmem>>, vector<16xf32>,
      tpu.vector_store %arg10[%swap3A_178, %swap3A_179], %bitcast3A_177 {strides = array<i32>} : memref<32x1024xf32, #tpu.memory_space<vmem>>, vector<16xf32>,
      %and3A_181 = arith.constant -65536 : i32
      %and3A_182 = vector.broadcast %and3A_181 : i32 to vector<16xi32>
      %and3A_183 = arith.andi %get3A_143, %and3A_182 : vector<16xi32>
      %bitcast3A_184 = vector.bitcast %and3A_183 : vector<16xi32> to vector<16xf32>
      %swap3A_185 = arith.index_cast %scan3A_138 : i32 to index
      %swap3A_186 = arith.constant 528 : index
      %swap3A_187 = tpu.vector_load %arg10[%swap3A_185, %swap3A_186] {strides = array<i32>} : memref<32x1024xf32, #tpu.memory_space<vmem>>, vector<16xf32>,
      tpu.vector_store %arg10[%swap3A_185, %swap3A_186], %bitcast3A_184 {strides = array<i32>} : memref<32x1024xf32, #tpu.memory_space<vmem>>, vector<16xf32>,
      %shift_left3A_188 = arith.constant 16 : i32
      %shift_left3A_189 = vector.broadcast %shift_left3A_188 : i32 to vector<16xi32>
      %shift_left3A_190 = arith.shli %get3A_146, %shift_left3A_189 : vector<16xi32>
      %bitcast3A_191 = vector.bitcast %shift_left3A_190 : vector<16xi32> to vector<16xf32>
      %swap3A_192 = arith.index_cast %scan3A_138 : i32 to index
      %swap3A_193 = arith.constant 32 : index
      %swap3A_194 = tpu.vector_load %arg10[%swap3A_192, %swap3A_193] {strides = array<i32>} : memref<32x1024xf32, #tpu.memory_space<vmem>>, vector<16xf32>,
      tpu.vector_store %arg10[%swap3A_192, %swap3A_193], %bitcast3A_191 {strides = array<i32>} : memref<32x1024xf32, #tpu.memory_space<vmem>>, vector<16xf32>,
      %and3A_195 = arith.constant -65536 : i32
      %and3A_196 = vector.broadcast %and3A_195 : i32 to vector<16xi32>
      %and3A_197 = arith.andi %get3A_146, %and3A_196 : vector<16xi32>
      %bitcast3A_198 = vector.bitcast %and3A_197 : vector<16xi32> to vector<16xf32>
      %swap3A_199 = arith.index_cast %scan3A_138 : i32 to index
      %swap3A_200 = arith.constant 544 : index
      %swap3A_201 = tpu.vector_load %arg10[%swap3A_199, %swap3A_200] {strides = array<i32>} : memref<32x1024xf32, #tpu.memory_space<vmem>>, vector<16xf32>,
      tpu.vector_store %arg10[%swap3A_199, %swap3A_200], %bitcast3A_198 {strides = array<i32>} : memref<32x1024xf32, #tpu.memory_space<vmem>>, vector<16xf32>,
      %shift_left3A_202 = arith.constant 16 : i32
      %shift_left3A_203 = vector.broadcast %shift_left3A_202 : i32 to vector<16xi32>
      %shift_left3A_204 = arith.shli %get3A_149, %shift_left3A_203 : vector<16xi32>
      %bitcast3A_205 = vector.bitcast %shift_left3A_204 : vector<16xi32> to vector<16xf32>
      %swap3A_206 = arith.index_cast %scan3A_138 : i32 to index
      %swap3A_207 = arith.constant 48 : index
      %swap3A_208 = tpu.vector_load %arg10[%swap3A_206, %swap3A_207] {strides = array<i32>} : memref<32x1024xf32, #tpu.memory_space<vmem>>, vector<16xf32>,
      tpu.vector_store %arg10[%swap3A_206, %swap3A_207], %bitcast3A_205 {strides = array<i32>} : memref<32x1024xf32, #tpu.memory_space<vmem>>, vector<16xf32>,
      %and3A_209 = arith.constant -65536 : i32
      %and3A_210 = vector.broadcast %and3A_209 : i32 to vector<16xi32>
      %and3A_211 = arith.andi %get3A_149, %and3A_210 : vector<16xi32>
      %bitcast3A_212 = vector.bitcast %and3A_211 : vector<16xi32> to vector<16xf32>
      %swap3A_213 = arith.index_cast %scan3A_138 : i32 to index
      %swap3A_214 = arith.constant 560 : index
      %swap3A_215 = tpu.vector_load %arg10[%swap3A_213, %swap3A_214] {strides = array<i32>} : memref<32x1024xf32, #tpu.memory_space<vmem>>, vector<16xf32>,
      tpu.vector_store %arg10[%swap3A_213, %swap3A_214], %bitcast3A_212 {strides = array<i32>} : memref<32x1024xf32, #tpu.memory_space<vmem>>, vector<16xf32>,
      %shift_left3A_216 = arith.constant 16 : i32
      %shift_left3A_217 = vector.broadcast %shift_left3A_216 : i32 to vector<16xi32>
      %shift_left3A_218 = arith.shli %get3A_152, %shift_left3A_217 : vector<16xi32>
      %bitcast3A_219 = vector.bitcast %shift_left3A_218 : vector<16xi32> to vector<16xf32>
      %swap3A_220 = arith.index_cast %scan3A_138 : i32 to index
      %swap3A_221 = arith.constant 64 : index
      %swap3A_222 = tpu.vector_load %arg10[%swap3A_220, %swap3A_221] {strides = array<i32>} : memref<32x1024xf32, #tpu.memory_space<vmem>>, vector<16xf32>,
      tpu.vector_store %arg10[%swap3A_220, %swap3A_221], %bitcast3A_219 {strides = array<i32>} : memref<32x1024xf32, #tpu.memory_space<vmem>>, vector<16xf32>,
      %and3A_223 = arith.constant -65536 : i32
      %and3A_224 = vector.broadcast %and3A_223 : i32 to vector<16xi32>
      %and3A_225 = arith.andi %get3A_152, %and3A_224 : vector<16xi32>
      %bitcast3A_226 = vector.bitcast %and3A_225 : vector<16xi32> to vector<16xf32>
      %swap3A_227 = arith.index_cast %scan3A_138 : i32 to index
      %swap3A_228 = arith.constant 576 : index
      %swap3A_229 = tpu.vector_load %arg10[%swap3A_227, %swap3A_228] {strides = array<i32>} : memref<32x1024xf32, #tpu.memory_space<vmem>>, vector<16xf32>,
      tpu.vector_store %arg10[%swap3A_227, %swap3A_228], %bitcast3A_226 {strides = array<i32>} : memref<32x1024xf32, #tpu.memory_space<vmem>>, vector<16xf32>,
      %shift_left3A_230 = arith.constant 16 : i32
      %shift_left3A_231 = vector.broadcast %shift_left3A_230 : i32 to vector<16xi32>
      %shift_left3A_232 = arith.shli %get3A_155, %shift_left3A_231 : vector<16xi32>
      %bitcast3A_233 = vector.bitcast %shift_left3A_232 : vector<16xi32> to vector<16xf32>
      %swap3A_234 = arith.index_cast %scan3A_138 : i32 to index
      %swap3A_235 = arith.constant 80 : index
      %swap3A_236 = tpu.vector_load %arg10[%swap3A_234, %swap3A_235] {strides = array<i32>} : memref<32x1024xf32, #tpu.memory_space<vmem>>, vector<16xf32>,
      tpu.vector_store %arg10[%swap3A_234, %swap3A_235], %bitcast3A_233 {strides = array<i32>} : memref<32x1024xf32, #tpu.memory_space<vmem>>, vector<16xf32>,
      %and3A_237 = arith.constant -65536 : i32
      %and3A_238 = vector.broadcast %and3A_237 : i32 to vector<16xi32>
      %and3A_239 = arith.andi %get3A_155, %and3A_238 : vector<16xi32>
      %bitcast3A_240 = vector.bitcast %and3A_239 : vector<16xi32> to vector<16xf32>
      %swap3A_241 = arith.index_cast %scan3A_138 : i32 to index
      %swap3A_242 = arith.constant 592 : index
      %swap3A_243 = tpu.vector_load %arg10[%swap3A_241, %swap3A_242] {strides = array<i32>} : memref<32x1024xf32, #tpu.memory_space<vmem>>, vector<16xf32>,
      tpu.vector_store %arg10[%swap3A_241, %swap3A_242], %bitcast3A_240 {strides = array<i32>} : memref<32x1024xf32, #tpu.memory_space<vmem>>, vector<16xf32>,
      %shift_left3A_244 = arith.constant 16 : i32
      %shift_left3A_245 = vector.broadcast %shift_left3A_244 : i32 to vector<16xi32>
      %shift_left3A_246 = arith.shli %get3A_158, %shift_left3A_245 : vector<16xi32>
      %bitcast3A_247 = vector.bitcast %shift_left3A_246 : vector<16xi32> to vector<16xf32>
      %swap3A_248 = arith.index_cast %scan3A_138 : i32 to index
      %swap3A_249 = arith.constant 96 : index
      %swap3A_250 = tpu.vector_load %arg10[%swap3A_248, %swap3A_249] {strides = array<i32>} : memref<32x1024xf32, #tpu.memory_space<vmem>>, vector<16xf32>,
      tpu.vector_store %arg10[%swap3A_248, %swap3A_249], %bitcast3A_247 {strides = array<i32>} : memref<32x1024xf32, #tpu.memory_space<vmem>>, vector<16xf32>,
      %and3A_251 = arith.constant -65536 : i32
      %and3A_252 = vector.broadcast %and3A_251 : i32 to vector<16xi32>
      %and3A_253 = arith.andi %get3A_158, %and3A_252 : vector<16xi32>
      %bitcast3A_254 = vector.bitcast %and3A_253 : vector<16xi32> to vector<16xf32>
      %swap3A_255 = arith.index_cast %scan3A_138 : i32 to index
      %swap3A_256 = arith.constant 608 : index
      %swap3A_257 = tpu.vector_load %arg10[%swap3A_255, %swap3A_256] {strides = array<i32>} : memref<32x1024xf32, #tpu.memory_space<vmem>>, vector<16xf32>,
      tpu.vector_store %arg10[%swap3A_255, %swap3A_256], %bitcast3A_254 {strides = array<i32>} : memref<32x1024xf32, #tpu.memory_space<vmem>>, vector<16xf32>,
      %shift_left3A_258 = arith.constant 16 : i32
      %shift_left3A_259 = vector.broadcast %shift_left3A_258 : i32 to vector<16xi32>
      %shift_left3A_260 = arith.shli %get3A_161, %shift_left3A_259 : vector<16xi32>
      %bitcast3A_261 = vector.bitcast %shift_left3A_260 : vector<16xi32> to vector<16xf32>
      %swap3A_262 = arith.index_cast %scan3A_138 : i32 to index
      %swap3A_263 = arith.constant 112 : index
      %swap3A_264 = tpu.vector_load %arg10[%swap3A_262, %swap3A_263] {strides = array<i32>} : memref<32x1024xf32, #tpu.memory_space<vmem>>, vector<16xf32>,
      tpu.vector_store %arg10[%swap3A_262, %swap3A_263], %bitcast3A_261 {strides = array<i32>} : memref<32x1024xf32, #tpu.memory_space<vmem>>, vector<16xf32>,
      %and3A_265 = arith.constant -65536 : i32
      %and3A_266 = vector.broadcast %and3A_265 : i32 to vector<16xi32>
      %and3A_267 = arith.andi %get3A_161, %and3A_266 : vector<16xi32>
      %bitcast3A_268 = vector.bitcast %and3A_267 : vector<16xi32> to vector<16xf32>
      %swap3A_269 = arith.index_cast %scan3A_138 : i32 to index
      %swap3A_270 = arith.constant 624 : index
      %swap3A_271 = tpu.vector_load %arg10[%swap3A_269, %swap3A_270] {strides = array<i32>} : memref<32x1024xf32, #tpu.memory_space<vmem>>, vector<16xf32>,
      tpu.vector_store %arg10[%swap3A_269, %swap3A_270], %bitcast3A_268 {strides = array<i32>} : memref<32x1024xf32, #tpu.memory_space<vmem>>, vector<16xf32>,
      %get3A_272 = arith.index_cast %scan3A_138 : i32 to index
      %get3A_273 = arith.constant 128 : index
      %get3A_274 = tpu.vector_load %arg8[%get3A_272, %get3A_273] {strides = array<i32>} : memref<32x512xi32, #tpu.memory_space<vmem>>, vector<16xi32>,
      %get3A_275 = arith.index_cast %scan3A_138 : i32 to index
      %get3A_276 = arith.constant 144 : index
      %get3A_277 = tpu.vector_load %arg8[%get3A_275, %get3A_276] {strides = array<i32>} : memref<32x512xi32, #tpu.memory_space<vmem>>, vector<16xi32>,
      %get3A_278 = arith.index_cast %scan3A_138 : i32 to index
      %get3A_279 = arith.constant 160 : index
      %get3A_280 = tpu.vector_load %arg8[%get3A_278, %get3A_279] {strides = array<i32>} : memref<32x512xi32, #tpu.memory_space<vmem>>, vector<16xi32>,
      %get3A_281 = arith.index_cast %scan3A_138 : i32 to index
      %get3A_282 = arith.constant 176 : index
      %get3A_283 = tpu.vector_load %arg8[%get3A_281, %get3A_282] {strides = array<i32>} : memref<32x512xi32, #tpu.memory_space<vmem>>, vector<16xi32>,
      %get3A_284 = arith.index_cast %scan3A_138 : i32 to index
      %get3A_285 = arith.constant 192 : index
      %get3A_286 = tpu.vector_load %arg8[%get3A_284, %get3A_285] {strides = array<i32>} : memref<32x512xi32, #tpu.memory_space<vmem>>, vector<16xi32>,
      %get3A_287 = arith.index_cast %scan3A_138 : i32 to index
      %get3A_288 = arith.constant 208 : index
      %get3A_289 = tpu.vector_load %arg8[%get3A_287, %get3A_288] {strides = array<i32>} : memref<32x512xi32, #tpu.memory_space<vmem>>, vector<16xi32>,
      %get3A_290 = arith.index_cast %scan3A_138 : i32 to index
      %get3A_291 = arith.constant 224 : index
      %get3A_292 = tpu.vector_load %arg8[%get3A_290, %get3A_291] {strides = array<i32>} : memref<32x512xi32, #tpu.memory_space<vmem>>, vector<16xi32>,
      %get3A_293 = arith.index_cast %scan3A_138 : i32 to index
      %get3A_294 = arith.constant 240 : index
      %get3A_295 = tpu.vector_load %arg8[%get3A_293, %get3A_294] {strides = array<i32>} : memref<32x512xi32, #tpu.memory_space<vmem>>, vector<16xi32>,
      %shift_left3A_296 = arith.constant 16 : i32
      %shift_left3A_297 = vector.broadcast %shift_left3A_296 : i32 to vector<16xi32>
      %shift_left3A_298 = arith.shli %get3A_274, %shift_left3A_297 : vector<16xi32>
      %bitcast3A_299 = vector.bitcast %shift_left3A_298 : vector<16xi32> to vector<16xf32>
      %swap3A_300 = arith.index_cast %scan3A_138 : i32 to index
      %swap3A_301 = arith.constant 128 : index
      %swap3A_302 = tpu.vector_load %arg10[%swap3A_300, %swap3A_301] {strides = array<i32>} : memref<32x1024xf32, #tpu.memory_space<vmem>>, vector<16xf32>,
      tpu.vector_store %arg10[%swap3A_300, %swap3A_301], %bitcast3A_299 {strides = array<i32>} : memref<32x1024xf32, #tpu.memory_space<vmem>>, vector<16xf32>,
      %and3A_303 = arith.constant -65536 : i32
      %and3A_304 = vector.broadcast %and3A_303 : i32 to vector<16xi32>
      %and3A_305 = arith.andi %get3A_274, %and3A_304 : vector<16xi32>
      %bitcast3A_306 = vector.bitcast %and3A_305 : vector<16xi32> to vector<16xf32>
      %swap3A_307 = arith.index_cast %scan3A_138 : i32 to index
      %swap3A_308 = arith.constant 640 : index
      %swap3A_309 = tpu.vector_load %arg10[%swap3A_307, %swap3A_308] {strides = array<i32>} : memref<32x1024xf32, #tpu.memory_space<vmem>>, vector<16xf32>,
      tpu.vector_store %arg10[%swap3A_307, %swap3A_308], %bitcast3A_306 {strides = array<i32>} : memref<32x1024xf32, #tpu.memory_space<vmem>>, vector<16xf32>,
      %shift_left3A_310 = arith.constant 16 : i32
      %shift_left3A_311 = vector.broadcast %shift_left3A_310 : i32 to vector<16xi32>
      %shift_left3A_312 = arith.shli %get3A_277, %shift_left3A_311 : vector<16xi32>
      %bitcast3A_313 = vector.bitcast %shift_left3A_312 : vector<16xi32> to vector<16xf32>
      %swap3A_314 = arith.index_cast %scan3A_138 : i32 to index
      %swap3A_315 = arith.constant 144 : index
      %swap3A_316 = tpu.vector_load %arg10[%swap3A_314, %swap3A_315] {strides = array<i32>} : memref<32x1024xf32, #tpu.memory_space<vmem>>, vector<16xf32>,
      tpu.vector_store %arg10[%swap3A_314, %swap3A_315], %bitcast3A_313 {strides = array<i32>} : memref<32x1024xf32, #tpu.memory_space<vmem>>, vector<16xf32>,
      %and3A_317 = arith.constant -65536 : i32
      %and3A_318 = vector.broadcast %and3A_317 : i32 to vector<16xi32>
      %and3A_319 = arith.andi %get3A_277, %and3A_318 : vector<16xi32>
      %bitcast3A_320 = vector.bitcast %and3A_319 : vector<16xi32> to vector<16xf32>
      %swap3A_321 = arith.index_cast %scan3A_138 : i32 to index
      %swap3A_322 = arith.constant 656 : index
      %swap3A_323 = tpu.vector_load %arg10[%swap3A_321, %swap3A_322] {strides = array<i32>} : memref<32x1024xf32, #tpu.memory_space<vmem>>, vector<16xf32>,
      tpu.vector_store %arg10[%swap3A_321, %swap3A_322], %bitcast3A_320 {strides = array<i32>} : memref<32x1024xf32, #tpu.memory_space<vmem>>, vector<16xf32>,
      %shift_left3A_324 = arith.constant 16 : i32
      %shift_left3A_325 = vector.broadcast %shift_left3A_324 : i32 to vector<16xi32>
      %shift_left3A_326 = arith.shli %get3A_280, %shift_left3A_325 : vector<16xi32>
      %bitcast3A_327 = vector.bitcast %shift_left3A_326 : vector<16xi32> to vector<16xf32>
      %swap3A_328 = arith.index_cast %scan3A_138 : i32 to index
      %swap3A_329 = arith.constant 160 : index
      %swap3A_330 = tpu.vector_load %arg10[%swap3A_328, %swap3A_329] {strides = array<i32>} : memref<32x1024xf32, #tpu.memory_space<vmem>>, vector<16xf32>,
      tpu.vector_store %arg10[%swap3A_328, %swap3A_329], %bitcast3A_327 {strides = array<i32>} : memref<32x1024xf32, #tpu.memory_space<vmem>>, vector<16xf32>,
      %and3A_331 = arith.constant -65536 : i32
      %and3A_332 = vector.broadcast %and3A_331 : i32 to vector<16xi32>
      %and3A_333 = arith.andi %get3A_280, %and3A_332 : vector<16xi32>
      %bitcast3A_334 = vector.bitcast %and3A_333 : vector<16xi32> to vector<16xf32>
      %swap3A_335 = arith.index_cast %scan3A_138 : i32 to index
      %swap3A_336 = arith.constant 672 : index
      %swap3A_337 = tpu.vector_load %arg10[%swap3A_335, %swap3A_336] {strides = array<i32>} : memref<32x1024xf32, #tpu.memory_space<vmem>>, vector<16xf32>,
      tpu.vector_store %arg10[%swap3A_335, %swap3A_336], %bitcast3A_334 {strides = array<i32>} : memref<32x1024xf32, #tpu.memory_space<vmem>>, vector<16xf32>,
      %shift_left3A_338 = arith.constant 16 : i32
      %shift_left3A_339 = vector.broadcast %shift_left3A_338 : i32 to vector<16xi32>
      %shift_left3A_340 = arith.shli %get3A_283, %shift_left3A_339 : vector<16xi32>
      %bitcast3A_341 = vector.bitcast %shift_left3A_340 : vector<16xi32> to vector<16xf32>
      %swap3A_342 = arith.index_cast %scan3A_138 : i32 to index
      %swap3A_343 = arith.constant 176 : index
      %swap3A_344 = tpu.vector_load %arg10[%swap3A_342, %swap3A_343] {strides = array<i32>} : memref<32x1024xf32, #tpu.memory_space<vmem>>, vector<16xf32>,
      tpu.vector_store %arg10[%swap3A_342, %swap3A_343], %bitcast3A_341 {strides = array<i32>} : memref<32x1024xf32, #tpu.memory_space<vmem>>, vector<16xf32>,
      %and3A_345 = arith.constant -65536 : i32
      %and3A_346 = vector.broadcast %and3A_345 : i32 to vector<16xi32>
      %and3A_347 = arith.andi %get3A_283, %and3A_346 : vector<16xi32>
      %bitcast3A_348 = vector.bitcast %and3A_347 : vector<16xi32> to vector<16xf32>
      %swap3A_349 = arith.index_cast %scan3A_138 : i32 to index
      %swap3A_350 = arith.constant 688 : index
      %swap3A_351 = tpu.vector_load %arg10[%swap3A_349, %swap3A_350] {strides = array<i32>} : memref<32x1024xf32, #tpu.memory_space<vmem>>, vector<16xf32>,
      tpu.vector_store %arg10[%swap3A_349, %swap3A_350], %bitcast3A_348 {strides = array<i32>} : memref<32x1024xf32, #tpu.memory_space<vmem>>, vector<16xf32>,
      %shift_left3A_352 = arith.constant 16 : i32
      %shift_left3A_353 = vector.broadcast %shift_left3A_352 : i32 to vector<16xi32>
      %shift_left3A_354 = arith.shli %get3A_286, %shift_left3A_353 : vector<16xi32>
      %bitcast3A_355 = vector.bitcast %shift_left3A_354 : vector<16xi32> to vector<16xf32>
      %swap3A_356 = arith.index_cast %scan3A_138 : i32 to index
      %swap3A_357 = arith.constant 192 : index
      %swap3A_358 = tpu.vector_load %arg10[%swap3A_356, %swap3A_357] {strides = array<i32>} : memref<32x1024xf32, #tpu.memory_space<vmem>>, vector<16xf32>,
      tpu.vector_store %arg10[%swap3A_356, %swap3A_357], %bitcast3A_355 {strides = array<i32>} : memref<32x1024xf32, #tpu.memory_space<vmem>>, vector<16xf32>,
      %and3A_359 = arith.constant -65536 : i32
      %and3A_360 = vector.broadcast %and3A_359 : i32 to vector<16xi32>
      %and3A_361 = arith.andi %get3A_286, %and3A_360 : vector<16xi32>
      %bitcast3A_362 = vector.bitcast %and3A_361 : vector<16xi32> to vector<16xf32>
      %swap3A_363 = arith.index_cast %scan3A_138 : i32 to index
      %swap3A_364 = arith.constant 704 : index
      %swap3A_365 = tpu.vector_load %arg10[%swap3A_363, %swap3A_364] {strides = array<i32>} : memref<32x1024xf32, #tpu.memory_space<vmem>>, vector<16xf32>,
      tpu.vector_store %arg10[%swap3A_363, %swap3A_364], %bitcast3A_362 {strides = array<i32>} : memref<32x1024xf32, #tpu.memory_space<vmem>>, vector<16xf32>,
      %shift_left3A_366 = arith.constant 16 : i32
      %shift_left3A_367 = vector.broadcast %shift_left3A_366 : i32 to vector<16xi32>
      %shift_left3A_368 = arith.shli %get3A_289, %shift_left3A_367 : vector<16xi32>
      %bitcast3A_369 = vector.bitcast %shift_left3A_368 : vector<16xi32> to vector<16xf32>
      %swap3A_370 = arith.index_cast %scan3A_138 : i32 to index
      %swap3A_371 = arith.constant 208 : index
      %swap3A_372 = tpu.vector_load %arg10[%swap3A_370, %swap3A_371] {strides = array<i32>} : memref<32x1024xf32, #tpu.memory_space<vmem>>, vector<16xf32>,
      tpu.vector_store %arg10[%swap3A_370, %swap3A_371], %bitcast3A_369 {strides = array<i32>} : memref<32x1024xf32, #tpu.memory_space<vmem>>, vector<16xf32>,
      %and3A_373 = arith.constant -65536 : i32
      %and3A_374 = vector.broadcast %and3A_373 : i32 to vector<16xi32>
      %and3A_375 = arith.andi %get3A_289, %and3A_374 : vector<16xi32>
      %bitcast3A_376 = vector.bitcast %and3A_375 : vector<16xi32> to vector<16xf32>
      %swap3A_377 = arith.index_cast %scan3A_138 : i32 to index
      %swap3A_378 = arith.constant 720 : index
      %swap3A_379 = tpu.vector_load %arg10[%swap3A_377, %swap3A_378] {strides = array<i32>} : memref<32x1024xf32, #tpu.memory_space<vmem>>, vector<16xf32>,
      tpu.vector_store %arg10[%swap3A_377, %swap3A_378], %bitcast3A_376 {strides = array<i32>} : memref<32x1024xf32, #tpu.memory_space<vmem>>, vector<16xf32>,
      %shift_left3A_380 = arith.constant 16 : i32
      %shift_left3A_381 = vector.broadcast %shift_left3A_380 : i32 to vector<16xi32>
      %shift_left3A_382 = arith.shli %get3A_292, %shift_left3A_381 : vector<16xi32>
      %bitcast3A_383 = vector.bitcast %shift_left3A_382 : vector<16xi32> to vector<16xf32>
      %swap3A_384 = arith.index_cast %scan3A_138 : i32 to index
      %swap3A_385 = arith.constant 224 : index
      %swap3A_386 = tpu.vector_load %arg10[%swap3A_384, %swap3A_385] {strides = array<i32>} : memref<32x1024xf32, #tpu.memory_space<vmem>>, vector<16xf32>,
      tpu.vector_store %arg10[%swap3A_384, %swap3A_385], %bitcast3A_383 {strides = array<i32>} : memref<32x1024xf32, #tpu.memory_space<vmem>>, vector<16xf32>,
      %and3A_387 = arith.constant -65536 : i32
      %and3A_388 = vector.broadcast %and3A_387 : i32 to vector<16xi32>
      %and3A_389 = arith.andi %get3A_292, %and3A_388 : vector<16xi32>
      %bitcast3A_390 = vector.bitcast %and3A_389 : vector<16xi32> to vector<16xf32>
      %swap3A_391 = arith.index_cast %scan3A_138 : i32 to index
      %swap3A_392 = arith.constant 736 : index
      %swap3A_393 = tpu.vector_load %arg10[%swap3A_391, %swap3A_392] {strides = array<i32>} : memref<32x1024xf32, #tpu.memory_space<vmem>>, vector<16xf32>,
      tpu.vector_store %arg10[%swap3A_391, %swap3A_392], %bitcast3A_390 {strides = array<i32>} : memref<32x1024xf32, #tpu.memory_space<vmem>>, vector<16xf32>,
      %shift_left3A_394 = arith.constant 16 : i32
      %shift_left3A_395 = vector.broadcast %shift_left3A_394 : i32 to vector<16xi32>
      %shift_left3A_396 = arith.shli %get3A_295, %shift_left3A_395 : vector<16xi32>
      %bitcast3A_397 = vector.bitcast %shift_left3A_396 : vector<16xi32> to vector<16xf32>
      %swap3A_398 = arith.index_cast %scan3A_138 : i32 to index
      %swap3A_399 = arith.constant 240 : index
      %swap3A_400 = tpu.vector_load %arg10[%swap3A_398, %swap3A_399] {strides = array<i32>} : memref<32x1024xf32, #tpu.memory_space<vmem>>, vector<16xf32>,
      tpu.vector_store %arg10[%swap3A_398, %swap3A_399], %bitcast3A_397 {strides = array<i32>} : memref<32x1024xf32, #tpu.memory_space<vmem>>, vector<16xf32>,
      %and3A_401 = arith.constant -65536 : i32
      %and3A_402 = vector.broadcast %and3A_401 : i32 to vector<16xi32>
      %and3A_403 = arith.andi %get3A_295, %and3A_402 : vector<16xi32>
      %bitcast3A_404 = vector.bitcast %and3A_403 : vector<16xi32> to vector<16xf32>
      %swap3A_405 = arith.index_cast %scan3A_138 : i32 to index
      %swap3A_406 = arith.constant 752 : index
      %swap3A_407 = tpu.vector_load %arg10[%swap3A_405, %swap3A_406] {strides = array<i32>} : memref<32x1024xf32, #tpu.memory_space<vmem>>, vector<16xf32>,
      tpu.vector_store %arg10[%swap3A_405, %swap3A_406], %bitcast3A_404 {strides = array<i32>} : memref<32x1024xf32, #tpu.memory_space<vmem>>, vector<16xf32>,
      %get3A_408 = arith.index_cast %scan3A_138 : i32 to index
      %get3A_409 = arith.constant 256 : index
      %get3A_410 = tpu.vector_load %arg8[%get3A_408, %get3A_409] {strides = array<i32>} : memref<32x512xi32, #tpu.memory_space<vmem>>, vector<16xi32>,
      %get3A_411 = arith.index_cast %scan3A_138 : i32 to index
      %get3A_412 = arith.constant 272 : index
      %get3A_413 = tpu.vector_load %arg8[%get3A_411, %get3A_412] {strides = array<i32>} : memref<32x512xi32, #tpu.memory_space<vmem>>, vector<16xi32>,
      %get3A_414 = arith.index_cast %scan3A_138 : i32 to index
      %get3A_415 = arith.constant 288 : index
      %get3A_416 = tpu.vector_load %arg8[%get3A_414, %get3A_415] {strides = array<i32>} : memref<32x512xi32, #tpu.memory_space<vmem>>, vector<16xi32>,
      %get3A_417 = arith.index_cast %scan3A_138 : i32 to index
      %get3A_418 = arith.constant 304 : index
      %get3A_419 = tpu.vector_load %arg8[%get3A_417, %get3A_418] {strides = array<i32>} : memref<32x512xi32, #tpu.memory_space<vmem>>, vector<16xi32>,
      %get3A_420 = arith.index_cast %scan3A_138 : i32 to index
      %get3A_421 = arith.constant 320 : index
      %get3A_422 = tpu.vector_load %arg8[%get3A_420, %get3A_421] {strides = array<i32>} : memref<32x512xi32, #tpu.memory_space<vmem>>, vector<16xi32>,
      %get3A_423 = arith.index_cast %scan3A_138 : i32 to index
      %get3A_424 = arith.constant 336 : index
      %get3A_425 = tpu.vector_load %arg8[%get3A_423, %get3A_424] {strides = array<i32>} : memref<32x512xi32, #tpu.memory_space<vmem>>, vector<16xi32>,
      %get3A_426 = arith.index_cast %scan3A_138 : i32 to index
      %get3A_427 = arith.constant 352 : index
      %get3A_428 = tpu.vector_load %arg8[%get3A_426, %get3A_427] {strides = array<i32>} : memref<32x512xi32, #tpu.memory_space<vmem>>, vector<16xi32>,
      %get3A_429 = arith.index_cast %scan3A_138 : i32 to index
      %get3A_430 = arith.constant 368 : index
      %get3A_431 = tpu.vector_load %arg8[%get3A_429, %get3A_430] {strides = array<i32>} : memref<32x512xi32, #tpu.memory_space<vmem>>, vector<16xi32>,
      %shift_left3A_432 = arith.constant 16 : i32
      %shift_left3A_433 = vector.broadcast %shift_left3A_432 : i32 to vector<16xi32>
      %shift_left3A_434 = arith.shli %get3A_410, %shift_left3A_433 : vector<16xi32>
      %bitcast3A_435 = vector.bitcast %shift_left3A_434 : vector<16xi32> to vector<16xf32>
      %swap3A_436 = arith.index_cast %scan3A_138 : i32 to index
      %swap3A_437 = arith.constant 256 : index
      %swap3A_438 = tpu.vector_load %arg10[%swap3A_436, %swap3A_437] {strides = array<i32>} : memref<32x1024xf32, #tpu.memory_space<vmem>>, vector<16xf32>,
      tpu.vector_store %arg10[%swap3A_436, %swap3A_437], %bitcast3A_435 {strides = array<i32>} : memref<32x1024xf32, #tpu.memory_space<vmem>>, vector<16xf32>,
      %and3A_439 = arith.constant -65536 : i32
      %and3A_440 = vector.broadcast %and3A_439 : i32 to vector<16xi32>
      %and3A_441 = arith.andi %get3A_410, %and3A_440 : vector<16xi32>
      %bitcast3A_442 = vector.bitcast %and3A_441 : vector<16xi32> to vector<16xf32>
      %swap3A_443 = arith.index_cast %scan3A_138 : i32 to index
      %swap3A_444 = arith.constant 768 : index
      %swap3A_445 = tpu.vector_load %arg10[%swap3A_443, %swap3A_444] {strides = array<i32>} : memref<32x1024xf32, #tpu.memory_space<vmem>>, vector<16xf32>,
      tpu.vector_store %arg10[%swap3A_443, %swap3A_444], %bitcast3A_442 {strides = array<i32>} : memref<32x1024xf32, #tpu.memory_space<vmem>>, vector<16xf32>,
      %shift_left3A_446 = arith.constant 16 : i32
      %shift_left3A_447 = vector.broadcast %shift_left3A_446 : i32 to vector<16xi32>
      %shift_left3A_448 = arith.shli %get3A_413, %shift_left3A_447 : vector<16xi32>
      %bitcast3A_449 = vector.bitcast %shift_left3A_448 : vector<16xi32> to vector<16xf32>
      %swap3A_450 = arith.index_cast %scan3A_138 : i32 to index
      %swap3A_451 = arith.constant 272 : index
      %swap3A_452 = tpu.vector_load %arg10[%swap3A_450, %swap3A_451] {strides = array<i32>} : memref<32x1024xf32, #tpu.memory_space<vmem>>, vector<16xf32>,
      tpu.vector_store %arg10[%swap3A_450, %swap3A_451], %bitcast3A_449 {strides = array<i32>} : memref<32x1024xf32, #tpu.memory_space<vmem>>, vector<16xf32>,
      %and3A_453 = arith.constant -65536 : i32
      %and3A_454 = vector.broadcast %and3A_453 : i32 to vector<16xi32>
      %and3A_455 = arith.andi %get3A_413, %and3A_454 : vector<16xi32>
      %bitcast3A_456 = vector.bitcast %and3A_455 : vector<16xi32> to vector<16xf32>
      %swap3A_457 = arith.index_cast %scan3A_138 : i32 to index
      %swap3A_458 = arith.constant 784 : index
      %swap3A_459 = tpu.vector_load %arg10[%swap3A_457, %swap3A_458] {strides = array<i32>} : memref<32x1024xf32, #tpu.memory_space<vmem>>, vector<16xf32>,
      tpu.vector_store %arg10[%swap3A_457, %swap3A_458], %bitcast3A_456 {strides = array<i32>} : memref<32x1024xf32, #tpu.memory_space<vmem>>, vector<16xf32>,
      %shift_left3A_460 = arith.constant 16 : i32
      %shift_left3A_461 = vector.broadcast %shift_left3A_460 : i32 to vector<16xi32>
      %shift_left3A_462 = arith.shli %get3A_416, %shift_left3A_461 : vector<16xi32>
      %bitcast3A_463 = vector.bitcast %shift_left3A_462 : vector<16xi32> to vector<16xf32>
      %swap3A_464 = arith.index_cast %scan3A_138 : i32 to index
      %swap3A_465 = arith.constant 288 : index
      %swap3A_466 = tpu.vector_load %arg10[%swap3A_464, %swap3A_465] {strides = array<i32>} : memref<32x1024xf32, #tpu.memory_space<vmem>>, vector<16xf32>,
      tpu.vector_store %arg10[%swap3A_464, %swap3A_465], %bitcast3A_463 {strides = array<i32>} : memref<32x1024xf32, #tpu.memory_space<vmem>>, vector<16xf32>,
      %and3A_467 = arith.constant -65536 : i32
      %and3A_468 = vector.broadcast %and3A_467 : i32 to vector<16xi32>
      %and3A_469 = arith.andi %get3A_416, %and3A_468 : vector<16xi32>
      %bitcast3A_470 = vector.bitcast %and3A_469 : vector<16xi32> to vector<16xf32>
      %swap3A_471 = arith.index_cast %scan3A_138 : i32 to index
      %swap3A_472 = arith.constant 800 : index
      %swap3A_473 = tpu.vector_load %arg10[%swap3A_471, %swap3A_472] {strides = array<i32>} : memref<32x1024xf32, #tpu.memory_space<vmem>>, vector<16xf32>,
      tpu.vector_store %arg10[%swap3A_471, %swap3A_472], %bitcast3A_470 {strides = array<i32>} : memref<32x1024xf32, #tpu.memory_space<vmem>>, vector<16xf32>,
      %shift_left3A_474 = arith.constant 16 : i32
      %shift_left3A_475 = vector.broadcast %shift_left3A_474 : i32 to vector<16xi32>
      %shift_left3A_476 = arith.shli %get3A_419, %shift_left3A_475 : vector<16xi32>
      %bitcast3A_477 = vector.bitcast %shift_left3A_476 : vector<16xi32> to vector<16xf32>
      %swap3A_478 = arith.index_cast %scan3A_138 : i32 to index
      %swap3A_479 = arith.constant 304 : index
      %swap3A_480 = tpu.vector_load %arg10[%swap3A_478, %swap3A_479] {strides = array<i32>} : memref<32x1024xf32, #tpu.memory_space<vmem>>, vector<16xf32>,
      tpu.vector_store %arg10[%swap3A_478, %swap3A_479], %bitcast3A_477 {strides = array<i32>} : memref<32x1024xf32, #tpu.memory_space<vmem>>, vector<16xf32>,
      %and3A_481 = arith.constant -65536 : i32
      %and3A_482 = vector.broadcast %and3A_481 : i32 to vector<16xi32>
      %and3A_483 = arith.andi %get3A_419, %and3A_482 : vector<16xi32>
      %bitcast3A_484 = vector.bitcast %and3A_483 : vector<16xi32> to vector<16xf32>
      %swap3A_485 = arith.index_cast %scan3A_138 : i32 to index
      %swap3A_486 = arith.constant 816 : index
      %swap3A_487 = tpu.vector_load %arg10[%swap3A_485, %swap3A_486] {strides = array<i32>} : memref<32x1024xf32, #tpu.memory_space<vmem>>, vector<16xf32>,
      tpu.vector_store %arg10[%swap3A_485, %swap3A_486], %bitcast3A_484 {strides = array<i32>} : memref<32x1024xf32, #tpu.memory_space<vmem>>, vector<16xf32>,
      %shift_left3A_488 = arith.constant 16 : i32
      %shift_left3A_489 = vector.broadcast %shift_left3A_488 : i32 to vector<16xi32>
      %shift_left3A_490 = arith.shli %get3A_422, %shift_left3A_489 : vector<16xi32>
      %bitcast3A_491 = vector.bitcast %shift_left3A_490 : vector<16xi32> to vector<16xf32>
      %swap3A_492 = arith.index_cast %scan3A_138 : i32 to index
      %swap3A_493 = arith.constant 320 : index
      %swap3A_494 = tpu.vector_load %arg10[%swap3A_492, %swap3A_493] {strides = array<i32>} : memref<32x1024xf32, #tpu.memory_space<vmem>>, vector<16xf32>,
      tpu.vector_store %arg10[%swap3A_492, %swap3A_493], %bitcast3A_491 {strides = array<i32>} : memref<32x1024xf32, #tpu.memory_space<vmem>>, vector<16xf32>,
      %and3A_495 = arith.constant -65536 : i32
      %and3A_496 = vector.broadcast %and3A_495 : i32 to vector<16xi32>
      %and3A_497 = arith.andi %get3A_422, %and3A_496 : vector<16xi32>
      %bitcast3A_498 = vector.bitcast %and3A_497 : vector<16xi32> to vector<16xf32>
      %swap3A_499 = arith.index_cast %scan3A_138 : i32 to index
      %swap3A_500 = arith.constant 832 : index
      %swap3A_501 = tpu.vector_load %arg10[%swap3A_499, %swap3A_500] {strides = array<i32>} : memref<32x1024xf32, #tpu.memory_space<vmem>>, vector<16xf32>,
      tpu.vector_store %arg10[%swap3A_499, %swap3A_500], %bitcast3A_498 {strides = array<i32>} : memref<32x1024xf32, #tpu.memory_space<vmem>>, vector<16xf32>,
      %shift_left3A_502 = arith.constant 16 : i32
      %shift_left3A_503 = vector.broadcast %shift_left3A_502 : i32 to vector<16xi32>
      %shift_left3A_504 = arith.shli %get3A_425, %shift_left3A_503 : vector<16xi32>
      %bitcast3A_505 = vector.bitcast %shift_left3A_504 : vector<16xi32> to vector<16xf32>
      %swap3A_506 = arith.index_cast %scan3A_138 : i32 to index
      %swap3A_507 = arith.constant 336 : index
      %swap3A_508 = tpu.vector_load %arg10[%swap3A_506, %swap3A_507] {strides = array<i32>} : memref<32x1024xf32, #tpu.memory_space<vmem>>, vector<16xf32>,
      tpu.vector_store %arg10[%swap3A_506, %swap3A_507], %bitcast3A_505 {strides = array<i32>} : memref<32x1024xf32, #tpu.memory_space<vmem>>, vector<16xf32>,
      %and3A_509 = arith.constant -65536 : i32
      %and3A_510 = vector.broadcast %and3A_509 : i32 to vector<16xi32>
      %and3A_511 = arith.andi %get3A_425, %and3A_510 : vector<16xi32>
      %bitcast3A_512 = vector.bitcast %and3A_511 : vector<16xi32> to vector<16xf32>
      %swap3A_513 = arith.index_cast %scan3A_138 : i32 to index
      %swap3A_514 = arith.constant 848 : index
      %swap3A_515 = tpu.vector_load %arg10[%swap3A_513, %swap3A_514] {strides = array<i32>} : memref<32x1024xf32, #tpu.memory_space<vmem>>, vector<16xf32>,
      tpu.vector_store %arg10[%swap3A_513, %swap3A_514], %bitcast3A_512 {strides = array<i32>} : memref<32x1024xf32, #tpu.memory_space<vmem>>, vector<16xf32>,
      %shift_left3A_516 = arith.constant 16 : i32
      %shift_left3A_517 = vector.broadcast %shift_left3A_516 : i32 to vector<16xi32>
      %shift_left3A_518 = arith.shli %get3A_428, %shift_left3A_517 : vector<16xi32>
      %bitcast3A_519 = vector.bitcast %shift_left3A_518 : vector<16xi32> to vector<16xf32>
      %swap3A_520 = arith.index_cast %scan3A_138 : i32 to index
      %swap3A_521 = arith.constant 352 : index
      %swap3A_522 = tpu.vector_load %arg10[%swap3A_520, %swap3A_521] {strides = array<i32>} : memref<32x1024xf32, #tpu.memory_space<vmem>>, vector<16xf32>,
      tpu.vector_store %arg10[%swap3A_520, %swap3A_521], %bitcast3A_519 {strides = array<i32>} : memref<32x1024xf32, #tpu.memory_space<vmem>>, vector<16xf32>,
      %and3A_523 = arith.constant -65536 : i32
      %and3A_524 = vector.broadcast %and3A_523 : i32 to vector<16xi32>
      %and3A_525 = arith.andi %get3A_428, %and3A_524 : vector<16xi32>
      %bitcast3A_526 = vector.bitcast %and3A_525 : vector<16xi32> to vector<16xf32>
      %swap3A_527 = arith.index_cast %scan3A_138 : i32 to index
      %swap3A_528 = arith.constant 864 : index
      %swap3A_529 = tpu.vector_load %arg10[%swap3A_527, %swap3A_528] {strides = array<i32>} : memref<32x1024xf32, #tpu.memory_space<vmem>>, vector<16xf32>,
      tpu.vector_store %arg10[%swap3A_527, %swap3A_528], %bitcast3A_526 {strides = array<i32>} : memref<32x1024xf32, #tpu.memory_space<vmem>>, vector<16xf32>,
      %shift_left3A_530 = arith.constant 16 : i32
      %shift_left3A_531 = vector.broadcast %shift_left3A_530 : i32 to vector<16xi32>
      %shift_left3A_532 = arith.shli %get3A_431, %shift_left3A_531 : vector<16xi32>
      %bitcast3A_533 = vector.bitcast %shift_left3A_532 : vector<16xi32> to vector<16xf32>
      %swap3A_534 = arith.index_cast %scan3A_138 : i32 to index
      %swap3A_535 = arith.constant 368 : index
      %swap3A_536 = tpu.vector_load %arg10[%swap3A_534, %swap3A_535] {strides = array<i32>} : memref<32x1024xf32, #tpu.memory_space<vmem>>, vector<16xf32>,
      tpu.vector_store %arg10[%swap3A_534, %swap3A_535], %bitcast3A_533 {strides = array<i32>} : memref<32x1024xf32, #tpu.memory_space<vmem>>, vector<16xf32>,
      %and3A_537 = arith.constant -65536 : i32
      %and3A_538 = vector.broadcast %and3A_537 : i32 to vector<16xi32>
      %and3A_539 = arith.andi %get3A_431, %and3A_538 : vector<16xi32>
      %bitcast3A_540 = vector.bitcast %and3A_539 : vector<16xi32> to vector<16xf32>
      %swap3A_541 = arith.index_cast %scan3A_138 : i32 to index
      %swap3A_542 = arith.constant 880 : index
      %swap3A_543 = tpu.vector_load %arg10[%swap3A_541, %swap3A_542] {strides = array<i32>} : memref<32x1024xf32, #tpu.memory_space<vmem>>, vector<16xf32>,
      tpu.vector_store %arg10[%swap3A_541, %swap3A_542], %bitcast3A_540 {strides = array<i32>} : memref<32x1024xf32, #tpu.memory_space<vmem>>, vector<16xf32>,
      %get3A_544 = arith.index_cast %scan3A_138 : i32 to index
      %get3A_545 = arith.constant 384 : index
      %get3A_546 = tpu.vector_load %arg8[%get3A_544, %get3A_545] {strides = array<i32>} : memref<32x512xi32, #tpu.memory_space<vmem>>, vector<16xi32>,
      %get3A_547 = arith.index_cast %scan3A_138 : i32 to index
      %get3A_548 = arith.constant 400 : index
      %get3A_549 = tpu.vector_load %arg8[%get3A_547, %get3A_548] {strides = array<i32>} : memref<32x512xi32, #tpu.memory_space<vmem>>, vector<16xi32>,
      %get3A_550 = arith.index_cast %scan3A_138 : i32 to index
      %get3A_551 = arith.constant 416 : index
      %get3A_552 = tpu.vector_load %arg8[%get3A_550, %get3A_551] {strides = array<i32>} : memref<32x512xi32, #tpu.memory_space<vmem>>, vector<16xi32>,
      %get3A_553 = arith.index_cast %scan3A_138 : i32 to index
      %get3A_554 = arith.constant 432 : index
      %get3A_555 = tpu.vector_load %arg8[%get3A_553, %get3A_554] {strides = array<i32>} : memref<32x512xi32, #tpu.memory_space<vmem>>, vector<16xi32>,
      %get3A_556 = arith.index_cast %scan3A_138 : i32 to index
      %get3A_557 = arith.constant 448 : index
      %get3A_558 = tpu.vector_load %arg8[%get3A_556, %get3A_557] {strides = array<i32>} : memref<32x512xi32, #tpu.memory_space<vmem>>, vector<16xi32>,
      %get3A_559 = arith.index_cast %scan3A_138 : i32 to index
      %get3A_560 = arith.constant 464 : index
      %get3A_561 = tpu.vector_load %arg8[%get3A_559, %get3A_560] {strides = array<i32>} : memref<32x512xi32, #tpu.memory_space<vmem>>, vector<16xi32>,
      %get3A_562 = arith.index_cast %scan3A_138 : i32 to index
      %get3A_563 = arith.constant 480 : index
      %get3A_564 = tpu.vector_load %arg8[%get3A_562, %get3A_563] {strides = array<i32>} : memref<32x512xi32, #tpu.memory_space<vmem>>, vector<16xi32>,
      %get3A_565 = arith.index_cast %scan3A_138 : i32 to index
      %get3A_566 = arith.constant 496 : index
      %get3A_567 = tpu.vector_load %arg8[%get3A_565, %get3A_566] {strides = array<i32>} : memref<32x512xi32, #tpu.memory_space<vmem>>, vector<16xi32>,
      %shift_left3A_568 = arith.constant 16 : i32
      %shift_left3A_569 = vector.broadcast %shift_left3A_568 : i32 to vector<16xi32>
      %shift_left3A_570 = arith.shli %get3A_546, %shift_left3A_569 : vector<16xi32>
      %bitcast3A_571 = vector.bitcast %shift_left3A_570 : vector<16xi32> to vector<16xf32>
      %swap3A_572 = arith.index_cast %scan3A_138 : i32 to index
      %swap3A_573 = arith.constant 384 : index
      %swap3A_574 = tpu.vector_load %arg10[%swap3A_572, %swap3A_573] {strides = array<i32>} : memref<32x1024xf32, #tpu.memory_space<vmem>>, vector<16xf32>,
      tpu.vector_store %arg10[%swap3A_572, %swap3A_573], %bitcast3A_571 {strides = array<i32>} : memref<32x1024xf32, #tpu.memory_space<vmem>>, vector<16xf32>,
      %and3A_575 = arith.constant -65536 : i32
      %and3A_576 = vector.broadcast %and3A_575 : i32 to vector<16xi32>
      %and3A_577 = arith.andi %get3A_546, %and3A_576 : vector<16xi32>
      %bitcast3A_578 = vector.bitcast %and3A_577 : vector<16xi32> to vector<16xf32>
      %swap3A_579 = arith.index_cast %scan3A_138 : i32 to index
      %swap3A_580 = arith.constant 896 : index
      %swap3A_581 = tpu.vector_load %arg10[%swap3A_579, %swap3A_580] {strides = array<i32>} : memref<32x1024xf32, #tpu.memory_space<vmem>>, vector<16xf32>,
      tpu.vector_store %arg10[%swap3A_579, %swap3A_580], %bitcast3A_578 {strides = array<i32>} : memref<32x1024xf32, #tpu.memory_space<vmem>>, vector<16xf32>,
      %shift_left3A_582 = arith.constant 16 : i32
      %shift_left3A_583 = vector.broadcast %shift_left3A_582 : i32 to vector<16xi32>
      %shift_left3A_584 = arith.shli %get3A_549, %shift_left3A_583 : vector<16xi32>
      %bitcast3A_585 = vector.bitcast %shift_left3A_584 : vector<16xi32> to vector<16xf32>
      %swap3A_586 = arith.index_cast %scan3A_138 : i32 to index
      %swap3A_587 = arith.constant 400 : index
      %swap3A_588 = tpu.vector_load %arg10[%swap3A_586, %swap3A_587] {strides = array<i32>} : memref<32x1024xf32, #tpu.memory_space<vmem>>, vector<16xf32>,
      tpu.vector_store %arg10[%swap3A_586, %swap3A_587], %bitcast3A_585 {strides = array<i32>} : memref<32x1024xf32, #tpu.memory_space<vmem>>, vector<16xf32>,
      %and3A_589 = arith.constant -65536 : i32
      %and3A_590 = vector.broadcast %and3A_589 : i32 to vector<16xi32>
      %and3A_591 = arith.andi %get3A_549, %and3A_590 : vector<16xi32>
      %bitcast3A_592 = vector.bitcast %and3A_591 : vector<16xi32> to vector<16xf32>
      %swap3A_593 = arith.index_cast %scan3A_138 : i32 to index
      %swap3A_594 = arith.constant 912 : index
      %swap3A_595 = tpu.vector_load %arg10[%swap3A_593, %swap3A_594] {strides = array<i32>} : memref<32x1024xf32, #tpu.memory_space<vmem>>, vector<16xf32>,
      tpu.vector_store %arg10[%swap3A_593, %swap3A_594], %bitcast3A_592 {strides = array<i32>} : memref<32x1024xf32, #tpu.memory_space<vmem>>, vector<16xf32>,
      %shift_left3A_596 = arith.constant 16 : i32
      %shift_left3A_597 = vector.broadcast %shift_left3A_596 : i32 to vector<16xi32>
      %shift_left3A_598 = arith.shli %get3A_552, %shift_left3A_597 : vector<16xi32>
      %bitcast3A_599 = vector.bitcast %shift_left3A_598 : vector<16xi32> to vector<16xf32>
      %swap3A_600 = arith.index_cast %scan3A_138 : i32 to index
      %swap3A_601 = arith.constant 416 : index
      %swap3A_602 = tpu.vector_load %arg10[%swap3A_600, %swap3A_601] {strides = array<i32>} : memref<32x1024xf32, #tpu.memory_space<vmem>>, vector<16xf32>,
      tpu.vector_store %arg10[%swap3A_600, %swap3A_601], %bitcast3A_599 {strides = array<i32>} : memref<32x1024xf32, #tpu.memory_space<vmem>>, vector<16xf32>,
      %and3A_603 = arith.constant -65536 : i32
      %and3A_604 = vector.broadcast %and3A_603 : i32 to vector<16xi32>
      %and3A_605 = arith.andi %get3A_552, %and3A_604 : vector<16xi32>
      %bitcast3A_606 = vector.bitcast %and3A_605 : vector<16xi32> to vector<16xf32>
      %swap3A_607 = arith.index_cast %scan3A_138 : i32 to index
      %swap3A_608 = arith.constant 928 : index
      %swap3A_609 = tpu.vector_load %arg10[%swap3A_607, %swap3A_608] {strides = array<i32>} : memref<32x1024xf32, #tpu.memory_space<vmem>>, vector<16xf32>,
      tpu.vector_store %arg10[%swap3A_607, %swap3A_608], %bitcast3A_606 {strides = array<i32>} : memref<32x1024xf32, #tpu.memory_space<vmem>>, vector<16xf32>,
      %shift_left3A_610 = arith.constant 16 : i32
      %shift_left3A_611 = vector.broadcast %shift_left3A_610 : i32 to vector<16xi32>
      %shift_left3A_612 = arith.shli %get3A_555, %shift_left3A_611 : vector<16xi32>
      %bitcast3A_613 = vector.bitcast %shift_left3A_612 : vector<16xi32> to vector<16xf32>
      %swap3A_614 = arith.index_cast %scan3A_138 : i32 to index
      %swap3A_615 = arith.constant 432 : index
      %swap3A_616 = tpu.vector_load %arg10[%swap3A_614, %swap3A_615] {strides = array<i32>} : memref<32x1024xf32, #tpu.memory_space<vmem>>, vector<16xf32>,
      tpu.vector_store %arg10[%swap3A_614, %swap3A_615], %bitcast3A_613 {strides = array<i32>} : memref<32x1024xf32, #tpu.memory_space<vmem>>, vector<16xf32>,
      %and3A_617 = arith.constant -65536 : i32
      %and3A_618 = vector.broadcast %and3A_617 : i32 to vector<16xi32>
      %and3A_619 = arith.andi %get3A_555, %and3A_618 : vector<16xi32>
      %bitcast3A_620 = vector.bitcast %and3A_619 : vector<16xi32> to vector<16xf32>
      %swap3A_621 = arith.index_cast %scan3A_138 : i32 to index
      %swap3A_622 = arith.constant 944 : index
      %swap3A_623 = tpu.vector_load %arg10[%swap3A_621, %swap3A_622] {strides = array<i32>} : memref<32x1024xf32, #tpu.memory_space<vmem>>, vector<16xf32>,
      tpu.vector_store %arg10[%swap3A_621, %swap3A_622], %bitcast3A_620 {strides = array<i32>} : memref<32x1024xf32, #tpu.memory_space<vmem>>, vector<16xf32>,
      %shift_left3A_624 = arith.constant 16 : i32
      %shift_left3A_625 = vector.broadcast %shift_left3A_624 : i32 to vector<16xi32>
      %shift_left3A_626 = arith.shli %get3A_558, %shift_left3A_625 : vector<16xi32>
      %bitcast3A_627 = vector.bitcast %shift_left3A_626 : vector<16xi32> to vector<16xf32>
      %swap3A_628 = arith.index_cast %scan3A_138 : i32 to index
      %swap3A_629 = arith.constant 448 : index
      %swap3A_630 = tpu.vector_load %arg10[%swap3A_628, %swap3A_629] {strides = array<i32>} : memref<32x1024xf32, #tpu.memory_space<vmem>>, vector<16xf32>,
      tpu.vector_store %arg10[%swap3A_628, %swap3A_629], %bitcast3A_627 {strides = array<i32>} : memref<32x1024xf32, #tpu.memory_space<vmem>>, vector<16xf32>,
      %and3A_631 = arith.constant -65536 : i32
      %and3A_632 = vector.broadcast %and3A_631 : i32 to vector<16xi32>
      %and3A_633 = arith.andi %get3A_558, %and3A_632 : vector<16xi32>
      %bitcast3A_634 = vector.bitcast %and3A_633 : vector<16xi32> to vector<16xf32>
      %swap3A_635 = arith.index_cast %scan3A_138 : i32 to index
      %swap3A_636 = arith.constant 960 : index
      %swap3A_637 = tpu.vector_load %arg10[%swap3A_635, %swap3A_636] {strides = array<i32>} : memref<32x1024xf32, #tpu.memory_space<vmem>>, vector<16xf32>,
      tpu.vector_store %arg10[%swap3A_635, %swap3A_636], %bitcast3A_634 {strides = array<i32>} : memref<32x1024xf32, #tpu.memory_space<vmem>>, vector<16xf32>,
      %shift_left3A_638 = arith.constant 16 : i32
      %shift_left3A_639 = vector.broadcast %shift_left3A_638 : i32 to vector<16xi32>
      %shift_left3A_640 = arith.shli %get3A_561, %shift_left3A_639 : vector<16xi32>
      %bitcast3A_641 = vector.bitcast %shift_left3A_640 : vector<16xi32> to vector<16xf32>
      %swap3A_642 = arith.index_cast %scan3A_138 : i32 to index
      %swap3A_643 = arith.constant 464 : index
      %swap3A_644 = tpu.vector_load %arg10[%swap3A_642, %swap3A_643] {strides = array<i32>} : memref<32x1024xf32, #tpu.memory_space<vmem>>, vector<16xf32>,
      tpu.vector_store %arg10[%swap3A_642, %swap3A_643], %bitcast3A_641 {strides = array<i32>} : memref<32x1024xf32, #tpu.memory_space<vmem>>, vector<16xf32>,
      %and3A_645 = arith.constant -65536 : i32
      %and3A_646 = vector.broadcast %and3A_645 : i32 to vector<16xi32>
      %and3A_647 = arith.andi %get3A_561, %and3A_646 : vector<16xi32>
      %bitcast3A_648 = vector.bitcast %and3A_647 : vector<16xi32> to vector<16xf32>
      %swap3A_649 = arith.index_cast %scan3A_138 : i32 to index
      %swap3A_650 = arith.constant 976 : index
      %swap3A_651 = tpu.vector_load %arg10[%swap3A_649, %swap3A_650] {strides = array<i32>} : memref<32x1024xf32, #tpu.memory_space<vmem>>, vector<16xf32>,
      tpu.vector_store %arg10[%swap3A_649, %swap3A_650], %bitcast3A_648 {strides = array<i32>} : memref<32x1024xf32, #tpu.memory_space<vmem>>, vector<16xf32>,
      %shift_left3A_652 = arith.constant 16 : i32
      %shift_left3A_653 = vector.broadcast %shift_left3A_652 : i32 to vector<16xi32>
      %shift_left3A_654 = arith.shli %get3A_564, %shift_left3A_653 : vector<16xi32>
      %bitcast3A_655 = vector.bitcast %shift_left3A_654 : vector<16xi32> to vector<16xf32>
      %swap3A_656 = arith.index_cast %scan3A_138 : i32 to index
      %swap3A_657 = arith.constant 480 : index
      %swap3A_658 = tpu.vector_load %arg10[%swap3A_656, %swap3A_657] {strides = array<i32>} : memref<32x1024xf32, #tpu.memory_space<vmem>>, vector<16xf32>,
      tpu.vector_store %arg10[%swap3A_656, %swap3A_657], %bitcast3A_655 {strides = array<i32>} : memref<32x1024xf32, #tpu.memory_space<vmem>>, vector<16xf32>,
      %and3A_659 = arith.constant -65536 : i32
      %and3A_660 = vector.broadcast %and3A_659 : i32 to vector<16xi32>
      %and3A_661 = arith.andi %get3A_564, %and3A_660 : vector<16xi32>
      %bitcast3A_662 = vector.bitcast %and3A_661 : vector<16xi32> to vector<16xf32>
      %swap3A_663 = arith.index_cast %scan3A_138 : i32 to index
      %swap3A_664 = arith.constant 992 : index
      %swap3A_665 = tpu.vector_load %arg10[%swap3A_663, %swap3A_664] {strides = array<i32>} : memref<32x1024xf32, #tpu.memory_space<vmem>>, vector<16xf32>,
      tpu.vector_store %arg10[%swap3A_663, %swap3A_664], %bitcast3A_662 {strides = array<i32>} : memref<32x1024xf32, #tpu.memory_space<vmem>>, vector<16xf32>,
      %shift_left3A_666 = arith.constant 16 : i32
      %shift_left3A_667 = vector.broadcast %shift_left3A_666 : i32 to vector<16xi32>
      %shift_left3A_668 = arith.shli %get3A_567, %shift_left3A_667 : vector<16xi32>
      %bitcast3A_669 = vector.bitcast %shift_left3A_668 : vector<16xi32> to vector<16xf32>
      %swap3A_670 = arith.index_cast %scan3A_138 : i32 to index
      %swap3A_671 = arith.constant 496 : index
      %swap3A_672 = tpu.vector_load %arg10[%swap3A_670, %swap3A_671] {strides = array<i32>} : memref<32x1024xf32, #tpu.memory_space<vmem>>, vector<16xf32>,
      tpu.vector_store %arg10[%swap3A_670, %swap3A_671], %bitcast3A_669 {strides = array<i32>} : memref<32x1024xf32, #tpu.memory_space<vmem>>, vector<16xf32>,
      %and3A_673 = arith.constant -65536 : i32
      %and3A_674 = vector.broadcast %and3A_673 : i32 to vector<16xi32>
      %and3A_675 = arith.andi %get3A_567, %and3A_674 : vector<16xi32>
      %bitcast3A_676 = vector.bitcast %and3A_675 : vector<16xi32> to vector<16xf32>
      %swap3A_677 = arith.index_cast %scan3A_138 : i32 to index
      %swap3A_678 = arith.constant 1008 : index
      %swap3A_679 = tpu.vector_load %arg10[%swap3A_677, %swap3A_678] {strides = array<i32>} : memref<32x1024xf32, #tpu.memory_space<vmem>>, vector<16xf32>,
      tpu.vector_store %arg10[%swap3A_677, %swap3A_678], %bitcast3A_676 {strides = array<i32>} : memref<32x1024xf32, #tpu.memory_space<vmem>>, vector<16xf32>,
    }
    %scan3A_125 = arith.constant 32 : i32
    %add3A_126 = arith.constant 992 : i32
    %add3A_127 = arith.addi %mul3A_2, %add3A_126 : i32
    %dma_start3A_128 = arith.constant 0 : i32
    %dma_start3A_129 = tpu.memref_slice %arg4[%add3A_127, %dma_start3A_128] : memref<32768x1024xf32, #tpu.memory_space<hbm>> -> memref<32x1024xf32, #tpu.memory_space<hbm>>
    %dma_start3A_130 = arith.constant 0 : i32
    %dma_start3A_131 = tpu.memref_slice %arg4[%add3A_127, %dma_start3A_130] : memref<32768x1024xf32, #tpu.memory_space<hbm>> -> memref<32x1024xf32, #tpu.memory_space<hbm>>
    tpu.enqueue_dma source(%arg10 : memref<32x1024xf32, #tpu.memory_space<vmem>>) target(%dma_start3A_131 : memref<32x1024xf32, #tpu.memory_space<hbm>>) target_semaphore(%arg14 : memref<!tpu.dma_semaphore, #tpu.memory_space<semaphore_mem>>)
    %add3A_132 = arith.constant 992 : i32
    %add3A_133 = arith.addi %mul3A_2, %add3A_132 : i32
    %dma_wait3A_134 = arith.constant 0 : i32
    %dma_wait3A_135 = tpu.memref_slice %arg4[%add3A_133, %dma_wait3A_134] : memref<32768x1024xf32, #tpu.memory_space<hbm>> -> memref<32x1024xf32, #tpu.memory_space<hbm>>
    %dma_wait3A_136 = arith.constant 0 : i32
    %dma_wait3A_137 = tpu.memref_slice %arg4[%add3A_133, %dma_wait3A_136] : memref<32768x1024xf32, #tpu.memory_space<hbm>> -> memref<32x1024xf32, #tpu.memory_space<hbm>>
    tpu.wait_dma2 semaphore(%arg14 : memref<!tpu.dma_semaphore, #tpu.memory_space<semaphore_mem>>) src(%arg10 : memref<32x1024xf32, #tpu.memory_space<vmem>>) dst(%dma_wait3A_137 : memref<32x1024xf32, #tpu.memory_space<hbm>>)
    return
  }
}

module attributes {stable_mosaic.version = 14 : i64} {
  func.func @_proj_body(%arg0: i32, %arg1: memref<1024x1024xf32, #tpu.memory_space<vmem>>, %arg2: memref<1024x1024xf32, #tpu.memory_space<vmem>>, %arg3: memref<1024x512xi32, #tpu.memory_space<vmem>>) attributes {dimension_semantics = [#tpu.dimension_semantics<arbitrary>], iteration_bounds = array<i64: 3>, scalar_prefetch = 0 : i64, scratch_operands = 0 : i64, tpu.core_type = #tpu.core_type<tc>, window_params = [{transform_indices = @transform_0, window_bounds = array<i64: 1024, 1024>}, {pipeline_mode = #tpu.pipeline_mode<synchronous>, transform_indices = @transform_1, window_bounds = array<i64: 1024, 1024>}, {transform_indices = @transform_2, window_bounds = array<i64: 1024, 512>}]} {
    %get3A = arith.constant 0 : index
    %get3A_0 = arith.constant 0 : index
    %get3A_1 = vector.load %arg1[%get3A, %get3A_0] : memref<1024x1024xf32, #tpu.memory_space<vmem>>, vector<1024x1024xf32>
    %convert_element_type3A = arith.truncf %get3A_1 : vector<1024x1024xf32> to vector<1024x1024xbf16>
    %get3A_2 = arith.constant 0 : index
    %get3A_3 = arith.constant 0 : index
    %get3A_4 = vector.load %arg2[%get3A_2, %get3A_3] : memref<1024x1024xf32, #tpu.memory_space<vmem>>, vector<1024x1024xf32>
    %convert_element_type3A_5 = arith.truncf %get3A_4 : vector<1024x1024xf32> to vector<1024x1024xbf16>
    %dot_general3A = arith.constant dense<0.000000e+00> : vector<1024x1024xf32>
    %dot_general3A_6 = tpu.matmul %convert_element_type3A, %convert_element_type3A_5, %dot_general3A {dimension_numbers = #tpu.dot_dimension_numbers<[1], [1], [0], [0], [0, 0, 1, 0], [], []>, transpose_lhs_hint = false} : vector<1024x1024xbf16>, vector<1024x1024xbf16>, vector<1024x1024xf32> -> vector<1024x1024xf32>
    %convert_element_type3A_7 = arith.truncf %dot_general3A_6 : vector<1024x1024xf32> to vector<1024x1024xbf16>
    %slice3A = vector.extract_strided_slice %convert_element_type3A_7 {offsets = [0, 0], sizes = [1024, 512], strides = [1, 1]} : vector<1024x1024xbf16> to vector<1024x512xbf16>
    %bitcast_convert_type3A = tpu.bitcast %slice3A : vector<1024x512xbf16> -> vector<1024x512xi16>
    %slice3A_8 = vector.extract_strided_slice %convert_element_type3A_7 {offsets = [0, 512], sizes = [1024, 512], strides = [1, 1]} : vector<1024x1024xbf16> to vector<1024x512xbf16>
    %bitcast_convert_type3A_9 = tpu.bitcast %slice3A_8 : vector<1024x512xbf16> -> vector<1024x512xi16>
    %convert_element_type3A_10 = arith.extui %bitcast_convert_type3A : vector<1024x512xi16> to vector<1024x512xi32>
    %convert_element_type3A_11 = arith.extui %bitcast_convert_type3A_9 : vector<1024x512xi16> to vector<1024x512xi32>
    %shift_left3A = arith.constant 16 : i32
    %shift_left3A_12 = vector.broadcast %shift_left3A : i32 to vector<1024x512xi32>
    %shift_left3A_13 = arith.shli %convert_element_type3A_11, %shift_left3A_12 : vector<1024x512xi32>
    %or3A = arith.ori %convert_element_type3A_10, %shift_left3A_13 : vector<1024x512xi32>
    %swap3A = arith.constant 0 : index
    %swap3A_14 = arith.constant 0 : index
    %swap3A_15 = vector.load %arg3[%swap3A, %swap3A_14] : memref<1024x512xi32, #tpu.memory_space<vmem>>, vector<1024x512xi32>
    tpu.vector_store %arg3[%swap3A, %swap3A_14], %or3A {strides = array<i32>} : memref<1024x512xi32, #tpu.memory_space<vmem>>, vector<1024x512xi32>,
    return
  }
  func.func @transform_0(%arg0: i32) -> (i32, i32) {
    %c0_i32 = arith.constant 0 : i32
    %c0_i32_0 = arith.constant 0 : i32
    return %arg0, %c0_i32 : i32, i32
  }
  func.func @transform_1(%arg0: i32) -> (i32, i32) {
    %c0_i32 = arith.constant 0 : i32
    %c0_i32_0 = arith.constant 0 : i32
    %c0_i32_1 = arith.constant 0 : i32
    return %c0_i32, %c0_i32_0 : i32, i32
  }
  func.func @transform_2(%arg0: i32) -> (i32, i32) {
    %c0_i32 = arith.constant 0 : i32
    %c0_i32_0 = arith.constant 0 : i32
    return %arg0, %c0_i32 : i32, i32
  }
}

</mosaic_0001>

<sc_bundles>
// kernel: kernel.4.cloned.1.call-start
scs
__scs_entry_jumppad:
0x0: {  	(pc) =	sbr.rel $0x88, $3  }
0x1: {  	(tag) =	ssettag $0x0;
	lr =	simm.s32 $0x1  }
0x2: {  	[smem:$0x3F9E] =	sst lr;
	_ =	strace $0xD0000000  }
0x3: {  	_ = 	snop  }
0x4: {  	_ = 	snop  }
0x5: {  	_ = 	snop  }
0x6: {  	_ = 	snop  }
0x7: {  	_ = 	snop  }
__scs_overlays_trampoline_lowered:
0x8: {  	[smem:$0x3FAD] =	sst s0  }
0x9: {  	[smem:$0x3FAE] =	sst s1  }
0xa: {  	[smem:$0x3FAF] =	sst s2  }
0xb: {  	[smem:$0x3FB0] =	sst s3  }
0xc: {  	[smem:$0x3FB1] =	sst s4  }
0xd: {  	[smem:$0x3FB2] =	sst s5  }
0xe: {  	[smem:$0x3FB3] =	sst s6  }
0xf: {  	[smem:$0x3FB4] =	sst s7  }
0x10: {  	[smem:$0x3FB5] =	sst s8  }
0x11: {  	[smem:$0x3FB6] =	sst s9;
	s0 =	simm.s32 @!p0 $0x0  }
0x12: {  	s1 =	sld [smem:$0x3F9C];
	s0 =	simm.s32 @p0 $0x1  }
0x13: {  	[smem:$0x3FB7] =	sst s0;
	s0 =	simm.s32 @!p1 $0x0  }
0x14: {  	s2 =	sld [smem:$0x3F9B];
	s0 =	simm.s32 @p1 $0x1  }
0x15: {  	[smem:$0x3FB8] =	sst s0;
	s0 =	simm.s32 @!p2 $0x0  }
0x16: {  	s3 =	sld [smem:$0x3FDB];
	s0 =	simm.s32 @p2 $0x1  }
0x17: {  	s4 =	simm.s32 $0x1BF5;
	[smem:$0x3FBA] =	sst s0  }
0x18: {  	s0 =	sld [smem:$0x3F9D];
	_ =	swait.ge [sflag:s4], $0x0  }
0x19: {  	s7 =	sld [smem:$0x3F9E]  }
0x1a: {  	s8 =	sadd.s32 $0xFFFFE003, lr  }
0x1b: {  	s9 =	sadd.s32 $0xFFFFFEF7, lr;
	s5 =	simm.s32 $0xFFFFFFFF;
	p2 =	slt.u32 s8, $0xFFFFF086  }
0x1c: {  	p1 =	slt.u32 s9, $0xF7A;
	s5 =	simm.s32 @!p2 $0x0  }
0x1d: {  	s5 =	simm.s32 @p1 $0x1;
	p0 =	seq.s32 s7, s2  }
0x1e: {  	s7 =	smul.u32 @!p0 $0xF7A, s2;
	p2 =	seq.s32 @!p0 s5, $0x0  }
0x1f: {  	s9 =	smul.u32 $0xF7A, s1;
	s8 =	simm.s32 @!p0 $0x1BF5;
	p2 =	por !p2, p0  }
0x20: {  	[sflag:s8] =	ssyncset.s32 @!p0 $0xFFFFF086;
	s6 =	sadd.s32 @!p0 s3, s7;
	s7 =	simm.s32 @!p0 $0x108  }
0x21: {  	s3 =	sadd.s32 s3, s9;
	s6 =	sadd.s32 @!p0 $0x88, s6;
	s7 =	simm.s32 @p2 $0x1082  }
0x22: {  	[simem:s7], [sflag:s8] =	dma.local @!p0 [hbm:s6], $0xF7A  }
0x23: {  	s9 =	sor.u32 $0xD0000000, s2;
	s6 =	simm.s32 $0x108;
	_ =	swait.ge @!p0 [sflag:s8], $0x0  }
0x24: {  	s3 =	sadd.s32 $0x88, s3;
	s6 =	simm.s32 @!p1 $0x1082;
	[sflag:s4] =	ssyncset.s32 $0xFFFFF086  }
0x25: {  	[simem:s6], [sflag:s4] =	dma.local [hbm:s3], $0xF7A  }
0x26: {  	[smem:$0x3F9E] =	sst s1;
	(tag) =	ssettag s2;
	_ =	strace s9  }
0x27: {  	s1 =	sld [smem:$0x3FAE]  }
0x28: {  	s2 =	sld [smem:$0x3FAF]  }
0x29: {  	s4 =	sld [smem:$0x3FB1]  }
0x2a: {  	p0 =	seq.s32 s5, $0x0;
	s5 =	sld [smem:$0x3FB2]  }
0x2b: {  	s6 =	sld [smem:$0x3FB3]  }
0x2c: {  	s7 =	sld [smem:$0x3FB4]  }
0x2d: {  	s3 =	simm.s32 $0x108;
	s8 =	sld [smem:$0x3FB5]  }
0x2e: {  	s3 =	simm.s32 @!p0 $0x1082;
	s9 =	sld [smem:$0x3FB6]  }
0x2f: {  	lr =	sadd.s32 s0, s3;
	s0 =	sld [smem:$0x3FAD]  }
0x30: {  	s3 =	sld [smem:$0x3FB0]  }
0x31: {  	[smem:$0x3FB9] =	sst s10  }
0x32: {  	s10 =	sld [smem:$0x3FB7];
	_ =	sdelay $0x3  }
0x33: {  	p0 =	seq.s32 s10, $0x1;
	s10 =	sld [smem:$0x3FB9];
	_ =	sdelay $0x3  }
0x34: {  	[smem:$0x3FB9] =	sst s10  }
0x35: {  	s10 =	sld [smem:$0x3FB8];
	_ =	sdelay $0x3  }
0x36: {  	p1 =	seq.s32 s10, $0x1;
	s10 =	sld [smem:$0x3FB9];
	_ =	sdelay $0x3  }
0x37: {  	[smem:$0x3FB9] =	sst s10  }
0x38: {  	s10 =	sld [smem:$0x3FBA]  }
0x39: {  	_ = 	snop;
	(pc) =	sbr.ind lr, $3  }
0x3a: {  	_ = 	snop  }
0x3b: {  	_ = 	snop  }
0x3c: {  	p2 =	seq.s32 s10, $0x1;
	s10 =	sld [smem:$0x3FB9]  }
0x3d: {  	_ =	shalt  }
0x3e: {  	_ =	shalt  }
0x3f: {  	_ =	shalt  }
0x40: {  	_ =	shalt  }
0x41: {  	_ =	shalt  }
0x42: {  	_ =	shalt  }
0x43: {  	_ =	shalt  }
0x44: {  	_ =	shalt  }
0x45: {  	_ =	shalt  }
0x46: {  	_ =	shalt  }
0x47: {  	_ =	shalt  }
0x48: {  	_ =	shalt  }
0x49: {  	_ =	shalt  }
0x4a: {  	_ =	shalt  }
0x4b: {  	_ =	shalt  }
0x4c: {  	_ =	shalt  }
0x4d: {  	_ =	shalt  }
0x4e: {  	_ =	shalt  }
0x4f: {  	_ =	shalt  }
0x50: {  	_ =	shalt  }
0x51: {  	_ =	shalt  }
0x52: {  	_ =	shalt  }
0x53: {  	_ =	shalt  }
0x54: {  	_ =	shalt  }
0x55: {  	_ =	shalt  }
0x56: {  	_ =	shalt  }
0x57: {  	_ =	shalt  }
0x58: {  	_ =	shalt  }
0x59: {  	_ =	shalt  }
0x5a: {  	_ =	shalt  }
0x5b: {  	_ =	shalt  }
0x5c: {  	_ =	shalt  }
0x5d: {  	_ =	shalt  }
0x5e: {  	_ =	shalt  }
0x5f: {  	_ =	shalt  }
0x60: {  	_ =	shalt  }
0x61: {  	_ =	shalt  }
0x62: {  	_ =	shalt  }
0x63: {  	_ =	shalt  }
0x64: {  	_ =	shalt  }
0x65: {  	_ =	shalt  }
0x66: {  	_ =	shalt  }
0x67: {  	_ =	shalt  }
0x68: {  	_ =	shalt  }
0x69: {  	_ =	shalt  }
0x6a: {  	_ =	shalt  }
0x6b: {  	_ =	shalt  }
0x6c: {  	_ =	shalt  }
0x6d: {  	_ =	shalt  }
0x6e: {  	_ =	shalt  }
0x6f: {  	_ =	shalt  }
0x70: {  	_ =	shalt  }
0x71: {  	_ =	shalt  }
0x72: {  	_ =	shalt  }
0x73: {  	_ =	shalt  }
0x74: {  	_ =	shalt  }
0x75: {  	_ =	shalt  }
0x76: {  	_ =	shalt  }
0x77: {  	_ =	shalt  }
0x78: {  	_ =	shalt  }
0x79: {  	_ =	shalt  }
0x7a: {  	_ =	shalt  }
0x7b: {  	_ =	shalt  }
0x7c: {  	_ =	shalt  }
0x7d: {  	_ =	shalt  }
0x7e: {  	_ =	shalt  }
0x7f: {  	_ =	shalt  }
0x80: {  	_ =	shalt  }
0x81: {  	_ =	shalt  }
0x82: {  	_ =	shalt  }
0x83: {  	_ =	shalt  }
0x84: {  	_ =	shalt  }
0x85: {  	_ =	shalt  }
0x86: {  	_ =	shalt  }
0x87: {  	_ =	shalt  }
.Lfunc_end0:
.L_simem_size_0:
called_computation_lowered:
.L_overlay_start_0:
0x88: {  	s2 =	sld [smem:$0x3FD9]  }
0x89: {  	s3 =	sld [smem:$0x3FFE];
	_ =	sdelay $0x1  }
0x8a: {  	s1 =	srdreg.scid  }
0x8b: {  	s0 =	sand.u32 $0x1, s1  }
0x8c: {  	s17 =	sshll.u32 s0, $0xA;
	s2 =	sadd.s32 s3, s2  }
0x8d: {  	s2 =	sadd.s32 s2, s17  }
0x8e: {  	[smem:$0x3FC5] =	sst s2  }
0x8f: {  	_ = 	snop  }
0x90: {  	s2 =	sld [smem:$0x3FD0];
	(tm) =	ssettm $0x1  }
0x91: {  	s18 =	sld [smem:$0x3FFB];
	_ =	sdelay $0x3  }
0x92: {  	_ =	strace s18  }
0x93: {  	s3 =	sld [smem:$0x3FFC];
	_ =	sdelay $0x3  }
0x94: {  	_ =	strace s3  }
0x95: {  	s3 =	sld [smem:$0x3FFD];
	_ =	sdelay $0x3  }
0x96: {  	_ =	strace s3  }
0x97: {  	_ =	strace $0x8FFFFFFF  }
0x98: {  	s19 =	sld [smem:$0x3FDB];
	_ =	sdelay $0x1  }
0x99: {  	s4 =	simm.s32 $_scs_section_size  }
0x9a: {  	s5 =	simm.s32 $_size__tile_overlayer_lowered;
	s6 =	simm.s32 $_tile_overlayer_lowered  }
0x9b: {  	s22 =	simm.s32 $0x1BFF;
	s21 =	sshll.u32 s6, $0x1;
	s3 =	sadd.s32 s4, s19  }
0x9c: {  	s7 =	simm.s32 $0x0;
	s20 =	sshll.u32 s5, $0x1;
	s5 =	sadd.s32 s21, s3  }
0x9d: {  	[timem:s7], [sflag:s22] =	dma.local [hbm:s5], s20  }
0x9e: {  	_ =	swait.ge [sflag:s22], s20  }
0x9f: {  	s4 =	ssub.s32 $0x0, s20;
	[sflag:s22] =	ssyncset.done $0x0  }
0xa0: {  	[sflag:s22] =	ssyncadd.s32 s4;
	_ =	sdelay $0x1  }
0xa1: {  	s23 =	simm.s32 $0x1B8B  }
0xa2: {  	_ =	swait.ge [sflag:s23], $0x1  }
0xa3: {  	[sflag:s23] =	ssyncset.done $0x0  }
0xa4: {  	s25 =	simm.s32 $0x1B8E;
	s24 =	sld [smem:$0x3FFE];
	[sflag:s23] =	ssyncadd.s32 $0xFFFFFFFF  }
0xa5: {  	s26 =	simm.s32 $execute0_lowered;
	[smem:$0x3FD2] =	sst s25  }
0xa6: {  	s5 =	sshll.u32 s26, $0x1;
	_ =	strace $0x80000046;
	[dreg:$0x1] =	wrdreg $0xFFFFFFFF  }
0xa7: {  	s28 =	simm.s32 $_size_execute0_lowered;
	s3 =	sadd.s32 s3, s5;
	[dreg:$0x0] =	wrdreg $0x0  }
0xa8: {  	s5 =	sshll.u32 s28, $0x1;
	[dreg:$0x2] =	wrdreg s3  }
0xa9: {  	[dreg:$0x3] =	wrdreg s5  }
0xaa: {  	[dreg:$0x4] =	wrdreg $0xC0  }
0xab: {  	_ =	task [dreg:s7], $0x5FFFF  }
0xac: {  	[dreg:$0x1] =	wrdreg $0xFFFFFFFF  }
0xad: {  	[dreg:$0x0] =	wrdreg $0x60  }
0xae: {  	[dreg:$0x2] =	wrdreg s24  }
0xaf: {  	[dreg:$0x3] =	wrdreg s2  }
0xb0: {  	[dreg:$0x4] =	wrdreg $0x9  }
0xb1: {  	_ =	task.clear_ibuf [dreg:s7], $0x5FFFF;
	_ =	strace $0x90000046  }
0xb2: {  	s29 =	simm.s32 $0x9;
	_ =	strace $0x80000048  }
0xb3: {  	_ =	swait.ge [sflag:s29], $0x1  }
0xb4: {  	[sflag:s29] =	ssyncadd.s32 $0xFFFFFFFF  }
0xb5: {  	_ =	strace $0x90000048  }
0xb6: {  	_ =	sfence  }
0xb7: {  	s30 =	sld [smem:$0x0];
	_ =	sdelay $0x2  }
0xb8: {  	s31 =	sshll.u32 s1, $0xD;
	s1 =	sshrl.u32 s1, $0x2  }
0xb9: {  	s3 =	sand.u32 $0x4000, s31;
	s1 =	sadd.s32 s1, s30  }
0xba: {  	s0 =	sor.u32 s3, s0;
	s1 =	sshll.u32 s1, $0x11  }
0xbb: {  	s0 =	sor.u32 s1, s0  }
0xbc: {  	s0 =	sadd.s32 $0x8F2B, s0  }
0xbd: {  	[sflag:s0] =	ssyncadd.remote.s32 $0x1  }
0xbe: {  	_ =	sfence.sel $0xFFFF  }
0xbf: {  	[dreg:$0x0] =	wrdreg $0xFFFFFFFF;
	(pc) =	sbr.abs _section_cstart, $3  }
0xc0: {  	[dreg:$0x1] =	wrdreg $0xFFFFFFFF  }
0xc1: {  	_ =	task.clear_ibuf [dreg:s7], $0x2FFFF;
	_ =	strace $0x9FFFFFFF  }
0xc2: {  	(tm) =	ssettm $0x7FFFFFFF  }
0xc3: {  	_ =	shalt  }
tec
execute0_lowered:
.L_overlay_start_1:
0x0: {  	(tag) =	ssettag $0x1  }
0x1: {  	s0 =	rddreg [dreg:$0x0]  }
0x2: {  	s7 =	rddreg [dreg:$0x1]  }
0x3: {  	s9 =	simm.s32 $0x0;
	s1 =	srdreg.scid;
	s4 =	stileid.u32  }
0x4: {  	[smem:$0x7FF] =	sst s9;
	s2 =	sadd.s32 $0x800, s0;
	s1 =	sand.u32 $0x1, s1  }
0x5: {  	s4 =	sshll.u32 s4, $0xB;
	s10 =	sadd.s32 $0x1800, s0;
	s11 =	sadd.s32 $0x1900, s0  }
0x6: {  	_ =	strace $0x80000047;
	s3 =	ssub.s32 $0x2, s1;
	s1 =	sshll.u32 s1, $0xA  }
0x7: {  	[smem:$0x7FA] =	sst s10;
	s5 =	sshrl.u32 s3, $0x1;
	s1 =	sor.u32 s1, s4  }
0x8: {  	[smem:$0x7FB] =	sst s11;
	s3 =	ssub.s32 s3, s5;
	s12 =	sor.u32 $0x40, s1  }
0x9: {  	s4 =	sshrl.u32 s1, $0x3;
	s13 =	sor.u32 $0x60, s1;
	[smem:$0x7FC] =	sst s12  }
0xa: {  	s25 =	sshll.u32 s1, $0x7;
	s4 =	sadd.s32 s2, s4;
	[smem:$0x7FD] =	sst s13  }
0xb: {  	v0 =	vimm.s32 $0xECA86420;
	vm0 =	vcmask $0xB08;
	s23 =	sadd.s32 $0xFFFFFFF8, s1;
	s26 =	sadd.s32 s7, s25;
	[smem:$0x7F3] =	sst s4  }
0xc: {  	vm1 =	vcmask $0x1310;
	vm2 =	vcmask $0x1B18;
	vm3 =	vcmask $0x300;
	s24 =	sshrl.u32 s23, $0x3;
	s31 =	smax.u32 s3, $0x1;
	[smem:$0x7F7] =	sst s26  }
0xd: {  	vm4 =	vcmask $0x2320;
	vm5 =	vcmask $0x2B28;
	v5 =	vlaneseq.u32;
	s2 =	sadd.s32 s2, s24;
	[smem:$0x7F9] =	sst s31  }
0xe: {  	vm6 =	vcmask $0x3330;
	vm7 =	vcmask $0x3B38;
	vm8 =	vmmov $0xff;
	s28 =	sadd.s32 $0x1000, s26;
	[smem:$0x7F4] =	sst s2  }
0xf: {  	vm9 =	vmmov $0xffff;
	v1 =	vunpack.c.l.s4.s8 v0;
	v0 =	vimm.s32 $0x0;
	s29 =	sadd.s32 $0x1E000, s26;
	[smem:$0x7F5] =	sst s28  }
0x10: {  	v2 =	vmul.u32 $0x2, v5;
	v3 =	vand.u32 $0x7, v5;
	v4 =	vshrl.u32 v5, $0x3;
	s6 =	sand.u32 $0x1C00, s1;
	s30 =	sadd.s32 $0x1F000, s26;
	[smem:$0x7F6] =	sst s29  }
0x11: {  	v5 =	vor.u32 $0x8, v5;
	v4 =	vmul.u32 $0x8, v4;
	v1 =	vunpack.c.0.s8.s32 v1;
	p0 =	seq.s32 s6, $0x0;
	[smem:$0x7F8] =	sst s30;
	s2 =	simm.s32 $0x0  }
.LBB2_1:
0x12: {  	s0 =	sld [smem:$0x7F3];
	_ =	sdelay $0x1  }
0x13: {  	[smem:$0x7DE] =	sst s2;
	s1 =	simm.s32 $0x10;
	s13 =	simm.s32 $0x5  }
0x14: {  	[tilespmem:s1], [sflag:$0x5] =	stream.linear.gather [hbm4b:s0+s9], $0x400, $0x38;
	[tilespmem:$0x18880] =	vst v63  }
0x15: {  	_ =	swait.ge [sflag:s13], $0x400  }
0x16: {  	[sflag:s13] =	ssyncset.done $0x0;
	s2 =	sld [smem:$0x7F4]  }
0x17: {  	[sflag:s13] =	ssyncadd.s32 $0xFFFFFC00  }
0x18: {  	s0 =	simm.s32 @!p0 $0x0;
	s1 =	simm.s32 @!p0 $0x8;
	[tilespmem:$0x0] =	vst v0  }
0x19: {  	[tilespmem:s1], [sflag:$0x5] =	stream.linear.gather @!p0 [hbm4b:s2+s0], $0x8, $0x38;
	[tilespmem:$0x18880] =	vst v63  }
0x1a: {  	s0 =	simm.s32 @!p0 $0x5  }
0x1b: {  	_ =	swait.ge @!p0 [sflag:s0], $0x8  }
0x1c: {  	[sflag:s0] =	ssyncset.done @!p0 $0x0  }
0x1d: {  	s14 =	simm.s32 $0x0;
	[sflag:s0] =	ssyncadd.s32 @!p0 $0xFFFFFFF8  }
0x1e: {  	v6 =	vld [tilespmem:s14+$0x10]  }
0x1f: {  	v7 =	vld [tilespmem:s14+$0xF];
	_ =	sdelay $0x3  }
0x20: {  	(v2sf) =	vpush v6, $0x7  }
0x21: {  	(v2sf) =	vpush v7, $0x7;
	_ =	sdelay $0x1  }
0x22: {  	(v2sf) =	vpush v6, $0x6  }
0x23: {  	(v2sf) =	vpush v7, $0x6;
	_ =	sdelay $0x1  }
0x24: {  	(v2sf) =	vpush v6, $0xF;
	_ =	sdelay $0x1  }
0x25: {  	(v2sf) =	vpush v6, $0xB;
	_ =	sdelay $0x2  }
0x26: {  	(v2sf) =	vpush v6, $0x5;
	_ =	sdelay $0x1  }
0x27: {  	(v2sf) =	vpush v7, $0xF  }
0x28: {  	(v2sf) =	vpush v7, $0xB  }
0x29: {  	s15 =	simm.s32 $0x0;
	s16 =	spop (v2sf)  }
0x2a: {  	[dreg:$0x3] =	wrdreg s15;
	s19 =	spop (v2sf)  }
0x2b: {  	(v2sf) =	vpush v7, $0x5;
	s20 =	smulhi.u32 $0x2AAAAAAB, s16;
	s0 =	sshra.s32 s16, $0x1F;
	[smem:$0x7E4] =	sst s19  }
0x2c: {  	s21 =	spop (v2sf);
	s0 =	smul.u32 $0x2AAAAAAB, s0  }
0x2d: {  	(v2sf) =	vpush v6, $0xE;
	s28 =	smulhi.u32 $0x2AAAAAAB, s21;
	s6 =	spop (v2sf)  }
0x2e: {  	[smem:$0x7F1] =	sst s20;
	s29 =	smulhi.u32 $0x2AAAAAAB, s6  }
0x2f: {  	(v2sf) =	vpush v6, $0xA;
	s9 =	sshra.s32 s21, $0x1F;
	s7 =	spop (v2sf);
	[smem:$0x7F2] =	sst s0  }
0x30: {  	s0 =	smul.u32 $0x2AAAAAAB, s9;
	[smem:$0x7E9] =	sst s28  }
0x31: {  	(v2sf) =	vpush v6, $0x4;
	s30 =	smulhi.u32 $0x2AAAAAAB, s7;
	s15 =	spop (v2sf)  }
0x32: {  	s10 =	sshra.s32 s6, $0x1F;
	[smem:$0x7ED] =	sst s29;
	s31 =	smulhi.u32 $0x2AAAAAAB, s15  }
0x33: {  	s11 =	sshra.s32 s7, $0x1F;
	[smem:$0x7EA] =	sst s0;
	s0 =	smul.u32 $0x2AAAAAAB, s10  }
0x34: {  	(v2sf) =	vpush v7, $0xE;
	s20 =	spop (v2sf);
	s1 =	smul.u32 $0x2AAAAAAB, s11  }
0x35: {  	s12 =	sshra.s32 s15, $0x1F;
	[smem:$0x7DF] =	sst s30;
	s3 =	smulhi.u32 $0x2AAAAAAB, s20  }
0x36: {  	(v2sf) =	vpush v7, $0xA;
	s22 =	spop (v2sf);
	s21 =	smul.u32 $0x2AAAAAAB, s12  }
0x37: {  	(v2sf) =	vpush v7, $0x4;
	s13 =	sshra.s32 s20, $0x1F;
	s23 =	spop (v2sf);
	s17 =	smulhi.u32 $0x2AAAAAAB, s22  }
0x38: {  	(v2sf) =	vpush v6, $0xD;
	[smem:$0x7EE] =	sst s0;
	s0 =	smul.u32 $0x2AAAAAAB, s13  }
0x39: {  	[smem:$0x7E0] =	sst s31;
	s14 =	sshra.s32 s22, $0x1F;
	s4 =	smulhi.u32 $0x2AAAAAAB, s23  }
0x3a: {  	(v2sf) =	vpush v6, $0x9;
	s24 =	spop (v2sf);
	s28 =	smul.u32 $0x2AAAAAAB, s14  }
0x3b: {  	(v2sf) =	vpush v6, $0x3;
	[smem:$0x7EB] =	sst s3;
	s15 =	sshra.s32 s23, $0x1F;
	s5 =	smulhi.u32 $0x2AAAAAAB, s24  }
0x3c: {  	(v2sf) =	vpush v7, $0xD;
	s25 =	spop (v2sf);
	s20 =	smul.u32 $0x2AAAAAAB, s15  }
0x3d: {  	(v2sf) =	vpush v7, $0x9;
	[smem:$0x7EC] =	sst s0;
	s16 =	sshra.s32 s24, $0x1F;
	s18 =	smulhi.u32 $0x2AAAAAAB, s25  }
0x3e: {  	(v2sf) =	vpush v7, $0x3;
	s26 =	spop (v2sf);
	s0 =	smul.u32 $0x2AAAAAAB, s16  }
0x3f: {  	(v2sf) =	vpush v6, $0xC;
	[smem:$0x7E1] =	sst s4;
	s22 =	sshra.s32 s25, $0x1F;
	s19 =	smulhi.u32 $0x2AAAAAAB, s26  }
0x40: {  	s29 =	spop (v2sf);
	s30 =	smul.u32 $0x2AAAAAAB, s22  }
0x41: {  	(v2sf) =	vpush v6, $0x8;
	[smem:$0x7EF] =	sst s5;
	s8 =	smulhi.u32 $0x2AAAAAAB, s29;
	s24 =	sshra.s32 s29, $0x1F  }
0x42: {  	s23 =	sshra.s32 s26, $0x1F;
	[smem:$0x7F0] =	sst s0;
	s0 =	smul.u32 $0x2AAAAAAB, s24  }
0x43: {  	s31 =	smul.u32 $0x2AAAAAAB, s23;
	s25 =	spop (v2sf);
	(v2sf) =	vpush v6, $0x2  }
0x44: {  	[smem:$0x7E3] =	sst s0;
	s24 =	smulhi.u32 $0x2AAAAAAB, s25;
	s0 =	sshra.s32 s25, $0x1F  }
0x45: {  	s26 =	spop (v2sf);
	s29 =	smul.u32 $0x2AAAAAAB, s0  }
0x46: {  	s25 =	smulhi.u32 $0x2AAAAAAB, s26;
	s0 =	sshra.s32 s26, $0x1F;
	s22 =	spop (v2sf)  }
0x47: {  	s16 =	smul.u32 $0x2AAAAAAB, s0;
	s2 =	spop (v2sf)  }
0x48: {  	[smem:$0x7E2] =	sst s8;
	s11 =	smulhi.u32 $0x2AAAAAAB, s2;
	s23 =	sshra.s32 s2, $0x1F  }
0x49: {  	s3 =	spop (v2sf);
	s8 =	smul.u32 $0x2AAAAAAB, s23  }
0x4a: {  	(v2sf) =	vpush v7, $0xC;
	s15 =	smulhi.u32 $0x2AAAAAAB, s3;
	s4 =	sshra.s32 s3, $0x1F;
	s23 =	spop (v2sf)  }
0x4b: {  	(v2sf) =	vpush v7, $0x8;
	s13 =	smul.u32 $0x2AAAAAAB, s4;
	s5 =	spop (v2sf)  }
0x4c: {  	s14 =	smulhi.u32 $0x2AAAAAAB, s5;
	s26 =	sshra.s32 s5, $0x1F;
	s6 =	spop (v2sf)  }
0x4d: {  	s12 =	smul.u32 $0x2AAAAAAB, s26;
	s26 =	spop (v2sf)  }
0x4e: {  	s9 =	smulhi.u32 $0x2AAAAAAB, s6;
	s10 =	spop (v2sf)  }
0x4f: {  	(v2sf) =	vpush v7, $0x2;
	s5 =	smulhi.u32 $0x2AAAAAAB, s10;
	s0 =	sshra.s32 s10, $0x1F  }
0x50: {  	s2 =	spop (v2sf);
	s3 =	smul.u32 $0x2AAAAAAB, s0  }
0x51: {  	(v2sf) =	vpush v6, $0x1;
	s4 =	smulhi.u32 $0x2AAAAAAB, s2;
	s0 =	sshra.s32 s2, $0x1F  }
0x52: {  	s7 =	sshra.s32 s6, $0x1F;
	s2 =	smul.u32 $0x2AAAAAAB, s0;
	s6 =	spop (v2sf)  }
0x53: {  	(v2sf) =	vpush v7, $0x1;
	s10 =	smulhi.u32 $0x2AAAAAAB, s6;
	s0 =	sshra.s32 s6, $0x1F;
	s6 =	sld [smem:$0x7DF]  }
0x54: {  	(v2sf) =	vpush v6, $0x0;
	_ =	sdelay $0x1  }
0x55: {  	s19 =	sadd.s32 s31, s19;
	s31 =	sld [smem:$0x7E1];
	(v2sf) =	vpush v7, $0x0;
	s1 =	sadd.s32 s1, s6  }
0x56: {  	[smem:$0x7E5] =	sst s1  }
0x57: {  	s1 =	sld [smem:$0x7E0]  }
0x58: {  	s6 =	smul.u32 $0x2AAAAAAB, s0;
	s0 =	spop (v2sf)  }
0x59: {  	s17 =	sadd.s32 s28, s17;
	s7 =	smul.u32 $0x2AAAAAAB, s7;
	s28 =	spop (v2sf)  }
0x5a: {  	s1 =	sadd.s32 s21, s1;
	s21 =	sadd.s32 s30, s18;
	s18 =	smulhi.u32 $0x2AAAAAAB, s28  }
0x5b: {  	[smem:$0x7E6] =	sst s1;
	s1 =	smulhi.u32 $0x2AAAAAAB, s0;
	s0 =	sshra.s32 s0, $0x1F  }
0x5c: {  	[smem:$0x7E7] =	sst s17;
	s17 =	smul.u32 $0x2AAAAAAB, s0;
	s0 =	sshra.s32 s28, $0x1F  }
0x5d: {  	s20 =	sadd.s32 s20, s31;
	s30 =	smul.u32 $0x2AAAAAAB, s0;
	s0 =	spop (v2sf)  }
0x5e: {  	[smem:$0x7E8] =	sst s20;
	s3 =	sadd.s32 s3, s5;
	s20 =	smulhi.u32 $0x2AAAAAAB, s0  }
0x5f: {  	s31 =	spop (v2sf);
	s5 =	sadd.s32 s17, s1;
	s1 =	smulhi.u32 $0x2AAAAAAB, s23  }
0x60: {  	s28 =	sadd.s32 s8, s11;
	s0 =	sshra.s32 s0, $0x1F;
	s8 =	smulhi.u32 $0x2AAAAAAB, s31  }
0x61: {  	s11 =	sshra.s32 s31, $0x1F;
	s31 =	smul.u32 $0x2AAAAAAB, s0;
	s0 =	spop (v2sf)  }
0x62: {  	s24 =	sadd.s32 s29, s24;
	s29 =	smul.u32 $0x2AAAAAAB, s11;
	s11 =	spop (v2sf)  }
0x63: {  	s25 =	sadd.s32 s16, s25;
	s16 =	smulhi.u32 $0x2AAAAAAB, s11;
	s11 =	sshra.s32 s11, $0x1F  }
0x64: {  	s13 =	sadd.s32 s13, s15;
	s15 =	smul.u32 $0x2AAAAAAB, s11;
	s11 =	spop (v2sf)  }
0x65: {  	s7 =	sadd.s32 s7, s9;
	s9 =	smulhi.u32 $0x2AAAAAAB, s11  }
0x66: {  	s12 =	sadd.s32 s12, s14;
	s14 =	sshra.s32 s11, $0x1F;
	s11 =	smulhi.u32 $0x2AAAAAAB, s0  }
0x67: {  	s4 =	sadd.s32 s2, s4;
	s0 =	sshra.s32 s0, $0x1F;
	s2 =	smul.u32 $0x2AAAAAAB, s14  }
0x68: {  	s14 =	sadd.s32 s15, s16;
	s0 =	smul.u32 $0x2AAAAAAB, s0;
	s16 =	sadd.s32 s30, s18  }
0x69: {  	s15 =	smulhi.u32 $0x2AAAAAAB, s22;
	s18 =	sshra.s32 s22, $0x1F;
	s22 =	sadd.s32 s31, s20  }
0x6a: {  	s31 =	sld [smem:$0x7E3];
	s20 =	smul.u32 $0x2AAAAAAB, s18;
	s9 =	sadd.s32 s2, s9  }
0x6b: {  	s2 =	sadd.s32 s6, s10;
	s10 =	sshra.s32 s23, $0x1F;
	s23 =	sld [smem:$0x7E2]  }
0x6c: {  	s30 =	sadd.s32 s29, s8;
	s29 =	sadd.s32 s0, s11;
	s11 =	sld [smem:$0x7E4]  }
0x6d: {  	s6 =	smul.u32 $0x2AAAAAAB, s10;
	s15 =	sadd.s32 s20, s15;
	s10 =	sshra.s32 s26, $0x1F  }
0x6e: {  	s20 =	sshrl.u32 s3, $0x1F;
	s17 =	sadd.s32 s31, s23;
	s23 =	smulhi.u32 $0x2AAAAAAB, s26  }
0x6f: {  	s3 =	sshrl.u32 s3, $0x9;
	s18 =	sadd.s32 s6, s1;
	s1 =	smulhi.u32 $0x2AAAAAAB, s11  }
0x70: {  	v8 =	vmov s20;
	s20 =	sshrl.u32 s14, $0x1F;
	s8 =	sshra.s32 s11, $0x1F;
	s26 =	smul.u32 $0x2AAAAAAB, s10  }
0x71: {  	s31 =	sshrl.u32 s4, $0x1F;
	s4 =	sshrl.u32 s4, $0x9;
	s6 =	sshrl.u32 s5, $0x1F  }
0x72: {  	s10 =	sshrl.u32 s5, $0x9;
	s11 =	sshrl.u32 s16, $0x1F;
	s16 =	sshrl.u32 s16, $0x9  }
0x73: {  	v14 =	vmov s20;
	s20 =	sshrl.u32 s13, $0x9;
	v9 =	vmov s31;
	v12 =	vmov s6;
	s31 =	sshrl.u32 s14, $0x9;
	s6 =	sshrl.u32 s9, $0x1F  }
0x74: {  	v13 =	vmov s11;
	v15 =	vmov s10;
	s10 =	sshrl.u32 s9, $0x9;
	s11 =	sshrl.u32 s28, $0x1F;
	s14 =	sshrl.u32 s28, $0x9  }
0x75: {  	v16 =	vmov s16;
	s16 =	sshrl.u32 s13, $0x1F;
	s28 =	sshrl.u32 s12, $0x1F;
	s9 =	sshrl.u32 s21, $0x1F  }
0x76: {  	s13 =	sshrl.u32 s24, $0x1F;
	v17 =	vmov s31;
	v18 =	vmov s6;
	s31 =	sshrl.u32 s12, $0x9;
	s6 =	sshrl.u32 s7, $0x1F  }
0x77: {  	v10 =	vmov s3;
	v19 =	vmov s10;
	v8 =	vsel vm0, s11, v8;
	s7 =	sshrl.u32 s7, $0x9;
	s10 =	sshrl.u32 s21, $0x9;
	s11 =	sshrl.u32 s19, $0x1F  }
0x78: {  	v11 =	vmov s4;
	v9 =	vsel vm0, s16, v9;
	v10 =	vsel vm0, s14, v10;
	s12 =	sshrl.u32 s19, $0x9;
	s14 =	sshrl.u32 s24, $0x9;
	s16 =	sshrl.u32 s25, $0x1F  }
0x79: {  	v11 =	vsel vm0, s20, v11;
	v12 =	vsel vm0, s28, v12;
	s19 =	sshrl.u32 s25, $0x9;
	s20 =	sshrl.u32 s30, $0x1F;
	s28 =	sld [smem:$0x7E5]  }
0x7a: {  	s21 =	sshrl.u32 s30, $0x9;
	s24 =	sshrl.u32 s29, $0x1F;
	s30 =	sld [smem:$0x7E6];
	v15 =	vsel vm0, s31, v15;
	v16 =	vsel vm0, s7, v16;
	v9 =	vsel vm1, s11, v9  }
0x7b: {  	s25 =	sshrl.u32 s29, $0x9;
	v10 =	vsel vm1, s10, v10;
	v18 =	vnsel vm3, $0x0, v18;
	v19 =	vnsel vm3, $0x0, v19;
	s10 =	sld [smem:$0x7E7];
	s11 =	sshrl.u32 s17, $0x9  }
0x7c: {  	v15 =	vsel vm1, s14, v15;
	v16 =	vsel vm1, s19, v16;
	v18 =	vsel vm0, s24, v18;
	s14 =	sld [smem:$0x7E8];
	s19 =	sshrl.u32 s2, $0x1F;
	s24 =	sshrl.u32 s22, $0x9  }
0x7d: {  	v8 =	vsel vm1, s9, v8;
	v19 =	vsel vm0, s25, v19;
	s31 =	sshrl.u32 s30, $0x1F;
	s9 =	sshrl.u32 s30, $0x9;
	s30 =	sld [smem:$0x7EA]  }
0x7e: {  	v17 =	vnsel vm3, $0x0, v17;
	s2 =	sshrl.u32 s2, $0x9;
	s29 =	sshrl.u32 s28, $0x1F;
	v19 =	vsel vm1, s24, v19;
	s24 =	sld [smem:$0x7F1]  }
0x7f: {  	v14 =	vnsel vm3, $0x0, v14;
	v17 =	vsel vm0, s21, v17;
	s21 =	sshrl.u32 s22, $0x1F;
	s5 =	sshrl.u32 s28, $0x9;
	v8 =	vsel vm2, s29, v8;
	s29 =	sld [smem:$0x7E9]  }
0x80: {  	v13 =	vsel vm0, s6, v13;
	v11 =	vsel vm1, s12, v11;
	s25 =	sadd.s32 s26, s23;
	s26 =	sshrl.u32 s18, $0x1F;
	v10 =	vsel vm2, s5, v10;
	s5 =	sld [smem:$0x7EB]  }
0x81: {  	v12 =	vsel vm1, s13, v12;
	v14 =	vsel vm0, s20, v14;
	s28 =	sshrl.u32 s18, $0x9;
	s7 =	sshrl.u32 s25, $0x9;
	v11 =	vsel vm2, s9, v11;
	s9 =	sld [smem:$0x7EC]  }
0x82: {  	v13 =	vsel vm1, s16, v13;
	v14 =	vsel vm1, s19, v14;
	s12 =	sshrl.u32 s10, $0x1F;
	v9 =	vsel vm2, s31, v9;
	s31 =	sshrl.u32 s17, $0x1F;
	s17 =	sld [smem:$0x7F0]  }
0x83: {  	v17 =	vsel vm1, s2, v17;
	v18 =	vsel vm1, s21, v18;
	s13 =	sshrl.u32 s10, $0x9;
	v14 =	vsel vm2, s26, v14;
	s10 =	sshrl.u32 s25, $0x1F;
	s25 =	sld [smem:$0x7F2]  }
0x84: {  	v17 =	vsel vm2, s28, v17;
	v19 =	vsel vm2, s7, v19;
	v12 =	vsel vm2, s12, v12;
	s12 =	sld [smem:$0x7ED]  }
0x85: {  	s26 =	smul.u32 $0x2AAAAAAB, s8;
	s16 =	sshrl.u32 s14, $0x1F;
	v15 =	vsel vm2, s13, v15;
	v14 =	vsel vm4, s31, v14;
	s13 =	sld [smem:$0x7EE];
	v18 =	vsel vm2, s10, v18  }
0x86: {  	s20 =	sshrl.u32 s14, $0x9;
	s14 =	sshrl.u32 s15, $0x1F;
	v17 =	vsel vm4, s11, v17;
	v8 =	vcombine.low v9, v8;
	v13 =	vsel vm2, s16, v13;
	s16 =	sld [smem:$0x7EF]  }
0x87: {  	s15 =	sshrl.u32 s15, $0x9;
	v9 =	vcombine.low v11, v10;
	v16 =	vsel vm2, s20, v16;
	v18 =	vsel vm4, s14, v18;
	s0 =	sadd.s32 s26, s1;
	s2 =	sadd.s32 s9, s5  }
0x88: {  	v19 =	vsel vm4, s15, v19;
	s3 =	sadd.s32 s30, s29;
	v10 =	vcombine.low v13, v12;
	v11 =	vcombine.low v16, v15;
	s4 =	sadd.s32 s13, s12;
	s18 =	sshrl.u32 s2, $0x1F  }
0x89: {  	v8 =	vperm.xlane v8, v1;
	v9 =	vperm.xlane v9, v1;
	s2 =	sshrl.u32 s2, $0x9;
	s19 =	sshrl.u32 s3, $0x1F;
	s5 =	sadd.s32 s17, s16;
	v14 =	vsel vm5, s18, v14  }
0x8a: {  	s22 =	sshrl.u32 s3, $0x9;
	v17 =	vsel vm5, s2, v17;
	v10 =	vperm.xlane v10, v1;
	v11 =	vperm.xlane v11, v1;
	s20 =	sshrl.u32 s5, $0x1F;
	s21 =	sshrl.u32 s5, $0x9  }
0x8b: {  	s23 =	sshrl.u32 s4, $0x1F;
	s28 =	sshrl.u32 s4, $0x9;
	v14 =	vsel vm6, s19, v14;
	s5 =	sadd.s32 s25, s24;
	v18 =	vsel vm5, s20, v18;
	v19 =	vsel vm5, s21, v19  }
0x8c: {  	s31 =	sshrl.u32 s0, $0x1F;
	v17 =	vsel vm6, s22, v17;
	s29 =	sshrl.u32 s5, $0x1F;
	s30 =	sshrl.u32 s5, $0x9;
	v18 =	vsel vm6, s23, v18;
	v19 =	vsel vm6, s28, v19  }
0x8d: {  	s0 =	sshrl.u32 s0, $0x9;
	v14 =	vsel vm7, s29, v14;
	v15 =	vsel vm7, s30, v17;
	v12 =	vsel vm7, s31, v18  }
0x8e: {  	v13 =	vperm.xlane v14, v2;
	v14 =	vperm.xlane v15, v2;
	v15 =	vsel vm7, s0, v19;
	s0 =	simm.s32 $0x40  }
.LBB2_2:
0x8f: {  	s1 =	sshra.s32 s0, $0x2  }
0x90: {  	v12 =	vperm.xlane v12, v2;
	v15 =	vperm.xlane v15, v2;
	v16 =	vld [tilespmem:s1+$0x10]  }
0x91: {  	v8 =	vsel vm8, v13, v8;
	v9 =	vsel vm8, v14, v9  }
0x92: {  	v8 =	vadd.s32 v8, v9;
	v9 =	vsel vm8, v12, v10;
	v10 =	vsel vm8, v15, v11;
	v11 =	vld [tilespmem:s1+$0xF];
	_ =	sdelay $0x1  }
0x93: {  	v8 =	vmul.u32 $0xC00, v8;
	v9 =	vadd.s32 v9, v10  }
0x94: {  	v9 =	vmul.u32 $0xC00, v9;
	(v2sf) =	vpush v16, $0x7  }
0x95: {  	v8 =	vsub.s32 v6, v8  }
0x96: {  	vm10 =	vlt.s32 v8, $0x0;
	v12 =	vsub.s32 v7, v9;
	(v2sf) =	vpush v11, $0x7  }
0x97: {  	v6 =	vmovc v16;
	v9 =	vadd.s32 $0xC00, v8;
	vm11 =	vlt.s32 v12, $0x0;
	v10 =	vadd.s32 $0xC00, v12  }
0x98: {  	v8 =	vsel vm10, v9, v8;
	v7 =	vmovc v11;
	v9 =	vsel vm11, v10, v12;
	(v2sf) =	vpush v6, $0x6  }
0x99: {  	v8 =	vmul.u32 $0x269, v8;
	v9 =	vmul.u32 $0x643, v9;
	(v2sf) =	vpush v7, $0x6  }
0x9a: {  	(v2sf) =	vpush v6, $0xF  }
0x9b: {  	v8 =	vadd.s32 v8, v9  }
0x9c: {  	(v2sf) =	vpush v8, $0x7;
	_ =	sdelay $0x1  }
0x9d: {  	(v2sf) =	vpush v8, $0x6;
	_ =	sdelay $0x1  }
0x9e: {  	(v2sf) =	vpush v8, $0xF;
	_ =	sdelay $0x1  }
0x9f: {  	[dreg:$0x4] =	wrdreg s0  }
0xa0: {  	[dreg:$0xb] =	wrdreg s1;
	(v2sf) =	vpush v8, $0xB;
	s7 =	spop (v2sf)  }
0xa1: {  	(v2sf) =	vpush v8, $0x5;
	[dreg:$0xd] =	wrdreg s7  }
0xa2: {  	p1 =	sne.s32 s0, $0xFC0;
	s0 =	smulhi.u32 $0x2AAAAAAB, s7;
	s8 =	spop (v2sf)  }
0xa3: {  	(v2sf) =	vpush v8, $0xE;
	[dreg:$0xe] =	wrdreg s8  }
0xa4: {  	s9 =	spop (v2sf);
	[dreg:$0x7] =	wrdreg s0  }
0xa5: {  	(v2sf) =	vpush v8, $0xA;
	s0 =	smulhi.u32 $0x2AAAAAAB, s8;
	s10 =	spop (v2sf)  }
0xa6: {  	(v2sf) =	vpush v8, $0x4;
	[dreg:$0xf] =	wrdreg s9;
	s11 =	spop (v2sf)  }
0xa7: {  	[dreg:$0x8] =	wrdreg s0;
	s0 =	smulhi.u32 $0x2AAAAAAB, s9  }
0xa8: {  	(v2sf) =	vpush v8, $0xD;
	[dreg:$0x10] =	wrdreg s10;
	s3 =	spop (v2sf)  }
0xa9: {  	(v2sf) =	vpush v8, $0x9;
	[dreg:$0x6] =	wrdreg s0;
	s0 =	smulhi.u32 $0x2AAAAAAB, s10  }
0xaa: {  	(v2sf) =	vpush v8, $0x3;
	s12 =	smulhi.u32 $0x2AAAAAAB, s3;
	s14 =	spop (v2sf)  }
0xab: {  	(v2sf) =	vpush v8, $0xC;
	[dreg:$0x11] =	wrdreg s11;
	s3 =	sshra.s32 s3, $0x1F;
	s13 =	smulhi.u32 $0x2AAAAAAB, s14  }
0xac: {  	(v2sf) =	vpush v8, $0x8;
	s18 =	spop (v2sf);
	s3 =	smul.u32 $0x2AAAAAAB, s3  }
0xad: {  	(v2sf) =	vpush v8, $0x2;
	[dreg:$0x5] =	wrdreg s0;
	s0 =	smulhi.u32 $0x2AAAAAAB, s11  }
0xae: {  	(v2sf) =	vpush v8, $0x1;
	s16 =	sshra.s32 s14, $0x1F;
	[dreg:$0x1a] =	wrdreg s12;
	s22 =	smulhi.u32 $0x2AAAAAAB, s18  }
0xaf: {  	(v2sf) =	vpush v8, $0x0;
	s11 =	spop (v2sf);
	s14 =	smul.u32 $0x2AAAAAAB, s16  }
0xb0: {  	(v2sf) =	vpush v6, $0xB;
	s18 =	sshra.s32 s18, $0x1F;
	s21 =	smulhi.u32 $0x2AAAAAAB, s11;
	s17 =	spop (v2sf)  }
0xb1: {  	(v2sf) =	vpush v6, $0x5;
	[smem:$0x7B8] =	sst s3;
	s3 =	smul.u32 $0x2AAAAAAB, s18  }
0xb2: {  	s15 =	smulhi.u32 $0x2AAAAAAB, s17;
	s19 =	spop (v2sf)  }
0xb3: {  	[dreg:$0x1b] =	wrdreg s13;
	(v2sf) =	vpush v7, $0xF;
	s25 =	smulhi.u32 $0x2AAAAAAB, s19  }
0xb4: {  	s10 =	spop (v2sf);
	[dreg:$0x1f] =	wrdreg s15  }
0xb5: {  	(v2sf) =	vpush v7, $0xB;
	s28 =	smulhi.u32 $0x2AAAAAAB, s10;
	s15 =	spop (v2sf)  }
0xb6: {  	[dreg:$0x9] =	wrdreg s0;
	(v2sf) =	vpush v7, $0x5;
	s10 =	sshra.s32 s10, $0x1F;
	s26 =	smulhi.u32 $0x2AAAAAAB, s15  }
0xb7: {  	s31 =	spop (v2sf);
	(v2sf) =	vpush v6, $0xE;
	s10 =	smul.u32 $0x2AAAAAAB, s10  }
0xb8: {  	s15 =	sshra.s32 s15, $0x1F;
	s29 =	smulhi.u32 $0x2AAAAAAB, s31;
	s7 =	spop (v2sf);
	(v2sf) =	vpush v6, $0xA  }
0xb9: {  	s15 =	smul.u32 $0x2AAAAAAB, s15;
	s13 =	spop (v2sf);
	(v2sf) =	vpush v6, $0x4  }
0xba: {  	s5 =	smulhi.u32 $0x2AAAAAAB, s7;
	s2 =	spop (v2sf)  }
0xbb: {  	s30 =	smulhi.u32 $0x2AAAAAAB, s13;
	(v2sf) =	vpush v7, $0xE;
	s8 =	spop (v2sf)  }
0xbc: {  	s9 =	smulhi.u32 $0x2AAAAAAB, s2;
	s12 =	spop (v2sf)  }
0xbd: {  	(v2sf) =	vpush v7, $0xA;
	s2 =	sshra.s32 s2, $0x1F;
	s6 =	smulhi.u32 $0x2AAAAAAB, s8;
	s1 =	spop (v2sf)  }
0xbe: {  	(v2sf) =	vpush v7, $0x4;
	s2 =	smul.u32 $0x2AAAAAAB, s2;
	s20 =	spop (v2sf)  }
0xbf: {  	s11 =	sshra.s32 s11, $0x1F;
	s24 =	smulhi.u32 $0x2AAAAAAB, s12;
	s16 =	spop (v2sf)  }
0xc0: {  	s7 =	sshra.s32 s7, $0x1F;
	(v2sf) =	vpush v6, $0xD;
	s23 =	smulhi.u32 $0x2AAAAAAB, s1;
	s18 =	spop (v2sf)  }
0xc1: {  	s1 =	sshra.s32 s1, $0x1F;
	s4 =	smulhi.u32 $0x2AAAAAAB, s20;
	[smem:$0x7B9] =	sst s18  }
0xc2: {  	(v2sf) =	vpush v6, $0x9;
	s18 =	smul.u32 $0x2AAAAAAB, s11;
	s11 =	sshra.s32 s17, $0x1F;
	s17 =	spop (v2sf)  }
0xc3: {  	s10 =	sadd.s32 s10, s28;
	(v2sf) =	vpush v6, $0x3;
	s1 =	smul.u32 $0x2AAAAAAB, s1;
	[smem:$0x7BA] =	sst s17  }
0xc4: {  	s17 =	sshra.s32 s19, $0x1F;
	s11 =	smul.u32 $0x2AAAAAAB, s11;
	s19 =	spop (v2sf)  }
0xc5: {  	s2 =	sadd.s32 s2, s9;
	[smem:$0x7BB] =	sst s19;
	s19 =	spop (v2sf)  }
0xc6: {  	s9 =	sshrl.u32 s2, $0x1F;
	[smem:$0x7BC] =	sst s19;
	s19 =	spop (v2sf)  }
0xc7: {  	[smem:$0x7BD] =	sst s19;
	s19 =	sshra.s32 s31, $0x1F;
	s31 =	spop (v2sf)  }
0xc8: {  	s2 =	sshrl.u32 s2, $0x9;
	[smem:$0x7BE] =	sst s31;
	s31 =	spop (v2sf)  }
0xc9: {  	s1 =	sadd.s32 s1, s23;
	s17 =	smul.u32 $0x2AAAAAAB, s17;
	[smem:$0x7BF] =	sst s31  }
0xca: {  	s31 =	smul.u32 $0x2AAAAAAB, s7;
	s7 =	sshra.s32 s13, $0x1F;
	s13 =	spop (v2sf)  }
0xcb: {  	s23 =	sshrl.u32 s1, $0x1F;
	s19 =	smul.u32 $0x2AAAAAAB, s19;
	[smem:$0x7C0] =	sst s13  }
0xcc: {  	s17 =	sadd.s32 s17, s25;
	s13 =	smul.u32 $0x2AAAAAAB, s7;
	s7 =	spop (v2sf)  }
0xcd: {  	[smem:$0x7C1] =	sst s7;
	s7 =	sshra.s32 s8, $0x1F;
	s8 =	spop (v2sf)  }
0xce: {  	s25 =	sadd.s32 s19, s29;
	s28 =	sadd.s32 s31, s5;
	[smem:$0x7C2] =	sst s8  }
0xcf: {  	s0 =	smul.u32 $0x2AAAAAAB, s7;
	s7 =	sshra.s32 s12, $0x1F;
	s12 =	spop (v2sf)  }
0xd0: {  	s5 =	sadd.s32 s15, s26;
	s31 =	sshrl.u32 s28, $0x1F;
	[smem:$0x7C3] =	sst s12  }
0xd1: {  	s12 =	smul.u32 $0x2AAAAAAB, s7;
	s8 =	spop (v2sf);
	s7 =	sshra.s32 s20, $0x1F  }
0xd2: {  	[smem:$0x7C4] =	sst s8;
	s20 =	spop (v2sf);
	s8 =	sadd.s32 s3, s22  }
0xd3: {  	s22 =	smul.u32 $0x2AAAAAAB, s7;
	s7 =	sadd.s32 s18, s21;
	s0 =	sadd.s32 s0, s6  }
0xd4: {  	s6 =	sadd.s32 s13, s30;
	s30 =	sshrl.u32 s25, $0x1F;
	s18 =	sshrl.u32 s25, $0x9  }
0xd5: {  	s21 =	sshrl.u32 s17, $0x1F;
	s25 =	sshrl.u32 s10, $0x9;
	[smem:$0x7C5] =	sst s20  }
0xd6: {  	s29 =	sshrl.u32 s0, $0x1F;
	s0 =	sshrl.u32 s0, $0x9;
	s15 =	sadd.s32 s12, s24  }
0xd7: {  	v9 =	vmov s9;
	s20 =	sshrl.u32 s28, $0x9;
	s24 =	sshrl.u32 s17, $0x9;
	s12 =	rddreg [dreg:$0x1f]  }
0xd8: {  	v9 =	vsel vm0, s30, v9;
	s26 =	sshrl.u32 s8, $0x1F;
	s17 =	rddreg [dreg:$0x1b];
	s3 =	sadd.s32 s22, s4  }
0xd9: {  	v12 =	vmov s2;
	v10 =	vmov s29;
	v9 =	vsel vm1, s21, v9;
	s30 =	sshrl.u32 s15, $0x1F;
	s2 =	sshrl.u32 s15, $0x9;
	s21 =	sld [smem:$0x7B8]  }
0xda: {  	v13 =	vmov s0;
	s4 =	sshrl.u32 s3, $0x1F;
	v10 =	vsel vm0, s31, v10;
	s31 =	sshrl.u32 s8, $0x9;
	s8 =	sshrl.u32 s7, $0x9  }
0xdb: {  	v13 =	vsel vm0, s20, v13;
	s20 =	rddreg [dreg:$0x1a];
	v11 =	vmov s4;
	s4 =	sshrl.u32 s3, $0x9;
	s3 =	sadd.s32 s11, s12  }
0xdc: {  	v12 =	vsel vm0, s18, v12;
	v13 =	vsel vm1, s25, v13;
	s25 =	sld [smem:$0x7B9];
	v11 =	vnsel vm3, $0x0, v11;
	s15 =	sshrl.u32 s3, $0x1F;
	s18 =	sshrl.u32 s3, $0x9  }
0xdd: {  	(v2sf) =	vpush v7, $0xD;
	s3 =	sadd.s32 s21, s20;
	s20 =	sld [smem:$0x7BF];
	v11 =	vsel vm0, s23, v11;
	s23 =	smulhi.u32 $0x2AAAAAAB, s16  }
0xde: {  	(v2sf) =	vpush v7, $0x9;
	v14 =	vmov s4;
	v13 =	vsel vm2, s8, v13;
	s8 =	sld [smem:$0x7C1]  }
0xdf: {  	s28 =	sshrl.u32 s7, $0x1F;
	(v2sf) =	vpush v7, $0x3;
	s29 =	sshrl.u32 s1, $0x9;
	v14 =	vnsel vm3, $0x0, v14;
	[dreg:$0x1c] =	wrdreg s23  }
0xe0: {  	s22 =	sshrl.u32 s10, $0x1F;
	(v2sf) =	vpush v6, $0xC;
	v14 =	vsel vm0, s29, v14;
	s29 =	smulhi.u32 $0x2AAAAAAB, s25;
	s23 =	sld [smem:$0x7BB]  }
0xe1: {  	v10 =	vsel vm1, s22, v10;
	s4 =	sshrl.u32 s6, $0x1F;
	v11 =	vsel vm1, s30, v11;
	v14 =	vsel vm1, s2, v14;
	s2 =	sadd.s32 s14, s17;
	s14 =	rddreg [dreg:$0xb]  }
0xe2: {  	s13 =	sshrl.u32 s5, $0x9;
	s10 =	sshrl.u32 s5, $0x1F;
	v9 =	vsel vm2, s26, v9;
	v10 =	vsel vm2, s28, v10;
	v11 =	vsel vm2, s4, v11;
	[dreg:$0xa] =	wrdreg s29  }
0xe3: {  	s9 =	sshrl.u32 s6, $0x9;
	v9 =	vcombine.low v10, v9;
	s5 =	smulhi.u32 $0x2AAAAAAB, s20;
	v10 =	vsel vm4, s10, v11;
	s10 =	sld [smem:$0x7BD]  }
0xe4: {  	v14 =	vsel vm2, s9, v14;
	s9 =	sld [smem:$0x7BE]  }
0xe5: {  	s7 =	smulhi.u32 $0x2AAAAAAB, s8;
	[dreg:$0x12] =	wrdreg s5  }
0xe6: {  	v10 =	vsel vm5, s15, v10;
	s15 =	sld [smem:$0x7C0]  }
0xe7: {  	[smem:$0x7CF] =	sst s7  }
0xe8: {  	s28 =	smov.u32 s16;
	s7 =	sld [smem:$0x7C2]  }
0xe9: {  	s19 =	sshrl.u32 s2, $0x1F;
	s16 =	smov.u32 s14;
	v11 =	vsel vm4, s13, v14;
	s13 =	rddreg [dreg:$0x3]  }
0xea: {  	v12 =	vsel vm1, s24, v12;
	s24 =	sshrl.u32 s3, $0x1F;
	[dreg:$0x3] =	wrdreg s16;
	v10 =	vsel vm6, s19, v10  }
0xeb: {  	v10 =	vsel vm7, s24, v10;
	s24 =	sld [smem:$0x7BA]  }
0xec: {  	s22 =	sshrl.u32 s2, $0x9;
	s5 =	sld [smem:$0x7C4];
	v11 =	vsel vm5, s18, v11;
	s1 =	smulhi.u32 $0x2AAAAAAB, s23  }
0xed: {  	s26 =	sshrl.u32 s3, $0x9;
	v11 =	vsel vm6, s22, v11;
	s22 =	sld [smem:$0x7BC];
	s3 =	smulhi.u32 $0x2AAAAAAB, s10  }
0xee: {  	v12 =	vsel vm2, s31, v12;
	s31 =	spop (v2sf);
	s30 =	smulhi.u32 $0x2AAAAAAB, s24;
	(v2sf) =	vpush v6, $0x8  }
0xef: {  	s4 =	smulhi.u32 $0x2AAAAAAB, s9;
	v11 =	vsel vm7, s26, v11;
	s26 =	spop (v2sf)  }
0xf0: {  	(v2sf) =	vpush v6, $0x2;
	[smem:$0x7C9] =	sst s30;
	s30 =	spop (v2sf)  }
0xf1: {  	[smem:$0x7CC] =	sst s1;
	s29 =	spop (v2sf);
	(v2sf) =	vpush v7, $0xC  }
0xf2: {  	[smem:$0x7CA] =	sst s3;
	(v2sf) =	vpush v7, $0x8  }
0xf3: {  	s6 =	smulhi.u32 $0x2AAAAAAB, s15;
	[smem:$0x7CB] =	sst s4  }
0xf4: {  	s11 =	smulhi.u32 $0x2AAAAAAB, s7;
	s4 =	sld [smem:$0x7C3]  }
0xf5: {  	s17 =	smulhi.u32 $0x2AAAAAAB, s5;
	[smem:$0x7CE] =	sst s6;
	(v2sf) =	vpush v7, $0x2  }
0xf6: {  	v12 =	vcombine.low v13, v12;
	s2 =	smulhi.u32 $0x2AAAAAAB, s22;
	[dreg:$0x13] =	wrdreg s11;
	(v2sf) =	vpush v6, $0x1  }
0xf7: {  	s6 =	sld [smem:$0x7C5];
	s19 =	smulhi.u32 $0x2AAAAAAB, s31  }
0xf8: {  	v9 =	vperm.xlane v9, v1;
	v12 =	vperm.xlane v12, v1;
	[smem:$0x7D0] =	sst s17;
	s12 =	smulhi.u32 $0x2AAAAAAB, s4;
	(v2sf) =	vpush v7, $0x1  }
0xf9: {  	v10 =	vperm.xlane v10, v2;
	v11 =	vperm.xlane v11, v2;
	[dreg:$0xc] =	wrdreg s2;
	s21 =	smulhi.u32 $0x2AAAAAAB, s26;
	(v2sf) =	vpush v6, $0x0  }
0xfa: {  	s18 =	smulhi.u32 $0x2AAAAAAB, s6;
	[smem:$0x7D1] =	sst s19  }
0xfb: {  	v9 =	vsel vm8, v10, v9;
	v10 =	vsel vm8, v11, v12;
	s1 =	smulhi.u32 $0x2AAAAAAB, s30;
	[smem:$0x7CD] =	sst s12;
	(v2sf) =	vpush v7, $0x0  }
0xfc: {  	v9 =	vadd.s32 v9, v10;
	[smem:$0x7D2] =	sst s21;
	s2 =	smulhi.u32 $0x2AAAAAAB, s29  }
0xfd: {  	v9 =	vmul.u32 $0xC00, v9;
	[dreg:$0x15] =	wrdreg s18;
	s19 =	spop (v2sf)  }
0xfe: {  	[dreg:$0x14] =	wrdreg s1;
	s3 =	smulhi.u32 $0x2AAAAAAB, s19  }
0xff: {  	v8 =	vsub.s32 v8, v9;
	[smem:$0x7D3] =	sst s2;
	s18 =	spop (v2sf)  }
0x100: {  	vm10 =	vlt.s32 v8, $0x0;
	v9 =	vadd.s32 $0xC00, v8;
	[smem:$0x7D4] =	sst s3;
	s17 =	spop (v2sf)  }
0x101: {  	v8 =	vsel vm10, v9, v8;
	s12 =	smulhi.u32 $0x2AAAAAAB, s17;
	s16 =	spop (v2sf)  }
0x102: {  	[tilespmem:s13+$0x480] =	vst v8;
	s3 =	rddreg [dreg:$0xd];
	s13 =	smulhi.u32 $0x2AAAAAAB, s16  }
0x103: {  	s11 =	smulhi.u32 $0x2AAAAAAB, s18;
	[smem:$0x7D5] =	sst s12  }
0x104: {  	[smem:$0x7D7] =	sst s13;
	s13 =	spop (v2sf)  }
0x105: {  	s14 =	smulhi.u32 $0x2AAAAAAB, s13;
	s12 =	spop (v2sf)  }
0x106: {  	[smem:$0x7D9] =	sst s11;
	s21 =	smulhi.u32 $0x2AAAAAAB, s12  }
0x107: {  	[smem:$0x7DC] =	sst s14;
	s14 =	spop (v2sf)  }
0x108: {  	s1 =	smulhi.u32 $0x2AAAAAAB, s14;
	s11 =	spop (v2sf)  }
0x109: {  	[smem:$0x7DA] =	sst s21;
	s2 =	smulhi.u32 $0x2AAAAAAB, s11  }
0x10a: {  	s0 =	sshra.s32 s24, $0x1F;
	s21 =	spop (v2sf);
	[smem:$0x7DB] =	sst s1  }
0x10b: {  	s1 =	sshra.s32 s3, $0x1F;
	s3 =	smulhi.u32 $0x2AAAAAAB, s21;
	[smem:$0x7D6] =	sst s2  }
0x10c: {  	s24 =	smul.u32 $0x2AAAAAAB, s0;
	s2 =	rddreg [dreg:$0xe]  }
0x10d: {  	s1 =	smul.u32 $0x2AAAAAAB, s1;
	[smem:$0x7D8] =	sst s3;
	s2 =	sshra.s32 s2, $0x1F  }
0x10e: {  	s3 =	rddreg [dreg:$0xf];
	s2 =	smul.u32 $0x2AAAAAAB, s2  }
0x10f: {  	s0 =	sshra.s32 s9, $0x1F;
	s9 =	sshra.s32 s15, $0x1F;
	[smem:$0x7C6] =	sst s1  }
0x110: {  	s15 =	sshra.s32 s7, $0x1F;
	s1 =	sshra.s32 s3, $0x1F;
	[smem:$0x7C7] =	sst s2  }
0x111: {  	s7 =	sshra.s32 s30, $0x1F;
	s1 =	smul.u32 $0x2AAAAAAB, s1;
	s2 =	rddreg [dreg:$0x10]  }
0x112: {  	s30 =	smul.u32 $0x2AAAAAAB, s7;
	s3 =	rddreg [dreg:$0x11];
	s2 =	sshra.s32 s2, $0x1F  }
0x113: {  	[dreg:$0x17] =	wrdreg s1;
	s1 =	sshra.s32 s3, $0x1F;
	s2 =	smul.u32 $0x2AAAAAAB, s2  }
0x114: {  	s3 =	smul.u32 $0x2AAAAAAB, s1;
	s1 =	sshra.s32 s28, $0x1F  }
0x115: {  	s28 =	smul.u32 $0x2AAAAAAB, s1;
	s1 =	sshra.s32 s23, $0x1F  }
0x116: {  	s17 =	sshra.s32 s17, $0x1F;
	s23 =	smul.u32 $0x2AAAAAAB, s1  }
0x117: {  	s7 =	sshra.s32 s14, $0x1F;
	[dreg:$0x16] =	wrdreg s2;
	s2 =	smul.u32 $0x2AAAAAAB, s0  }
0x118: {  	s14 =	rddreg [dreg:$0x7];
	s1 =	sshra.s32 s20, $0x1F;
	s20 =	smul.u32 $0x2AAAAAAB, s9  }
0x119: {  	[smem:$0x7C8] =	sst s3;
	s3 =	sshra.s32 s25, $0x1F;
	s0 =	smul.u32 $0x2AAAAAAB, s15  }
0x11a: {  	s25 =	smul.u32 $0x2AAAAAAB, s3;
	s3 =	sshra.s32 s22, $0x1F;
	s22 =	sshra.s32 s10, $0x1F  }
0x11b: {  	s9 =	sshra.s32 s29, $0x1F;
	s15 =	sshra.s32 s19, $0x1F;
	s22 =	smul.u32 $0x2AAAAAAB, s22  }
0x11c: {  	s19 =	sshra.s32 s16, $0x1F;
	[dreg:$0x18] =	wrdreg s25;
	s25 =	smul.u32 $0x2AAAAAAB, s3  }
0x11d: {  	[dreg:$0x1e] =	wrdreg s0;
	s0 =	sshra.s32 s5, $0x1F;
	s3 =	smul.u32 $0x2AAAAAAB, s1  }
0x11e: {  	s10 =	sshra.s32 s8, $0x1F;
	s5 =	sshra.s32 s31, $0x1F;
	s8 =	smul.u32 $0x2AAAAAAB, s0  }
0x11f: {  	s29 =	sshra.s32 s13, $0x1F;
	s16 =	rddreg [dreg:$0x8];
	s31 =	smul.u32 $0x2AAAAAAB, s5  }
0x120: {  	s13 =	sshra.s32 s21, $0x1F;
	s21 =	sld [smem:$0x7C7];
	s1 =	smul.u32 $0x2AAAAAAB, s15  }
0x121: {  	s5 =	smul.u32 $0x2AAAAAAB, s13;
	[dreg:$0x19] =	wrdreg s25;
	s25 =	sshra.s32 s4, $0x1F  }
0x122: {  	[dreg:$0x1d] =	wrdreg s3;
	s4 =	sshra.s32 s6, $0x1F;
	s3 =	smul.u32 $0x2AAAAAAB, s25  }
0x123: {  	s15 =	sld [smem:$0x7C6];
	s6 =	sshra.s32 s26, $0x1F;
	s0 =	smul.u32 $0x2AAAAAAB, s4  }
0x124: {  	s21 =	sadd.s32 s21, s16;
	s13 =	rddreg [dreg:$0x1c];
	s26 =	smul.u32 $0x2AAAAAAB, s6  }
0x125: {  	s16 =	sld [smem:$0x7CA];
	s13 =	sadd.s32 s28, s13;
	s25 =	smul.u32 $0x2AAAAAAB, s9  }
0x126: {  	s28 =	sld [smem:$0x7CD];
	s9 =	smul.u32 $0x2AAAAAAB, s19;
	s4 =	sshra.s32 s12, $0x1F  }
0x127: {  	s19 =	smul.u32 $0x2AAAAAAB, s29;
	s12 =	sshra.s32 s11, $0x1F;
	s11 =	rddreg [dreg:$0x9]  }
0x128: {  	s29 =	sadd.s32 s15, s14;
	s14 =	sld [smem:$0x7C9];
	s6 =	smul.u32 $0x2AAAAAAB, s4  }
0x129: {  	[smem:$0x7DD] =	sst s0;
	s0 =	smul.u32 $0x2AAAAAAB, s17  }
0x12a: {  	s4 =	sadd.s32 s22, s16;
	s22 =	sld [smem:$0x7CB];
	s17 =	smul.u32 $0x2AAAAAAB, s7  }
0x12b: {  	s7 =	smul.u32 $0x2AAAAAAB, s12;
	s12 =	sld [smem:$0x7C8]  }
0x12c: {  	s14 =	sadd.s32 s24, s14;
	s24 =	sld [smem:$0x7CC]  }
0x12d: {  	s16 =	sadd.s32 s3, s28;
	s28 =	sld [smem:$0x7D2]  }
0x12e: {  	s15 =	sadd.s32 s12, s11;
	s12 =	sld [smem:$0x7CE]  }
0x12f: {  	s2 =	sadd.s32 s2, s22;
	s22 =	sadd.s32 s23, s24;
	s24 =	sld [smem:$0x7D1]  }
0x130: {  	s23 =	sld [smem:$0x7D0]  }
0x131: {  	s11 =	sadd.s32 s20, s12;
	s20 =	sld [smem:$0x7CF]  }
0x132: {  	s12 =	sadd.s32 s31, s24;
	s31 =	sld [smem:$0x7D3]  }
0x133: {  	s10 =	smul.u32 $0x2AAAAAAB, s10;
	s8 =	sadd.s32 s8, s23;
	s23 =	sld [smem:$0x7D4]  }
0x134: {  	s18 =	sshra.s32 s18, $0x1F;
	s24 =	sld [smem:$0x7D5]  }
0x135: {  	s3 =	sadd.s32 s10, s20;
	s20 =	sadd.s32 s26, s28;
	s26 =	sld [smem:$0x7D6]  }
0x136: {  	s18 =	smul.u32 $0x2AAAAAAB, s18;
	s28 =	sld [smem:$0x7D7];
	s25 =	sadd.s32 s25, s31  }
0x137: {  	s1 =	sadd.s32 s1, s23;
	s0 =	sadd.s32 s0, s24;
	s31 =	sld [smem:$0x7D8]  }
0x138: {  	s10 =	sshrl.u32 s25, $0x1F;
	s24 =	sshrl.u32 s1, $0x1F;
	s25 =	sshrl.u32 s25, $0x9  }
0x139: {  	s1 =	sshrl.u32 s1, $0x9;
	s7 =	sadd.s32 s7, s26;
	s9 =	sadd.s32 s9, s28  }
0x13a: {  	v9 =	vmov s24;
	s26 =	sshrl.u32 s0, $0x1F;
	s0 =	sshrl.u32 s0, $0x9;
	s24 =	sshrl.u32 s16, $0x1F  }
0x13b: {  	v10 =	vmov s25;
	s25 =	sshrl.u32 s8, $0x1F;
	s16 =	sshrl.u32 s16, $0x9;
	s5 =	sadd.s32 s5, s31  }
0x13c: {  	s28 =	sshrl.u32 s9, $0x1F;
	s31 =	sshrl.u32 s7, $0x1F;
	s9 =	sshrl.u32 s9, $0x9  }
0x13d: {  	v8 =	vmov s10;
	v12 =	vmov s26;
	s7 =	sshrl.u32 s7, $0x9;
	s26 =	sshrl.u32 s8, $0x9;
	s8 =	sld [smem:$0x7D9]  }
0x13e: {  	v8 =	vsel vm0, s24, v8;
	v9 =	vsel vm0, s25, v9;
	v10 =	vsel vm0, s16, v10;
	s16 =	sld [smem:$0x7DB];
	s24 =	sshrl.u32 s2, $0x1F;
	s25 =	sshrl.u32 s2, $0x9  }
0x13f: {  	s2 =	sshrl.u32 s11, $0x9;
	s10 =	sshrl.u32 s5, $0x1F;
	s23 =	sshrl.u32 s5, $0x9  }
0x140: {  	v11 =	vmov s1;
	v13 =	vmov s28;
	v16 =	vmov s9;
	s28 =	sshrl.u32 s12, $0x1F;
	s9 =	sshrl.u32 s12, $0x9;
	s12 =	sld [smem:$0x7DA]  }
0x141: {  	v14 =	vmov s31;
	s31 =	sshrl.u32 s20, $0x1F;
	v11 =	vsel vm0, s26, v11;
	v9 =	vsel vm1, s24, v9;
	s26 =	sshrl.u32 s11, $0x1F;
	s24 =	rddreg [dreg:$0x1d]  }
0x142: {  	s11 =	sshrl.u32 s15, $0x1F;
	s15 =	sshrl.u32 s15, $0x9;
	s5 =	rddreg [dreg:$0x1e]  }
0x143: {  	v18 =	vmov s10;
	v19 =	vmov s23;
	s10 =	sshrl.u32 s20, $0x9;
	s20 =	sld [smem:$0x7DC];
	s23 =	sshrl.u32 s4, $0x1F  }
0x144: {  	v17 =	vmov s7;
	v12 =	vsel vm0, s28, v12;
	s4 =	sshrl.u32 s4, $0x9;
	s28 =	sshrl.u32 s3, $0x1F;
	s7 =	sadd.s32 s18, s8  }
0x145: {  	v13 =	vsel vm0, s31, v13;
	s18 =	sadd.s32 s17, s16;
	v8 =	vsel vm1, s23, v8;
	v10 =	vsel vm1, s4, v10;
	s4 =	sshrl.u32 s3, $0x9;
	s23 =	rddreg [dreg:$0x12]  }
0x146: {  	v15 =	vmov s0;
	v16 =	vsel vm0, s10, v16;
	v13 =	vsel vm1, s28, v13;
	s16 =	sshrl.u32 s13, $0x9;
	s17 =	sshrl.u32 s14, $0x1F;
	s28 =	rddreg [dreg:$0x15]  }
0x147: {  	v15 =	vsel vm0, s9, v15;
	s6 =	sadd.s32 s6, s12;
	s9 =	sshrl.u32 s18, $0x1F;
	v16 =	vsel vm1, s4, v16;
	s4 =	rddreg [dreg:$0x13]  }
0x148: {  	s10 =	sshrl.u32 s18, $0x9;
	s12 =	sshrl.u32 s13, $0x1F;
	v8 =	vsel vm2, s11, v8;
	s11 =	rddreg [dreg:$0x6]  }
0x149: {  	v11 =	vsel vm1, s25, v11;
	v10 =	vsel vm2, s15, v10;
	s18 =	sshrl.u32 s22, $0x1F;
	s22 =	sshrl.u32 s22, $0x9;
	s15 =	rddreg [dreg:$0x18]  }
0x14a: {  	v12 =	vsel vm1, s26, v12;
	v11 =	vsel vm2, s16, v11;
	s3 =	sadd.s32 s24, s23;
	s25 =	sshrl.u32 s7, $0x9;
	s16 =	rddreg [dreg:$0x5]  }
0x14b: {  	v14 =	vnsel vm3, $0x0, v14;
	v17 =	vnsel vm3, $0x0, v17;
	v12 =	vsel vm2, s17, v12;
	s17 =	rddreg [dreg:$0x16];
	s1 =	sadd.s32 s19, s20;
	s31 =	sshrl.u32 s6, $0x1F  }
0x14c: {  	v18 =	vnsel vm3, $0x0, v18;
	v19 =	vnsel vm3, $0x0, v19;
	v15 =	vsel vm1, s2, v15;
	s6 =	sshrl.u32 s6, $0x9;
	s19 =	sshrl.u32 s7, $0x1F;
	s7 =	rddreg [dreg:$0x14]  }
0x14d: {  	v18 =	vsel vm0, s9, v18;
	v19 =	vsel vm0, s10, v19;
	v9 =	vsel vm2, s12, v9;
	s20 =	sshrl.u32 s14, $0x9;
	s2 =	sadd.s32 s5, s4;
	s12 =	rddreg [dreg:$0x17]  }
0x14e: {  	v13 =	vsel vm2, s18, v13;
	v10 =	vcombine.low v11, v10;
	v14 =	vsel vm0, s31, v14;
	s26 =	sshrl.u32 s1, $0x1F;
	s31 =	sld [smem:$0x7DD];
	s1 =	sshrl.u32 s1, $0x9  }
0x14f: {  	v17 =	vsel vm0, s6, v17;
	v15 =	vsel vm2, s20, v15;
	v8 =	vcombine.low v9, v8;
	s5 =	sadd.s32 s30, s7;
	s13 =	sshrl.u32 s2, $0x1F;
	s20 =	rddreg [dreg:$0x19]  }
0x150: {  	v11 =	vcombine.low v13, v12;
	s2 =	sshrl.u32 s2, $0x9;
	v14 =	vsel vm1, s19, v14;
	v12 =	vsel vm1, s1, v19;
	s10 =	sshrl.u32 s5, $0x9;
	s19 =	rddreg [dreg:$0xc]  }
0x151: {  	v16 =	vsel vm2, s22, v16;
	v9 =	vsel vm1, s25, v17;
	s9 =	sshrl.u32 s5, $0x1F;
	v12 =	vsel vm2, s10, v12;
	s5 =	sadd.s32 s20, s19;
	s0 =	sadd.s32 s31, s28  }
0x152: {  	v17 =	vsel vm1, s26, v18;
	v8 =	vperm.xlane v8, v1;
	v12 =	vsel vm4, s2, v12;
	s24 =	sshrl.u32 s5, $0x9;
	s6 =	sshrl.u32 s0, $0x1F;
	s0 =	sshrl.u32 s0, $0x9  }
0x153: {  	s8 =	sshrl.u32 s3, $0x1F;
	s14 =	rddreg [dreg:$0xa];
	v12 =	vsel vm5, s24, v12;
	v13 =	vsel vm2, s6, v14;
	v9 =	vsel vm2, s0, v9  }
0x154: {  	s3 =	sshrl.u32 s3, $0x9;
	s4 =	sadd.s32 s15, s14;
	s1 =	sadd.s32 s12, s11;
	v14 =	vcombine.low v16, v15;
	v15 =	vsel vm2, s9, v17;
	v13 =	vsel vm4, s8, v13  }
0x155: {  	s18 =	sshrl.u32 s4, $0x1F;
	s4 =	sshrl.u32 s4, $0x9;
	s22 =	sshrl.u32 s1, $0x1F;
	v16 =	vsel vm4, s3, v9;
	v15 =	vsel vm4, s13, v15;
	v9 =	vperm.xlane v10, v1  }
.Ltmp0:
0x156: {  	s23 =	sshrl.u32 s5, $0x1F;
	s0 =	sadd.s32 s17, s16;
	v10 =	vperm.xlane v11, v1;
	v13 =	vsel vm5, s18, v13;
	v16 =	vsel vm5, s4, v16;
	(pc) =	sbr.rel @p1 .LBB2_2-.Ltmp0, $4  }
0x157: {  	s1 =	sshrl.u32 s1, $0x9;
	s25 =	sshrl.u32 s0, $0x1F;
	s0 =	sshrl.u32 s0, $0x9;
	v11 =	vperm.xlane v14, v1;
	v14 =	vsel vm5, s23, v15;
	v13 =	vsel vm6, s22, v13  }
0x158: {  	s26 =	sshrl.u32 s29, $0x1F;
	s28 =	sshrl.u32 s29, $0x9;
	s29 =	sshrl.u32 s21, $0x1F;
	v15 =	vsel vm6, s1, v16;
	v14 =	vsel vm6, s25, v14;
	v16 =	vsel vm6, s0, v12  }
0x159: {  	s30 =	sshrl.u32 s21, $0x9;
	s31 =	rddreg [dreg:$0x4];
	v13 =	vsel vm7, s26, v13;
	v15 =	vsel vm7, s28, v15;
	v12 =	vsel vm7, s29, v14  }
0x15a: {  	s0 =	sadd.s32 $0x40, s31;
	v13 =	vperm.xlane v13, v2;
	v14 =	vperm.xlane v15, v2;
	v15 =	vsel vm7, s30, v16  }
0x15b: {  	v12 =	vperm.xlane v12, v2;
	v15 =	vperm.xlane v15, v2  }
0x15c: {  	v8 =	vsel vm8, v13, v8;
	v9 =	vsel vm8, v14, v9  }
0x15d: {  	v8 =	vadd.s32 v8, v9;
	v55 =	vsel vm8, v12, v10;
	v56 =	vsel vm8, v15, v11  }
0x15e: {  	v8 =	vmul.u32 $0xC00, v8;
	v9 =	vadd.s32 v55, v56  }
0x15f: {  	v9 =	vmul.u32 $0xC00, v9  }
0x160: {  	v6 =	vsub.s32 v6, v8  }
0x161: {  	vm10 =	vlt.s32 v6, $0x0;
	v7 =	vsub.s32 v7, v9  }
0x162: {  	v8 =	vadd.s32 $0xC00, v6;
	vm11 =	vlt.s32 v7, $0x0;
	v9 =	vadd.s32 $0xC00, v7  }
0x163: {  	v6 =	vsel vm10, v8, v6;
	v7 =	vsel vm11, v9, v7  }
0x164: {  	v6 =	vmul.u32 $0x269, v6;
	v7 =	vmul.u32 $0x643, v7;
	_ =	sdelay $0x1  }
0x165: {  	v6 =	vadd.s32 v6, v7  }
0x166: {  	(v2sf) =	vpush v6, $0x7  }
0x167: {  	(v2sf) =	vpush v6, $0x6;
	_ =	sdelay $0x1  }
0x168: {  	(v2sf) =	vpush v6, $0xF;
	_ =	sdelay $0x1  }
0x169: {  	(v2sf) =	vpush v6, $0xB;
	_ =	sdelay $0x1  }
0x16a: {  	(v2sf) =	vpush v6, $0x5;
	_ =	sdelay $0x1  }
0x16b: {  	(v2sf) =	vpush v6, $0xE;
	_ =	sdelay $0x1  }
0x16c: {  	(v2sf) =	vpush v6, $0xA;
	_ =	sdelay $0x1  }
0x16d: {  	(v2sf) =	vpush v6, $0x4;
	_ =	sdelay $0x1  }
0x16e: {  	(v2sf) =	vpush v6, $0xD;
	s3 =	spop (v2sf)  }
0x16f: {  	s0 =	smulhi.u32 $0x2AAAAAAB, s3;
	s4 =	spop (v2sf)  }
0x170: {  	(v2sf) =	vpush v6, $0x9;
	s3 =	sshra.s32 s3, $0x1F;
	s1 =	smulhi.u32 $0x2AAAAAAB, s4  }
0x171: {  	s5 =	spop (v2sf);
	s3 =	smul.u32 $0x2AAAAAAB, s3  }
0x172: {  	(v2sf) =	vpush v6, $0x3;
	s4 =	sshra.s32 s4, $0x1F;
	s6 =	smulhi.u32 $0x2AAAAAAB, s5  }
0x173: {  	s7 =	spop (v2sf);
	s4 =	smul.u32 $0x2AAAAAAB, s4  }
0x174: {  	(v2sf) =	vpush v6, $0xC;
	s5 =	sshra.s32 s5, $0x1F;
	s8 =	smulhi.u32 $0x2AAAAAAB, s7  }
0x175: {  	s9 =	spop (v2sf);
	s24 =	smul.u32 $0x2AAAAAAB, s5  }
0x176: {  	s7 =	sshra.s32 s7, $0x1F;
	s2 =	smulhi.u32 $0x2AAAAAAB, s9  }
0x177: {  	(v2sf) =	vpush v6, $0x8;
	s10 =	spop (v2sf);
	s25 =	smul.u32 $0x2AAAAAAB, s7  }
0x178: {  	(v2sf) =	vpush v6, $0x2;
	s9 =	sshra.s32 s9, $0x1F;
	s11 =	smulhi.u32 $0x2AAAAAAB, s10  }
0x179: {  	s12 =	spop (v2sf);
	s5 =	smul.u32 $0x2AAAAAAB, s9  }
0x17a: {  	(v2sf) =	vpush v6, $0x1;
	s10 =	sshra.s32 s10, $0x1F;
	s13 =	smulhi.u32 $0x2AAAAAAB, s12  }
0x17b: {  	(v2sf) =	vpush v6, $0x0;
	s14 =	spop (v2sf);
	s9 =	smul.u32 $0x2AAAAAAB, s10  }
0x17c: {  	s12 =	sshra.s32 s12, $0x1F;
	s15 =	smulhi.u32 $0x2AAAAAAB, s14  }
0x17d: {  	s16 =	spop (v2sf);
	s10 =	smul.u32 $0x2AAAAAAB, s12  }
0x17e: {  	s14 =	sshra.s32 s14, $0x1F;
	s17 =	smulhi.u32 $0x2AAAAAAB, s16  }
0x17f: {  	s18 =	spop (v2sf);
	s14 =	smul.u32 $0x2AAAAAAB, s14  }
0x180: {  	s7 =	sadd.s32 s24, s6;
	s16 =	sshra.s32 s16, $0x1F;
	s19 =	smulhi.u32 $0x2AAAAAAB, s18  }
0x181: {  	s6 =	sadd.s32 s25, s8;
	s20 =	spop (v2sf);
	s12 =	smul.u32 $0x2AAAAAAB, s16  }
0x182: {  	s9 =	sadd.s32 s9, s11;
	s18 =	sshra.s32 s18, $0x1F;
	s21 =	smulhi.u32 $0x2AAAAAAB, s20  }
0x183: {  	s10 =	sadd.s32 s10, s13;
	s22 =	spop (v2sf);
	s18 =	smul.u32 $0x2AAAAAAB, s18  }
0x184: {  	s20 =	sshra.s32 s20, $0x1F;
	s14 =	sadd.s32 s14, s15;
	s23 =	smulhi.u32 $0x2AAAAAAB, s22  }
0x185: {  	s20 =	smul.u32 $0x2AAAAAAB, s20;
	s22 =	sshra.s32 s22, $0x1F;
	s12 =	sadd.s32 s12, s17  }
0x186: {  	s13 =	smul.u32 $0x2AAAAAAB, s22;
	s18 =	sadd.s32 s18, s19;
	s16 =	spop (v2sf)  }
0x187: {  	s20 =	sadd.s32 s20, s21;
	s26 =	smulhi.u32 $0x2AAAAAAB, s16;
	s24 =	spop (v2sf)  }
0x188: {  	s21 =	sshrl.u32 s18, $0x9;
	s25 =	sshra.s32 s16, $0x1F;
	s11 =	smulhi.u32 $0x2AAAAAAB, s24  }
0x189: {  	s13 =	sadd.s32 s13, s23;
	s22 =	spop (v2sf);
	s8 =	smul.u32 $0x2AAAAAAB, s25  }
0x18a: {  	s25 =	sshra.s32 s24, $0x1F;
	s16 =	smulhi.u32 $0x2AAAAAAB, s22;
	s17 =	spop (v2sf)  }
0x18b: {  	s15 =	smul.u32 $0x2AAAAAAB, s25;
	s25 =	sshra.s32 s22, $0x1F;
	s22 =	sshrl.u32 s13, $0x1F  }
0x18c: {  	s13 =	sshrl.u32 s13, $0x9;
	s24 =	smulhi.u32 $0x2AAAAAAB, s17;
	s17 =	sshra.s32 s17, $0x1F  }
0x18d: {  	s19 =	smul.u32 $0x2AAAAAAB, s25;
	s8 =	sadd.s32 s8, s26;
	s25 =	sshrl.u32 s12, $0x1F  }
0x18e: {  	v7 =	vmov s22;
	v59 =	vmov s13;
	s12 =	sshrl.u32 s12, $0x9;
	s17 =	smul.u32 $0x2AAAAAAB, s17;
	s23 =	sshrl.u32 s8, $0x1F  }
0x18f: {  	s26 =	sshrl.u32 s18, $0x1F;
	s8 =	sshrl.u32 s8, $0x9;
	v7 =	vsel vm0, s25, v7;
	v10 =	vsel vm0, s12, v59;
	v57 =	vmov s23;
	s23 =	sshrl.u32 s9, $0x1F  }
0x190: {  	v60 =	vmov s8;
	s9 =	sshrl.u32 s9, $0x9;
	s17 =	sadd.s32 s17, s24;
	v8 =	vsel vm0, s26, v57;
	v7 =	vsel vm1, s23, v7;
	s26 =	sshrl.u32 s7, $0x1F  }
0x191: {  	v11 =	vsel vm0, s21, v60;
	v10 =	vsel vm1, s9, v10;
	s7 =	sshrl.u32 s7, $0x9;
	s24 =	sshrl.u32 s17, $0x1F;
	s17 =	sshrl.u32 s17, $0x9;
	v7 =	vsel vm2, s26, v7  }
0x192: {  	s11 =	sadd.s32 s15, s11;
	s22 =	sadd.s32 s19, s16;
	v10 =	vsel vm2, s7, v10;
	v58 =	vmov s24;
	v61 =	vmov s17;
	s24 =	sshrl.u32 s10, $0x1F  }
0x193: {  	s25 =	sshrl.u32 s22, $0x1F;
	s8 =	sshrl.u32 s22, $0x9;
	s10 =	sshrl.u32 s10, $0x9;
	v9 =	vnsel vm3, $0x0, v58;
	v8 =	vsel vm1, s24, v8;
	v12 =	vnsel vm3, $0x0, v61  }
0x194: {  	s15 =	sshrl.u32 s6, $0x1F;
	s16 =	sshrl.u32 s11, $0x1F;
	s17 =	sshrl.u32 s11, $0x9;
	v11 =	vsel vm1, s10, v11;
	v9 =	vsel vm0, s25, v9;
	v12 =	vsel vm0, s8, v12  }
0x195: {  	s18 =	sshrl.u32 s20, $0x1F;
	s19 =	sshrl.u32 s20, $0x9;
	s22 =	sshrl.u32 s6, $0x9;
	v8 =	vsel vm2, s15, v8;
	v9 =	vsel vm1, s16, v9;
	v12 =	vsel vm1, s17, v12  }
0x196: {  	s2 =	sadd.s32 s5, s2;
	s20 =	sshrl.u32 s14, $0x1F;
	s21 =	sshrl.u32 s14, $0x9;
	v11 =	vsel vm2, s22, v11;
	v9 =	vsel vm2, s18, v9;
	v12 =	vsel vm2, s19, v12  }
0x197: {  	s1 =	sadd.s32 s4, s1;
	s23 =	sshrl.u32 s2, $0x1F;
	s2 =	sshrl.u32 s2, $0x9;
	v7 =	vcombine.low v8, v7;
	v9 =	vsel vm4, s20, v9;
	v12 =	vsel vm4, s21, v12  }
0x198: {  	s0 =	sadd.s32 s3, s0;
	s24 =	sshrl.u32 s1, $0x1F;
	s1 =	sshrl.u32 s1, $0x9;
	v62 =	vcombine.low v11, v10;
	v9 =	vsel vm5, s23, v9;
	v12 =	vsel vm5, s2, v12  }
0x199: {  	s25 =	sshrl.u32 s0, $0x1F;
	s0 =	sshrl.u32 s0, $0x9;
	v7 =	vperm.xlane v7, v1;
	v9 =	vsel vm6, s24, v9;
	v63 =	vsel vm6, s1, v12  }
0x19a: {  	v8 =	vperm.xlane v62, v1;
	v9 =	vsel vm7, s25, v9;
	v10 =	vsel vm7, s0, v63  }
0x19b: {  	v9 =	vperm.xlane v9, v2;
	v10 =	vperm.xlane v10, v2;
	_ =	sdelay $0x1  }
0x19c: {  	v7 =	vsel vm8, v9, v7;
	v8 =	vsel vm8, v10, v8  }
0x19d: {  	v7 =	vadd.s32 v7, v8  }
0x19e: {  	v7 =	vmul.u32 $0xC00, v7;
	_ =	sdelay $0x1  }
0x19f: {  	v6 =	vsub.s32 v6, v7  }
0x1a0: {  	vm10 =	vlt.s32 v6, $0x0;
	v7 =	vadd.s32 $0xC00, v6  }
0x1a1: {  	s26 =	rddreg [dreg:$0x3];
	v6 =	vsel vm10, v7, v6  }
0x1a2: {  	[tilespmem:s26+$0x480] =	vst v6  }
0x1a3: {  	v6 =	vld [tilespmem:$0x480];
	_ =	sdelay $0x4  }
0x1a4: {  	v7 =	vshll.u32 v6, $0x2  }
0x1a5: {  	v6 =	vand.u32 $0x7, v6;
	v7 =	vand.u32 $0xFFFFFFE0, v7  }
0x1a6: {  	v6 =	vor.u32 v6, v7  }
0x1a7: {  	v7 =	vperm.xlane v6, v3;
	_ =	sdelay $0x1  }
0x1a8: {  	v7 =	vadd.s32 v4, v7;
	_ =	sdelay $0x1  }
0x1a9: {  	s10 =	sld [smem:$0x7FA];
	v6 =	vperm.xlane v6, v5;
	_ =	sdelay $0x1  }
0x1aa: {  	s14 =	simm.s32 $0x880;
	s11 =	sld [smem:$0x7FB];
	s0 =	simm.s32 $0x0;
	v6 =	vadd.s32 v4, v6  }
0x1ab: {  	[tilespmem:s14], [sflag:$0x1] =	stream.indirect_vreg.gather [hbm4b:s10+s0], $0x80, v7, vm9, $0xb8;
	[tilespmem:$0x18880] =	vst v63  }
0x1ac: {  	s15 =	simm.s32 $0x1080  }
0x1ad: {  	[tilespmem:s15], [sflag:$0x1] =	stream.indirect_vreg.gather [hbm4b:s11+s0], $0x80, v7, vm9, $0xb8;
	[tilespmem:$0x18880] =	vst v63  }
0x1ae: {  	s16 =	simm.s32 $0x1880  }
0x1af: {  	[tilespmem:s16], [sflag:$0x1] =	stream.indirect_vreg.gather [hbm4b:s10+s0], $0x80, v6, vm9, $0xb8;
	[tilespmem:$0x18880] =	vst v63  }
0x1b0: {  	s17 =	simm.s32 $0x2080  }
0x1b1: {  	[tilespmem:s17], [sflag:$0x1] =	stream.indirect_vreg.gather [hbm4b:s11+s0], $0x80, v6, vm9, $0xb8;
	[tilespmem:$0x18880] =	vst v63  }
0x1b2: {  	v6 =	vld [tilespmem:$0x490];
	_ =	sdelay $0x4  }
0x1b3: {  	v7 =	vshll.u32 v6, $0x2  }
0x1b4: {  	v6 =	vand.u32 $0x7, v6;
	v7 =	vand.u32 $0xFFFFFFE0, v7  }
0x1b5: {  	v6 =	vor.u32 v6, v7  }
0x1b6: {  	v7 =	vperm.xlane v6, v3;
	_ =	sdelay $0x1  }
0x1b7: {  	v7 =	vadd.s32 v4, v7;
	_ =	sdelay $0x1  }
0x1b8: {  	v6 =	vperm.xlane v6, v5;
	_ =	sdelay $0x1  }
0x1b9: {  	s18 =	simm.s32 $0x2880;
	v6 =	vadd.s32 v4, v6  }
0x1ba: {  	[tilespmem:s18], [sflag:$0x1] =	stream.indirect_vreg.gather [hbm4b:s10+s0], $0x80, v7, vm9, $0xb8;
	[tilespmem:$0x18880] =	vst v63  }
0x1bb: {  	s19 =	simm.s32 $0x3080  }
0x1bc: {  	[tilespmem:s19], [sflag:$0x1] =	stream.indirect_vreg.gather [hbm4b:s11+s0], $0x80, v7, vm9, $0xb8;
	[tilespmem:$0x18880] =	vst v63  }
0x1bd: {  	s20 =	simm.s32 $0x3880  }
0x1be: {  	[tilespmem:s20], [sflag:$0x1] =	stream.indirect_vreg.gather [hbm4b:s10+s0], $0x80, v6, vm9, $0xb8;
	[tilespmem:$0x18880] =	vst v63  }
0x1bf: {  	s21 =	simm.s32 $0x4080  }
0x1c0: {  	[tilespmem:s21], [sflag:$0x1] =	stream.indirect_vreg.gather [hbm4b:s11+s0], $0x80, v6, vm9, $0xb8;
	[tilespmem:$0x18880] =	vst v63  }
0x1c1: {  	v6 =	vld [tilespmem:$0x4A0];
	_ =	sdelay $0x4  }
0x1c2: {  	v7 =	vshll.u32 v6, $0x2  }
0x1c3: {  	v6 =	vand.u32 $0x7, v6;
	v7 =	vand.u32 $0xFFFFFFE0, v7  }
0x1c4: {  	v6 =	vor.u32 v6, v7  }
0x1c5: {  	v7 =	vperm.xlane v6, v3;
	_ =	sdelay $0x1  }
0x1c6: {  	v7 =	vadd.s32 v4, v7;
	_ =	sdelay $0x1  }
0x1c7: {  	v6 =	vperm.xlane v6, v5;
	_ =	sdelay $0x1  }
0x1c8: {  	s22 =	simm.s32 $0x4880;
	v6 =	vadd.s32 v4, v6  }
0x1c9: {  	[tilespmem:s22], [sflag:$0x2] =	stream.indirect_vreg.gather [hbm4b:s10+s0], $0x80, v7, vm9, $0xb8;
	[tilespmem:$0x18880] =	vst v63  }
0x1ca: {  	s23 =	simm.s32 $0x5080  }
0x1cb: {  	[tilespmem:s23], [sflag:$0x2] =	stream.indirect_vreg.gather [hbm4b:s11+s0], $0x80, v7, vm9, $0xb8;
	[tilespmem:$0x18880] =	vst v63  }
0x1cc: {  	s24 =	simm.s32 $0x5880  }
0x1cd: {  	[tilespmem:s24], [sflag:$0x2] =	stream.indirect_vreg.gather [hbm4b:s10+s0], $0x80, v6, vm9, $0xb8;
	[tilespmem:$0x18880] =	vst v63  }
0x1ce: {  	s25 =	simm.s32 $0x6080  }
0x1cf: {  	[tilespmem:s25], [sflag:$0x2] =	stream.indirect_vreg.gather [hbm4b:s11+s0], $0x80, v6, vm9, $0xb8;
	[tilespmem:$0x18880] =	vst v63  }
0x1d0: {  	v6 =	vld [tilespmem:$0x4B0];
	_ =	sdelay $0x4  }
0x1d1: {  	v7 =	vshll.u32 v6, $0x2  }
0x1d2: {  	v6 =	vand.u32 $0x7, v6;
	v7 =	vand.u32 $0xFFFFFFE0, v7  }
0x1d3: {  	v6 =	vor.u32 v6, v7  }
0x1d4: {  	v7 =	vperm.xlane v6, v3;
	_ =	sdelay $0x1  }
0x1d5: {  	v7 =	vadd.s32 v4, v7;
	_ =	sdelay $0x1  }
0x1d6: {  	v6 =	vperm.xlane v6, v5;
	_ =	sdelay $0x1  }
0x1d7: {  	s26 =	simm.s32 $0x6880;
	v6 =	vadd.s32 v4, v6  }
0x1d8: {  	[tilespmem:s26], [sflag:$0x2] =	stream.indirect_vreg.gather [hbm4b:s10+s0], $0x80, v7, vm9, $0xb8;
	[tilespmem:$0x18880] =	vst v63  }
0x1d9: {  	s28 =	simm.s32 $0x7080  }
0x1da: {  	[tilespmem:s28], [sflag:$0x2] =	stream.indirect_vreg.gather [hbm4b:s11+s0], $0x80, v7, vm9, $0xb8;
	[tilespmem:$0x18880] =	vst v63  }
0x1db: {  	s29 =	simm.s32 $0x7880  }
0x1dc: {  	[tilespmem:s29], [sflag:$0x2] =	stream.indirect_vreg.gather [hbm4b:s10+s0], $0x80, v6, vm9, $0xb8;
	[tilespmem:$0x18880] =	vst v63  }
0x1dd: {  	s30 =	simm.s32 $0x8080;
	s31 =	simm.s32 $0x1  }
0x1de: {  	[tilespmem:s30], [sflag:$0x2] =	stream.indirect_vreg.gather [hbm4b:s11+s0], $0x80, v6, vm9, $0xb8;
	[tilespmem:$0x18880] =	vst v63  }
0x1df: {  	_ =	swait.ge [sflag:s31], $0x4000  }
0x1e0: {  	[sflag:s31] =	ssyncset.done $0x0  }
0x1e1: {  	s1 =	simm.s32 $0x0;
	[sflag:s31] =	ssyncadd.s32 $0xFFFFC000  }
.LBB2_4:
0x1e2: {  	s2 =	sshll.u32 s1, $0x9  }
0x1e3: {  	s4 =	sand.u32 $0x380, s0;
	s2 =	sand.u32 $0x3FFFF000, s2  }
0x1e4: {  	s3 =	sor.u32 s4, s2  }
0x1e5: {  	v6 =	vld [tilespmem:s3+$0x880]  }
0x1e6: {  	v7 =	vld [tilespmem:s3+$0x890]  }
0x1e7: {  	v8 =	vld [tilespmem:s3+$0x8A0]  }
0x1e8: {  	v9 =	vld [tilespmem:s3+$0x8B0]  }
0x1e9: {  	s13 =	sshll.u32 s1, $0xA;
	v10 =	vld [tilespmem:s3+$0x8C0]  }
0x1ea: {  	s2 =	sand.u32 $0x3FFFE000, s13;
	v11 =	vld [tilespmem:s3+$0x8D0]  }
0x1eb: {  	v12 =	vld [tilespmem:s3+$0x8E0];
	s2 =	sor.u32 s4, s2;
	v14 =	vshll.u32 v6, $0x10  }
0x1ec: {  	v13 =	vld [tilespmem:s3+$0x8F0];
	v6 =	vand.u32 $0xFFFF0000, v6;
	[tilespmem:s2+$0x8880] =	vst v14  }
0x1ed: {  	[tilespmem:s2+$0x9880] =	vst v6;
	v6 =	vshll.u32 v7, $0x10  }
0x1ee: {  	[tilespmem:s2+$0x8890] =	vst v6;
	v6 =	vand.u32 $0xFFFF0000, v7  }
0x1ef: {  	[tilespmem:s2+$0x9890] =	vst v6;
	v6 =	vshll.u32 v8, $0x10  }
0x1f0: {  	[tilespmem:s2+$0x88A0] =	vst v6;
	v6 =	vand.u32 $0xFFFF0000, v8  }
0x1f1: {  	[tilespmem:s2+$0x98A0] =	vst v6;
	v6 =	vshll.u32 v9, $0x10  }
0x1f2: {  	[tilespmem:s2+$0x88B0] =	vst v6;
	v6 =	vand.u32 $0xFFFF0000, v9  }
0x1f3: {  	[tilespmem:s2+$0x98B0] =	vst v6;
	v6 =	vshll.u32 v10, $0x10  }
0x1f4: {  	[tilespmem:s2+$0x88C0] =	vst v6;
	v6 =	vand.u32 $0xFFFF0000, v10  }
0x1f5: {  	[tilespmem:s2+$0x98C0] =	vst v6;
	v6 =	vshll.u32 v11, $0x10  }
0x1f6: {  	[tilespmem:s2+$0x88D0] =	vst v6;
	v6 =	vand.u32 $0xFFFF0000, v11  }
0x1f7: {  	[tilespmem:s2+$0x98D0] =	vst v6;
	v6 =	vshll.u32 v12, $0x10  }
0x1f8: {  	[tilespmem:s2+$0x88E0] =	vst v6;
	v6 =	vand.u32 $0xFFFF0000, v12  }
0x1f9: {  	[tilespmem:s2+$0x98E0] =	vst v6;
	v6 =	vshll.u32 v13, $0x10  }
0x1fa: {  	[tilespmem:s2+$0x88F0] =	vst v6;
	v6 =	vand.u32 $0xFFFF0000, v13  }
0x1fb: {  	[tilespmem:s2+$0x98F0] =	vst v6  }
0x1fc: {  	v6 =	vld [tilespmem:s3+$0xC80]  }
0x1fd: {  	v7 =	vld [tilespmem:s3+$0xC90]  }
0x1fe: {  	v43 =	vld [tilespmem:s3+$0xCA0]  }
0x1ff: {  	v44 =	vld [tilespmem:s3+$0xCB0]  }
0x200: {  	v45 =	vld [tilespmem:s3+$0xCC0]  }
0x201: {  	v46 =	vld [tilespmem:s3+$0xCD0]  }
0x202: {  	v47 =	vld [tilespmem:s3+$0xCE0];
	v49 =	vshll.u32 v6, $0x10  }
0x203: {  	v48 =	vld [tilespmem:s3+$0xCF0];
	v6 =	vand.u32 $0xFFFF0000, v6;
	[tilespmem:s2+$0x8C80] =	vst v49  }
0x204: {  	[tilespmem:s2+$0x9C80] =	vst v6;
	v6 =	vshll.u32 v7, $0x10  }
0x205: {  	[tilespmem:s2+$0x8C90] =	vst v6;
	v6 =	vand.u32 $0xFFFF0000, v7  }
0x206: {  	[tilespmem:s2+$0x9C90] =	vst v6;
	v6 =	vshll.u32 v43, $0x10  }
0x207: {  	[tilespmem:s2+$0x8CA0] =	vst v6;
	v6 =	vand.u32 $0xFFFF0000, v43  }
0x208: {  	[tilespmem:s2+$0x9CA0] =	vst v6;
	v6 =	vshll.u32 v44, $0x10  }
0x209: {  	[tilespmem:s2+$0x8CB0] =	vst v6;
	v6 =	vand.u32 $0xFFFF0000, v44  }
0x20a: {  	[tilespmem:s2+$0x9CB0] =	vst v6;
	v6 =	vshll.u32 v45, $0x10  }
0x20b: {  	[tilespmem:s2+$0x8CC0] =	vst v6;
	v6 =	vand.u32 $0xFFFF0000, v45  }
0x20c: {  	[tilespmem:s2+$0x9CC0] =	vst v6;
	v6 =	vshll.u32 v46, $0x10  }
0x20d: {  	[tilespmem:s2+$0x8CD0] =	vst v6;
	v6 =	vand.u32 $0xFFFF0000, v46  }
0x20e: {  	[tilespmem:s2+$0x9CD0] =	vst v6;
	v6 =	vshll.u32 v47, $0x10  }
0x20f: {  	[tilespmem:s2+$0x8CE0] =	vst v6;
	v6 =	vand.u32 $0xFFFF0000, v47  }
0x210: {  	[tilespmem:s2+$0x9CE0] =	vst v6;
	v6 =	vshll.u32 v48, $0x10  }
0x211: {  	[tilespmem:s2+$0x8CF0] =	vst v6;
	v6 =	vand.u32 $0xFFFF0000, v48  }
0x212: {  	[tilespmem:s2+$0x9CF0] =	vst v6  }
0x213: {  	v6 =	vld [tilespmem:s3+$0x1080]  }
0x214: {  	v7 =	vld [tilespmem:s3+$0x1090]  }
0x215: {  	v50 =	vld [tilespmem:s3+$0x10A0]  }
0x216: {  	v51 =	vld [tilespmem:s3+$0x10B0]  }
0x217: {  	v52 =	vld [tilespmem:s3+$0x10C0]  }
0x218: {  	v53 =	vld [tilespmem:s3+$0x10D0]  }
0x219: {  	v54 =	vld [tilespmem:s3+$0x10E0];
	v56 =	vshll.u32 v6, $0x10  }
0x21a: {  	v55 =	vld [tilespmem:s3+$0x10F0];
	v6 =	vand.u32 $0xFFFF0000, v6;
	[tilespmem:s2+$0x9080] =	vst v56  }
0x21b: {  	[tilespmem:s2+$0xA080] =	vst v6;
	v6 =	vshll.u32 v7, $0x10  }
0x21c: {  	[tilespmem:s2+$0x9090] =	vst v6;
	v6 =	vand.u32 $0xFFFF0000, v7  }
0x21d: {  	[tilespmem:s2+$0xA090] =	vst v6;
	v6 =	vshll.u32 v50, $0x10  }
0x21e: {  	[tilespmem:s2+$0x90A0] =	vst v6;
	v6 =	vand.u32 $0xFFFF0000, v50  }
0x21f: {  	[tilespmem:s2+$0xA0A0] =	vst v6;
	v6 =	vshll.u32 v51, $0x10  }
0x220: {  	[tilespmem:s2+$0x90B0] =	vst v6;
	v6 =	vand.u32 $0xFFFF0000, v51  }
0x221: {  	[tilespmem:s2+$0xA0B0] =	vst v6;
	v6 =	vshll.u32 v52, $0x10  }
0x222: {  	[tilespmem:s2+$0x90C0] =	vst v6;
	v6 =	vand.u32 $0xFFFF0000, v52  }
0x223: {  	[tilespmem:s2+$0xA0C0] =	vst v6;
	v6 =	vshll.u32 v53, $0x10  }
0x224: {  	[tilespmem:s2+$0x90D0] =	vst v6;
	v6 =	vand.u32 $0xFFFF0000, v53  }
0x225: {  	[tilespmem:s2+$0xA0D0] =	vst v6;
	v6 =	vshll.u32 v54, $0x10  }
0x226: {  	[tilespmem:s2+$0x90E0] =	vst v6;
	v6 =	vand.u32 $0xFFFF0000, v54  }
0x227: {  	[tilespmem:s2+$0xA0E0] =	vst v6;
	v6 =	vshll.u32 v55, $0x10  }
0x228: {  	[tilespmem:s2+$0x90F0] =	vst v6;
	v6 =	vand.u32 $0xFFFF0000, v55  }
0x229: {  	[tilespmem:s2+$0xA0F0] =	vst v6  }
0x22a: {  	v6 =	vld [tilespmem:s3+$0x1480]  }
0x22b: {  	v7 =	vld [tilespmem:s3+$0x1490]  }
0x22c: {  	v57 =	vld [tilespmem:s3+$0x14A0]  }
0x22d: {  	v58 =	vld [tilespmem:s3+$0x14B0]  }
0x22e: {  	v59 =	vld [tilespmem:s3+$0x14C0]  }
0x22f: {  	v60 =	vld [tilespmem:s3+$0x14D0]  }
0x230: {  	v61 =	vld [tilespmem:s3+$0x14E0];
	v63 =	vshll.u32 v6, $0x10  }
0x231: {  	v62 =	vld [tilespmem:s3+$0x14F0];
	v6 =	vand.u32 $0xFFFF0000, v6;
	[tilespmem:s2+$0x9480] =	vst v63  }
0x232: {  	[tilespmem:s2+$0xA480] =	vst v6;
	v6 =	vshll.u32 v7, $0x10  }
0x233: {  	[tilespmem:s2+$0x9490] =	vst v6;
	v6 =	vand.u32 $0xFFFF0000, v7  }
0x234: {  	[tilespmem:s2+$0xA490] =	vst v6;
	v6 =	vshll.u32 v57, $0x10  }
0x235: {  	[tilespmem:s2+$0x94A0] =	vst v6;
	v6 =	vand.u32 $0xFFFF0000, v57  }
0x236: {  	[tilespmem:s2+$0xA4A0] =	vst v6;
	v6 =	vshll.u32 v58, $0x10  }
0x237: {  	[tilespmem:s2+$0x94B0] =	vst v6;
	v6 =	vand.u32 $0xFFFF0000, v58  }
0x238: {  	[tilespmem:s2+$0xA4B0] =	vst v6;
	v6 =	vshll.u32 v59, $0x10  }
0x239: {  	[tilespmem:s2+$0x94C0] =	vst v6;
	v6 =	vand.u32 $0xFFFF0000, v59  }
0x23a: {  	[tilespmem:s2+$0xA4C0] =	vst v6;
	v6 =	vshll.u32 v60, $0x10  }
0x23b: {  	p1 =	sne.s32 s1, $0x1F;
	[tilespmem:s2+$0x94D0] =	vst v6;
	v6 =	vand.u32 $0xFFFF0000, v60  }
.Ltmp1:
0x23c: {  	[tilespmem:s2+$0xA4D0] =	vst v6;
	v6 =	vshll.u32 v61, $0x10;
	(pc) =	sbr.rel @p1 .LBB2_4-.Ltmp1, $4  }
0x23d: {  	[tilespmem:s2+$0x94E0] =	vst v6;
	v6 =	vand.u32 $0xFFFF0000, v61  }
0x23e: {  	[tilespmem:s2+$0xA4E0] =	vst v6;
	v6 =	vshll.u32 v62, $0x10  }
0x23f: {  	[tilespmem:s2+$0x94F0] =	vst v6;
	v6 =	vand.u32 $0xFFFF0000, v62  }
0x240: {  	s0 =	sadd.s32 $0x80, s0;
	s1 =	sadd.s32 $0x1, s1;
	[tilespmem:s2+$0xA4F0] =	vst v6  }
0x241: {  	v6 =	vld [tilespmem:$0x4C0];
	_ =	sdelay $0x4  }
0x242: {  	v7 =	vshll.u32 v6, $0x2  }
0x243: {  	v6 =	vand.u32 $0x7, v6;
	v7 =	vand.u32 $0xFFFFFFE0, v7  }
0x244: {  	v6 =	vor.u32 v6, v7  }
0x245: {  	v7 =	vperm.xlane v6, v3;
	_ =	sdelay $0x1  }
0x246: {  	v7 =	vadd.s32 v4, v7;
	_ =	sdelay $0x1  }
0x247: {  	v6 =	vperm.xlane v6, v5;
	_ =	sdelay $0x1  }
0x248: {  	s0 =	simm.s32 $0x0;
	v6 =	vadd.s32 v4, v6  }
0x249: {  	[tilespmem:s14], [sflag:$0x1] =	stream.indirect_vreg.gather [hbm4b:s10+s0], $0x80, v7, vm9, $0xb8;
	[tilespmem:$0x18880] =	vst v63  }
0x24a: {  	_ = 	snop  }
0x24b: {  	[tilespmem:s15], [sflag:$0x1] =	stream.indirect_vreg.gather [hbm4b:s11+s0], $0x80, v7, vm9, $0xb8;
	[tilespmem:$0x18880] =	vst v63  }
0x24c: {  	_ = 	snop  }
0x24d: {  	[tilespmem:s16], [sflag:$0x1] =	stream.indirect_vreg.gather [hbm4b:s10+s0], $0x80, v6, vm9, $0xb8;
	[tilespmem:$0x18880] =	vst v63  }
0x24e: {  	_ = 	snop  }
0x24f: {  	[tilespmem:s17], [sflag:$0x1] =	stream.indirect_vreg.gather [hbm4b:s11+s0], $0x80, v6, vm9, $0xb8;
	[tilespmem:$0x18880] =	vst v63  }
0x250: {  	v6 =	vld [tilespmem:$0x4D0];
	_ =	sdelay $0x4  }
0x251: {  	v7 =	vshll.u32 v6, $0x2  }
0x252: {  	v6 =	vand.u32 $0x7, v6;
	v7 =	vand.u32 $0xFFFFFFE0, v7  }
0x253: {  	v6 =	vor.u32 v6, v7  }
0x254: {  	v7 =	vperm.xlane v6, v3;
	_ =	sdelay $0x1  }
0x255: {  	v7 =	vadd.s32 v4, v7;
	_ =	sdelay $0x1  }
0x256: {  	v6 =	vperm.xlane v6, v5;
	_ =	sdelay $0x1  }
0x257: {  	v6 =	vadd.s32 v4, v6  }
0x258: {  	[tilespmem:s18], [sflag:$0x1] =	stream.indirect_vreg.gather [hbm4b:s10+s0], $0x80, v7, vm9, $0xb8;
	[tilespmem:$0x18880] =	vst v63  }
0x259: {  	_ = 	snop  }
0x25a: {  	[tilespmem:s19], [sflag:$0x1] =	stream.indirect_vreg.gather [hbm4b:s11+s0], $0x80, v7, vm9, $0xb8;
	[tilespmem:$0x18880] =	vst v63  }
0x25b: {  	_ = 	snop  }
0x25c: {  	[tilespmem:s20], [sflag:$0x1] =	stream.indirect_vreg.gather [hbm4b:s10+s0], $0x80, v6, vm9, $0xb8;
	[tilespmem:$0x18880] =	vst v63  }
0x25d: {  	s1 =	sld [smem:$0x7F7]  }
0x25e: {  	[tilespmem:s21], [sflag:$0x1] =	stream.indirect_vreg.gather [hbm4b:s11+s0], $0x80, v6, vm9, $0xb8;
	[tilespmem:$0x18880] =	vst v63  }
0x25f: {  	s2 =	simm.s32 $0x8880;
	s13 =	simm.s32 $0x2  }
0x260: {  	[hbm4b:s1+s0] =	stream.linear.scatter [tilespmem:s2], [sflag:$0x3], $0x8000, $0x38;
	[tilespmem:$0x18880] =	vst v63  }
0x261: {  	_ =	swait.ge [sflag:s13], $0x4000  }
0x262: {  	[sflag:s13] =	ssyncset.done $0x0;
	s12 =	sld [smem:$0x7FC]  }
0x263: {  	[sflag:s13] =	ssyncadd.s32 $0xFFFFC000;
	s13 =	sld [smem:$0x7FD]  }
0x264: {  	s9 =	simm.s32 $0x0;
	s1 =	simm.s32 $0x0;
	s8 =	rddreg [dreg:$0x1]  }
.LBB2_6:
0x265: {  	s2 =	sshll.u32 s1, $0x9  }
0x266: {  	s4 =	sand.u32 $0x380, s0;
	s2 =	sand.u32 $0x3FFFF000, s2  }
0x267: {  	s3 =	sor.u32 s4, s2  }
0x268: {  	v6 =	vld [tilespmem:s3+$0x4880]  }
0x269: {  	v7 =	vld [tilespmem:s3+$0x4890]  }
0x26a: {  	v8 =	vld [tilespmem:s3+$0x48A0]  }
0x26b: {  	v9 =	vld [tilespmem:s3+$0x48B0]  }
0x26c: {  	s7 =	sshll.u32 s1, $0xA;
	v10 =	vld [tilespmem:s3+$0x48C0]  }
0x26d: {  	s2 =	sand.u32 $0x3FFFE000, s7;
	v11 =	vld [tilespmem:s3+$0x48D0]  }
0x26e: {  	v12 =	vld [tilespmem:s3+$0x48E0];
	s4 =	sor.u32 s4, s2;
	v14 =	vshll.u32 v6, $0x10  }
0x26f: {  	v13 =	vld [tilespmem:s3+$0x48F0];
	s2 =	sadd.s32 $0x10880, s4;
	v6 =	vand.u32 $0xFFFF0000, v6;
	[tilespmem:s4+$0x10880] =	vst v14  }
0x270: {  	[tilespmem:s2+$0x1000] =	vst v6;
	v6 =	vshll.u32 v7, $0x10  }
0x271: {  	[tilespmem:s2+$0x10] =	vst v6;
	v6 =	vand.u32 $0xFFFF0000, v7  }
0x272: {  	[tilespmem:s2+$0x1010] =	vst v6;
	v6 =	vshll.u32 v8, $0x10  }
0x273: {  	[tilespmem:s2+$0x20] =	vst v6;
	v6 =	vand.u32 $0xFFFF0000, v8  }
0x274: {  	[tilespmem:s2+$0x1020] =	vst v6;
	v6 =	vshll.u32 v9, $0x10  }
0x275: {  	[tilespmem:s2+$0x30] =	vst v6;
	v6 =	vand.u32 $0xFFFF0000, v9  }
0x276: {  	[tilespmem:s2+$0x1030] =	vst v6;
	v6 =	vshll.u32 v10, $0x10  }
0x277: {  	[tilespmem:s2+$0x40] =	vst v6;
	v6 =	vand.u32 $0xFFFF0000, v10  }
0x278: {  	[tilespmem:s2+$0x1040] =	vst v6;
	v6 =	vshll.u32 v11, $0x10  }
0x279: {  	[tilespmem:s2+$0x50] =	vst v6;
	v6 =	vand.u32 $0xFFFF0000, v11  }
0x27a: {  	[tilespmem:s2+$0x1050] =	vst v6;
	v6 =	vshll.u32 v12, $0x10  }
0x27b: {  	[tilespmem:s2+$0x60] =	vst v6;
	v6 =	vand.u32 $0xFFFF0000, v12  }
0x27c: {  	[tilespmem:s2+$0x1060] =	vst v6;
	v6 =	vshll.u32 v13, $0x10  }
0x27d: {  	[tilespmem:s2+$0x70] =	vst v6;
	v6 =	vand.u32 $0xFFFF0000, v13  }
0x27e: {  	[tilespmem:s2+$0x1070] =	vst v6  }
0x27f: {  	v6 =	vld [tilespmem:s3+$0x4C80]  }
0x280: {  	v7 =	vld [tilespmem:s3+$0x4C90]  }
0x281: {  	v43 =	vld [tilespmem:s3+$0x4CA0]  }
0x282: {  	v44 =	vld [tilespmem:s3+$0x4CB0]  }
0x283: {  	v45 =	vld [tilespmem:s3+$0x4CC0]  }
0x284: {  	v46 =	vld [tilespmem:s3+$0x4CD0]  }
0x285: {  	v47 =	vld [tilespmem:s3+$0x4CE0];
	v49 =	vshll.u32 v6, $0x10  }
0x286: {  	v48 =	vld [tilespmem:s3+$0x4CF0];
	v6 =	vand.u32 $0xFFFF0000, v6;
	[tilespmem:s2+$0x400] =	vst v49  }
0x287: {  	[tilespmem:s2+$0x1400] =	vst v6;
	v6 =	vshll.u32 v7, $0x10  }
0x288: {  	[tilespmem:s2+$0x410] =	vst v6;
	v6 =	vand.u32 $0xFFFF0000, v7  }
0x289: {  	[tilespmem:s2+$0x1410] =	vst v6;
	v6 =	vshll.u32 v43, $0x10  }
0x28a: {  	[tilespmem:s2+$0x420] =	vst v6;
	v6 =	vand.u32 $0xFFFF0000, v43  }
0x28b: {  	[tilespmem:s2+$0x1420] =	vst v6;
	v6 =	vshll.u32 v44, $0x10  }
0x28c: {  	[tilespmem:s2+$0x430] =	vst v6;
	v6 =	vand.u32 $0xFFFF0000, v44  }
0x28d: {  	[tilespmem:s2+$0x1430] =	vst v6;
	v6 =	vshll.u32 v45, $0x10  }
0x28e: {  	[tilespmem:s2+$0x440] =	vst v6;
	v6 =	vand.u32 $0xFFFF0000, v45  }
0x28f: {  	[tilespmem:s2+$0x1440] =	vst v6;
	v6 =	vshll.u32 v46, $0x10  }
0x290: {  	[tilespmem:s2+$0x450] =	vst v6;
	v6 =	vand.u32 $0xFFFF0000, v46  }
0x291: {  	[tilespmem:s2+$0x1450] =	vst v6;
	v6 =	vshll.u32 v47, $0x10  }
0x292: {  	[tilespmem:s2+$0x460] =	vst v6;
	v6 =	vand.u32 $0xFFFF0000, v47  }
0x293: {  	[tilespmem:s2+$0x1460] =	vst v6;
	v6 =	vshll.u32 v48, $0x10  }
0x294: {  	[tilespmem:s2+$0x470] =	vst v6;
	v6 =	vand.u32 $0xFFFF0000, v48  }
0x295: {  	[tilespmem:s2+$0x1470] =	vst v6  }
0x296: {  	v6 =	vld [tilespmem:s3+$0x5080]  }
0x297: {  	v7 =	vld [tilespmem:s3+$0x5090]  }
0x298: {  	v50 =	vld [tilespmem:s3+$0x50A0]  }
0x299: {  	v51 =	vld [tilespmem:s3+$0x50B0]  }
0x29a: {  	v52 =	vld [tilespmem:s3+$0x50C0]  }
0x29b: {  	v53 =	vld [tilespmem:s3+$0x50D0]  }
0x29c: {  	v54 =	vld [tilespmem:s3+$0x50E0];
	v56 =	vshll.u32 v6, $0x10  }
0x29d: {  	v55 =	vld [tilespmem:s3+$0x50F0];
	v6 =	vand.u32 $0xFFFF0000, v6;
	[tilespmem:s2+$0x800] =	vst v56  }
0x29e: {  	[tilespmem:s2+$0x1800] =	vst v6;
	v6 =	vshll.u32 v7, $0x10  }
0x29f: {  	[tilespmem:s2+$0x810] =	vst v6;
	v6 =	vand.u32 $0xFFFF0000, v7  }
0x2a0: {  	[tilespmem:s2+$0x1810] =	vst v6;
	v6 =	vshll.u32 v50, $0x10  }
0x2a1: {  	[tilespmem:s2+$0x820] =	vst v6;
	v6 =	vand.u32 $0xFFFF0000, v50  }
0x2a2: {  	[tilespmem:s2+$0x1820] =	vst v6;
	v6 =	vshll.u32 v51, $0x10  }
0x2a3: {  	[tilespmem:s2+$0x830] =	vst v6;
	v6 =	vand.u32 $0xFFFF0000, v51  }
0x2a4: {  	[tilespmem:s2+$0x1830] =	vst v6;
	v6 =	vshll.u32 v52, $0x10  }
0x2a5: {  	[tilespmem:s2+$0x840] =	vst v6;
	v6 =	vand.u32 $0xFFFF0000, v52  }
0x2a6: {  	[tilespmem:s2+$0x1840] =	vst v6;
	v6 =	vshll.u32 v53, $0x10  }
0x2a7: {  	[tilespmem:s2+$0x850] =	vst v6;
	v6 =	vand.u32 $0xFFFF0000, v53  }
0x2a8: {  	[tilespmem:s2+$0x1850] =	vst v6;
	v6 =	vshll.u32 v54, $0x10  }
0x2a9: {  	[tilespmem:s2+$0x860] =	vst v6;
	v6 =	vand.u32 $0xFFFF0000, v54  }
0x2aa: {  	[tilespmem:s2+$0x1860] =	vst v6;
	v6 =	vshll.u32 v55, $0x10  }
0x2ab: {  	[tilespmem:s2+$0x870] =	vst v6;
	v6 =	vand.u32 $0xFFFF0000, v55  }
0x2ac: {  	[tilespmem:s2+$0x1870] =	vst v6  }
0x2ad: {  	v6 =	vld [tilespmem:s3+$0x5480]  }
0x2ae: {  	v7 =	vld [tilespmem:s3+$0x5490]  }
0x2af: {  	v57 =	vld [tilespmem:s3+$0x54A0]  }
0x2b0: {  	v58 =	vld [tilespmem:s3+$0x54B0]  }
0x2b1: {  	v59 =	vld [tilespmem:s3+$0x54C0]  }
0x2b2: {  	v60 =	vld [tilespmem:s3+$0x54D0]  }
0x2b3: {  	v61 =	vld [tilespmem:s3+$0x54E0];
	v63 =	vshll.u32 v6, $0x10  }
0x2b4: {  	v62 =	vld [tilespmem:s3+$0x54F0];
	v6 =	vand.u32 $0xFFFF0000, v6;
	[tilespmem:s2+$0xC00] =	vst v63  }
0x2b5: {  	[tilespmem:s2+$0x1C00] =	vst v6;
	v6 =	vshll.u32 v7, $0x10  }
0x2b6: {  	[tilespmem:s2+$0xC10] =	vst v6;
	v6 =	vand.u32 $0xFFFF0000, v7  }
0x2b7: {  	[tilespmem:s2+$0x1C10] =	vst v6;
	v6 =	vshll.u32 v57, $0x10  }
0x2b8: {  	[tilespmem:s2+$0xC20] =	vst v6;
	v6 =	vand.u32 $0xFFFF0000, v57  }
0x2b9: {  	[tilespmem:s2+$0x1C20] =	vst v6;
	v6 =	vshll.u32 v58, $0x10  }
0x2ba: {  	[tilespmem:s2+$0xC30] =	vst v6;
	v6 =	vand.u32 $0xFFFF0000, v58  }
0x2bb: {  	[tilespmem:s2+$0x1C30] =	vst v6;
	v6 =	vshll.u32 v59, $0x10  }
0x2bc: {  	[tilespmem:s2+$0xC40] =	vst v6;
	v6 =	vand.u32 $0xFFFF0000, v59  }
0x2bd: {  	[tilespmem:s2+$0x1C40] =	vst v6;
	v6 =	vshll.u32 v60, $0x10  }
0x2be: {  	p1 =	sne.s32 s1, $0x1F;
	[tilespmem:s2+$0xC50] =	vst v6;
	v6 =	vand.u32 $0xFFFF0000, v60  }
.Ltmp2:
0x2bf: {  	[tilespmem:s2+$0x1C50] =	vst v6;
	v6 =	vshll.u32 v61, $0x10;
	(pc) =	sbr.rel @p1 .LBB2_6-.Ltmp2, $4  }
0x2c0: {  	[tilespmem:s2+$0xC60] =	vst v6;
	v6 =	vand.u32 $0xFFFF0000, v61  }
0x2c1: {  	[tilespmem:s2+$0x1C60] =	vst v6;
	v6 =	vshll.u32 v62, $0x10  }
0x2c2: {  	[tilespmem:s2+$0xC70] =	vst v6;
	v6 =	vand.u32 $0xFFFF0000, v62  }
0x2c3: {  	s0 =	sadd.s32 $0x80, s0;
	s1 =	sadd.s32 $0x1, s1;
	[tilespmem:s2+$0x1C70] =	vst v6  }
0x2c4: {  	v6 =	vld [tilespmem:$0x4E0];
	_ =	sdelay $0x4  }
0x2c5: {  	v7 =	vshll.u32 v6, $0x2  }
0x2c6: {  	v6 =	vand.u32 $0x7, v6;
	v7 =	vand.u32 $0xFFFFFFE0, v7  }
0x2c7: {  	v6 =	vor.u32 v6, v7  }
0x2c8: {  	v7 =	vperm.xlane v6, v3;
	_ =	sdelay $0x1  }
0x2c9: {  	v7 =	vadd.s32 v4, v7;
	_ =	sdelay $0x1  }
0x2ca: {  	v6 =	vperm.xlane v6, v5;
	_ =	sdelay $0x1  }
0x2cb: {  	s7 =	simm.s32 $0x0;
	v6 =	vadd.s32 v4, v6  }
0x2cc: {  	[tilespmem:s22], [sflag:$0x2] =	stream.indirect_vreg.gather [hbm4b:s10+s7], $0x80, v7, vm9, $0xb8;
	[tilespmem:$0x18880] =	vst v63  }
0x2cd: {  	_ = 	snop  }
0x2ce: {  	[tilespmem:s23], [sflag:$0x2] =	stream.indirect_vreg.gather [hbm4b:s11+s7], $0x80, v7, vm9, $0xb8;
	[tilespmem:$0x18880] =	vst v63  }
0x2cf: {  	_ = 	snop  }
0x2d0: {  	[tilespmem:s24], [sflag:$0x2] =	stream.indirect_vreg.gather [hbm4b:s10+s7], $0x80, v6, vm9, $0xb8;
	[tilespmem:$0x18880] =	vst v63  }
0x2d1: {  	_ = 	snop  }
0x2d2: {  	[tilespmem:s25], [sflag:$0x2] =	stream.indirect_vreg.gather [hbm4b:s11+s7], $0x80, v6, vm9, $0xb8;
	[tilespmem:$0x18880] =	vst v63  }
0x2d3: {  	v6 =	vld [tilespmem:$0x4F0];
	_ =	sdelay $0x4  }
0x2d4: {  	v7 =	vshll.u32 v6, $0x2  }
0x2d5: {  	v6 =	vand.u32 $0x7, v6;
	v7 =	vand.u32 $0xFFFFFFE0, v7  }
0x2d6: {  	v6 =	vor.u32 v6, v7  }
0x2d7: {  	v7 =	vperm.xlane v6, v3;
	_ =	sdelay $0x1  }
0x2d8: {  	v7 =	vadd.s32 v4, v7;
	_ =	sdelay $0x1  }
0x2d9: {  	v6 =	vperm.xlane v6, v5;
	_ =	sdelay $0x1  }
0x2da: {  	v6 =	vadd.s32 v4, v6  }
0x2db: {  	[tilespmem:s26], [sflag:$0x2] =	stream.indirect_vreg.gather [hbm4b:s10+s7], $0x80, v7, vm9, $0xb8;
	[tilespmem:$0x18880] =	vst v63  }
0x2dc: {  	_ = 	snop  }
0x2dd: {  	[tilespmem:s28], [sflag:$0x2] =	stream.indirect_vreg.gather [hbm4b:s11+s7], $0x80, v7, vm9, $0xb8;
	[tilespmem:$0x18880] =	vst v63  }
0x2de: {  	_ = 	snop  }
0x2df: {  	[tilespmem:s29], [sflag:$0x2] =	stream.indirect_vreg.gather [hbm4b:s10+s7], $0x80, v6, vm9, $0xb8;
	[tilespmem:$0x18880] =	vst v63  }
0x2e0: {  	s0 =	sld [smem:$0x7F5]  }
0x2e1: {  	[tilespmem:s30], [sflag:$0x2] =	stream.indirect_vreg.gather [hbm4b:s11+s7], $0x80, v6, vm9, $0xb8;
	[tilespmem:$0x18880] =	vst v63  }
0x2e2: {  	s1 =	simm.s32 $0x10880  }
0x2e3: {  	[hbm4b:s0+s7] =	stream.linear.scatter [tilespmem:s1], [sflag:$0x4], $0x8000, $0x38;
	[tilespmem:$0x18880] =	vst v63  }
.LBB2_8:
0x2e4: {  	_ =	swait.ge [sflag:s31], $0x4000  }
0x2e5: {  	[sflag:s31] =	ssyncset.done $0x0  }
0x2e6: {  	s0 =	simm.s32 $0x3;
	[sflag:s31] =	ssyncadd.s32 $0xFFFFC000  }
0x2e7: {  	_ =	swait.ge [sflag:s0], $0x8000  }
0x2e8: {  	[sflag:s0] =	ssyncset.done $0x0  }
0x2e9: {  	s1 =	simm.s32 $0x0;
	[sflag:s0] =	ssyncadd.s32 $0xFFFF8000;
	s0 =	simm.s32 $0x0  }
.LBB2_9:
0x2ea: {  	s2 =	sshll.u32 s1, $0x9  }
0x2eb: {  	s4 =	sand.u32 $0x380, s0;
	s2 =	sand.u32 $0x3FFFF000, s2  }
0x2ec: {  	s3 =	sor.u32 s4, s2  }
0x2ed: {  	v6 =	vld [tilespmem:s3+$0x880]  }
0x2ee: {  	v7 =	vld [tilespmem:s3+$0x890]  }
0x2ef: {  	v8 =	vld [tilespmem:s3+$0x8A0]  }
0x2f0: {  	v9 =	vld [tilespmem:s3+$0x8B0]  }
0x2f1: {  	s6 =	sshll.u32 s1, $0xA;
	v10 =	vld [tilespmem:s3+$0x8C0]  }
0x2f2: {  	s2 =	sand.u32 $0x3FFFE000, s6;
	v11 =	vld [tilespmem:s3+$0x8D0]  }
0x2f3: {  	v12 =	vld [tilespmem:s3+$0x8E0];
	s2 =	sor.u32 s4, s2;
	v14 =	vshll.u32 v6, $0x10  }
0x2f4: {  	v13 =	vld [tilespmem:s3+$0x8F0];
	v6 =	vand.u32 $0xFFFF0000, v6;
	[tilespmem:s2+$0x8880] =	vst v14  }
0x2f5: {  	[tilespmem:s2+$0x9880] =	vst v6;
	v6 =	vshll.u32 v7, $0x10  }
0x2f6: {  	[tilespmem:s2+$0x8890] =	vst v6;
	v6 =	vand.u32 $0xFFFF0000, v7  }
0x2f7: {  	[tilespmem:s2+$0x9890] =	vst v6;
	v6 =	vshll.u32 v8, $0x10  }
0x2f8: {  	[tilespmem:s2+$0x88A0] =	vst v6;
	v6 =	vand.u32 $0xFFFF0000, v8  }
0x2f9: {  	[tilespmem:s2+$0x98A0] =	vst v6;
	v6 =	vshll.u32 v9, $0x10  }
0x2fa: {  	[tilespmem:s2+$0x88B0] =	vst v6;
	v6 =	vand.u32 $0xFFFF0000, v9  }
0x2fb: {  	[tilespmem:s2+$0x98B0] =	vst v6;
	v6 =	vshll.u32 v10, $0x10  }
0x2fc: {  	[tilespmem:s2+$0x88C0] =	vst v6;
	v6 =	vand.u32 $0xFFFF0000, v10  }
0x2fd: {  	[tilespmem:s2+$0x98C0] =	vst v6;
	v6 =	vshll.u32 v11, $0x10  }
0x2fe: {  	[tilespmem:s2+$0x88D0] =	vst v6;
	v6 =	vand.u32 $0xFFFF0000, v11  }
0x2ff: {  	[tilespmem:s2+$0x98D0] =	vst v6;
	v6 =	vshll.u32 v12, $0x10  }
0x300: {  	[tilespmem:s2+$0x88E0] =	vst v6;
	v6 =	vand.u32 $0xFFFF0000, v12  }
0x301: {  	[tilespmem:s2+$0x98E0] =	vst v6;
	v6 =	vshll.u32 v13, $0x10  }
0x302: {  	[tilespmem:s2+$0x88F0] =	vst v6;
	v6 =	vand.u32 $0xFFFF0000, v13  }
0x303: {  	[tilespmem:s2+$0x98F0] =	vst v6  }
0x304: {  	v6 =	vld [tilespmem:s3+$0xC80]  }
0x305: {  	v7 =	vld [tilespmem:s3+$0xC90]  }
0x306: {  	v43 =	vld [tilespmem:s3+$0xCA0]  }
0x307: {  	v44 =	vld [tilespmem:s3+$0xCB0]  }
0x308: {  	v45 =	vld [tilespmem:s3+$0xCC0]  }
0x309: {  	v46 =	vld [tilespmem:s3+$0xCD0]  }
0x30a: {  	v47 =	vld [tilespmem:s3+$0xCE0];
	v49 =	vshll.u32 v6, $0x10  }
0x30b: {  	v48 =	vld [tilespmem:s3+$0xCF0];
	v6 =	vand.u32 $0xFFFF0000, v6;
	[tilespmem:s2+$0x8C80] =	vst v49  }
0x30c: {  	[tilespmem:s2+$0x9C80] =	vst v6;
	v6 =	vshll.u32 v7, $0x10  }
0x30d: {  	[tilespmem:s2+$0x8C90] =	vst v6;
	v6 =	vand.u32 $0xFFFF0000, v7  }
0x30e: {  	[tilespmem:s2+$0x9C90] =	vst v6;
	v6 =	vshll.u32 v43, $0x10  }
0x30f: {  	[tilespmem:s2+$0x8CA0] =	vst v6;
	v6 =	vand.u32 $0xFFFF0000, v43  }
0x310: {  	[tilespmem:s2+$0x9CA0] =	vst v6;
	v6 =	vshll.u32 v44, $0x10  }
0x311: {  	[tilespmem:s2+$0x8CB0] =	vst v6;
	v6 =	vand.u32 $0xFFFF0000, v44  }
0x312: {  	[tilespmem:s2+$0x9CB0] =	vst v6;
	v6 =	vshll.u32 v45, $0x10  }
0x313: {  	[tilespmem:s2+$0x8CC0] =	vst v6;
	v6 =	vand.u32 $0xFFFF0000, v45  }
0x314: {  	[tilespmem:s2+$0x9CC0] =	vst v6;
	v6 =	vshll.u32 v46, $0x10  }
0x315: {  	[tilespmem:s2+$0x8CD0] =	vst v6;
	v6 =	vand.u32 $0xFFFF0000, v46  }
0x316: {  	[tilespmem:s2+$0x9CD0] =	vst v6;
	v6 =	vshll.u32 v47, $0x10  }
0x317: {  	[tilespmem:s2+$0x8CE0] =	vst v6;
	v6 =	vand.u32 $0xFFFF0000, v47  }
0x318: {  	[tilespmem:s2+$0x9CE0] =	vst v6;
	v6 =	vshll.u32 v48, $0x10  }
0x319: {  	[tilespmem:s2+$0x8CF0] =	vst v6;
	v6 =	vand.u32 $0xFFFF0000, v48  }
0x31a: {  	[tilespmem:s2+$0x9CF0] =	vst v6  }
0x31b: {  	v6 =	vld [tilespmem:s3+$0x1080]  }
0x31c: {  	v7 =	vld [tilespmem:s3+$0x1090]  }
0x31d: {  	v50 =	vld [tilespmem:s3+$0x10A0]  }
0x31e: {  	v51 =	vld [tilespmem:s3+$0x10B0]  }
0x31f: {  	v52 =	vld [tilespmem:s3+$0x10C0]  }
0x320: {  	v53 =	vld [tilespmem:s3+$0x10D0]  }
0x321: {  	v54 =	vld [tilespmem:s3+$0x10E0];
	v56 =	vshll.u32 v6, $0x10  }
0x322: {  	v55 =	vld [tilespmem:s3+$0x10F0];
	v6 =	vand.u32 $0xFFFF0000, v6;
	[tilespmem:s2+$0x9080] =	vst v56  }
0x323: {  	[tilespmem:s2+$0xA080] =	vst v6;
	v6 =	vshll.u32 v7, $0x10  }
0x324: {  	[tilespmem:s2+$0x9090] =	vst v6;
	v6 =	vand.u32 $0xFFFF0000, v7  }
0x325: {  	[tilespmem:s2+$0xA090] =	vst v6;
	v6 =	vshll.u32 v50, $0x10  }
0x326: {  	[tilespmem:s2+$0x90A0] =	vst v6;
	v6 =	vand.u32 $0xFFFF0000, v50  }
0x327: {  	[tilespmem:s2+$0xA0A0] =	vst v6;
	v6 =	vshll.u32 v51, $0x10  }
0x328: {  	[tilespmem:s2+$0x90B0] =	vst v6;
	v6 =	vand.u32 $0xFFFF0000, v51  }
0x329: {  	[tilespmem:s2+$0xA0B0] =	vst v6;
	v6 =	vshll.u32 v52, $0x10  }
0x32a: {  	[tilespmem:s2+$0x90C0] =	vst v6;
	v6 =	vand.u32 $0xFFFF0000, v52  }
0x32b: {  	[tilespmem:s2+$0xA0C0] =	vst v6;
	v6 =	vshll.u32 v53, $0x10  }
0x32c: {  	[tilespmem:s2+$0x90D0] =	vst v6;
	v6 =	vand.u32 $0xFFFF0000, v53  }
0x32d: {  	[tilespmem:s2+$0xA0D0] =	vst v6;
	v6 =	vshll.u32 v54, $0x10  }
0x32e: {  	[tilespmem:s2+$0x90E0] =	vst v6;
	v6 =	vand.u32 $0xFFFF0000, v54  }
0x32f: {  	[tilespmem:s2+$0xA0E0] =	vst v6;
	v6 =	vshll.u32 v55, $0x10  }
0x330: {  	[tilespmem:s2+$0x90F0] =	vst v6;
	v6 =	vand.u32 $0xFFFF0000, v55  }
0x331: {  	[tilespmem:s2+$0xA0F0] =	vst v6  }
0x332: {  	v6 =	vld [tilespmem:s3+$0x1480]  }
0x333: {  	v7 =	vld [tilespmem:s3+$0x1490]  }
0x334: {  	v57 =	vld [tilespmem:s3+$0x14A0]  }
0x335: {  	v58 =	vld [tilespmem:s3+$0x14B0]  }
0x336: {  	v59 =	vld [tilespmem:s3+$0x14C0]  }
0x337: {  	v60 =	vld [tilespmem:s3+$0x14D0]  }
0x338: {  	v61 =	vld [tilespmem:s3+$0x14E0];
	v63 =	vshll.u32 v6, $0x10  }
0x339: {  	v62 =	vld [tilespmem:s3+$0x14F0];
	v6 =	vand.u32 $0xFFFF0000, v6;
	[tilespmem:s2+$0x9480] =	vst v63  }
0x33a: {  	[tilespmem:s2+$0xA480] =	vst v6;
	v6 =	vshll.u32 v7, $0x10  }
0x33b: {  	[tilespmem:s2+$0x9490] =	vst v6;
	v6 =	vand.u32 $0xFFFF0000, v7  }
0x33c: {  	[tilespmem:s2+$0xA490] =	vst v6;
	v6 =	vshll.u32 v57, $0x10  }
0x33d: {  	[tilespmem:s2+$0x94A0] =	vst v6;
	v6 =	vand.u32 $0xFFFF0000, v57  }
0x33e: {  	[tilespmem:s2+$0xA4A0] =	vst v6;
	v6 =	vshll.u32 v58, $0x10  }
0x33f: {  	[tilespmem:s2+$0x94B0] =	vst v6;
	v6 =	vand.u32 $0xFFFF0000, v58  }
0x340: {  	[tilespmem:s2+$0xA4B0] =	vst v6;
	v6 =	vshll.u32 v59, $0x10  }
0x341: {  	[tilespmem:s2+$0x94C0] =	vst v6;
	v6 =	vand.u32 $0xFFFF0000, v59  }
0x342: {  	[tilespmem:s2+$0xA4C0] =	vst v6;
	v6 =	vshll.u32 v60, $0x10  }
0x343: {  	p1 =	sne.s32 s1, $0x1F;
	[tilespmem:s2+$0x94D0] =	vst v6;
	v6 =	vand.u32 $0xFFFF0000, v60  }
.Ltmp3:
0x344: {  	[tilespmem:s2+$0xA4D0] =	vst v6;
	v6 =	vshll.u32 v61, $0x10;
	(pc) =	sbr.rel @p1 .LBB2_9-.Ltmp3, $4  }
0x345: {  	[tilespmem:s2+$0x94E0] =	vst v6;
	v6 =	vand.u32 $0xFFFF0000, v61  }
0x346: {  	[tilespmem:s2+$0xA4E0] =	vst v6;
	v6 =	vshll.u32 v62, $0x10  }
0x347: {  	[tilespmem:s2+$0x94F0] =	vst v6;
	v6 =	vand.u32 $0xFFFF0000, v62  }
0x348: {  	s0 =	sadd.s32 $0x80, s0;
	s1 =	sadd.s32 $0x1, s1;
	[tilespmem:s2+$0xA4F0] =	vst v6  }
0x349: {  	s0 =	sshll.u32 s7, $0x6  }
0x34a: {  	s1 =	sand.u32 $0x3FFFFFC0, s0  }
0x34b: {  	v6 =	vld [tilespmem:s1+$0x500];
	_ =	sdelay $0x4  }
0x34c: {  	v7 =	vshll.u32 v6, $0x2  }
0x34d: {  	v6 =	vand.u32 $0x7, v6;
	v7 =	vand.u32 $0xFFFFFFE0, v7  }
0x34e: {  	v6 =	vor.u32 v6, v7  }
0x34f: {  	v7 =	vperm.xlane v6, v3;
	_ =	sdelay $0x1  }
0x350: {  	v7 =	vadd.s32 v4, v7;
	_ =	sdelay $0x1  }
0x351: {  	v6 =	vperm.xlane v6, v5;
	_ =	sdelay $0x1  }
0x352: {  	s2 =	simm.s32 $0x0;
	v6 =	vadd.s32 v4, v6  }
0x353: {  	[tilespmem:s14], [sflag:$0x1] =	stream.indirect_vreg.gather [hbm4b:s10+s2], $0x80, v7, vm9, $0xb8;
	[tilespmem:$0x18880] =	vst v63  }
0x354: {  	_ = 	snop  }
0x355: {  	[tilespmem:s15], [sflag:$0x1] =	stream.indirect_vreg.gather [hbm4b:s11+s2], $0x80, v7, vm9, $0xb8;
	[tilespmem:$0x18880] =	vst v63  }
0x356: {  	_ = 	snop  }
0x357: {  	[tilespmem:s16], [sflag:$0x1] =	stream.indirect_vreg.gather [hbm4b:s10+s2], $0x80, v6, vm9, $0xb8;
	[tilespmem:$0x18880] =	vst v63  }
0x358: {  	_ = 	snop  }
0x359: {  	[tilespmem:s17], [sflag:$0x1] =	stream.indirect_vreg.gather [hbm4b:s11+s2], $0x80, v6, vm9, $0xb8;
	[tilespmem:$0x18880] =	vst v63  }
0x35a: {  	v6 =	vld [tilespmem:s1+$0x510];
	_ =	sdelay $0x4  }
0x35b: {  	v7 =	vshll.u32 v6, $0x2  }
0x35c: {  	v6 =	vand.u32 $0x7, v6;
	v7 =	vand.u32 $0xFFFFFFE0, v7  }
0x35d: {  	v6 =	vor.u32 v6, v7  }
0x35e: {  	v7 =	vperm.xlane v6, v3;
	_ =	sdelay $0x1  }
0x35f: {  	v7 =	vadd.s32 v4, v7;
	_ =	sdelay $0x1  }
0x360: {  	v6 =	vperm.xlane v6, v5;
	_ =	sdelay $0x1  }
0x361: {  	v6 =	vadd.s32 v4, v6  }
0x362: {  	[tilespmem:s18], [sflag:$0x1] =	stream.indirect_vreg.gather [hbm4b:s10+s2], $0x80, v7, vm9, $0xb8;
	[tilespmem:$0x18880] =	vst v63  }
0x363: {  	_ = 	snop  }
0x364: {  	[tilespmem:s19], [sflag:$0x1] =	stream.indirect_vreg.gather [hbm4b:s11+s2], $0x80, v7, vm9, $0xb8;
	[tilespmem:$0x18880] =	vst v63  }
0x365: {  	s3 =	sadd.s32 s0, s12  }
0x366: {  	[tilespmem:s20], [sflag:$0x1] =	stream.indirect_vreg.gather [hbm4b:s10+s2], $0x80, v6, vm9, $0xb8;
	[tilespmem:$0x18880] =	vst v63  }
0x367: {  	s3 =	sshll.u32 s3, $0x7  }
0x368: {  	[tilespmem:s21], [sflag:$0x1] =	stream.indirect_vreg.gather [hbm4b:s11+s2], $0x80, v6, vm9, $0xb8;
	[tilespmem:$0x18880] =	vst v63  }
0x369: {  	s4 =	simm.s32 $0x8880;
	s5 =	simm.s32 $0x2;
	s3 =	sadd.s32 s8, s3  }
0x36a: {  	[hbm4b:s3+s2] =	stream.linear.scatter [tilespmem:s4], [sflag:$0x3], $0x8000, $0x38;
	[tilespmem:$0x18880] =	vst v63  }
0x36b: {  	_ =	swait.ge [sflag:s5], $0x4000  }
0x36c: {  	[sflag:s5] =	ssyncset.done $0x0  }
0x36d: {  	s6 =	simm.s32 $0x4;
	[sflag:s5] =	ssyncadd.s32 $0xFFFFC000  }
0x36e: {  	_ =	swait.ge [sflag:s6], $0x8000  }
0x36f: {  	[sflag:s6] =	ssyncset.done $0x0  }
0x370: {  	s3 =	simm.s32 $0x0;
	[sflag:s6] =	ssyncadd.s32 $0xFFFF8000  }
.LBB2_11:
0x371: {  	s4 =	sshll.u32 s3, $0x9  }
0x372: {  	s6 =	sand.u32 $0x380, s2;
	s4 =	sand.u32 $0x3FFFF000, s4  }
0x373: {  	s5 =	sor.u32 s6, s4  }
0x374: {  	v6 =	vld [tilespmem:s5+$0x4880]  }
0x375: {  	v7 =	vld [tilespmem:s5+$0x4890]  }
0x376: {  	v8 =	vld [tilespmem:s5+$0x48A0]  }
0x377: {  	v9 =	vld [tilespmem:s5+$0x48B0]  }
0x378: {  	s4 =	sshll.u32 s3, $0xA;
	v10 =	vld [tilespmem:s5+$0x48C0]  }
0x379: {  	v11 =	vld [tilespmem:s5+$0x48D0];
	s4 =	sand.u32 $0x3FFFE000, s4  }
0x37a: {  	v12 =	vld [tilespmem:s5+$0x48E0];
	s6 =	sor.u32 s6, s4;
	v14 =	vshll.u32 v6, $0x10  }
0x37b: {  	v13 =	vld [tilespmem:s5+$0x48F0];
	s4 =	sadd.s32 $0x10880, s6;
	v6 =	vand.u32 $0xFFFF0000, v6;
	[tilespmem:s6+$0x10880] =	vst v14  }
0x37c: {  	[tilespmem:s4+$0x1000] =	vst v6;
	v6 =	vshll.u32 v7, $0x10  }
0x37d: {  	[tilespmem:s4+$0x10] =	vst v6;
	v6 =	vand.u32 $0xFFFF0000, v7  }
0x37e: {  	[tilespmem:s4+$0x1010] =	vst v6;
	v6 =	vshll.u32 v8, $0x10  }
0x37f: {  	[tilespmem:s4+$0x20] =	vst v6;
	v6 =	vand.u32 $0xFFFF0000, v8  }
0x380: {  	[tilespmem:s4+$0x1020] =	vst v6;
	v6 =	vshll.u32 v9, $0x10  }
0x381: {  	[tilespmem:s4+$0x30] =	vst v6;
	v6 =	vand.u32 $0xFFFF0000, v9  }
0x382: {  	[tilespmem:s4+$0x1030] =	vst v6;
	v6 =	vshll.u32 v10, $0x10  }
0x383: {  	[tilespmem:s4+$0x40] =	vst v6;
	v6 =	vand.u32 $0xFFFF0000, v10  }
0x384: {  	[tilespmem:s4+$0x1040] =	vst v6;
	v6 =	vshll.u32 v11, $0x10  }
0x385: {  	[tilespmem:s4+$0x50] =	vst v6;
	v6 =	vand.u32 $0xFFFF0000, v11  }
0x386: {  	[tilespmem:s4+$0x1050] =	vst v6;
	v6 =	vshll.u32 v12, $0x10  }
0x387: {  	[tilespmem:s4+$0x60] =	vst v6;
	v6 =	vand.u32 $0xFFFF0000, v12  }
0x388: {  	[tilespmem:s4+$0x1060] =	vst v6;
	v6 =	vshll.u32 v13, $0x10  }
0x389: {  	[tilespmem:s4+$0x70] =	vst v6;
	v6 =	vand.u32 $0xFFFF0000, v13  }
0x38a: {  	[tilespmem:s4+$0x1070] =	vst v6  }
0x38b: {  	v6 =	vld [tilespmem:s5+$0x4C80]  }
0x38c: {  	v7 =	vld [tilespmem:s5+$0x4C90]  }
0x38d: {  	v43 =	vld [tilespmem:s5+$0x4CA0]  }
0x38e: {  	v44 =	vld [tilespmem:s5+$0x4CB0]  }
0x38f: {  	v45 =	vld [tilespmem:s5+$0x4CC0]  }
0x390: {  	v46 =	vld [tilespmem:s5+$0x4CD0]  }
0x391: {  	v47 =	vld [tilespmem:s5+$0x4CE0];
	v49 =	vshll.u32 v6, $0x10  }
0x392: {  	v48 =	vld [tilespmem:s5+$0x4CF0];
	v6 =	vand.u32 $0xFFFF0000, v6;
	[tilespmem:s4+$0x400] =	vst v49  }
0x393: {  	[tilespmem:s4+$0x1400] =	vst v6;
	v6 =	vshll.u32 v7, $0x10  }
0x394: {  	[tilespmem:s4+$0x410] =	vst v6;
	v6 =	vand.u32 $0xFFFF0000, v7  }
0x395: {  	[tilespmem:s4+$0x1410] =	vst v6;
	v6 =	vshll.u32 v43, $0x10  }
0x396: {  	[tilespmem:s4+$0x420] =	vst v6;
	v6 =	vand.u32 $0xFFFF0000, v43  }
0x397: {  	[tilespmem:s4+$0x1420] =	vst v6;
	v6 =	vshll.u32 v44, $0x10  }
0x398: {  	[tilespmem:s4+$0x430] =	vst v6;
	v6 =	vand.u32 $0xFFFF0000, v44  }
0x399: {  	[tilespmem:s4+$0x1430] =	vst v6;
	v6 =	vshll.u32 v45, $0x10  }
0x39a: {  	[tilespmem:s4+$0x440] =	vst v6;
	v6 =	vand.u32 $0xFFFF0000, v45  }
0x39b: {  	[tilespmem:s4+$0x1440] =	vst v6;
	v6 =	vshll.u32 v46, $0x10  }
0x39c: {  	[tilespmem:s4+$0x450] =	vst v6;
	v6 =	vand.u32 $0xFFFF0000, v46  }
0x39d: {  	[tilespmem:s4+$0x1450] =	vst v6;
	v6 =	vshll.u32 v47, $0x10  }
0x39e: {  	[tilespmem:s4+$0x460] =	vst v6;
	v6 =	vand.u32 $0xFFFF0000, v47  }
0x39f: {  	[tilespmem:s4+$0x1460] =	vst v6;
	v6 =	vshll.u32 v48, $0x10  }
0x3a0: {  	[tilespmem:s4+$0x470] =	vst v6;
	v6 =	vand.u32 $0xFFFF0000, v48  }
0x3a1: {  	[tilespmem:s4+$0x1470] =	vst v6  }
0x3a2: {  	v6 =	vld [tilespmem:s5+$0x5080]  }
0x3a3: {  	v7 =	vld [tilespmem:s5+$0x5090]  }
0x3a4: {  	v50 =	vld [tilespmem:s5+$0x50A0]  }
0x3a5: {  	v51 =	vld [tilespmem:s5+$0x50B0]  }
0x3a6: {  	v52 =	vld [tilespmem:s5+$0x50C0]  }
0x3a7: {  	v53 =	vld [tilespmem:s5+$0x50D0]  }
0x3a8: {  	v54 =	vld [tilespmem:s5+$0x50E0];
	v56 =	vshll.u32 v6, $0x10  }
0x3a9: {  	v55 =	vld [tilespmem:s5+$0x50F0];
	v6 =	vand.u32 $0xFFFF0000, v6;
	[tilespmem:s4+$0x800] =	vst v56  }
0x3aa: {  	[tilespmem:s4+$0x1800] =	vst v6;
	v6 =	vshll.u32 v7, $0x10  }
0x3ab: {  	[tilespmem:s4+$0x810] =	vst v6;
	v6 =	vand.u32 $0xFFFF0000, v7  }
0x3ac: {  	[tilespmem:s4+$0x1810] =	vst v6;
	v6 =	vshll.u32 v50, $0x10  }
0x3ad: {  	[tilespmem:s4+$0x820] =	vst v6;
	v6 =	vand.u32 $0xFFFF0000, v50  }
0x3ae: {  	[tilespmem:s4+$0x1820] =	vst v6;
	v6 =	vshll.u32 v51, $0x10  }
0x3af: {  	[tilespmem:s4+$0x830] =	vst v6;
	v6 =	vand.u32 $0xFFFF0000, v51  }
0x3b0: {  	[tilespmem:s4+$0x1830] =	vst v6;
	v6 =	vshll.u32 v52, $0x10  }
0x3b1: {  	[tilespmem:s4+$0x840] =	vst v6;
	v6 =	vand.u32 $0xFFFF0000, v52  }
0x3b2: {  	[tilespmem:s4+$0x1840] =	vst v6;
	v6 =	vshll.u32 v53, $0x10  }
0x3b3: {  	[tilespmem:s4+$0x850] =	vst v6;
	v6 =	vand.u32 $0xFFFF0000, v53  }
0x3b4: {  	[tilespmem:s4+$0x1850] =	vst v6;
	v6 =	vshll.u32 v54, $0x10  }
0x3b5: {  	[tilespmem:s4+$0x860] =	vst v6;
	v6 =	vand.u32 $0xFFFF0000, v54  }
0x3b6: {  	[tilespmem:s4+$0x1860] =	vst v6;
	v6 =	vshll.u32 v55, $0x10  }
0x3b7: {  	[tilespmem:s4+$0x870] =	vst v6;
	v6 =	vand.u32 $0xFFFF0000, v55  }
0x3b8: {  	[tilespmem:s4+$0x1870] =	vst v6  }
0x3b9: {  	v6 =	vld [tilespmem:s5+$0x5480]  }
0x3ba: {  	v7 =	vld [tilespmem:s5+$0x5490]  }
0x3bb: {  	v57 =	vld [tilespmem:s5+$0x54A0]  }
0x3bc: {  	v58 =	vld [tilespmem:s5+$0x54B0]  }
0x3bd: {  	v59 =	vld [tilespmem:s5+$0x54C0]  }
0x3be: {  	v60 =	vld [tilespmem:s5+$0x54D0]  }
0x3bf: {  	v61 =	vld [tilespmem:s5+$0x54E0];
	v63 =	vshll.u32 v6, $0x10  }
0x3c0: {  	v62 =	vld [tilespmem:s5+$0x54F0];
	v6 =	vand.u32 $0xFFFF0000, v6;
	[tilespmem:s4+$0xC00] =	vst v63  }
0x3c1: {  	[tilespmem:s4+$0x1C00] =	vst v6;
	v6 =	vshll.u32 v7, $0x10  }
0x3c2: {  	[tilespmem:s4+$0xC10] =	vst v6;
	v6 =	vand.u32 $0xFFFF0000, v7  }
0x3c3: {  	[tilespmem:s4+$0x1C10] =	vst v6;
	v6 =	vshll.u32 v57, $0x10  }
0x3c4: {  	[tilespmem:s4+$0xC20] =	vst v6;
	v6 =	vand.u32 $0xFFFF0000, v57  }
0x3c5: {  	[tilespmem:s4+$0x1C20] =	vst v6;
	v6 =	vshll.u32 v58, $0x10  }
0x3c6: {  	[tilespmem:s4+$0xC30] =	vst v6;
	v6 =	vand.u32 $0xFFFF0000, v58  }
0x3c7: {  	[tilespmem:s4+$0x1C30] =	vst v6;
	v6 =	vshll.u32 v59, $0x10  }
0x3c8: {  	[tilespmem:s4+$0xC40] =	vst v6;
	v6 =	vand.u32 $0xFFFF0000, v59  }
0x3c9: {  	[tilespmem:s4+$0x1C40] =	vst v6;
	v6 =	vshll.u32 v60, $0x10  }
0x3ca: {  	p1 =	sne.s32 s3, $0x1F;
	[tilespmem:s4+$0xC50] =	vst v6;
	v6 =	vand.u32 $0xFFFF0000, v60  }
.Ltmp4:
0x3cb: {  	[tilespmem:s4+$0x1C50] =	vst v6;
	v6 =	vshll.u32 v61, $0x10;
	(pc) =	sbr.rel @p1 .LBB2_11-.Ltmp4, $4  }
0x3cc: {  	[tilespmem:s4+$0xC60] =	vst v6;
	v6 =	vand.u32 $0xFFFF0000, v61  }
0x3cd: {  	[tilespmem:s4+$0x1C60] =	vst v6;
	v6 =	vshll.u32 v62, $0x10  }
0x3ce: {  	[tilespmem:s4+$0xC70] =	vst v6;
	v6 =	vand.u32 $0xFFFF0000, v62  }
0x3cf: {  	s2 =	sadd.s32 $0x80, s2;
	s3 =	sadd.s32 $0x1, s3;
	[tilespmem:s4+$0x1C70] =	vst v6  }
0x3d0: {  	v6 =	vld [tilespmem:s1+$0x520];
	_ =	sdelay $0x4  }
0x3d1: {  	v7 =	vshll.u32 v6, $0x2  }
0x3d2: {  	v6 =	vand.u32 $0x7, v6;
	v7 =	vand.u32 $0xFFFFFFE0, v7  }
0x3d3: {  	v6 =	vor.u32 v6, v7  }
0x3d4: {  	v7 =	vperm.xlane v6, v3;
	_ =	sdelay $0x1  }
0x3d5: {  	v7 =	vadd.s32 v4, v7;
	_ =	sdelay $0x1  }
0x3d6: {  	v6 =	vperm.xlane v6, v5;
	_ =	sdelay $0x1  }
0x3d7: {  	v6 =	vadd.s32 v4, v6  }
0x3d8: {  	[tilespmem:s22], [sflag:$0x2] =	stream.indirect_vreg.gather [hbm4b:s10+s9], $0x80, v7, vm9, $0xb8;
	[tilespmem:$0x18880] =	vst v63  }
0x3d9: {  	_ = 	snop  }
0x3da: {  	[tilespmem:s23], [sflag:$0x2] =	stream.indirect_vreg.gather [hbm4b:s11+s9], $0x80, v7, vm9, $0xb8;
	[tilespmem:$0x18880] =	vst v63  }
0x3db: {  	_ = 	snop  }
0x3dc: {  	[tilespmem:s24], [sflag:$0x2] =	stream.indirect_vreg.gather [hbm4b:s10+s9], $0x80, v6, vm9, $0xb8;
	[tilespmem:$0x18880] =	vst v63  }
0x3dd: {  	_ = 	snop  }
0x3de: {  	[tilespmem:s25], [sflag:$0x2] =	stream.indirect_vreg.gather [hbm4b:s11+s9], $0x80, v6, vm9, $0xb8;
	[tilespmem:$0x18880] =	vst v63  }
0x3df: {  	v6 =	vld [tilespmem:s1+$0x530];
	_ =	sdelay $0x4  }
0x3e0: {  	v7 =	vshll.u32 v6, $0x2  }
0x3e1: {  	v6 =	vand.u32 $0x7, v6;
	v7 =	vand.u32 $0xFFFFFFE0, v7  }
0x3e2: {  	v6 =	vor.u32 v6, v7  }
0x3e3: {  	v7 =	vperm.xlane v6, v3;
	_ =	sdelay $0x1  }
0x3e4: {  	v7 =	vadd.s32 v4, v7;
	_ =	sdelay $0x1  }
0x3e5: {  	v6 =	vperm.xlane v6, v5;
	_ =	sdelay $0x1  }
0x3e6: {  	v6 =	vadd.s32 v4, v6  }
0x3e7: {  	[tilespmem:s26], [sflag:$0x2] =	stream.indirect_vreg.gather [hbm4b:s10+s9], $0x80, v7, vm9, $0xb8;
	[tilespmem:$0x18880] =	vst v63  }
0x3e8: {  	s7 =	sadd.s32 $0x1, s7  }
0x3e9: {  	[tilespmem:s28], [sflag:$0x2] =	stream.indirect_vreg.gather [hbm4b:s11+s9], $0x80, v7, vm9, $0xb8;
	[tilespmem:$0x18880] =	vst v63  }
0x3ea: {  	p1 =	sne.s32 s7, $0xE  }
0x3eb: {  	[tilespmem:s29], [sflag:$0x2] =	stream.indirect_vreg.gather [hbm4b:s10+s9], $0x80, v6, vm9, $0xb8;
	[tilespmem:$0x18880] =	vst v63  }
.Ltmp5:
0x3ec: {  	s0 =	sadd.s32 s0, s13;
	(pc) =	sbr.rel @p1 .LBB2_8-.Ltmp5, $4  }
0x3ed: {  	s0 =	sshll.u32 s0, $0x7  }
0x3ee: {  	[tilespmem:s30], [sflag:$0x2] =	stream.indirect_vreg.gather [hbm4b:s11+s9], $0x80, v6, vm9, $0xb8;
	[tilespmem:$0x18880] =	vst v63  }
0x3ef: {  	s6 =	simm.s32 $0x10880;
	s0 =	sadd.s32 s8, s0  }
0x3f0: {  	[hbm4b:s0+s9] =	stream.linear.scatter [tilespmem:s6], [sflag:$0x4], $0x8000, $0x38;
	[tilespmem:$0x18880] =	vst v63  }
0x3f1: {  	_ =	swait.ge [sflag:s31], $0x4000  }
0x3f2: {  	[sflag:s31] =	ssyncset.done $0x0  }
0x3f3: {  	s0 =	simm.s32 $0x3;
	[sflag:s31] =	ssyncadd.s32 $0xFFFFC000  }
0x3f4: {  	_ =	swait.ge [sflag:s0], $0x8000  }
0x3f5: {  	[sflag:s0] =	ssyncset.done $0x0  }
0x3f6: {  	s1 =	simm.s32 $0x0;
	[sflag:s0] =	ssyncadd.s32 $0xFFFF8000;
	s0 =	simm.s32 $0x0  }
.LBB2_14:
0x3f7: {  	s2 =	sshll.u32 s1, $0x9  }
0x3f8: {  	s4 =	sand.u32 $0x380, s0;
	s2 =	sand.u32 $0x3FFFF000, s2  }
0x3f9: {  	s3 =	sor.u32 s4, s2  }
0x3fa: {  	v6 =	vld [tilespmem:s3+$0x880]  }
0x3fb: {  	v7 =	vld [tilespmem:s3+$0x890]  }
0x3fc: {  	v8 =	vld [tilespmem:s3+$0x8A0]  }
0x3fd: {  	v9 =	vld [tilespmem:s3+$0x8B0]  }
0x3fe: {  	s31 =	sshll.u32 s1, $0xA;
	v10 =	vld [tilespmem:s3+$0x8C0]  }
0x3ff: {  	s2 =	sand.u32 $0x3FFFE000, s31;
	v11 =	vld [tilespmem:s3+$0x8D0]  }
0x400: {  	v12 =	vld [tilespmem:s3+$0x8E0];
	s2 =	sor.u32 s4, s2;
	v14 =	vshll.u32 v6, $0x10  }
0x401: {  	v13 =	vld [tilespmem:s3+$0x8F0];
	v6 =	vand.u32 $0xFFFF0000, v6;
	[tilespmem:s2+$0x8880] =	vst v14  }
0x402: {  	[tilespmem:s2+$0x9880] =	vst v6;
	v6 =	vshll.u32 v7, $0x10  }
0x403: {  	[tilespmem:s2+$0x8890] =	vst v6;
	v6 =	vand.u32 $0xFFFF0000, v7  }
0x404: {  	[tilespmem:s2+$0x9890] =	vst v6;
	v6 =	vshll.u32 v8, $0x10  }
0x405: {  	[tilespmem:s2+$0x88A0] =	vst v6;
	v6 =	vand.u32 $0xFFFF0000, v8  }
0x406: {  	[tilespmem:s2+$0x98A0] =	vst v6;
	v6 =	vshll.u32 v9, $0x10  }
0x407: {  	[tilespmem:s2+$0x88B0] =	vst v6;
	v6 =	vand.u32 $0xFFFF0000, v9  }
0x408: {  	[tilespmem:s2+$0x98B0] =	vst v6;
	v6 =	vshll.u32 v10, $0x10  }
0x409: {  	[tilespmem:s2+$0x88C0] =	vst v6;
	v6 =	vand.u32 $0xFFFF0000, v10  }
0x40a: {  	[tilespmem:s2+$0x98C0] =	vst v6;
	v6 =	vshll.u32 v11, $0x10  }
0x40b: {  	[tilespmem:s2+$0x88D0] =	vst v6;
	v6 =	vand.u32 $0xFFFF0000, v11  }
0x40c: {  	[tilespmem:s2+$0x98D0] =	vst v6;
	v6 =	vshll.u32 v12, $0x10  }
0x40d: {  	[tilespmem:s2+$0x88E0] =	vst v6;
	v6 =	vand.u32 $0xFFFF0000, v12  }
0x40e: {  	[tilespmem:s2+$0x98E0] =	vst v6;
	v6 =	vshll.u32 v13, $0x10  }
0x40f: {  	[tilespmem:s2+$0x88F0] =	vst v6;
	v6 =	vand.u32 $0xFFFF0000, v13  }
0x410: {  	[tilespmem:s2+$0x98F0] =	vst v6  }
0x411: {  	v6 =	vld [tilespmem:s3+$0xC80]  }
0x412: {  	v7 =	vld [tilespmem:s3+$0xC90]  }
0x413: {  	v43 =	vld [tilespmem:s3+$0xCA0]  }
0x414: {  	v44 =	vld [tilespmem:s3+$0xCB0]  }
0x415: {  	v45 =	vld [tilespmem:s3+$0xCC0]  }
0x416: {  	v46 =	vld [tilespmem:s3+$0xCD0]  }
0x417: {  	v47 =	vld [tilespmem:s3+$0xCE0];
	v49 =	vshll.u32 v6, $0x10  }
0x418: {  	v48 =	vld [tilespmem:s3+$0xCF0];
	v6 =	vand.u32 $0xFFFF0000, v6;
	[tilespmem:s2+$0x8C80] =	vst v49  }
0x419: {  	[tilespmem:s2+$0x9C80] =	vst v6;
	v6 =	vshll.u32 v7, $0x10  }
0x41a: {  	[tilespmem:s2+$0x8C90] =	vst v6;
	v6 =	vand.u32 $0xFFFF0000, v7  }
0x41b: {  	[tilespmem:s2+$0x9C90] =	vst v6;
	v6 =	vshll.u32 v43, $0x10  }
0x41c: {  	[tilespmem:s2+$0x8CA0] =	vst v6;
	v6 =	vand.u32 $0xFFFF0000, v43  }
0x41d: {  	[tilespmem:s2+$0x9CA0] =	vst v6;
	v6 =	vshll.u32 v44, $0x10  }
0x41e: {  	[tilespmem:s2+$0x8CB0] =	vst v6;
	v6 =	vand.u32 $0xFFFF0000, v44  }
0x41f: {  	[tilespmem:s2+$0x9CB0] =	vst v6;
	v6 =	vshll.u32 v45, $0x10  }
0x420: {  	[tilespmem:s2+$0x8CC0] =	vst v6;
	v6 =	vand.u32 $0xFFFF0000, v45  }
0x421: {  	[tilespmem:s2+$0x9CC0] =	vst v6;
	v6 =	vshll.u32 v46, $0x10  }
0x422: {  	[tilespmem:s2+$0x8CD0] =	vst v6;
	v6 =	vand.u32 $0xFFFF0000, v46  }
0x423: {  	[tilespmem:s2+$0x9CD0] =	vst v6;
	v6 =	vshll.u32 v47, $0x10  }
0x424: {  	[tilespmem:s2+$0x8CE0] =	vst v6;
	v6 =	vand.u32 $0xFFFF0000, v47  }
0x425: {  	[tilespmem:s2+$0x9CE0] =	vst v6;
	v6 =	vshll.u32 v48, $0x10  }
0x426: {  	[tilespmem:s2+$0x8CF0] =	vst v6;
	v6 =	vand.u32 $0xFFFF0000, v48  }
0x427: {  	[tilespmem:s2+$0x9CF0] =	vst v6  }
0x428: {  	v6 =	vld [tilespmem:s3+$0x1080]  }
0x429: {  	v7 =	vld [tilespmem:s3+$0x1090]  }
0x42a: {  	v50 =	vld [tilespmem:s3+$0x10A0]  }
0x42b: {  	v51 =	vld [tilespmem:s3+$0x10B0]  }
0x42c: {  	v52 =	vld [tilespmem:s3+$0x10C0]  }
0x42d: {  	v53 =	vld [tilespmem:s3+$0x10D0]  }
0x42e: {  	v54 =	vld [tilespmem:s3+$0x10E0];
	v56 =	vshll.u32 v6, $0x10  }
0x42f: {  	v55 =	vld [tilespmem:s3+$0x10F0];
	v6 =	vand.u32 $0xFFFF0000, v6;
	[tilespmem:s2+$0x9080] =	vst v56  }
0x430: {  	[tilespmem:s2+$0xA080] =	vst v6;
	v6 =	vshll.u32 v7, $0x10  }
0x431: {  	[tilespmem:s2+$0x9090] =	vst v6;
	v6 =	vand.u32 $0xFFFF0000, v7  }
0x432: {  	[tilespmem:s2+$0xA090] =	vst v6;
	v6 =	vshll.u32 v50, $0x10  }
0x433: {  	[tilespmem:s2+$0x90A0] =	vst v6;
	v6 =	vand.u32 $0xFFFF0000, v50  }
0x434: {  	[tilespmem:s2+$0xA0A0] =	vst v6;
	v6 =	vshll.u32 v51, $0x10  }
0x435: {  	[tilespmem:s2+$0x90B0] =	vst v6;
	v6 =	vand.u32 $0xFFFF0000, v51  }
0x436: {  	[tilespmem:s2+$0xA0B0] =	vst v6;
	v6 =	vshll.u32 v52, $0x10  }
0x437: {  	[tilespmem:s2+$0x90C0] =	vst v6;
	v6 =	vand.u32 $0xFFFF0000, v52  }
0x438: {  	[tilespmem:s2+$0xA0C0] =	vst v6;
	v6 =	vshll.u32 v53, $0x10  }
0x439: {  	[tilespmem:s2+$0x90D0] =	vst v6;
	v6 =	vand.u32 $0xFFFF0000, v53  }
0x43a: {  	[tilespmem:s2+$0xA0D0] =	vst v6;
	v6 =	vshll.u32 v54, $0x10  }
0x43b: {  	[tilespmem:s2+$0x90E0] =	vst v6;
	v6 =	vand.u32 $0xFFFF0000, v54  }
0x43c: {  	[tilespmem:s2+$0xA0E0] =	vst v6;
	v6 =	vshll.u32 v55, $0x10  }
0x43d: {  	[tilespmem:s2+$0x90F0] =	vst v6;
	v6 =	vand.u32 $0xFFFF0000, v55  }
0x43e: {  	[tilespmem:s2+$0xA0F0] =	vst v6  }
0x43f: {  	v6 =	vld [tilespmem:s3+$0x1480]  }
0x440: {  	v7 =	vld [tilespmem:s3+$0x1490]  }
0x441: {  	v57 =	vld [tilespmem:s3+$0x14A0]  }
0x442: {  	v58 =	vld [tilespmem:s3+$0x14B0]  }
0x443: {  	v59 =	vld [tilespmem:s3+$0x14C0]  }
0x444: {  	v60 =	vld [tilespmem:s3+$0x14D0]  }
0x445: {  	v61 =	vld [tilespmem:s3+$0x14E0];
	v63 =	vshll.u32 v6, $0x10  }
0x446: {  	v62 =	vld [tilespmem:s3+$0x14F0];
	v6 =	vand.u32 $0xFFFF0000, v6;
	[tilespmem:s2+$0x9480] =	vst v63  }
0x447: {  	[tilespmem:s2+$0xA480] =	vst v6;
	v6 =	vshll.u32 v7, $0x10  }
0x448: {  	[tilespmem:s2+$0x9490] =	vst v6;
	v6 =	vand.u32 $0xFFFF0000, v7  }
0x449: {  	[tilespmem:s2+$0xA490] =	vst v6;
	v6 =	vshll.u32 v57, $0x10  }
0x44a: {  	[tilespmem:s2+$0x94A0] =	vst v6;
	v6 =	vand.u32 $0xFFFF0000, v57  }
0x44b: {  	[tilespmem:s2+$0xA4A0] =	vst v6;
	v6 =	vshll.u32 v58, $0x10  }
0x44c: {  	[tilespmem:s2+$0x94B0] =	vst v6;
	v6 =	vand.u32 $0xFFFF0000, v58  }
0x44d: {  	[tilespmem:s2+$0xA4B0] =	vst v6;
	v6 =	vshll.u32 v59, $0x10  }
0x44e: {  	[tilespmem:s2+$0x94C0] =	vst v6;
	v6 =	vand.u32 $0xFFFF0000, v59  }
0x44f: {  	[tilespmem:s2+$0xA4C0] =	vst v6;
	v6 =	vshll.u32 v60, $0x10  }
0x450: {  	p1 =	sne.s32 s1, $0x1F;
	[tilespmem:s2+$0x94D0] =	vst v6;
	v6 =	vand.u32 $0xFFFF0000, v60  }
.Ltmp6:
0x451: {  	[tilespmem:s2+$0xA4D0] =	vst v6;
	v6 =	vshll.u32 v61, $0x10;
	(pc) =	sbr.rel @p1 .LBB2_14-.Ltmp6, $4  }
0x452: {  	[tilespmem:s2+$0x94E0] =	vst v6;
	v6 =	vand.u32 $0xFFFF0000, v61  }
0x453: {  	[tilespmem:s2+$0xA4E0] =	vst v6;
	v6 =	vshll.u32 v62, $0x10  }
0x454: {  	[tilespmem:s2+$0x94F0] =	vst v6;
	v6 =	vand.u32 $0xFFFF0000, v62  }
0x455: {  	s0 =	sadd.s32 $0x80, s0;
	s1 =	sadd.s32 $0x1, s1;
	[tilespmem:s2+$0xA4F0] =	vst v6  }
0x456: {  	s1 =	sld [smem:$0x7F6];
	_ =	sdelay $0x1  }
0x457: {  	s0 =	simm.s32 $0x0;
	s2 =	simm.s32 $0x8880;
	s29 =	simm.s32 $0x3  }
0x458: {  	[hbm4b:s1+s0] =	stream.linear.scatter [tilespmem:s2], [sflag:$0x3], $0x8000, $0x38;
	[tilespmem:$0x18880] =	vst v63  }
0x459: {  	_ =	swait.ge [sflag:s29], $0x8000  }
0x45a: {  	[sflag:s29] =	ssyncset.done $0x0  }
0x45b: {  	s30 =	simm.s32 $0x2;
	[sflag:s29] =	ssyncadd.s32 $0xFFFF8000  }
0x45c: {  	_ =	swait.ge [sflag:s30], $0x4000  }
0x45d: {  	[sflag:s30] =	ssyncset.done $0x0  }
0x45e: {  	s31 =	simm.s32 $0x4;
	[sflag:s30] =	ssyncadd.s32 $0xFFFFC000  }
0x45f: {  	_ =	swait.ge [sflag:s31], $0x8000  }
0x460: {  	[sflag:s31] =	ssyncset.done $0x0  }
0x461: {  	s1 =	simm.s32 $0x0;
	[sflag:s31] =	ssyncadd.s32 $0xFFFF8000  }
.LBB2_16:
0x462: {  	s2 =	sshll.u32 s1, $0x9  }
0x463: {  	s4 =	sand.u32 $0x380, s0;
	s2 =	sand.u32 $0x3FFFF000, s2  }
0x464: {  	s3 =	sor.u32 s4, s2  }
0x465: {  	v6 =	vld [tilespmem:s3+$0x4880]  }
0x466: {  	v7 =	vld [tilespmem:s3+$0x4890]  }
0x467: {  	v8 =	vld [tilespmem:s3+$0x48A0]  }
0x468: {  	v9 =	vld [tilespmem:s3+$0x48B0]  }
0x469: {  	s31 =	sshll.u32 s1, $0xA;
	v10 =	vld [tilespmem:s3+$0x48C0]  }
0x46a: {  	s2 =	sand.u32 $0x3FFFE000, s31;
	v11 =	vld [tilespmem:s3+$0x48D0]  }
0x46b: {  	v12 =	vld [tilespmem:s3+$0x48E0];
	s4 =	sor.u32 s4, s2;
	v14 =	vshll.u32 v6, $0x10  }
0x46c: {  	v13 =	vld [tilespmem:s3+$0x48F0];
	s2 =	sadd.s32 $0x10880, s4;
	v6 =	vand.u32 $0xFFFF0000, v6;
	[tilespmem:s4+$0x10880] =	vst v14  }
0x46d: {  	[tilespmem:s2+$0x1000] =	vst v6;
	v6 =	vshll.u32 v7, $0x10  }
0x46e: {  	[tilespmem:s2+$0x10] =	vst v6;
	v6 =	vand.u32 $0xFFFF0000, v7  }
0x46f: {  	[tilespmem:s2+$0x1010] =	vst v6;
	v6 =	vshll.u32 v8, $0x10  }
0x470: {  	[tilespmem:s2+$0x20] =	vst v6;
	v6 =	vand.u32 $0xFFFF0000, v8  }
0x471: {  	[tilespmem:s2+$0x1020] =	vst v6;
	v6 =	vshll.u32 v9, $0x10  }
0x472: {  	[tilespmem:s2+$0x30] =	vst v6;
	v6 =	vand.u32 $0xFFFF0000, v9  }
0x473: {  	[tilespmem:s2+$0x1030] =	vst v6;
	v6 =	vshll.u32 v10, $0x10  }
0x474: {  	[tilespmem:s2+$0x40] =	vst v6;
	v6 =	vand.u32 $0xFFFF0000, v10  }
0x475: {  	[tilespmem:s2+$0x1040] =	vst v6;
	v6 =	vshll.u32 v11, $0x10  }
0x476: {  	[tilespmem:s2+$0x50] =	vst v6;
	v6 =	vand.u32 $0xFFFF0000, v11  }
0x477: {  	[tilespmem:s2+$0x1050] =	vst v6;
	v6 =	vshll.u32 v12, $0x10  }
0x478: {  	[tilespmem:s2+$0x60] =	vst v6;
	v6 =	vand.u32 $0xFFFF0000, v12  }
0x479: {  	[tilespmem:s2+$0x1060] =	vst v6;
	v6 =	vshll.u32 v13, $0x10  }
0x47a: {  	[tilespmem:s2+$0x70] =	vst v6;
	v6 =	vand.u32 $0xFFFF0000, v13  }
0x47b: {  	[tilespmem:s2+$0x1070] =	vst v6  }
0x47c: {  	v6 =	vld [tilespmem:s3+$0x4C80]  }
0x47d: {  	v7 =	vld [tilespmem:s3+$0x4C90]  }
0x47e: {  	v43 =	vld [tilespmem:s3+$0x4CA0]  }
0x47f: {  	v44 =	vld [tilespmem:s3+$0x4CB0]  }
0x480: {  	v45 =	vld [tilespmem:s3+$0x4CC0]  }
0x481: {  	v46 =	vld [tilespmem:s3+$0x4CD0]  }
0x482: {  	v47 =	vld [tilespmem:s3+$0x4CE0];
	v49 =	vshll.u32 v6, $0x10  }
0x483: {  	v48 =	vld [tilespmem:s3+$0x4CF0];
	v6 =	vand.u32 $0xFFFF0000, v6;
	[tilespmem:s2+$0x400] =	vst v49  }
0x484: {  	[tilespmem:s2+$0x1400] =	vst v6;
	v6 =	vshll.u32 v7, $0x10  }
0x485: {  	[tilespmem:s2+$0x410] =	vst v6;
	v6 =	vand.u32 $0xFFFF0000, v7  }
0x486: {  	[tilespmem:s2+$0x1410] =	vst v6;
	v6 =	vshll.u32 v43, $0x10  }
0x487: {  	[tilespmem:s2+$0x420] =	vst v6;
	v6 =	vand.u32 $0xFFFF0000, v43  }
0x488: {  	[tilespmem:s2+$0x1420] =	vst v6;
	v6 =	vshll.u32 v44, $0x10  }
0x489: {  	[tilespmem:s2+$0x430] =	vst v6;
	v6 =	vand.u32 $0xFFFF0000, v44  }
0x48a: {  	[tilespmem:s2+$0x1430] =	vst v6;
	v6 =	vshll.u32 v45, $0x10  }
0x48b: {  	[tilespmem:s2+$0x440] =	vst v6;
	v6 =	vand.u32 $0xFFFF0000, v45  }
0x48c: {  	[tilespmem:s2+$0x1440] =	vst v6;
	v6 =	vshll.u32 v46, $0x10  }
0x48d: {  	[tilespmem:s2+$0x450] =	vst v6;
	v6 =	vand.u32 $0xFFFF0000, v46  }
0x48e: {  	[tilespmem:s2+$0x1450] =	vst v6;
	v6 =	vshll.u32 v47, $0x10  }
0x48f: {  	[tilespmem:s2+$0x460] =	vst v6;
	v6 =	vand.u32 $0xFFFF0000, v47  }
0x490: {  	[tilespmem:s2+$0x1460] =	vst v6;
	v6 =	vshll.u32 v48, $0x10  }
0x491: {  	[tilespmem:s2+$0x470] =	vst v6;
	v6 =	vand.u32 $0xFFFF0000, v48  }
0x492: {  	[tilespmem:s2+$0x1470] =	vst v6  }
0x493: {  	v6 =	vld [tilespmem:s3+$0x5080]  }
0x494: {  	v7 =	vld [tilespmem:s3+$0x5090]  }
0x495: {  	v50 =	vld [tilespmem:s3+$0x50A0]  }
0x496: {  	v51 =	vld [tilespmem:s3+$0x50B0]  }
0x497: {  	v52 =	vld [tilespmem:s3+$0x50C0]  }
0x498: {  	v53 =	vld [tilespmem:s3+$0x50D0]  }
0x499: {  	v54 =	vld [tilespmem:s3+$0x50E0];
	v56 =	vshll.u32 v6, $0x10  }
0x49a: {  	v55 =	vld [tilespmem:s3+$0x50F0];
	v6 =	vand.u32 $0xFFFF0000, v6;
	[tilespmem:s2+$0x800] =	vst v56  }
0x49b: {  	[tilespmem:s2+$0x1800] =	vst v6;
	v6 =	vshll.u32 v7, $0x10  }
0x49c: {  	[tilespmem:s2+$0x810] =	vst v6;
	v6 =	vand.u32 $0xFFFF0000, v7  }
0x49d: {  	[tilespmem:s2+$0x1810] =	vst v6;
	v6 =	vshll.u32 v50, $0x10  }
0x49e: {  	[tilespmem:s2+$0x820] =	vst v6;
	v6 =	vand.u32 $0xFFFF0000, v50  }
0x49f: {  	[tilespmem:s2+$0x1820] =	vst v6;
	v6 =	vshll.u32 v51, $0x10  }
0x4a0: {  	[tilespmem:s2+$0x830] =	vst v6;
	v6 =	vand.u32 $0xFFFF0000, v51  }
0x4a1: {  	[tilespmem:s2+$0x1830] =	vst v6;
	v6 =	vshll.u32 v52, $0x10  }
0x4a2: {  	[tilespmem:s2+$0x840] =	vst v6;
	v6 =	vand.u32 $0xFFFF0000, v52  }
0x4a3: {  	[tilespmem:s2+$0x1840] =	vst v6;
	v6 =	vshll.u32 v53, $0x10  }
0x4a4: {  	[tilespmem:s2+$0x850] =	vst v6;
	v6 =	vand.u32 $0xFFFF0000, v53  }
0x4a5: {  	[tilespmem:s2+$0x1850] =	vst v6;
	v6 =	vshll.u32 v54, $0x10  }
0x4a6: {  	[tilespmem:s2+$0x860] =	vst v6;
	v6 =	vand.u32 $0xFFFF0000, v54  }
0x4a7: {  	[tilespmem:s2+$0x1860] =	vst v6;
	v6 =	vshll.u32 v55, $0x10  }
0x4a8: {  	[tilespmem:s2+$0x870] =	vst v6;
	v6 =	vand.u32 $0xFFFF0000, v55  }
0x4a9: {  	[tilespmem:s2+$0x1870] =	vst v6  }
0x4aa: {  	v6 =	vld [tilespmem:s3+$0x5480]  }
0x4ab: {  	v7 =	vld [tilespmem:s3+$0x5490]  }
0x4ac: {  	v57 =	vld [tilespmem:s3+$0x54A0]  }
0x4ad: {  	v58 =	vld [tilespmem:s3+$0x54B0]  }
0x4ae: {  	v59 =	vld [tilespmem:s3+$0x54C0]  }
0x4af: {  	v60 =	vld [tilespmem:s3+$0x54D0]  }
0x4b0: {  	v61 =	vld [tilespmem:s3+$0x54E0];
	v63 =	vshll.u32 v6, $0x10  }
0x4b1: {  	v62 =	vld [tilespmem:s3+$0x54F0];
	v6 =	vand.u32 $0xFFFF0000, v6;
	[tilespmem:s2+$0xC00] =	vst v63  }
0x4b2: {  	[tilespmem:s2+$0x1C00] =	vst v6;
	v6 =	vshll.u32 v7, $0x10  }
0x4b3: {  	[tilespmem:s2+$0xC10] =	vst v6;
	v6 =	vand.u32 $0xFFFF0000, v7  }
0x4b4: {  	[tilespmem:s2+$0x1C10] =	vst v6;
	v6 =	vshll.u32 v57, $0x10  }
0x4b5: {  	[tilespmem:s2+$0xC20] =	vst v6;
	v6 =	vand.u32 $0xFFFF0000, v57  }
0x4b6: {  	[tilespmem:s2+$0x1C20] =	vst v6;
	v6 =	vshll.u32 v58, $0x10  }
0x4b7: {  	[tilespmem:s2+$0xC30] =	vst v6;
	v6 =	vand.u32 $0xFFFF0000, v58  }
0x4b8: {  	[tilespmem:s2+$0x1C30] =	vst v6;
	v6 =	vshll.u32 v59, $0x10  }
0x4b9: {  	[tilespmem:s2+$0xC40] =	vst v6;
	v6 =	vand.u32 $0xFFFF0000, v59  }
0x4ba: {  	[tilespmem:s2+$0x1C40] =	vst v6;
	v6 =	vshll.u32 v60, $0x10  }
0x4bb: {  	p1 =	sne.s32 s1, $0x1F;
	[tilespmem:s2+$0xC50] =	vst v6;
	v6 =	vand.u32 $0xFFFF0000, v60  }
.Ltmp7:
0x4bc: {  	[tilespmem:s2+$0x1C50] =	vst v6;
	v6 =	vshll.u32 v61, $0x10;
	(pc) =	sbr.rel @p1 .LBB2_16-.Ltmp7, $4  }
0x4bd: {  	[tilespmem:s2+$0xC60] =	vst v6;
	v6 =	vand.u32 $0xFFFF0000, v61  }
0x4be: {  	[tilespmem:s2+$0x1C60] =	vst v6;
	v6 =	vshll.u32 v62, $0x10  }
0x4bf: {  	[tilespmem:s2+$0xC70] =	vst v6;
	v6 =	vand.u32 $0xFFFF0000, v62  }
0x4c0: {  	s0 =	sadd.s32 $0x80, s0;
	s1 =	sadd.s32 $0x1, s1;
	[tilespmem:s2+$0x1C70] =	vst v6  }
0x4c1: {  	s0 =	sld [smem:$0x7F8];
	_ =	sdelay $0x1  }
0x4c2: {  	s1 =	simm.s32 $0x10880;
	s30 =	simm.s32 $0x4  }
0x4c3: {  	[hbm4b:s0+s9] =	stream.linear.scatter [tilespmem:s1], [sflag:$0x4], $0x8000, $0x38;
	[tilespmem:$0x18880] =	vst v63  }
0x4c4: {  	_ =	swait.ge [sflag:s30], $0x8000  }
0x4c5: {  	s2 =	sld [smem:$0x7DE]  }
0x4c6: {  	s31 =	sld [smem:$0x7F9];
	_ =	sdelay $0x1  }
0x4c7: {  	s2 =	sadd.s32 $0x1, s2  }
0x4c8: {  	p1 =	sne.s32 s2, s31  }
.Ltmp8:
0x4c9: {  	_ = 	snop;
	(pc) =	sbr.rel @p1 .LBB2_1-.Ltmp8, $3  }
0x4ca: {  	_ =	sdelay $0x1  }
0x4cb: {  	[sflag:s30] =	ssyncset.done $0x0  }
0x4cc: {  	[sflag:s30] =	ssyncadd.s32 $0xFFFF8000  }
0x4cd: {  	_ =	sfence.sel $0x180000  }
0x4ce: {  	[bflag:$0x0] =	sbarrier.arrive $0xFFFF  }
0x4cf: {  	_ =	strace $0x90000047  }
0x4d0: {  	s0 =	stileid.u32;
	[bflag:$0x2] =	sbarrier.arrive $0xFFFF  }
0x4d1: {  	p0 =	sne.s32 s0, $0x0;
	s0 =	rddreg [dreg:$0x2]  }
0x4d2: {  	s0 =	sadd.s32 @!p0 $0x100000, s0  }
0x4d3: {  	[sflag:s0] =	ssyncadd.tile.s32 @!p0 $0x1;
	_ =	shalt  }
.Lfunc_end2:
_tile_overlayer_lowered:
.L_overlay_start_2:
0x4d4: {  	(tag) =	ssettag $0x2  }
0x4d5: {  	s0 =	rddreg [dreg:$0x0];
	s2 =	stileid.u32  }
0x4d6: {  	s1 =	rddreg [dreg:$0x1];
	p0 =	sne.s32 s2, $0x0  }
0x4d7: {  	s3 =	rddreg [dreg:$0x2];
	[bflag:$0x3] =	sbarrier.arrive $0xFFFF;
	s2 =	simm.s32 @!p0 $0x1C05  }
0x4d8: {  	[timem:s3], [sflag:s2] =	dma.local @!p0 [hbm:s0], s1  }
0x4d9: {  	s0 =	simm.s32 @!p0 $0x5  }
0x4da: {  	_ =	swait.ge @!p0 [sflag:s0], s1  }
0x4db: {  	s1 =	ssub.s32 @!p0 $0x0, s1;
	[sflag:s0] =	ssyncset.done @!p0 $0x0  }
0x4dc: {  	[sflag:s0] =	ssyncadd.s32 @!p0 s1  }
0x4dd: {  	[bflag:$0x3] =	sbarrier.arrive $0xFFFF  }
0x4de: {  	_ =	shalt  }

</sc_bundles>
